<compile_context>
chip_gen: v7x
topology: tpu7x:2x2x1
jax: 0.10.2.dev20260603
libtpu: 0.0.44.dev20260713+nightly
codegen_flags: <defaults>
</compile_context>

<pallas_src>
import functools

import jax
import jax.numpy as jnp
from jax import lax
from jax.experimental import pallas as pl
from jax.experimental.pallas import tpu as pltpu
from jax.experimental.pallas import tpu_sc as plsc

L = 2048
C = 16
P = 2 * L - 1
PAD0 = 8
QQ = 4104
NC = 2
NS = 16
NW = NC * NS
ROWS = L // NW
CT = C // 8
JT = L // 128
FW = 2568
VW = 2560


def _build():
    mesh = plsc.VectorSubcoreMesh(core_axis_name="c", subcore_axis_name="s")

    @functools.partial(
        pl.kernel,
        mesh=mesh,
        out_type=jax.ShapeDtypeStruct((L, CT, JT, 8, 128), jnp.float32),
        scratch_types=[
            pltpu.VMEM((C, FW), jnp.float32),
            pltpu.VMEM((C, VW), jnp.float32),
            pltpu.SemaphoreType.DMA,
        ],
        compiler_params=pltpu.CompilerParams(use_tc_tiling_on_sc=False),
    )
    def toeplitz_kernel(table_hbm, out_hbm, fw_v, v_v, sem):
        wid = lax.axis_index("s") * NC + lax.axis_index("c")
        d = wid & 7
        lo = (wid >> 3) * 512

        pltpu.sync_copy(table_hbm.at[:, pl.ds(lo, FW)], fw_v)

        def rev_body(n, carry):
            for u in range(4):
                k = n * 4 + u
                c = k // (VW // 16)
                m = k - c * (VW // 16)
                src = d + 2544 - 16 * m
                v_v[c, pl.ds(16 * m, 16)] = jnp.flip(fw_v[c, pl.ds(src, 16)])
            return carry

        lax.fori_loop(0, C * (VW // 16) // 4, rev_body, 0)

        def emit_plane(k, carry):
            i = lo + d + 8 * k
            y0 = 504 - 8 * k
            copies = []
            for ct in range(CT):
                for jt in range(JT):
                    copies.append(pltpu.async_copy(
                        v_v.at[pl.ds(ct * 8, 8), pl.ds(y0 + jt * 128, 128)],
                        out_hbm.at[i, ct, jt],
                        sem,
                    ))
            for cp in copies:
                cp.wait()
            return carry

        lax.fori_loop(0, ROWS, emit_plane, 0)

    return toeplitz_kernel


_KERNEL = _build()


def kernel(params, indices):
    del indices
    tab = jnp.concatenate(
        [
            jnp.zeros((C, PAD0), jnp.float32),
            params[0].T,
            jnp.zeros((C, QQ - PAD0 - P), jnp.float32),
        ],
        axis=1,
    )
    out5 = _KERNEL(tab)
    return out5.transpose(0, 2, 4, 1, 3).reshape(L, L, C)

# --- scband reference (transcript-rebuilt; emitter-appended) ---
"""Pipeline reference for scband-learnable-toeplitz-weight-83562883711152 (READ-ONLY COPY).

The authoritative reference and input builder live on the scoring server;
editing this copy changes nothing except your own understanding.
"""

import jax, jax.numpy as jnp
import numpy as np

LENGTH = 2048
DEPTH = 1
CHANNELS = 16


def setup_inputs(seed: int = 0) -> dict:
    key = jax.random.key(seed)
    # learned parameter bank, per init_kwargs (depth, 2L-1, channels)
    params = jax.random.normal(key, (DEPTH, 2 * LENGTH - 1, CHANNELS), dtype=jnp.float32)
    # Toeplitz index buffer, computed exactly as in the torch __init__
    idx = jnp.arange(LENGTH, dtype=jnp.int32)
    idx = idx[:, None] - idx[None, :]
    idx = idx - idx.min()
    return {"params": params, "indices": idx}


def reference(params, indices):
    # torch: self.params[self.depth_i, self.indices, self.channels_i]
    # depth == 1  -> depth_i = 0 (squeezed)
    # channels > 1 -> channels_i = slice(None) (kept)
    # This is a pure gather: output shape (L, L, channels)
    out = params[0, indices, :]
    return out

if __name__ == "__main__":
    import jax
    _d = setup_inputs()
    print(jax.jit(kernel)(*tuple(_d.values())))

</pallas_src>

<mosaic_0001>
#map = affine_map<(d0, d1) -> (0, 0)>
#map1 = affine_map<(d0, d1) -> (0, 0, 0, 0, 0)>
module attributes {stable_mosaic.version = 14 : i64} {
  func.func @toeplitz_kernel(%arg0: i32, %arg1: i32, %arg2: memref<16x4104xf32, #tpu.memory_space<hbm>>, %arg3: memref<2048x2x16x8x128xf32, #tpu.memory_space<hbm>>, %arg4: memref<16x2568xf32, #tpu.memory_space<vmem>>, %arg5: memref<16x2560xf32, #tpu.memory_space<vmem>>, %arg6: memref<!tpu.dma_semaphore, #tpu.memory_space<semaphore_mem>>) attributes {dimension_semantics = [#tpu.dimension_semantics<core_parallel>, #tpu.dimension_semantics<subcore_parallel>], iteration_bounds = array<i64: 2, 16>, scalar_prefetch = 0 : i64, scratch_operands = 3 : i64, tpu.core_type = #tpu.core_type<sc_vector_subcore>, window_params = [{transform_indices = #map}, {transform_indices = #map1}]} {
    %mul3A = arith.constant 2 : i32
    %mul3A_0 = arith.muli %arg1, %mul3A : i32
    %add3A = arith.addi %mul3A_0, %arg0 : i32
    %and3A = arith.constant 7 : i32
    %and3A_1 = arith.andi %add3A, %and3A : i32
    %shift_right_arithmetic3A = arith.constant 3 : i32
    %shift_right_arithmetic3A_2 = arith.shrsi %add3A, %shift_right_arithmetic3A : i32
    %mul3A_3 = arith.constant 512 : i32
    %mul3A_4 = arith.muli %shift_right_arithmetic3A_2, %mul3A_3 : i32
    "tpu.region"() ({
      %run_scoped3A = tpu.sem_alloc : memref<!tpu.dma_semaphore, #tpu.memory_space<semaphore_mem>>
      %dma_start3A = arith.constant 0 : i32
      %dma_start3A_16 = tpu.memref_slice %arg2[%dma_start3A, %mul3A_4] : memref<16x4104xf32, #tpu.memory_space<hbm>> -> memref<16x2568xf32, #tpu.memory_space<hbm>>
      %dma_start3A_17 = arith.constant 0 : i32
      %dma_start3A_18 = tpu.memref_slice %arg2[%dma_start3A_17, %mul3A_4] : memref<16x4104xf32, #tpu.memory_space<hbm>> -> memref<16x2568xf32, #tpu.memory_space<hbm>>
      tpu.enqueue_dma source(%dma_start3A_18 : memref<16x2568xf32, #tpu.memory_space<hbm>>) target(%arg4 : memref<16x2568xf32, #tpu.memory_space<vmem>>) target_semaphore(%run_scoped3A : memref<!tpu.dma_semaphore, #tpu.memory_space<semaphore_mem>>)
      %dma_wait3A = arith.constant 0 : i32
      %dma_wait3A_19 = tpu.memref_slice %arg2[%dma_wait3A, %mul3A_4] : memref<16x4104xf32, #tpu.memory_space<hbm>> -> memref<16x2568xf32, #tpu.memory_space<hbm>>
      %dma_wait3A_20 = arith.constant 0 : i32
      %dma_wait3A_21 = tpu.memref_slice %arg2[%dma_wait3A_20, %mul3A_4] : memref<16x4104xf32, #tpu.memory_space<hbm>> -> memref<16x2568xf32, #tpu.memory_space<hbm>>
      tpu.wait_dma2 semaphore(%run_scoped3A : memref<!tpu.dma_semaphore, #tpu.memory_space<semaphore_mem>>) src(%dma_wait3A_21 : memref<16x2568xf32, #tpu.memory_space<hbm>>) dst(%arg4 : memref<16x2568xf32, #tpu.memory_space<vmem>>)
      tpu.yield
    }) : () -> ()
    %scan3A = arith.constant 0 : i32
    %scan3A_5 = arith.constant 0 : i32
    %scan3A_6 = arith.constant 640 : i32
    %scan3A_7 = arith.addi %scan3A_5, %scan3A_6 : i32
    %scan3A_8 = arith.constant 1 : i32
    scf.for %scan3A_16 = %scan3A_5 to %scan3A_7 step %scan3A_8  : i32 {
      %mul3A_17 = arith.constant 4 : i32
      %mul3A_18 = arith.muli %scan3A_16, %mul3A_17 : i32
      %add3A_19 = arith.constant 0 : i32
      %add3A_20 = arith.addi %mul3A_18, %add3A_19 : i32
      %jit3A = arith.constant 160 : i32
      %div3A = arith.divsi %add3A_20, %jit3A : i32
      %sign3A = arith.constant 0 : i32
      %sign3A_21 = arith.cmpi sgt, %add3A_20, %sign3A : i32
      %sign3A_22 = arith.extui %sign3A_21 : i1 to i32
      %sign3A_23 = arith.constant 0 : i32
      %sign3A_24 = arith.cmpi slt, %add3A_20, %sign3A_23 : i32
      %sign3A_25 = arith.extui %sign3A_24 : i1 to i32
      %sign3A_26 = arith.subi %sign3A_22, %sign3A_25 : i32
      %sign3A_27 = arith.constant 0 : i32
      %sign3A_28 = arith.cmpi sgt, %jit3A, %sign3A_27 : i32
      %sign3A_29 = arith.extui %sign3A_28 : i1 to i32
      %sign3A_30 = arith.constant 0 : i32
      %sign3A_31 = arith.cmpi slt, %jit3A, %sign3A_30 : i32
      %sign3A_32 = arith.extui %sign3A_31 : i1 to i32
      %sign3A_33 = arith.subi %sign3A_29, %sign3A_32 : i32
      %ne3A = arith.cmpi ne, %sign3A_26, %sign3A_33 : i32
      %rem3A = arith.remsi %add3A_20, %jit3A : i32
      %ne3A_34 = arith.constant 0 : i32
      %ne3A_35 = arith.cmpi ne, %rem3A, %ne3A_34 : i32
      %and3A_36 = arith.andi %ne3A, %ne3A_35 : i1
      %sub3A = arith.constant 1 : i32
      %sub3A_37 = arith.subi %div3A, %sub3A : i32
      %select_n3A = arith.select %and3A_36, %sub3A_37, %div3A : i32
      %mul3A_38 = arith.constant 160 : i32
      %mul3A_39 = arith.muli %select_n3A, %mul3A_38 : i32
      %sub3A_40 = arith.subi %add3A_20, %mul3A_39 : i32
      %add3A_41 = arith.constant 2544 : i32
      %add3A_42 = arith.addi %and3A_1, %add3A_41 : i32
      %mul3A_43 = arith.constant 16 : i32
      %mul3A_44 = arith.muli %mul3A_43, %sub3A_40 : i32
      %sub3A_45 = arith.subi %add3A_42, %mul3A_44 : i32
      %get3A = arith.index_cast %select_n3A : i32 to index
      %get3A_46 = arith.index_cast %sub3A_45 : i32 to index
      %get3A_47 = tpu.vector_load %arg4[%get3A, %get3A_46] {strides = array<i32>} : memref<16x2568xf32, #tpu.memory_space<vmem>>, vector<1x16xf32>,
      %get3A_48 = vector.shape_cast %get3A_47 : vector<1x16xf32> to vector<16xf32>
      %rev3A = arith.constant 15 : i32
      %rev3A_49 = vector.broadcast %rev3A : i32 to vector<16xi32>
      %rev3A_50 = tpu.iota {dimensions = array<i32: 0>} : vector<16xi32>
      %rev3A_51 = arith.subi %rev3A_49, %rev3A_50 : vector<16xi32>
      %rev3A_52 = tpu.dynamic_gather %get3A_48[%rev3A_51] in [0] : vector<16xf32>, vector<16xi32> -> vector<16xf32>
      %mul3A_53 = arith.constant 16 : i32
      %mul3A_54 = arith.muli %mul3A_53, %sub3A_40 : i32
      %swap3A = arith.index_cast %select_n3A : i32 to index
      %swap3A_55 = arith.index_cast %mul3A_54 : i32 to index
      %swap3A_56 = tpu.vector_load %arg5[%swap3A, %swap3A_55] {strides = array<i32>} : memref<16x2560xf32, #tpu.memory_space<vmem>>, vector<1x16xf32>,
      %swap3A_57 = vector.shape_cast %swap3A_56 : vector<1x16xf32> to vector<16xf32>
      %swap3A_58 = vector.shape_cast %rev3A_52 : vector<16xf32> to vector<1x16xf32>
      tpu.vector_store %arg5[%swap3A, %swap3A_55], %swap3A_58 {strides = array<i32>} : memref<16x2560xf32, #tpu.memory_space<vmem>>, vector<1x16xf32>,
      %mul3A_59 = arith.constant 4 : i32
      %mul3A_60 = arith.muli %scan3A_16, %mul3A_59 : i32
      %add3A_61 = arith.constant 1 : i32
      %add3A_62 = arith.addi %mul3A_60, %add3A_61 : i32
      %jit3A_63 = arith.constant 160 : i32
      %div3A_64 = arith.divsi %add3A_62, %jit3A_63 : i32
      %sign3A_65 = arith.constant 0 : i32
      %sign3A_66 = arith.cmpi sgt, %add3A_62, %sign3A_65 : i32
      %sign3A_67 = arith.extui %sign3A_66 : i1 to i32
      %sign3A_68 = arith.constant 0 : i32
      %sign3A_69 = arith.cmpi slt, %add3A_62, %sign3A_68 : i32
      %sign3A_70 = arith.extui %sign3A_69 : i1 to i32
      %sign3A_71 = arith.subi %sign3A_67, %sign3A_70 : i32
      %sign3A_72 = arith.constant 0 : i32
      %sign3A_73 = arith.cmpi sgt, %jit3A_63, %sign3A_72 : i32
      %sign3A_74 = arith.extui %sign3A_73 : i1 to i32
      %sign3A_75 = arith.constant 0 : i32
      %sign3A_76 = arith.cmpi slt, %jit3A_63, %sign3A_75 : i32
      %sign3A_77 = arith.extui %sign3A_76 : i1 to i32
      %sign3A_78 = arith.subi %sign3A_74, %sign3A_77 : i32
      %ne3A_79 = arith.cmpi ne, %sign3A_71, %sign3A_78 : i32
      %rem3A_80 = arith.remsi %add3A_62, %jit3A_63 : i32
      %ne3A_81 = arith.constant 0 : i32
      %ne3A_82 = arith.cmpi ne, %rem3A_80, %ne3A_81 : i32
      %and3A_83 = arith.andi %ne3A_79, %ne3A_82 : i1
      %sub3A_84 = arith.constant 1 : i32
      %sub3A_85 = arith.subi %div3A_64, %sub3A_84 : i32
      %select_n3A_86 = arith.select %and3A_83, %sub3A_85, %div3A_64 : i32
      %mul3A_87 = arith.constant 160 : i32
      %mul3A_88 = arith.muli %select_n3A_86, %mul3A_87 : i32
      %sub3A_89 = arith.subi %add3A_62, %mul3A_88 : i32
      %add3A_90 = arith.constant 2544 : i32
      %add3A_91 = arith.addi %and3A_1, %add3A_90 : i32
      %mul3A_92 = arith.constant 16 : i32
      %mul3A_93 = arith.muli %mul3A_92, %sub3A_89 : i32
      %sub3A_94 = arith.subi %add3A_91, %mul3A_93 : i32
      %get3A_95 = arith.index_cast %select_n3A_86 : i32 to index
      %get3A_96 = arith.index_cast %sub3A_94 : i32 to index
      %get3A_97 = tpu.vector_load %arg4[%get3A_95, %get3A_96] {strides = array<i32>} : memref<16x2568xf32, #tpu.memory_space<vmem>>, vector<1x16xf32>,
      %get3A_98 = vector.shape_cast %get3A_97 : vector<1x16xf32> to vector<16xf32>
      %rev3A_99 = arith.constant 15 : i32
      %rev3A_100 = vector.broadcast %rev3A_99 : i32 to vector<16xi32>
      %rev3A_101 = tpu.iota {dimensions = array<i32: 0>} : vector<16xi32>
      %rev3A_102 = arith.subi %rev3A_100, %rev3A_101 : vector<16xi32>
      %rev3A_103 = tpu.dynamic_gather %get3A_98[%rev3A_102] in [0] : vector<16xf32>, vector<16xi32> -> vector<16xf32>
      %mul3A_104 = arith.constant 16 : i32
      %mul3A_105 = arith.muli %mul3A_104, %sub3A_89 : i32
      %swap3A_106 = arith.index_cast %select_n3A_86 : i32 to index
      %swap3A_107 = arith.index_cast %mul3A_105 : i32 to index
      %swap3A_108 = tpu.vector_load %arg5[%swap3A_106, %swap3A_107] {strides = array<i32>} : memref<16x2560xf32, #tpu.memory_space<vmem>>, vector<1x16xf32>,
      %swap3A_109 = vector.shape_cast %swap3A_108 : vector<1x16xf32> to vector<16xf32>
      %swap3A_110 = vector.shape_cast %rev3A_103 : vector<16xf32> to vector<1x16xf32>
      tpu.vector_store %arg5[%swap3A_106, %swap3A_107], %swap3A_110 {strides = array<i32>} : memref<16x2560xf32, #tpu.memory_space<vmem>>, vector<1x16xf32>,
      %mul3A_111 = arith.constant 4 : i32
      %mul3A_112 = arith.muli %scan3A_16, %mul3A_111 : i32
      %add3A_113 = arith.constant 2 : i32
      %add3A_114 = arith.addi %mul3A_112, %add3A_113 : i32
      %jit3A_115 = arith.constant 160 : i32
      %div3A_116 = arith.divsi %add3A_114, %jit3A_115 : i32
      %sign3A_117 = arith.constant 0 : i32
      %sign3A_118 = arith.cmpi sgt, %add3A_114, %sign3A_117 : i32
      %sign3A_119 = arith.extui %sign3A_118 : i1 to i32
      %sign3A_120 = arith.constant 0 : i32
      %sign3A_121 = arith.cmpi slt, %add3A_114, %sign3A_120 : i32
      %sign3A_122 = arith.extui %sign3A_121 : i1 to i32
      %sign3A_123 = arith.subi %sign3A_119, %sign3A_122 : i32
      %sign3A_124 = arith.constant 0 : i32
      %sign3A_125 = arith.cmpi sgt, %jit3A_115, %sign3A_124 : i32
      %sign3A_126 = arith.extui %sign3A_125 : i1 to i32
      %sign3A_127 = arith.constant 0 : i32
      %sign3A_128 = arith.cmpi slt, %jit3A_115, %sign3A_127 : i32
      %sign3A_129 = arith.extui %sign3A_128 : i1 to i32
      %sign3A_130 = arith.subi %sign3A_126, %sign3A_129 : i32
      %ne3A_131 = arith.cmpi ne, %sign3A_123, %sign3A_130 : i32
      %rem3A_132 = arith.remsi %add3A_114, %jit3A_115 : i32
      %ne3A_133 = arith.constant 0 : i32
      %ne3A_134 = arith.cmpi ne, %rem3A_132, %ne3A_133 : i32
      %and3A_135 = arith.andi %ne3A_131, %ne3A_134 : i1
      %sub3A_136 = arith.constant 1 : i32
      %sub3A_137 = arith.subi %div3A_116, %sub3A_136 : i32
      %select_n3A_138 = arith.select %and3A_135, %sub3A_137, %div3A_116 : i32
      %mul3A_139 = arith.constant 160 : i32
      %mul3A_140 = arith.muli %select_n3A_138, %mul3A_139 : i32
      %sub3A_141 = arith.subi %add3A_114, %mul3A_140 : i32
      %add3A_142 = arith.constant 2544 : i32
      %add3A_143 = arith.addi %and3A_1, %add3A_142 : i32
      %mul3A_144 = arith.constant 16 : i32
      %mul3A_145 = arith.muli %mul3A_144, %sub3A_141 : i32
      %sub3A_146 = arith.subi %add3A_143, %mul3A_145 : i32
      %get3A_147 = arith.index_cast %select_n3A_138 : i32 to index
      %get3A_148 = arith.index_cast %sub3A_146 : i32 to index
      %get3A_149 = tpu.vector_load %arg4[%get3A_147, %get3A_148] {strides = array<i32>} : memref<16x2568xf32, #tpu.memory_space<vmem>>, vector<1x16xf32>,
      %get3A_150 = vector.shape_cast %get3A_149 : vector<1x16xf32> to vector<16xf32>
      %rev3A_151 = arith.constant 15 : i32
      %rev3A_152 = vector.broadcast %rev3A_151 : i32 to vector<16xi32>
      %rev3A_153 = tpu.iota {dimensions = array<i32: 0>} : vector<16xi32>
      %rev3A_154 = arith.subi %rev3A_152, %rev3A_153 : vector<16xi32>
      %rev3A_155 = tpu.dynamic_gather %get3A_150[%rev3A_154] in [0] : vector<16xf32>, vector<16xi32> -> vector<16xf32>
      %mul3A_156 = arith.constant 16 : i32
      %mul3A_157 = arith.muli %mul3A_156, %sub3A_141 : i32
      %swap3A_158 = arith.index_cast %select_n3A_138 : i32 to index
      %swap3A_159 = arith.index_cast %mul3A_157 : i32 to index
      %swap3A_160 = tpu.vector_load %arg5[%swap3A_158, %swap3A_159] {strides = array<i32>} : memref<16x2560xf32, #tpu.memory_space<vmem>>, vector<1x16xf32>,
      %swap3A_161 = vector.shape_cast %swap3A_160 : vector<1x16xf32> to vector<16xf32>
      %swap3A_162 = vector.shape_cast %rev3A_155 : vector<16xf32> to vector<1x16xf32>
      tpu.vector_store %arg5[%swap3A_158, %swap3A_159], %swap3A_162 {strides = array<i32>} : memref<16x2560xf32, #tpu.memory_space<vmem>>, vector<1x16xf32>,
      %mul3A_163 = arith.constant 4 : i32
      %mul3A_164 = arith.muli %scan3A_16, %mul3A_163 : i32
      %add3A_165 = arith.constant 3 : i32
      %add3A_166 = arith.addi %mul3A_164, %add3A_165 : i32
      %jit3A_167 = arith.constant 160 : i32
      %div3A_168 = arith.divsi %add3A_166, %jit3A_167 : i32
      %sign3A_169 = arith.constant 0 : i32
      %sign3A_170 = arith.cmpi sgt, %add3A_166, %sign3A_169 : i32
      %sign3A_171 = arith.extui %sign3A_170 : i1 to i32
      %sign3A_172 = arith.constant 0 : i32
      %sign3A_173 = arith.cmpi slt, %add3A_166, %sign3A_172 : i32
      %sign3A_174 = arith.extui %sign3A_173 : i1 to i32
      %sign3A_175 = arith.subi %sign3A_171, %sign3A_174 : i32
      %sign3A_176 = arith.constant 0 : i32
      %sign3A_177 = arith.cmpi sgt, %jit3A_167, %sign3A_176 : i32
      %sign3A_178 = arith.extui %sign3A_177 : i1 to i32
      %sign3A_179 = arith.constant 0 : i32
      %sign3A_180 = arith.cmpi slt, %jit3A_167, %sign3A_179 : i32
      %sign3A_181 = arith.extui %sign3A_180 : i1 to i32
      %sign3A_182 = arith.subi %sign3A_178, %sign3A_181 : i32
      %ne3A_183 = arith.cmpi ne, %sign3A_175, %sign3A_182 : i32
      %rem3A_184 = arith.remsi %add3A_166, %jit3A_167 : i32
      %ne3A_185 = arith.constant 0 : i32
      %ne3A_186 = arith.cmpi ne, %rem3A_184, %ne3A_185 : i32
      %and3A_187 = arith.andi %ne3A_183, %ne3A_186 : i1
      %sub3A_188 = arith.constant 1 : i32
      %sub3A_189 = arith.subi %div3A_168, %sub3A_188 : i32
      %select_n3A_190 = arith.select %and3A_187, %sub3A_189, %div3A_168 : i32
      %mul3A_191 = arith.constant 160 : i32
      %mul3A_192 = arith.muli %select_n3A_190, %mul3A_191 : i32
      %sub3A_193 = arith.subi %add3A_166, %mul3A_192 : i32
      %add3A_194 = arith.constant 2544 : i32
      %add3A_195 = arith.addi %and3A_1, %add3A_194 : i32
      %mul3A_196 = arith.constant 16 : i32
      %mul3A_197 = arith.muli %mul3A_196, %sub3A_193 : i32
      %sub3A_198 = arith.subi %add3A_195, %mul3A_197 : i32
      %get3A_199 = arith.index_cast %select_n3A_190 : i32 to index
      %get3A_200 = arith.index_cast %sub3A_198 : i32 to index
      %get3A_201 = tpu.vector_load %arg4[%get3A_199, %get3A_200] {strides = array<i32>} : memref<16x2568xf32, #tpu.memory_space<vmem>>, vector<1x16xf32>,
      %get3A_202 = vector.shape_cast %get3A_201 : vector<1x16xf32> to vector<16xf32>
      %rev3A_203 = arith.constant 15 : i32
      %rev3A_204 = vector.broadcast %rev3A_203 : i32 to vector<16xi32>
      %rev3A_205 = tpu.iota {dimensions = array<i32: 0>} : vector<16xi32>
      %rev3A_206 = arith.subi %rev3A_204, %rev3A_205 : vector<16xi32>
      %rev3A_207 = tpu.dynamic_gather %get3A_202[%rev3A_206] in [0] : vector<16xf32>, vector<16xi32> -> vector<16xf32>
      %mul3A_208 = arith.constant 16 : i32
      %mul3A_209 = arith.muli %mul3A_208, %sub3A_193 : i32
      %swap3A_210 = arith.index_cast %select_n3A_190 : i32 to index
      %swap3A_211 = arith.index_cast %mul3A_209 : i32 to index
      %swap3A_212 = tpu.vector_load %arg5[%swap3A_210, %swap3A_211] {strides = array<i32>} : memref<16x2560xf32, #tpu.memory_space<vmem>>, vector<1x16xf32>,
      %swap3A_213 = vector.shape_cast %swap3A_212 : vector<1x16xf32> to vector<16xf32>
      %swap3A_214 = vector.shape_cast %rev3A_207 : vector<16xf32> to vector<1x16xf32>
      tpu.vector_store %arg5[%swap3A_210, %swap3A_211], %swap3A_214 {strides = array<i32>} : memref<16x2560xf32, #tpu.memory_space<vmem>>, vector<1x16xf32>,
    }
    %scan3A_9 = arith.constant 640 : i32
    %scan3A_10 = arith.constant 0 : i32
    %scan3A_11 = arith.constant 0 : i32
    %scan3A_12 = arith.constant 64 : i32
    %scan3A_13 = arith.addi %scan3A_11, %scan3A_12 : i32
    %scan3A_14 = arith.constant 1 : i32
    scf.for %scan3A_16 = %scan3A_11 to %scan3A_13 step %scan3A_14  : i32 {
      %add3A_17 = arith.addi %mul3A_4, %and3A_1 : i32
      %mul3A_18 = arith.constant 8 : i32
      %mul3A_19 = arith.muli %mul3A_18, %scan3A_16 : i32
      %add3A_20 = arith.addi %add3A_17, %mul3A_19 : i32
      %mul3A_21 = arith.constant 8 : i32
      %mul3A_22 = arith.muli %mul3A_21, %scan3A_16 : i32
      %sub3A = arith.constant 504 : i32
      %sub3A_23 = arith.subi %sub3A, %mul3A_22 : i32
      %add3A_24 = arith.constant 0 : i32
      %add3A_25 = arith.addi %sub3A_23, %add3A_24 : i32
      %dma_start3A = arith.constant 0 : i32
      %dma_start3A_26 = arith.constant 0 : i32
      %dma_start3A_27 = arith.constant 0 : i32
      %dma_start3A_28 = tpu.memref_slice %arg5[%dma_start3A_27, %add3A_25] : memref<16x2560xf32, #tpu.memory_space<vmem>> -> memref<8x128xf32, #tpu.memory_space<vmem>>
      %dma_start3A_29 = arith.constant 0 : i32
      %dma_start3A_30 = arith.constant 0 : i32
      %dma_start3A_31 = tpu.memref_slice %arg3[%add3A_20, %dma_start3A, %dma_start3A_26, %dma_start3A_29, %dma_start3A_30] : memref<2048x2x16x8x128xf32, #tpu.memory_space<hbm>> -> memref<1x1x1x8x128xf32, #tpu.memory_space<hbm>>
      %dma_start3A_32 = tpu.memref_squeeze %dma_start3A_31 : memref<1x1x1x8x128xf32, #tpu.memory_space<hbm>> -> memref<8x128xf32, #tpu.memory_space<hbm>>
      %dma_start3A_33 = arith.constant 0 : i32
      %dma_start3A_34 = arith.constant 0 : i32
      %dma_start3A_35 = tpu.memref_slice %arg3[%add3A_20, %dma_start3A, %dma_start3A_26, %dma_start3A_33, %dma_start3A_34] : memref<2048x2x16x8x128xf32, #tpu.memory_space<hbm>> -> memref<1x1x1x8x128xf32, #tpu.memory_space<hbm>>
      %dma_start3A_36 = tpu.memref_squeeze %dma_start3A_35 : memref<1x1x1x8x128xf32, #tpu.memory_space<hbm>> -> memref<8x128xf32, #tpu.memory_space<hbm>>
      %dma_start3A_37 = arith.constant 0 : i32
      %dma_start3A_38 = tpu.memref_slice %arg5[%dma_start3A_37, %add3A_25] : memref<16x2560xf32, #tpu.memory_space<vmem>> -> memref<8x128xf32, #tpu.memory_space<vmem>>
      tpu.enqueue_dma source(%dma_start3A_38 : memref<8x128xf32, #tpu.memory_space<vmem>>) target(%dma_start3A_36 : memref<8x128xf32, #tpu.memory_space<hbm>>) target_semaphore(%arg6 : memref<!tpu.dma_semaphore, #tpu.memory_space<semaphore_mem>>)
      %add3A_39 = arith.constant 128 : i32
      %add3A_40 = arith.addi %sub3A_23, %add3A_39 : i32
      %dma_start3A_41 = arith.constant 0 : i32
      %dma_start3A_42 = arith.constant 1 : i32
      %dma_start3A_43 = arith.constant 0 : i32
      %dma_start3A_44 = tpu.memref_slice %arg5[%dma_start3A_43, %add3A_40] : memref<16x2560xf32, #tpu.memory_space<vmem>> -> memref<8x128xf32, #tpu.memory_space<vmem>>
      %dma_start3A_45 = arith.constant 0 : i32
      %dma_start3A_46 = arith.constant 0 : i32
      %dma_start3A_47 = tpu.memref_slice %arg3[%add3A_20, %dma_start3A_41, %dma_start3A_42, %dma_start3A_45, %dma_start3A_46] : memref<2048x2x16x8x128xf32, #tpu.memory_space<hbm>> -> memref<1x1x1x8x128xf32, #tpu.memory_space<hbm>>
      %dma_start3A_48 = tpu.memref_squeeze %dma_start3A_47 : memref<1x1x1x8x128xf32, #tpu.memory_space<hbm>> -> memref<8x128xf32, #tpu.memory_space<hbm>>
      %dma_start3A_49 = arith.constant 0 : i32
      %dma_start3A_50 = arith.constant 0 : i32
      %dma_start3A_51 = tpu.memref_slice %arg3[%add3A_20, %dma_start3A_41, %dma_start3A_42, %dma_start3A_49, %dma_start3A_50] : memref<2048x2x16x8x128xf32, #tpu.memory_space<hbm>> -> memref<1x1x1x8x128xf32, #tpu.memory_space<hbm>>
      %dma_start3A_52 = tpu.memref_squeeze %dma_start3A_51 : memref<1x1x1x8x128xf32, #tpu.memory_space<hbm>> -> memref<8x128xf32, #tpu.memory_space<hbm>>
      %dma_start3A_53 = arith.constant 0 : i32
      %dma_start3A_54 = tpu.memref_slice %arg5[%dma_start3A_53, %add3A_40] : memref<16x2560xf32, #tpu.memory_space<vmem>> -> memref<8x128xf32, #tpu.memory_space<vmem>>
      tpu.enqueue_dma source(%dma_start3A_54 : memref<8x128xf32, #tpu.memory_space<vmem>>) target(%dma_start3A_52 : memref<8x128xf32, #tpu.memory_space<hbm>>) target_semaphore(%arg6 : memref<!tpu.dma_semaphore, #tpu.memory_space<semaphore_mem>>)
      %add3A_55 = arith.constant 256 : i32
      %add3A_56 = arith.addi %sub3A_23, %add3A_55 : i32
      %dma_start3A_57 = arith.constant 0 : i32
      %dma_start3A_58 = arith.constant 2 : i32
      %dma_start3A_59 = arith.constant 0 : i32
      %dma_start3A_60 = tpu.memref_slice %arg5[%dma_start3A_59, %add3A_56] : memref<16x2560xf32, #tpu.memory_space<vmem>> -> memref<8x128xf32, #tpu.memory_space<vmem>>
      %dma_start3A_61 = arith.constant 0 : i32
      %dma_start3A_62 = arith.constant 0 : i32
      %dma_start3A_63 = tpu.memref_slice %arg3[%add3A_20, %dma_start3A_57, %dma_start3A_58, %dma_start3A_61, %dma_start3A_62] : memref<2048x2x16x8x128xf32, #tpu.memory_space<hbm>> -> memref<1x1x1x8x128xf32, #tpu.memory_space<hbm>>
      %dma_start3A_64 = tpu.memref_squeeze %dma_start3A_63 : memref<1x1x1x8x128xf32, #tpu.memory_space<hbm>> -> memref<8x128xf32, #tpu.memory_space<hbm>>
      %dma_start3A_65 = arith.constant 0 : i32
      %dma_start3A_66 = arith.constant 0 : i32
      %dma_start3A_67 = tpu.memref_slice %arg3[%add3A_20, %dma_start3A_57, %dma_start3A_58, %dma_start3A_65, %dma_start3A_66] : memref<2048x2x16x8x128xf32, #tpu.memory_space<hbm>> -> memref<1x1x1x8x128xf32, #tpu.memory_space<hbm>>
      %dma_start3A_68 = tpu.memref_squeeze %dma_start3A_67 : memref<1x1x1x8x128xf32, #tpu.memory_space<hbm>> -> memref<8x128xf32, #tpu.memory_space<hbm>>
      %dma_start3A_69 = arith.constant 0 : i32
      %dma_start3A_70 = tpu.memref_slice %arg5[%dma_start3A_69, %add3A_56] : memref<16x2560xf32, #tpu.memory_space<vmem>> -> memref<8x128xf32, #tpu.memory_space<vmem>>
      tpu.enqueue_dma source(%dma_start3A_70 : memref<8x128xf32, #tpu.memory_space<vmem>>) target(%dma_start3A_68 : memref<8x128xf32, #tpu.memory_space<hbm>>) target_semaphore(%arg6 : memref<!tpu.dma_semaphore, #tpu.memory_space<semaphore_mem>>)
      %add3A_71 = arith.constant 384 : i32
      %add3A_72 = arith.addi %sub3A_23, %add3A_71 : i32
      %dma_start3A_73 = arith.constant 0 : i32
      %dma_start3A_74 = arith.constant 3 : i32
      %dma_start3A_75 = arith.constant 0 : i32
      %dma_start3A_76 = tpu.memref_slice %arg5[%dma_start3A_75, %add3A_72] : memref<16x2560xf32, #tpu.memory_space<vmem>> -> memref<8x128xf32, #tpu.memory_space<vmem>>
      %dma_start3A_77 = arith.constant 0 : i32
      %dma_start3A_78 = arith.constant 0 : i32
      %dma_start3A_79 = tpu.memref_slice %arg3[%add3A_20, %dma_start3A_73, %dma_start3A_74, %dma_start3A_77, %dma_start3A_78] : memref<2048x2x16x8x128xf32, #tpu.memory_space<hbm>> -> memref<1x1x1x8x128xf32, #tpu.memory_space<hbm>>
      %dma_start3A_80 = tpu.memref_squeeze %dma_start3A_79 : memref<1x1x1x8x128xf32, #tpu.memory_space<hbm>> -> memref<8x128xf32, #tpu.memory_space<hbm>>
      %dma_start3A_81 = arith.constant 0 : i32
      %dma_start3A_82 = arith.constant 0 : i32
      %dma_start3A_83 = tpu.memref_slice %arg3[%add3A_20, %dma_start3A_73, %dma_start3A_74, %dma_start3A_81, %dma_start3A_82] : memref<2048x2x16x8x128xf32, #tpu.memory_space<hbm>> -> memref<1x1x1x8x128xf32, #tpu.memory_space<hbm>>
      %dma_start3A_84 = tpu.memref_squeeze %dma_start3A_83 : memref<1x1x1x8x128xf32, #tpu.memory_space<hbm>> -> memref<8x128xf32, #tpu.memory_space<hbm>>
      %dma_start3A_85 = arith.constant 0 : i32
      %dma_start3A_86 = tpu.memref_slice %arg5[%dma_start3A_85, %add3A_72] : memref<16x2560xf32, #tpu.memory_space<vmem>> -> memref<8x128xf32, #tpu.memory_space<vmem>>
      tpu.enqueue_dma source(%dma_start3A_86 : memref<8x128xf32, #tpu.memory_space<vmem>>) target(%dma_start3A_84 : memref<8x128xf32, #tpu.memory_space<hbm>>) target_semaphore(%arg6 : memref<!tpu.dma_semaphore, #tpu.memory_space<semaphore_mem>>)
      %add3A_87 = arith.constant 512 : i32
      %add3A_88 = arith.addi %sub3A_23, %add3A_87 : i32
      %dma_start3A_89 = arith.constant 0 : i32
      %dma_start3A_90 = arith.constant 4 : i32
      %dma_start3A_91 = arith.constant 0 : i32
      %dma_start3A_92 = tpu.memref_slice %arg5[%dma_start3A_91, %add3A_88] : memref<16x2560xf32, #tpu.memory_space<vmem>> -> memref<8x128xf32, #tpu.memory_space<vmem>>
      %dma_start3A_93 = arith.constant 0 : i32
      %dma_start3A_94 = arith.constant 0 : i32
      %dma_start3A_95 = tpu.memref_slice %arg3[%add3A_20, %dma_start3A_89, %dma_start3A_90, %dma_start3A_93, %dma_start3A_94] : memref<2048x2x16x8x128xf32, #tpu.memory_space<hbm>> -> memref<1x1x1x8x128xf32, #tpu.memory_space<hbm>>
      %dma_start3A_96 = tpu.memref_squeeze %dma_start3A_95 : memref<1x1x1x8x128xf32, #tpu.memory_space<hbm>> -> memref<8x128xf32, #tpu.memory_space<hbm>>
      %dma_start3A_97 = arith.constant 0 : i32
      %dma_start3A_98 = arith.constant 0 : i32
      %dma_start3A_99 = tpu.memref_slice %arg3[%add3A_20, %dma_start3A_89, %dma_start3A_90, %dma_start3A_97, %dma_start3A_98] : memref<2048x2x16x8x128xf32, #tpu.memory_space<hbm>> -> memref<1x1x1x8x128xf32, #tpu.memory_space<hbm>>
      %dma_start3A_100 = tpu.memref_squeeze %dma_start3A_99 : memref<1x1x1x8x128xf32, #tpu.memory_space<hbm>> -> memref<8x128xf32, #tpu.memory_space<hbm>>
      %dma_start3A_101 = arith.constant 0 : i32
      %dma_start3A_102 = tpu.memref_slice %arg5[%dma_start3A_101, %add3A_88] : memref<16x2560xf32, #tpu.memory_space<vmem>> -> memref<8x128xf32, #tpu.memory_space<vmem>>
      tpu.enqueue_dma source(%dma_start3A_102 : memref<8x128xf32, #tpu.memory_space<vmem>>) target(%dma_start3A_100 : memref<8x128xf32, #tpu.memory_space<hbm>>) target_semaphore(%arg6 : memref<!tpu.dma_semaphore, #tpu.memory_space<semaphore_mem>>)
      %add3A_103 = arith.constant 640 : i32
      %add3A_104 = arith.addi %sub3A_23, %add3A_103 : i32
      %dma_start3A_105 = arith.constant 0 : i32
      %dma_start3A_106 = arith.constant 5 : i32
      %dma_start3A_107 = arith.constant 0 : i32
      %dma_start3A_108 = tpu.memref_slice %arg5[%dma_start3A_107, %add3A_104] : memref<16x2560xf32, #tpu.memory_space<vmem>> -> memref<8x128xf32, #tpu.memory_space<vmem>>
      %dma_start3A_109 = arith.constant 0 : i32
      %dma_start3A_110 = arith.constant 0 : i32
      %dma_start3A_111 = tpu.memref_slice %arg3[%add3A_20, %dma_start3A_105, %dma_start3A_106, %dma_start3A_109, %dma_start3A_110] : memref<2048x2x16x8x128xf32, #tpu.memory_space<hbm>> -> memref<1x1x1x8x128xf32, #tpu.memory_space<hbm>>
      %dma_start3A_112 = tpu.memref_squeeze %dma_start3A_111 : memref<1x1x1x8x128xf32, #tpu.memory_space<hbm>> -> memref<8x128xf32, #tpu.memory_space<hbm>>
      %dma_start3A_113 = arith.constant 0 : i32
      %dma_start3A_114 = arith.constant 0 : i32
      %dma_start3A_115 = tpu.memref_slice %arg3[%add3A_20, %dma_start3A_105, %dma_start3A_106, %dma_start3A_113, %dma_start3A_114] : memref<2048x2x16x8x128xf32, #tpu.memory_space<hbm>> -> memref<1x1x1x8x128xf32, #tpu.memory_space<hbm>>
      %dma_start3A_116 = tpu.memref_squeeze %dma_start3A_115 : memref<1x1x1x8x128xf32, #tpu.memory_space<hbm>> -> memref<8x128xf32, #tpu.memory_space<hbm>>
      %dma_start3A_117 = arith.constant 0 : i32
      %dma_start3A_118 = tpu.memref_slice %arg5[%dma_start3A_117, %add3A_104] : memref<16x2560xf32, #tpu.memory_space<vmem>> -> memref<8x128xf32, #tpu.memory_space<vmem>>
      tpu.enqueue_dma source(%dma_start3A_118 : memref<8x128xf32, #tpu.memory_space<vmem>>) target(%dma_start3A_116 : memref<8x128xf32, #tpu.memory_space<hbm>>) target_semaphore(%arg6 : memref<!tpu.dma_semaphore, #tpu.memory_space<semaphore_mem>>)
      %add3A_119 = arith.constant 768 : i32
      %add3A_120 = arith.addi %sub3A_23, %add3A_119 : i32
      %dma_start3A_121 = arith.constant 0 : i32
      %dma_start3A_122 = arith.constant 6 : i32
      %dma_start3A_123 = arith.constant 0 : i32
      %dma_start3A_124 = tpu.memref_slice %arg5[%dma_start3A_123, %add3A_120] : memref<16x2560xf32, #tpu.memory_space<vmem>> -> memref<8x128xf32, #tpu.memory_space<vmem>>
      %dma_start3A_125 = arith.constant 0 : i32
      %dma_start3A_126 = arith.constant 0 : i32
      %dma_start3A_127 = tpu.memref_slice %arg3[%add3A_20, %dma_start3A_121, %dma_start3A_122, %dma_start3A_125, %dma_start3A_126] : memref<2048x2x16x8x128xf32, #tpu.memory_space<hbm>> -> memref<1x1x1x8x128xf32, #tpu.memory_space<hbm>>
      %dma_start3A_128 = tpu.memref_squeeze %dma_start3A_127 : memref<1x1x1x8x128xf32, #tpu.memory_space<hbm>> -> memref<8x128xf32, #tpu.memory_space<hbm>>
      %dma_start3A_129 = arith.constant 0 : i32
      %dma_start3A_130 = arith.constant 0 : i32
      %dma_start3A_131 = tpu.memref_slice %arg3[%add3A_20, %dma_start3A_121, %dma_start3A_122, %dma_start3A_129, %dma_start3A_130] : memref<2048x2x16x8x128xf32, #tpu.memory_space<hbm>> -> memref<1x1x1x8x128xf32, #tpu.memory_space<hbm>>
      %dma_start3A_132 = tpu.memref_squeeze %dma_start3A_131 : memref<1x1x1x8x128xf32, #tpu.memory_space<hbm>> -> memref<8x128xf32, #tpu.memory_space<hbm>>
      %dma_start3A_133 = arith.constant 0 : i32
      %dma_start3A_134 = tpu.memref_slice %arg5[%dma_start3A_133, %add3A_120] : memref<16x2560xf32, #tpu.memory_space<vmem>> -> memref<8x128xf32, #tpu.memory_space<vmem>>
      tpu.enqueue_dma source(%dma_start3A_134 : memref<8x128xf32, #tpu.memory_space<vmem>>) target(%dma_start3A_132 : memref<8x128xf32, #tpu.memory_space<hbm>>) target_semaphore(%arg6 : memref<!tpu.dma_semaphore, #tpu.memory_space<semaphore_mem>>)
      %add3A_135 = arith.constant 896 : i32
      %add3A_136 = arith.addi %sub3A_23, %add3A_135 : i32
      %dma_start3A_137 = arith.constant 0 : i32
      %dma_start3A_138 = arith.constant 7 : i32
      %dma_start3A_139 = arith.constant 0 : i32
      %dma_start3A_140 = tpu.memref_slice %arg5[%dma_start3A_139, %add3A_136] : memref<16x2560xf32, #tpu.memory_space<vmem>> -> memref<8x128xf32, #tpu.memory_space<vmem>>
      %dma_start3A_141 = arith.constant 0 : i32
      %dma_start3A_142 = arith.constant 0 : i32
      %dma_start3A_143 = tpu.memref_slice %arg3[%add3A_20, %dma_start3A_137, %dma_start3A_138, %dma_start3A_141, %dma_start3A_142] : memref<2048x2x16x8x128xf32, #tpu.memory_space<hbm>> -> memref<1x1x1x8x128xf32, #tpu.memory_space<hbm>>
      %dma_start3A_144 = tpu.memref_squeeze %dma_start3A_143 : memref<1x1x1x8x128xf32, #tpu.memory_space<hbm>> -> memref<8x128xf32, #tpu.memory_space<hbm>>
      %dma_start3A_145 = arith.constant 0 : i32
      %dma_start3A_146 = arith.constant 0 : i32
      %dma_start3A_147 = tpu.memref_slice %arg3[%add3A_20, %dma_start3A_137, %dma_start3A_138, %dma_start3A_145, %dma_start3A_146] : memref<2048x2x16x8x128xf32, #tpu.memory_space<hbm>> -> memref<1x1x1x8x128xf32, #tpu.memory_space<hbm>>
      %dma_start3A_148 = tpu.memref_squeeze %dma_start3A_147 : memref<1x1x1x8x128xf32, #tpu.memory_space<hbm>> -> memref<8x128xf32, #tpu.memory_space<hbm>>
      %dma_start3A_149 = arith.constant 0 : i32
      %dma_start3A_150 = tpu.memref_slice %arg5[%dma_start3A_149, %add3A_136] : memref<16x2560xf32, #tpu.memory_space<vmem>> -> memref<8x128xf32, #tpu.memory_space<vmem>>
      tpu.enqueue_dma source(%dma_start3A_150 : memref<8x128xf32, #tpu.memory_space<vmem>>) target(%dma_start3A_148 : memref<8x128xf32, #tpu.memory_space<hbm>>) target_semaphore(%arg6 : memref<!tpu.dma_semaphore, #tpu.memory_space<semaphore_mem>>)
      %add3A_151 = arith.constant 1024 : i32
      %add3A_152 = arith.addi %sub3A_23, %add3A_151 : i32
      %dma_start3A_153 = arith.constant 0 : i32
      %dma_start3A_154 = arith.constant 8 : i32
      %dma_start3A_155 = arith.constant 0 : i32
      %dma_start3A_156 = tpu.memref_slice %arg5[%dma_start3A_155, %add3A_152] : memref<16x2560xf32, #tpu.memory_space<vmem>> -> memref<8x128xf32, #tpu.memory_space<vmem>>
      %dma_start3A_157 = arith.constant 0 : i32
      %dma_start3A_158 = arith.constant 0 : i32
      %dma_start3A_159 = tpu.memref_slice %arg3[%add3A_20, %dma_start3A_153, %dma_start3A_154, %dma_start3A_157, %dma_start3A_158] : memref<2048x2x16x8x128xf32, #tpu.memory_space<hbm>> -> memref<1x1x1x8x128xf32, #tpu.memory_space<hbm>>
      %dma_start3A_160 = tpu.memref_squeeze %dma_start3A_159 : memref<1x1x1x8x128xf32, #tpu.memory_space<hbm>> -> memref<8x128xf32, #tpu.memory_space<hbm>>
      %dma_start3A_161 = arith.constant 0 : i32
      %dma_start3A_162 = arith.constant 0 : i32
      %dma_start3A_163 = tpu.memref_slice %arg3[%add3A_20, %dma_start3A_153, %dma_start3A_154, %dma_start3A_161, %dma_start3A_162] : memref<2048x2x16x8x128xf32, #tpu.memory_space<hbm>> -> memref<1x1x1x8x128xf32, #tpu.memory_space<hbm>>
      %dma_start3A_164 = tpu.memref_squeeze %dma_start3A_163 : memref<1x1x1x8x128xf32, #tpu.memory_space<hbm>> -> memref<8x128xf32, #tpu.memory_space<hbm>>
      %dma_start3A_165 = arith.constant 0 : i32
      %dma_start3A_166 = tpu.memref_slice %arg5[%dma_start3A_165, %add3A_152] : memref<16x2560xf32, #tpu.memory_space<vmem>> -> memref<8x128xf32, #tpu.memory_space<vmem>>
      tpu.enqueue_dma source(%dma_start3A_166 : memref<8x128xf32, #tpu.memory_space<vmem>>) target(%dma_start3A_164 : memref<8x128xf32, #tpu.memory_space<hbm>>) target_semaphore(%arg6 : memref<!tpu.dma_semaphore, #tpu.memory_space<semaphore_mem>>)
      %add3A_167 = arith.constant 1152 : i32
      %add3A_168 = arith.addi %sub3A_23, %add3A_167 : i32
      %dma_start3A_169 = arith.constant 0 : i32
      %dma_start3A_170 = arith.constant 9 : i32
      %dma_start3A_171 = arith.constant 0 : i32
      %dma_start3A_172 = tpu.memref_slice %arg5[%dma_start3A_171, %add3A_168] : memref<16x2560xf32, #tpu.memory_space<vmem>> -> memref<8x128xf32, #tpu.memory_space<vmem>>
      %dma_start3A_173 = arith.constant 0 : i32
      %dma_start3A_174 = arith.constant 0 : i32
      %dma_start3A_175 = tpu.memref_slice %arg3[%add3A_20, %dma_start3A_169, %dma_start3A_170, %dma_start3A_173, %dma_start3A_174] : memref<2048x2x16x8x128xf32, #tpu.memory_space<hbm>> -> memref<1x1x1x8x128xf32, #tpu.memory_space<hbm>>
      %dma_start3A_176 = tpu.memref_squeeze %dma_start3A_175 : memref<1x1x1x8x128xf32, #tpu.memory_space<hbm>> -> memref<8x128xf32, #tpu.memory_space<hbm>>
      %dma_start3A_177 = arith.constant 0 : i32
      %dma_start3A_178 = arith.constant 0 : i32
      %dma_start3A_179 = tpu.memref_slice %arg3[%add3A_20, %dma_start3A_169, %dma_start3A_170, %dma_start3A_177, %dma_start3A_178] : memref<2048x2x16x8x128xf32, #tpu.memory_space<hbm>> -> memref<1x1x1x8x128xf32, #tpu.memory_space<hbm>>
      %dma_start3A_180 = tpu.memref_squeeze %dma_start3A_179 : memref<1x1x1x8x128xf32, #tpu.memory_space<hbm>> -> memref<8x128xf32, #tpu.memory_space<hbm>>
      %dma_start3A_181 = arith.constant 0 : i32
      %dma_start3A_182 = tpu.memref_slice %arg5[%dma_start3A_181, %add3A_168] : memref<16x2560xf32, #tpu.memory_space<vmem>> -> memref<8x128xf32, #tpu.memory_space<vmem>>
      tpu.enqueue_dma source(%dma_start3A_182 : memref<8x128xf32, #tpu.memory_space<vmem>>) target(%dma_start3A_180 : memref<8x128xf32, #tpu.memory_space<hbm>>) target_semaphore(%arg6 : memref<!tpu.dma_semaphore, #tpu.memory_space<semaphore_mem>>)
      %add3A_183 = arith.constant 1280 : i32
      %add3A_184 = arith.addi %sub3A_23, %add3A_183 : i32
      %dma_start3A_185 = arith.constant 0 : i32
      %dma_start3A_186 = arith.constant 10 : i32
      %dma_start3A_187 = arith.constant 0 : i32
      %dma_start3A_188 = tpu.memref_slice %arg5[%dma_start3A_187, %add3A_184] : memref<16x2560xf32, #tpu.memory_space<vmem>> -> memref<8x128xf32, #tpu.memory_space<vmem>>
      %dma_start3A_189 = arith.constant 0 : i32
      %dma_start3A_190 = arith.constant 0 : i32
      %dma_start3A_191 = tpu.memref_slice %arg3[%add3A_20, %dma_start3A_185, %dma_start3A_186, %dma_start3A_189, %dma_start3A_190] : memref<2048x2x16x8x128xf32, #tpu.memory_space<hbm>> -> memref<1x1x1x8x128xf32, #tpu.memory_space<hbm>>
      %dma_start3A_192 = tpu.memref_squeeze %dma_start3A_191 : memref<1x1x1x8x128xf32, #tpu.memory_space<hbm>> -> memref<8x128xf32, #tpu.memory_space<hbm>>
      %dma_start3A_193 = arith.constant 0 : i32
      %dma_start3A_194 = arith.constant 0 : i32
      %dma_start3A_195 = tpu.memref_slice %arg3[%add3A_20, %dma_start3A_185, %dma_start3A_186, %dma_start3A_193, %dma_start3A_194] : memref<2048x2x16x8x128xf32, #tpu.memory_space<hbm>> -> memref<1x1x1x8x128xf32, #tpu.memory_space<hbm>>
      %dma_start3A_196 = tpu.memref_squeeze %dma_start3A_195 : memref<1x1x1x8x128xf32, #tpu.memory_space<hbm>> -> memref<8x128xf32, #tpu.memory_space<hbm>>
      %dma_start3A_197 = arith.constant 0 : i32
      %dma_start3A_198 = tpu.memref_slice %arg5[%dma_start3A_197, %add3A_184] : memref<16x2560xf32, #tpu.memory_space<vmem>> -> memref<8x128xf32, #tpu.memory_space<vmem>>
      tpu.enqueue_dma source(%dma_start3A_198 : memref<8x128xf32, #tpu.memory_space<vmem>>) target(%dma_start3A_196 : memref<8x128xf32, #tpu.memory_space<hbm>>) target_semaphore(%arg6 : memref<!tpu.dma_semaphore, #tpu.memory_space<semaphore_mem>>)
      %add3A_199 = arith.constant 1408 : i32
      %add3A_200 = arith.addi %sub3A_23, %add3A_199 : i32
      %dma_start3A_201 = arith.constant 0 : i32
      %dma_start3A_202 = arith.constant 11 : i32
      %dma_start3A_203 = arith.constant 0 : i32
      %dma_start3A_204 = tpu.memref_slice %arg5[%dma_start3A_203, %add3A_200] : memref<16x2560xf32, #tpu.memory_space<vmem>> -> memref<8x128xf32, #tpu.memory_space<vmem>>
      %dma_start3A_205 = arith.constant 0 : i32
      %dma_start3A_206 = arith.constant 0 : i32
      %dma_start3A_207 = tpu.memref_slice %arg3[%add3A_20, %dma_start3A_201, %dma_start3A_202, %dma_start3A_205, %dma_start3A_206] : memref<2048x2x16x8x128xf32, #tpu.memory_space<hbm>> -> memref<1x1x1x8x128xf32, #tpu.memory_space<hbm>>
      %dma_start3A_208 = tpu.memref_squeeze %dma_start3A_207 : memref<1x1x1x8x128xf32, #tpu.memory_space<hbm>> -> memref<8x128xf32, #tpu.memory_space<hbm>>
      %dma_start3A_209 = arith.constant 0 : i32
      %dma_start3A_210 = arith.constant 0 : i32
      %dma_start3A_211 = tpu.memref_slice %arg3[%add3A_20, %dma_start3A_201, %dma_start3A_202, %dma_start3A_209, %dma_start3A_210] : memref<2048x2x16x8x128xf32, #tpu.memory_space<hbm>> -> memref<1x1x1x8x128xf32, #tpu.memory_space<hbm>>
      %dma_start3A_212 = tpu.memref_squeeze %dma_start3A_211 : memref<1x1x1x8x128xf32, #tpu.memory_space<hbm>> -> memref<8x128xf32, #tpu.memory_space<hbm>>
      %dma_start3A_213 = arith.constant 0 : i32
      %dma_start3A_214 = tpu.memref_slice %arg5[%dma_start3A_213, %add3A_200] : memref<16x2560xf32, #tpu.memory_space<vmem>> -> memref<8x128xf32, #tpu.memory_space<vmem>>
      tpu.enqueue_dma source(%dma_start3A_214 : memref<8x128xf32, #tpu.memory_space<vmem>>) target(%dma_start3A_212 : memref<8x128xf32, #tpu.memory_space<hbm>>) target_semaphore(%arg6 : memref<!tpu.dma_semaphore, #tpu.memory_space<semaphore_mem>>)
      %add3A_215 = arith.constant 1536 : i32
      %add3A_216 = arith.addi %sub3A_23, %add3A_215 : i32
      %dma_start3A_217 = arith.constant 0 : i32
      %dma_start3A_218 = arith.constant 12 : i32
      %dma_start3A_219 = arith.constant 0 : i32
      %dma_start3A_220 = tpu.memref_slice %arg5[%dma_start3A_219, %add3A_216] : memref<16x2560xf32, #tpu.memory_space<vmem>> -> memref<8x128xf32, #tpu.memory_space<vmem>>
      %dma_start3A_221 = arith.constant 0 : i32
      %dma_start3A_222 = arith.constant 0 : i32
      %dma_start3A_223 = tpu.memref_slice %arg3[%add3A_20, %dma_start3A_217, %dma_start3A_218, %dma_start3A_221, %dma_start3A_222] : memref<2048x2x16x8x128xf32, #tpu.memory_space<hbm>> -> memref<1x1x1x8x128xf32, #tpu.memory_space<hbm>>
      %dma_start3A_224 = tpu.memref_squeeze %dma_start3A_223 : memref<1x1x1x8x128xf32, #tpu.memory_space<hbm>> -> memref<8x128xf32, #tpu.memory_space<hbm>>
      %dma_start3A_225 = arith.constant 0 : i32
      %dma_start3A_226 = arith.constant 0 : i32
      %dma_start3A_227 = tpu.memref_slice %arg3[%add3A_20, %dma_start3A_217, %dma_start3A_218, %dma_start3A_225, %dma_start3A_226] : memref<2048x2x16x8x128xf32, #tpu.memory_space<hbm>> -> memref<1x1x1x8x128xf32, #tpu.memory_space<hbm>>
      %dma_start3A_228 = tpu.memref_squeeze %dma_start3A_227 : memref<1x1x1x8x128xf32, #tpu.memory_space<hbm>> -> memref<8x128xf32, #tpu.memory_space<hbm>>
      %dma_start3A_229 = arith.constant 0 : i32
      %dma_start3A_230 = tpu.memref_slice %arg5[%dma_start3A_229, %add3A_216] : memref<16x2560xf32, #tpu.memory_space<vmem>> -> memref<8x128xf32, #tpu.memory_space<vmem>>
      tpu.enqueue_dma source(%dma_start3A_230 : memref<8x128xf32, #tpu.memory_space<vmem>>) target(%dma_start3A_228 : memref<8x128xf32, #tpu.memory_space<hbm>>) target_semaphore(%arg6 : memref<!tpu.dma_semaphore, #tpu.memory_space<semaphore_mem>>)
      %add3A_231 = arith.constant 1664 : i32
      %add3A_232 = arith.addi %sub3A_23, %add3A_231 : i32
      %dma_start3A_233 = arith.constant 0 : i32
      %dma_start3A_234 = arith.constant 13 : i32
      %dma_start3A_235 = arith.constant 0 : i32
      %dma_start3A_236 = tpu.memref_slice %arg5[%dma_start3A_235, %add3A_232] : memref<16x2560xf32, #tpu.memory_space<vmem>> -> memref<8x128xf32, #tpu.memory_space<vmem>>
      %dma_start3A_237 = arith.constant 0 : i32
      %dma_start3A_238 = arith.constant 0 : i32
      %dma_start3A_239 = tpu.memref_slice %arg3[%add3A_20, %dma_start3A_233, %dma_start3A_234, %dma_start3A_237, %dma_start3A_238] : memref<2048x2x16x8x128xf32, #tpu.memory_space<hbm>> -> memref<1x1x1x8x128xf32, #tpu.memory_space<hbm>>
      %dma_start3A_240 = tpu.memref_squeeze %dma_start3A_239 : memref<1x1x1x8x128xf32, #tpu.memory_space<hbm>> -> memref<8x128xf32, #tpu.memory_space<hbm>>
      %dma_start3A_241 = arith.constant 0 : i32
      %dma_start3A_242 = arith.constant 0 : i32
      %dma_start3A_243 = tpu.memref_slice %arg3[%add3A_20, %dma_start3A_233, %dma_start3A_234, %dma_start3A_241, %dma_start3A_242] : memref<2048x2x16x8x128xf32, #tpu.memory_space<hbm>> -> memref<1x1x1x8x128xf32, #tpu.memory_space<hbm>>
      %dma_start3A_244 = tpu.memref_squeeze %dma_start3A_243 : memref<1x1x1x8x128xf32, #tpu.memory_space<hbm>> -> memref<8x128xf32, #tpu.memory_space<hbm>>
      %dma_start3A_245 = arith.constant 0 : i32
      %dma_start3A_246 = tpu.memref_slice %arg5[%dma_start3A_245, %add3A_232] : memref<16x2560xf32, #tpu.memory_space<vmem>> -> memref<8x128xf32, #tpu.memory_space<vmem>>
      tpu.enqueue_dma source(%dma_start3A_246 : memref<8x128xf32, #tpu.memory_space<vmem>>) target(%dma_start3A_244 : memref<8x128xf32, #tpu.memory_space<hbm>>) target_semaphore(%arg6 : memref<!tpu.dma_semaphore, #tpu.memory_space<semaphore_mem>>)
      %add3A_247 = arith.constant 1792 : i32
      %add3A_248 = arith.addi %sub3A_23, %add3A_247 : i32
      %dma_start3A_249 = arith.constant 0 : i32
      %dma_start3A_250 = arith.constant 14 : i32
      %dma_start3A_251 = arith.constant 0 : i32
      %dma_start3A_252 = tpu.memref_slice %arg5[%dma_start3A_251, %add3A_248] : memref<16x2560xf32, #tpu.memory_space<vmem>> -> memref<8x128xf32, #tpu.memory_space<vmem>>
      %dma_start3A_253 = arith.constant 0 : i32
      %dma_start3A_254 = arith.constant 0 : i32
      %dma_start3A_255 = tpu.memref_slice %arg3[%add3A_20, %dma_start3A_249, %dma_start3A_250, %dma_start3A_253, %dma_start3A_254] : memref<2048x2x16x8x128xf32, #tpu.memory_space<hbm>> -> memref<1x1x1x8x128xf32, #tpu.memory_space<hbm>>
      %dma_start3A_256 = tpu.memref_squeeze %dma_start3A_255 : memref<1x1x1x8x128xf32, #tpu.memory_space<hbm>> -> memref<8x128xf32, #tpu.memory_space<hbm>>
      %dma_start3A_257 = arith.constant 0 : i32
      %dma_start3A_258 = arith.constant 0 : i32
      %dma_start3A_259 = tpu.memref_slice %arg3[%add3A_20, %dma_start3A_249, %dma_start3A_250, %dma_start3A_257, %dma_start3A_258] : memref<2048x2x16x8x128xf32, #tpu.memory_space<hbm>> -> memref<1x1x1x8x128xf32, #tpu.memory_space<hbm>>
      %dma_start3A_260 = tpu.memref_squeeze %dma_start3A_259 : memref<1x1x1x8x128xf32, #tpu.memory_space<hbm>> -> memref<8x128xf32, #tpu.memory_space<hbm>>
      %dma_start3A_261 = arith.constant 0 : i32
      %dma_start3A_262 = tpu.memref_slice %arg5[%dma_start3A_261, %add3A_248] : memref<16x2560xf32, #tpu.memory_space<vmem>> -> memref<8x128xf32, #tpu.memory_space<vmem>>
      tpu.enqueue_dma source(%dma_start3A_262 : memref<8x128xf32, #tpu.memory_space<vmem>>) target(%dma_start3A_260 : memref<8x128xf32, #tpu.memory_space<hbm>>) target_semaphore(%arg6 : memref<!tpu.dma_semaphore, #tpu.memory_space<semaphore_mem>>)
      %add3A_263 = arith.constant 1920 : i32
      %add3A_264 = arith.addi %sub3A_23, %add3A_263 : i32
      %dma_start3A_265 = arith.constant 0 : i32
      %dma_start3A_266 = arith.constant 15 : i32
      %dma_start3A_267 = arith.constant 0 : i32
      %dma_start3A_268 = tpu.memref_slice %arg5[%dma_start3A_267, %add3A_264] : memref<16x2560xf32, #tpu.memory_space<vmem>> -> memref<8x128xf32, #tpu.memory_space<vmem>>
      %dma_start3A_269 = arith.constant 0 : i32
      %dma_start3A_270 = arith.constant 0 : i32
      %dma_start3A_271 = tpu.memref_slice %arg3[%add3A_20, %dma_start3A_265, %dma_start3A_266, %dma_start3A_269, %dma_start3A_270] : memref<2048x2x16x8x128xf32, #tpu.memory_space<hbm>> -> memref<1x1x1x8x128xf32, #tpu.memory_space<hbm>>
      %dma_start3A_272 = tpu.memref_squeeze %dma_start3A_271 : memref<1x1x1x8x128xf32, #tpu.memory_space<hbm>> -> memref<8x128xf32, #tpu.memory_space<hbm>>
      %dma_start3A_273 = arith.constant 0 : i32
      %dma_start3A_274 = arith.constant 0 : i32
      %dma_start3A_275 = tpu.memref_slice %arg3[%add3A_20, %dma_start3A_265, %dma_start3A_266, %dma_start3A_273, %dma_start3A_274] : memref<2048x2x16x8x128xf32, #tpu.memory_space<hbm>> -> memref<1x1x1x8x128xf32, #tpu.memory_space<hbm>>
      %dma_start3A_276 = tpu.memref_squeeze %dma_start3A_275 : memref<1x1x1x8x128xf32, #tpu.memory_space<hbm>> -> memref<8x128xf32, #tpu.memory_space<hbm>>
      %dma_start3A_277 = arith.constant 0 : i32
      %dma_start3A_278 = tpu.memref_slice %arg5[%dma_start3A_277, %add3A_264] : memref<16x2560xf32, #tpu.memory_space<vmem>> -> memref<8x128xf32, #tpu.memory_space<vmem>>
      tpu.enqueue_dma source(%dma_start3A_278 : memref<8x128xf32, #tpu.memory_space<vmem>>) target(%dma_start3A_276 : memref<8x128xf32, #tpu.memory_space<hbm>>) target_semaphore(%arg6 : memref<!tpu.dma_semaphore, #tpu.memory_space<semaphore_mem>>)
      %add3A_279 = arith.constant 0 : i32
      %add3A_280 = arith.addi %sub3A_23, %add3A_279 : i32
      %dma_start3A_281 = arith.constant 1 : i32
      %dma_start3A_282 = arith.constant 0 : i32
      %dma_start3A_283 = arith.constant 8 : i32
      %dma_start3A_284 = tpu.memref_slice %arg5[%dma_start3A_283, %add3A_280] : memref<16x2560xf32, #tpu.memory_space<vmem>> -> memref<8x128xf32, #tpu.memory_space<vmem>>
      %dma_start3A_285 = arith.constant 0 : i32
      %dma_start3A_286 = arith.constant 0 : i32
      %dma_start3A_287 = tpu.memref_slice %arg3[%add3A_20, %dma_start3A_281, %dma_start3A_282, %dma_start3A_285, %dma_start3A_286] : memref<2048x2x16x8x128xf32, #tpu.memory_space<hbm>> -> memref<1x1x1x8x128xf32, #tpu.memory_space<hbm>>
      %dma_start3A_288 = tpu.memref_squeeze %dma_start3A_287 : memref<1x1x1x8x128xf32, #tpu.memory_space<hbm>> -> memref<8x128xf32, #tpu.memory_space<hbm>>
      %dma_start3A_289 = arith.constant 0 : i32
      %dma_start3A_290 = arith.constant 0 : i32
      %dma_start3A_291 = tpu.memref_slice %arg3[%add3A_20, %dma_start3A_281, %dma_start3A_282, %dma_start3A_289, %dma_start3A_290] : memref<2048x2x16x8x128xf32, #tpu.memory_space<hbm>> -> memref<1x1x1x8x128xf32, #tpu.memory_space<hbm>>
      %dma_start3A_292 = tpu.memref_squeeze %dma_start3A_291 : memref<1x1x1x8x128xf32, #tpu.memory_space<hbm>> -> memref<8x128xf32, #tpu.memory_space<hbm>>
      %dma_start3A_293 = arith.constant 8 : i32
      %dma_start3A_294 = tpu.memref_slice %arg5[%dma_start3A_293, %add3A_280] : memref<16x2560xf32, #tpu.memory_space<vmem>> -> memref<8x128xf32, #tpu.memory_space<vmem>>
      tpu.enqueue_dma source(%dma_start3A_294 : memref<8x128xf32, #tpu.memory_space<vmem>>) target(%dma_start3A_292 : memref<8x128xf32, #tpu.memory_space<hbm>>) target_semaphore(%arg6 : memref<!tpu.dma_semaphore, #tpu.memory_space<semaphore_mem>>)
      %add3A_295 = arith.constant 128 : i32
      %add3A_296 = arith.addi %sub3A_23, %add3A_295 : i32
      %dma_start3A_297 = arith.constant 1 : i32
      %dma_start3A_298 = arith.constant 1 : i32
      %dma_start3A_299 = arith.constant 8 : i32
      %dma_start3A_300 = tpu.memref_slice %arg5[%dma_start3A_299, %add3A_296] : memref<16x2560xf32, #tpu.memory_space<vmem>> -> memref<8x128xf32, #tpu.memory_space<vmem>>
      %dma_start3A_301 = arith.constant 0 : i32
      %dma_start3A_302 = arith.constant 0 : i32
      %dma_start3A_303 = tpu.memref_slice %arg3[%add3A_20, %dma_start3A_297, %dma_start3A_298, %dma_start3A_301, %dma_start3A_302] : memref<2048x2x16x8x128xf32, #tpu.memory_space<hbm>> -> memref<1x1x1x8x128xf32, #tpu.memory_space<hbm>>
      %dma_start3A_304 = tpu.memref_squeeze %dma_start3A_303 : memref<1x1x1x8x128xf32, #tpu.memory_space<hbm>> -> memref<8x128xf32, #tpu.memory_space<hbm>>
      %dma_start3A_305 = arith.constant 0 : i32
      %dma_start3A_306 = arith.constant 0 : i32
      %dma_start3A_307 = tpu.memref_slice %arg3[%add3A_20, %dma_start3A_297, %dma_start3A_298, %dma_start3A_305, %dma_start3A_306] : memref<2048x2x16x8x128xf32, #tpu.memory_space<hbm>> -> memref<1x1x1x8x128xf32, #tpu.memory_space<hbm>>
      %dma_start3A_308 = tpu.memref_squeeze %dma_start3A_307 : memref<1x1x1x8x128xf32, #tpu.memory_space<hbm>> -> memref<8x128xf32, #tpu.memory_space<hbm>>
      %dma_start3A_309 = arith.constant 8 : i32
      %dma_start3A_310 = tpu.memref_slice %arg5[%dma_start3A_309, %add3A_296] : memref<16x2560xf32, #tpu.memory_space<vmem>> -> memref<8x128xf32, #tpu.memory_space<vmem>>
      tpu.enqueue_dma source(%dma_start3A_310 : memref<8x128xf32, #tpu.memory_space<vmem>>) target(%dma_start3A_308 : memref<8x128xf32, #tpu.memory_space<hbm>>) target_semaphore(%arg6 : memref<!tpu.dma_semaphore, #tpu.memory_space<semaphore_mem>>)
      %add3A_311 = arith.constant 256 : i32
      %add3A_312 = arith.addi %sub3A_23, %add3A_311 : i32
      %dma_start3A_313 = arith.constant 1 : i32
      %dma_start3A_314 = arith.constant 2 : i32
      %dma_start3A_315 = arith.constant 8 : i32
      %dma_start3A_316 = tpu.memref_slice %arg5[%dma_start3A_315, %add3A_312] : memref<16x2560xf32, #tpu.memory_space<vmem>> -> memref<8x128xf32, #tpu.memory_space<vmem>>
      %dma_start3A_317 = arith.constant 0 : i32
      %dma_start3A_318 = arith.constant 0 : i32
      %dma_start3A_319 = tpu.memref_slice %arg3[%add3A_20, %dma_start3A_313, %dma_start3A_314, %dma_start3A_317, %dma_start3A_318] : memref<2048x2x16x8x128xf32, #tpu.memory_space<hbm>> -> memref<1x1x1x8x128xf32, #tpu.memory_space<hbm>>
      %dma_start3A_320 = tpu.memref_squeeze %dma_start3A_319 : memref<1x1x1x8x128xf32, #tpu.memory_space<hbm>> -> memref<8x128xf32, #tpu.memory_space<hbm>>
      %dma_start3A_321 = arith.constant 0 : i32
      %dma_start3A_322 = arith.constant 0 : i32
      %dma_start3A_323 = tpu.memref_slice %arg3[%add3A_20, %dma_start3A_313, %dma_start3A_314, %dma_start3A_321, %dma_start3A_322] : memref<2048x2x16x8x128xf32, #tpu.memory_space<hbm>> -> memref<1x1x1x8x128xf32, #tpu.memory_space<hbm>>
      %dma_start3A_324 = tpu.memref_squeeze %dma_start3A_323 : memref<1x1x1x8x128xf32, #tpu.memory_space<hbm>> -> memref<8x128xf32, #tpu.memory_space<hbm>>
      %dma_start3A_325 = arith.constant 8 : i32
      %dma_start3A_326 = tpu.memref_slice %arg5[%dma_start3A_325, %add3A_312] : memref<16x2560xf32, #tpu.memory_space<vmem>> -> memref<8x128xf32, #tpu.memory_space<vmem>>
      tpu.enqueue_dma source(%dma_start3A_326 : memref<8x128xf32, #tpu.memory_space<vmem>>) target(%dma_start3A_324 : memref<8x128xf32, #tpu.memory_space<hbm>>) target_semaphore(%arg6 : memref<!tpu.dma_semaphore, #tpu.memory_space<semaphore_mem>>)
      %add3A_327 = arith.constant 384 : i32
      %add3A_328 = arith.addi %sub3A_23, %add3A_327 : i32
      %dma_start3A_329 = arith.constant 1 : i32
      %dma_start3A_330 = arith.constant 3 : i32
      %dma_start3A_331 = arith.constant 8 : i32
      %dma_start3A_332 = tpu.memref_slice %arg5[%dma_start3A_331, %add3A_328] : memref<16x2560xf32, #tpu.memory_space<vmem>> -> memref<8x128xf32, #tpu.memory_space<vmem>>
      %dma_start3A_333 = arith.constant 0 : i32
      %dma_start3A_334 = arith.constant 0 : i32
      %dma_start3A_335 = tpu.memref_slice %arg3[%add3A_20, %dma_start3A_329, %dma_start3A_330, %dma_start3A_333, %dma_start3A_334] : memref<2048x2x16x8x128xf32, #tpu.memory_space<hbm>> -> memref<1x1x1x8x128xf32, #tpu.memory_space<hbm>>
      %dma_start3A_336 = tpu.memref_squeeze %dma_start3A_335 : memref<1x1x1x8x128xf32, #tpu.memory_space<hbm>> -> memref<8x128xf32, #tpu.memory_space<hbm>>
      %dma_start3A_337 = arith.constant 0 : i32
      %dma_start3A_338 = arith.constant 0 : i32
      %dma_start3A_339 = tpu.memref_slice %arg3[%add3A_20, %dma_start3A_329, %dma_start3A_330, %dma_start3A_337, %dma_start3A_338] : memref<2048x2x16x8x128xf32, #tpu.memory_space<hbm>> -> memref<1x1x1x8x128xf32, #tpu.memory_space<hbm>>
      %dma_start3A_340 = tpu.memref_squeeze %dma_start3A_339 : memref<1x1x1x8x128xf32, #tpu.memory_space<hbm>> -> memref<8x128xf32, #tpu.memory_space<hbm>>
      %dma_start3A_341 = arith.constant 8 : i32
      %dma_start3A_342 = tpu.memref_slice %arg5[%dma_start3A_341, %add3A_328] : memref<16x2560xf32, #tpu.memory_space<vmem>> -> memref<8x128xf32, #tpu.memory_space<vmem>>
      tpu.enqueue_dma source(%dma_start3A_342 : memref<8x128xf32, #tpu.memory_space<vmem>>) target(%dma_start3A_340 : memref<8x128xf32, #tpu.memory_space<hbm>>) target_semaphore(%arg6 : memref<!tpu.dma_semaphore, #tpu.memory_space<semaphore_mem>>)
      %add3A_343 = arith.constant 512 : i32
      %add3A_344 = arith.addi %sub3A_23, %add3A_343 : i32
      %dma_start3A_345 = arith.constant 1 : i32
      %dma_start3A_346 = arith.constant 4 : i32
      %dma_start3A_347 = arith.constant 8 : i32
      %dma_start3A_348 = tpu.memref_slice %arg5[%dma_start3A_347, %add3A_344] : memref<16x2560xf32, #tpu.memory_space<vmem>> -> memref<8x128xf32, #tpu.memory_space<vmem>>
      %dma_start3A_349 = arith.constant 0 : i32
      %dma_start3A_350 = arith.constant 0 : i32
      %dma_start3A_351 = tpu.memref_slice %arg3[%add3A_20, %dma_start3A_345, %dma_start3A_346, %dma_start3A_349, %dma_start3A_350] : memref<2048x2x16x8x128xf32, #tpu.memory_space<hbm>> -> memref<1x1x1x8x128xf32, #tpu.memory_space<hbm>>
      %dma_start3A_352 = tpu.memref_squeeze %dma_start3A_351 : memref<1x1x1x8x128xf32, #tpu.memory_space<hbm>> -> memref<8x128xf32, #tpu.memory_space<hbm>>
      %dma_start3A_353 = arith.constant 0 : i32
      %dma_start3A_354 = arith.constant 0 : i32
      %dma_start3A_355 = tpu.memref_slice %arg3[%add3A_20, %dma_start3A_345, %dma_start3A_346, %dma_start3A_353, %dma_start3A_354] : memref<2048x2x16x8x128xf32, #tpu.memory_space<hbm>> -> memref<1x1x1x8x128xf32, #tpu.memory_space<hbm>>
      %dma_start3A_356 = tpu.memref_squeeze %dma_start3A_355 : memref<1x1x1x8x128xf32, #tpu.memory_space<hbm>> -> memref<8x128xf32, #tpu.memory_space<hbm>>
      %dma_start3A_357 = arith.constant 8 : i32
      %dma_start3A_358 = tpu.memref_slice %arg5[%dma_start3A_357, %add3A_344] : memref<16x2560xf32, #tpu.memory_space<vmem>> -> memref<8x128xf32, #tpu.memory_space<vmem>>
      tpu.enqueue_dma source(%dma_start3A_358 : memref<8x128xf32, #tpu.memory_space<vmem>>) target(%dma_start3A_356 : memref<8x128xf32, #tpu.memory_space<hbm>>) target_semaphore(%arg6 : memref<!tpu.dma_semaphore, #tpu.memory_space<semaphore_mem>>)
      %add3A_359 = arith.constant 640 : i32
      %add3A_360 = arith.addi %sub3A_23, %add3A_359 : i32
      %dma_start3A_361 = arith.constant 1 : i32
      %dma_start3A_362 = arith.constant 5 : i32
      %dma_start3A_363 = arith.constant 8 : i32
      %dma_start3A_364 = tpu.memref_slice %arg5[%dma_start3A_363, %add3A_360] : memref<16x2560xf32, #tpu.memory_space<vmem>> -> memref<8x128xf32, #tpu.memory_space<vmem>>
      %dma_start3A_365 = arith.constant 0 : i32
      %dma_start3A_366 = arith.constant 0 : i32
      %dma_start3A_367 = tpu.memref_slice %arg3[%add3A_20, %dma_start3A_361, %dma_start3A_362, %dma_start3A_365, %dma_start3A_366] : memref<2048x2x16x8x128xf32, #tpu.memory_space<hbm>> -> memref<1x1x1x8x128xf32, #tpu.memory_space<hbm>>
      %dma_start3A_368 = tpu.memref_squeeze %dma_start3A_367 : memref<1x1x1x8x128xf32, #tpu.memory_space<hbm>> -> memref<8x128xf32, #tpu.memory_space<hbm>>
      %dma_start3A_369 = arith.constant 0 : i32
      %dma_start3A_370 = arith.constant 0 : i32
      %dma_start3A_371 = tpu.memref_slice %arg3[%add3A_20, %dma_start3A_361, %dma_start3A_362, %dma_start3A_369, %dma_start3A_370] : memref<2048x2x16x8x128xf32, #tpu.memory_space<hbm>> -> memref<1x1x1x8x128xf32, #tpu.memory_space<hbm>>
      %dma_start3A_372 = tpu.memref_squeeze %dma_start3A_371 : memref<1x1x1x8x128xf32, #tpu.memory_space<hbm>> -> memref<8x128xf32, #tpu.memory_space<hbm>>
      %dma_start3A_373 = arith.constant 8 : i32
      %dma_start3A_374 = tpu.memref_slice %arg5[%dma_start3A_373, %add3A_360] : memref<16x2560xf32, #tpu.memory_space<vmem>> -> memref<8x128xf32, #tpu.memory_space<vmem>>
      tpu.enqueue_dma source(%dma_start3A_374 : memref<8x128xf32, #tpu.memory_space<vmem>>) target(%dma_start3A_372 : memref<8x128xf32, #tpu.memory_space<hbm>>) target_semaphore(%arg6 : memref<!tpu.dma_semaphore, #tpu.memory_space<semaphore_mem>>)
      %add3A_375 = arith.constant 768 : i32
      %add3A_376 = arith.addi %sub3A_23, %add3A_375 : i32
      %dma_start3A_377 = arith.constant 1 : i32
      %dma_start3A_378 = arith.constant 6 : i32
      %dma_start3A_379 = arith.constant 8 : i32
      %dma_start3A_380 = tpu.memref_slice %arg5[%dma_start3A_379, %add3A_376] : memref<16x2560xf32, #tpu.memory_space<vmem>> -> memref<8x128xf32, #tpu.memory_space<vmem>>
      %dma_start3A_381 = arith.constant 0 : i32
      %dma_start3A_382 = arith.constant 0 : i32
      %dma_start3A_383 = tpu.memref_slice %arg3[%add3A_20, %dma_start3A_377, %dma_start3A_378, %dma_start3A_381, %dma_start3A_382] : memref<2048x2x16x8x128xf32, #tpu.memory_space<hbm>> -> memref<1x1x1x8x128xf32, #tpu.memory_space<hbm>>
      %dma_start3A_384 = tpu.memref_squeeze %dma_start3A_383 : memref<1x1x1x8x128xf32, #tpu.memory_space<hbm>> -> memref<8x128xf32, #tpu.memory_space<hbm>>
      %dma_start3A_385 = arith.constant 0 : i32
      %dma_start3A_386 = arith.constant 0 : i32
      %dma_start3A_387 = tpu.memref_slice %arg3[%add3A_20, %dma_start3A_377, %dma_start3A_378, %dma_start3A_385, %dma_start3A_386] : memref<2048x2x16x8x128xf32, #tpu.memory_space<hbm>> -> memref<1x1x1x8x128xf32, #tpu.memory_space<hbm>>
      %dma_start3A_388 = tpu.memref_squeeze %dma_start3A_387 : memref<1x1x1x8x128xf32, #tpu.memory_space<hbm>> -> memref<8x128xf32, #tpu.memory_space<hbm>>
      %dma_start3A_389 = arith.constant 8 : i32
      %dma_start3A_390 = tpu.memref_slice %arg5[%dma_start3A_389, %add3A_376] : memref<16x2560xf32, #tpu.memory_space<vmem>> -> memref<8x128xf32, #tpu.memory_space<vmem>>
      tpu.enqueue_dma source(%dma_start3A_390 : memref<8x128xf32, #tpu.memory_space<vmem>>) target(%dma_start3A_388 : memref<8x128xf32, #tpu.memory_space<hbm>>) target_semaphore(%arg6 : memref<!tpu.dma_semaphore, #tpu.memory_space<semaphore_mem>>)
      %add3A_391 = arith.constant 896 : i32
      %add3A_392 = arith.addi %sub3A_23, %add3A_391 : i32
      %dma_start3A_393 = arith.constant 1 : i32
      %dma_start3A_394 = arith.constant 7 : i32
      %dma_start3A_395 = arith.constant 8 : i32
      %dma_start3A_396 = tpu.memref_slice %arg5[%dma_start3A_395, %add3A_392] : memref<16x2560xf32, #tpu.memory_space<vmem>> -> memref<8x128xf32, #tpu.memory_space<vmem>>
      %dma_start3A_397 = arith.constant 0 : i32
      %dma_start3A_398 = arith.constant 0 : i32
      %dma_start3A_399 = tpu.memref_slice %arg3[%add3A_20, %dma_start3A_393, %dma_start3A_394, %dma_start3A_397, %dma_start3A_398] : memref<2048x2x16x8x128xf32, #tpu.memory_space<hbm>> -> memref<1x1x1x8x128xf32, #tpu.memory_space<hbm>>
      %dma_start3A_400 = tpu.memref_squeeze %dma_start3A_399 : memref<1x1x1x8x128xf32, #tpu.memory_space<hbm>> -> memref<8x128xf32, #tpu.memory_space<hbm>>
      %dma_start3A_401 = arith.constant 0 : i32
      %dma_start3A_402 = arith.constant 0 : i32
      %dma_start3A_403 = tpu.memref_slice %arg3[%add3A_20, %dma_start3A_393, %dma_start3A_394, %dma_start3A_401, %dma_start3A_402] : memref<2048x2x16x8x128xf32, #tpu.memory_space<hbm>> -> memref<1x1x1x8x128xf32, #tpu.memory_space<hbm>>
      %dma_start3A_404 = tpu.memref_squeeze %dma_start3A_403 : memref<1x1x1x8x128xf32, #tpu.memory_space<hbm>> -> memref<8x128xf32, #tpu.memory_space<hbm>>
      %dma_start3A_405 = arith.constant 8 : i32
      %dma_start3A_406 = tpu.memref_slice %arg5[%dma_start3A_405, %add3A_392] : memref<16x2560xf32, #tpu.memory_space<vmem>> -> memref<8x128xf32, #tpu.memory_space<vmem>>
      tpu.enqueue_dma source(%dma_start3A_406 : memref<8x128xf32, #tpu.memory_space<vmem>>) target(%dma_start3A_404 : memref<8x128xf32, #tpu.memory_space<hbm>>) target_semaphore(%arg6 : memref<!tpu.dma_semaphore, #tpu.memory_space<semaphore_mem>>)
      %add3A_407 = arith.constant 1024 : i32
      %add3A_408 = arith.addi %sub3A_23, %add3A_407 : i32
      %dma_start3A_409 = arith.constant 1 : i32
      %dma_start3A_410 = arith.constant 8 : i32
      %dma_start3A_411 = arith.constant 8 : i32
      %dma_start3A_412 = tpu.memref_slice %arg5[%dma_start3A_411, %add3A_408] : memref<16x2560xf32, #tpu.memory_space<vmem>> -> memref<8x128xf32, #tpu.memory_space<vmem>>
      %dma_start3A_413 = arith.constant 0 : i32
      %dma_start3A_414 = arith.constant 0 : i32
      %dma_start3A_415 = tpu.memref_slice %arg3[%add3A_20, %dma_start3A_409, %dma_start3A_410, %dma_start3A_413, %dma_start3A_414] : memref<2048x2x16x8x128xf32, #tpu.memory_space<hbm>> -> memref<1x1x1x8x128xf32, #tpu.memory_space<hbm>>
      %dma_start3A_416 = tpu.memref_squeeze %dma_start3A_415 : memref<1x1x1x8x128xf32, #tpu.memory_space<hbm>> -> memref<8x128xf32, #tpu.memory_space<hbm>>
      %dma_start3A_417 = arith.constant 0 : i32
      %dma_start3A_418 = arith.constant 0 : i32
      %dma_start3A_419 = tpu.memref_slice %arg3[%add3A_20, %dma_start3A_409, %dma_start3A_410, %dma_start3A_417, %dma_start3A_418] : memref<2048x2x16x8x128xf32, #tpu.memory_space<hbm>> -> memref<1x1x1x8x128xf32, #tpu.memory_space<hbm>>
      %dma_start3A_420 = tpu.memref_squeeze %dma_start3A_419 : memref<1x1x1x8x128xf32, #tpu.memory_space<hbm>> -> memref<8x128xf32, #tpu.memory_space<hbm>>
      %dma_start3A_421 = arith.constant 8 : i32
      %dma_start3A_422 = tpu.memref_slice %arg5[%dma_start3A_421, %add3A_408] : memref<16x2560xf32, #tpu.memory_space<vmem>> -> memref<8x128xf32, #tpu.memory_space<vmem>>
      tpu.enqueue_dma source(%dma_start3A_422 : memref<8x128xf32, #tpu.memory_space<vmem>>) target(%dma_start3A_420 : memref<8x128xf32, #tpu.memory_space<hbm>>) target_semaphore(%arg6 : memref<!tpu.dma_semaphore, #tpu.memory_space<semaphore_mem>>)
      %add3A_423 = arith.constant 1152 : i32
      %add3A_424 = arith.addi %sub3A_23, %add3A_423 : i32
      %dma_start3A_425 = arith.constant 1 : i32
      %dma_start3A_426 = arith.constant 9 : i32
      %dma_start3A_427 = arith.constant 8 : i32
      %dma_start3A_428 = tpu.memref_slice %arg5[%dma_start3A_427, %add3A_424] : memref<16x2560xf32, #tpu.memory_space<vmem>> -> memref<8x128xf32, #tpu.memory_space<vmem>>
      %dma_start3A_429 = arith.constant 0 : i32
      %dma_start3A_430 = arith.constant 0 : i32
      %dma_start3A_431 = tpu.memref_slice %arg3[%add3A_20, %dma_start3A_425, %dma_start3A_426, %dma_start3A_429, %dma_start3A_430] : memref<2048x2x16x8x128xf32, #tpu.memory_space<hbm>> -> memref<1x1x1x8x128xf32, #tpu.memory_space<hbm>>
      %dma_start3A_432 = tpu.memref_squeeze %dma_start3A_431 : memref<1x1x1x8x128xf32, #tpu.memory_space<hbm>> -> memref<8x128xf32, #tpu.memory_space<hbm>>
      %dma_start3A_433 = arith.constant 0 : i32
      %dma_start3A_434 = arith.constant 0 : i32
      %dma_start3A_435 = tpu.memref_slice %arg3[%add3A_20, %dma_start3A_425, %dma_start3A_426, %dma_start3A_433, %dma_start3A_434] : memref<2048x2x16x8x128xf32, #tpu.memory_space<hbm>> -> memref<1x1x1x8x128xf32, #tpu.memory_space<hbm>>
      %dma_start3A_436 = tpu.memref_squeeze %dma_start3A_435 : memref<1x1x1x8x128xf32, #tpu.memory_space<hbm>> -> memref<8x128xf32, #tpu.memory_space<hbm>>
      %dma_start3A_437 = arith.constant 8 : i32
      %dma_start3A_438 = tpu.memref_slice %arg5[%dma_start3A_437, %add3A_424] : memref<16x2560xf32, #tpu.memory_space<vmem>> -> memref<8x128xf32, #tpu.memory_space<vmem>>
      tpu.enqueue_dma source(%dma_start3A_438 : memref<8x128xf32, #tpu.memory_space<vmem>>) target(%dma_start3A_436 : memref<8x128xf32, #tpu.memory_space<hbm>>) target_semaphore(%arg6 : memref<!tpu.dma_semaphore, #tpu.memory_space<semaphore_mem>>)
      %add3A_439 = arith.constant 1280 : i32
      %add3A_440 = arith.addi %sub3A_23, %add3A_439 : i32
      %dma_start3A_441 = arith.constant 1 : i32
      %dma_start3A_442 = arith.constant 10 : i32
      %dma_start3A_443 = arith.constant 8 : i32
      %dma_start3A_444 = tpu.memref_slice %arg5[%dma_start3A_443, %add3A_440] : memref<16x2560xf32, #tpu.memory_space<vmem>> -> memref<8x128xf32, #tpu.memory_space<vmem>>
      %dma_start3A_445 = arith.constant 0 : i32
      %dma_start3A_446 = arith.constant 0 : i32
      %dma_start3A_447 = tpu.memref_slice %arg3[%add3A_20, %dma_start3A_441, %dma_start3A_442, %dma_start3A_445, %dma_start3A_446] : memref<2048x2x16x8x128xf32, #tpu.memory_space<hbm>> -> memref<1x1x1x8x128xf32, #tpu.memory_space<hbm>>
      %dma_start3A_448 = tpu.memref_squeeze %dma_start3A_447 : memref<1x1x1x8x128xf32, #tpu.memory_space<hbm>> -> memref<8x128xf32, #tpu.memory_space<hbm>>
      %dma_start3A_449 = arith.constant 0 : i32
      %dma_start3A_450 = arith.constant 0 : i32
      %dma_start3A_451 = tpu.memref_slice %arg3[%add3A_20, %dma_start3A_441, %dma_start3A_442, %dma_start3A_449, %dma_start3A_450] : memref<2048x2x16x8x128xf32, #tpu.memory_space<hbm>> -> memref<1x1x1x8x128xf32, #tpu.memory_space<hbm>>
      %dma_start3A_452 = tpu.memref_squeeze %dma_start3A_451 : memref<1x1x1x8x128xf32, #tpu.memory_space<hbm>> -> memref<8x128xf32, #tpu.memory_space<hbm>>
      %dma_start3A_453 = arith.constant 8 : i32
      %dma_start3A_454 = tpu.memref_slice %arg5[%dma_start3A_453, %add3A_440] : memref<16x2560xf32, #tpu.memory_space<vmem>> -> memref<8x128xf32, #tpu.memory_space<vmem>>
      tpu.enqueue_dma source(%dma_start3A_454 : memref<8x128xf32, #tpu.memory_space<vmem>>) target(%dma_start3A_452 : memref<8x128xf32, #tpu.memory_space<hbm>>) target_semaphore(%arg6 : memref<!tpu.dma_semaphore, #tpu.memory_space<semaphore_mem>>)
      %add3A_455 = arith.constant 1408 : i32
      %add3A_456 = arith.addi %sub3A_23, %add3A_455 : i32
      %dma_start3A_457 = arith.constant 1 : i32
      %dma_start3A_458 = arith.constant 11 : i32
      %dma_start3A_459 = arith.constant 8 : i32
      %dma_start3A_460 = tpu.memref_slice %arg5[%dma_start3A_459, %add3A_456] : memref<16x2560xf32, #tpu.memory_space<vmem>> -> memref<8x128xf32, #tpu.memory_space<vmem>>
      %dma_start3A_461 = arith.constant 0 : i32
      %dma_start3A_462 = arith.constant 0 : i32
      %dma_start3A_463 = tpu.memref_slice %arg3[%add3A_20, %dma_start3A_457, %dma_start3A_458, %dma_start3A_461, %dma_start3A_462] : memref<2048x2x16x8x128xf32, #tpu.memory_space<hbm>> -> memref<1x1x1x8x128xf32, #tpu.memory_space<hbm>>
      %dma_start3A_464 = tpu.memref_squeeze %dma_start3A_463 : memref<1x1x1x8x128xf32, #tpu.memory_space<hbm>> -> memref<8x128xf32, #tpu.memory_space<hbm>>
      %dma_start3A_465 = arith.constant 0 : i32
      %dma_start3A_466 = arith.constant 0 : i32
      %dma_start3A_467 = tpu.memref_slice %arg3[%add3A_20, %dma_start3A_457, %dma_start3A_458, %dma_start3A_465, %dma_start3A_466] : memref<2048x2x16x8x128xf32, #tpu.memory_space<hbm>> -> memref<1x1x1x8x128xf32, #tpu.memory_space<hbm>>
      %dma_start3A_468 = tpu.memref_squeeze %dma_start3A_467 : memref<1x1x1x8x128xf32, #tpu.memory_space<hbm>> -> memref<8x128xf32, #tpu.memory_space<hbm>>
      %dma_start3A_469 = arith.constant 8 : i32
      %dma_start3A_470 = tpu.memref_slice %arg5[%dma_start3A_469, %add3A_456] : memref<16x2560xf32, #tpu.memory_space<vmem>> -> memref<8x128xf32, #tpu.memory_space<vmem>>
      tpu.enqueue_dma source(%dma_start3A_470 : memref<8x128xf32, #tpu.memory_space<vmem>>) target(%dma_start3A_468 : memref<8x128xf32, #tpu.memory_space<hbm>>) target_semaphore(%arg6 : memref<!tpu.dma_semaphore, #tpu.memory_space<semaphore_mem>>)
      %add3A_471 = arith.constant 1536 : i32
      %add3A_472 = arith.addi %sub3A_23, %add3A_471 : i32
      %dma_start3A_473 = arith.constant 1 : i32
      %dma_start3A_474 = arith.constant 12 : i32
      %dma_start3A_475 = arith.constant 8 : i32
      %dma_start3A_476 = tpu.memref_slice %arg5[%dma_start3A_475, %add3A_472] : memref<16x2560xf32, #tpu.memory_space<vmem>> -> memref<8x128xf32, #tpu.memory_space<vmem>>
      %dma_start3A_477 = arith.constant 0 : i32
      %dma_start3A_478 = arith.constant 0 : i32
      %dma_start3A_479 = tpu.memref_slice %arg3[%add3A_20, %dma_start3A_473, %dma_start3A_474, %dma_start3A_477, %dma_start3A_478] : memref<2048x2x16x8x128xf32, #tpu.memory_space<hbm>> -> memref<1x1x1x8x128xf32, #tpu.memory_space<hbm>>
      %dma_start3A_480 = tpu.memref_squeeze %dma_start3A_479 : memref<1x1x1x8x128xf32, #tpu.memory_space<hbm>> -> memref<8x128xf32, #tpu.memory_space<hbm>>
      %dma_start3A_481 = arith.constant 0 : i32
      %dma_start3A_482 = arith.constant 0 : i32
      %dma_start3A_483 = tpu.memref_slice %arg3[%add3A_20, %dma_start3A_473, %dma_start3A_474, %dma_start3A_481, %dma_start3A_482] : memref<2048x2x16x8x128xf32, #tpu.memory_space<hbm>> -> memref<1x1x1x8x128xf32, #tpu.memory_space<hbm>>
      %dma_start3A_484 = tpu.memref_squeeze %dma_start3A_483 : memref<1x1x1x8x128xf32, #tpu.memory_space<hbm>> -> memref<8x128xf32, #tpu.memory_space<hbm>>
      %dma_start3A_485 = arith.constant 8 : i32
      %dma_start3A_486 = tpu.memref_slice %arg5[%dma_start3A_485, %add3A_472] : memref<16x2560xf32, #tpu.memory_space<vmem>> -> memref<8x128xf32, #tpu.memory_space<vmem>>
      tpu.enqueue_dma source(%dma_start3A_486 : memref<8x128xf32, #tpu.memory_space<vmem>>) target(%dma_start3A_484 : memref<8x128xf32, #tpu.memory_space<hbm>>) target_semaphore(%arg6 : memref<!tpu.dma_semaphore, #tpu.memory_space<semaphore_mem>>)
      %add3A_487 = arith.constant 1664 : i32
      %add3A_488 = arith.addi %sub3A_23, %add3A_487 : i32
      %dma_start3A_489 = arith.constant 1 : i32
      %dma_start3A_490 = arith.constant 13 : i32
      %dma_start3A_491 = arith.constant 8 : i32
      %dma_start3A_492 = tpu.memref_slice %arg5[%dma_start3A_491, %add3A_488] : memref<16x2560xf32, #tpu.memory_space<vmem>> -> memref<8x128xf32, #tpu.memory_space<vmem>>
      %dma_start3A_493 = arith.constant 0 : i32
      %dma_start3A_494 = arith.constant 0 : i32
      %dma_start3A_495 = tpu.memref_slice %arg3[%add3A_20, %dma_start3A_489, %dma_start3A_490, %dma_start3A_493, %dma_start3A_494] : memref<2048x2x16x8x128xf32, #tpu.memory_space<hbm>> -> memref<1x1x1x8x128xf32, #tpu.memory_space<hbm>>
      %dma_start3A_496 = tpu.memref_squeeze %dma_start3A_495 : memref<1x1x1x8x128xf32, #tpu.memory_space<hbm>> -> memref<8x128xf32, #tpu.memory_space<hbm>>
      %dma_start3A_497 = arith.constant 0 : i32
      %dma_start3A_498 = arith.constant 0 : i32
      %dma_start3A_499 = tpu.memref_slice %arg3[%add3A_20, %dma_start3A_489, %dma_start3A_490, %dma_start3A_497, %dma_start3A_498] : memref<2048x2x16x8x128xf32, #tpu.memory_space<hbm>> -> memref<1x1x1x8x128xf32, #tpu.memory_space<hbm>>
      %dma_start3A_500 = tpu.memref_squeeze %dma_start3A_499 : memref<1x1x1x8x128xf32, #tpu.memory_space<hbm>> -> memref<8x128xf32, #tpu.memory_space<hbm>>
      %dma_start3A_501 = arith.constant 8 : i32
      %dma_start3A_502 = tpu.memref_slice %arg5[%dma_start3A_501, %add3A_488] : memref<16x2560xf32, #tpu.memory_space<vmem>> -> memref<8x128xf32, #tpu.memory_space<vmem>>
      tpu.enqueue_dma source(%dma_start3A_502 : memref<8x128xf32, #tpu.memory_space<vmem>>) target(%dma_start3A_500 : memref<8x128xf32, #tpu.memory_space<hbm>>) target_semaphore(%arg6 : memref<!tpu.dma_semaphore, #tpu.memory_space<semaphore_mem>>)
      %add3A_503 = arith.constant 1792 : i32
      %add3A_504 = arith.addi %sub3A_23, %add3A_503 : i32
      %dma_start3A_505 = arith.constant 1 : i32
      %dma_start3A_506 = arith.constant 14 : i32
      %dma_start3A_507 = arith.constant 8 : i32
      %dma_start3A_508 = tpu.memref_slice %arg5[%dma_start3A_507, %add3A_504] : memref<16x2560xf32, #tpu.memory_space<vmem>> -> memref<8x128xf32, #tpu.memory_space<vmem>>
      %dma_start3A_509 = arith.constant 0 : i32
      %dma_start3A_510 = arith.constant 0 : i32
      %dma_start3A_511 = tpu.memref_slice %arg3[%add3A_20, %dma_start3A_505, %dma_start3A_506, %dma_start3A_509, %dma_start3A_510] : memref<2048x2x16x8x128xf32, #tpu.memory_space<hbm>> -> memref<1x1x1x8x128xf32, #tpu.memory_space<hbm>>
      %dma_start3A_512 = tpu.memref_squeeze %dma_start3A_511 : memref<1x1x1x8x128xf32, #tpu.memory_space<hbm>> -> memref<8x128xf32, #tpu.memory_space<hbm>>
      %dma_start3A_513 = arith.constant 0 : i32
      %dma_start3A_514 = arith.constant 0 : i32
      %dma_start3A_515 = tpu.memref_slice %arg3[%add3A_20, %dma_start3A_505, %dma_start3A_506, %dma_start3A_513, %dma_start3A_514] : memref<2048x2x16x8x128xf32, #tpu.memory_space<hbm>> -> memref<1x1x1x8x128xf32, #tpu.memory_space<hbm>>
      %dma_start3A_516 = tpu.memref_squeeze %dma_start3A_515 : memref<1x1x1x8x128xf32, #tpu.memory_space<hbm>> -> memref<8x128xf32, #tpu.memory_space<hbm>>
      %dma_start3A_517 = arith.constant 8 : i32
      %dma_start3A_518 = tpu.memref_slice %arg5[%dma_start3A_517, %add3A_504] : memref<16x2560xf32, #tpu.memory_space<vmem>> -> memref<8x128xf32, #tpu.memory_space<vmem>>
      tpu.enqueue_dma source(%dma_start3A_518 : memref<8x128xf32, #tpu.memory_space<vmem>>) target(%dma_start3A_516 : memref<8x128xf32, #tpu.memory_space<hbm>>) target_semaphore(%arg6 : memref<!tpu.dma_semaphore, #tpu.memory_space<semaphore_mem>>)
      %add3A_519 = arith.constant 1920 : i32
      %add3A_520 = arith.addi %sub3A_23, %add3A_519 : i32
      %dma_start3A_521 = arith.constant 1 : i32
      %dma_start3A_522 = arith.constant 15 : i32
      %dma_start3A_523 = arith.constant 8 : i32
      %dma_start3A_524 = tpu.memref_slice %arg5[%dma_start3A_523, %add3A_520] : memref<16x2560xf32, #tpu.memory_space<vmem>> -> memref<8x128xf32, #tpu.memory_space<vmem>>
      %dma_start3A_525 = arith.constant 0 : i32
      %dma_start3A_526 = arith.constant 0 : i32
      %dma_start3A_527 = tpu.memref_slice %arg3[%add3A_20, %dma_start3A_521, %dma_start3A_522, %dma_start3A_525, %dma_start3A_526] : memref<2048x2x16x8x128xf32, #tpu.memory_space<hbm>> -> memref<1x1x1x8x128xf32, #tpu.memory_space<hbm>>
      %dma_start3A_528 = tpu.memref_squeeze %dma_start3A_527 : memref<1x1x1x8x128xf32, #tpu.memory_space<hbm>> -> memref<8x128xf32, #tpu.memory_space<hbm>>
      %dma_start3A_529 = arith.constant 0 : i32
      %dma_start3A_530 = arith.constant 0 : i32
      %dma_start3A_531 = tpu.memref_slice %arg3[%add3A_20, %dma_start3A_521, %dma_start3A_522, %dma_start3A_529, %dma_start3A_530] : memref<2048x2x16x8x128xf32, #tpu.memory_space<hbm>> -> memref<1x1x1x8x128xf32, #tpu.memory_space<hbm>>
      %dma_start3A_532 = tpu.memref_squeeze %dma_start3A_531 : memref<1x1x1x8x128xf32, #tpu.memory_space<hbm>> -> memref<8x128xf32, #tpu.memory_space<hbm>>
      %dma_start3A_533 = arith.constant 8 : i32
      %dma_start3A_534 = tpu.memref_slice %arg5[%dma_start3A_533, %add3A_520] : memref<16x2560xf32, #tpu.memory_space<vmem>> -> memref<8x128xf32, #tpu.memory_space<vmem>>
      tpu.enqueue_dma source(%dma_start3A_534 : memref<8x128xf32, #tpu.memory_space<vmem>>) target(%dma_start3A_532 : memref<8x128xf32, #tpu.memory_space<hbm>>) target_semaphore(%arg6 : memref<!tpu.dma_semaphore, #tpu.memory_space<semaphore_mem>>)
      %dma_wait3A = arith.constant 0 : i32
      %dma_wait3A_535 = arith.constant 0 : i32
      %dma_wait3A_536 = arith.constant 0 : i32
      %dma_wait3A_537 = tpu.memref_slice %arg5[%dma_wait3A_536, %add3A_25] : memref<16x2560xf32, #tpu.memory_space<vmem>> -> memref<8x128xf32, #tpu.memory_space<vmem>>
      %dma_wait3A_538 = arith.constant 0 : i32
      %dma_wait3A_539 = arith.constant 0 : i32
      %dma_wait3A_540 = tpu.memref_slice %arg3[%add3A_20, %dma_wait3A, %dma_wait3A_535, %dma_wait3A_538, %dma_wait3A_539] : memref<2048x2x16x8x128xf32, #tpu.memory_space<hbm>> -> memref<1x1x1x8x128xf32, #tpu.memory_space<hbm>>
      %dma_wait3A_541 = tpu.memref_squeeze %dma_wait3A_540 : memref<1x1x1x8x128xf32, #tpu.memory_space<hbm>> -> memref<8x128xf32, #tpu.memory_space<hbm>>
      %dma_wait3A_542 = arith.constant 0 : i32
      %dma_wait3A_543 = arith.constant 0 : i32
      %dma_wait3A_544 = tpu.memref_slice %arg3[%add3A_20, %dma_wait3A, %dma_wait3A_535, %dma_wait3A_542, %dma_wait3A_543] : memref<2048x2x16x8x128xf32, #tpu.memory_space<hbm>> -> memref<1x1x1x8x128xf32, #tpu.memory_space<hbm>>
      %dma_wait3A_545 = tpu.memref_squeeze %dma_wait3A_544 : memref<1x1x1x8x128xf32, #tpu.memory_space<hbm>> -> memref<8x128xf32, #tpu.memory_space<hbm>>
      %dma_wait3A_546 = arith.constant 0 : i32
      %dma_wait3A_547 = tpu.memref_slice %arg5[%dma_wait3A_546, %add3A_25] : memref<16x2560xf32, #tpu.memory_space<vmem>> -> memref<8x128xf32, #tpu.memory_space<vmem>>
      tpu.wait_dma2 semaphore(%arg6 : memref<!tpu.dma_semaphore, #tpu.memory_space<semaphore_mem>>) src(%dma_wait3A_547 : memref<8x128xf32, #tpu.memory_space<vmem>>) dst(%dma_wait3A_545 : memref<8x128xf32, #tpu.memory_space<hbm>>)
      %dma_wait3A_548 = arith.constant 0 : i32
      %dma_wait3A_549 = arith.constant 1 : i32
      %dma_wait3A_550 = arith.constant 0 : i32
      %dma_wait3A_551 = tpu.memref_slice %arg5[%dma_wait3A_550, %add3A_40] : memref<16x2560xf32, #tpu.memory_space<vmem>> -> memref<8x128xf32, #tpu.memory_space<vmem>>
      %dma_wait3A_552 = arith.constant 0 : i32
      %dma_wait3A_553 = arith.constant 0 : i32
      %dma_wait3A_554 = tpu.memref_slice %arg3[%add3A_20, %dma_wait3A_548, %dma_wait3A_549, %dma_wait3A_552, %dma_wait3A_553] : memref<2048x2x16x8x128xf32, #tpu.memory_space<hbm>> -> memref<1x1x1x8x128xf32, #tpu.memory_space<hbm>>
      %dma_wait3A_555 = tpu.memref_squeeze %dma_wait3A_554 : memref<1x1x1x8x128xf32, #tpu.memory_space<hbm>> -> memref<8x128xf32, #tpu.memory_space<hbm>>
      %dma_wait3A_556 = arith.constant 0 : i32
      %dma_wait3A_557 = arith.constant 0 : i32
      %dma_wait3A_558 = tpu.memref_slice %arg3[%add3A_20, %dma_wait3A_548, %dma_wait3A_549, %dma_wait3A_556, %dma_wait3A_557] : memref<2048x2x16x8x128xf32, #tpu.memory_space<hbm>> -> memref<1x1x1x8x128xf32, #tpu.memory_space<hbm>>
      %dma_wait3A_559 = tpu.memref_squeeze %dma_wait3A_558 : memref<1x1x1x8x128xf32, #tpu.memory_space<hbm>> -> memref<8x128xf32, #tpu.memory_space<hbm>>
      %dma_wait3A_560 = arith.constant 0 : i32
      %dma_wait3A_561 = tpu.memref_slice %arg5[%dma_wait3A_560, %add3A_40] : memref<16x2560xf32, #tpu.memory_space<vmem>> -> memref<8x128xf32, #tpu.memory_space<vmem>>
      tpu.wait_dma2 semaphore(%arg6 : memref<!tpu.dma_semaphore, #tpu.memory_space<semaphore_mem>>) src(%dma_wait3A_561 : memref<8x128xf32, #tpu.memory_space<vmem>>) dst(%dma_wait3A_559 : memref<8x128xf32, #tpu.memory_space<hbm>>)
      %dma_wait3A_562 = arith.constant 0 : i32
      %dma_wait3A_563 = arith.constant 2 : i32
      %dma_wait3A_564 = arith.constant 0 : i32
      %dma_wait3A_565 = tpu.memref_slice %arg5[%dma_wait3A_564, %add3A_56] : memref<16x2560xf32, #tpu.memory_space<vmem>> -> memref<8x128xf32, #tpu.memory_space<vmem>>
      %dma_wait3A_566 = arith.constant 0 : i32
      %dma_wait3A_567 = arith.constant 0 : i32
      %dma_wait3A_568 = tpu.memref_slice %arg3[%add3A_20, %dma_wait3A_562, %dma_wait3A_563, %dma_wait3A_566, %dma_wait3A_567] : memref<2048x2x16x8x128xf32, #tpu.memory_space<hbm>> -> memref<1x1x1x8x128xf32, #tpu.memory_space<hbm>>
      %dma_wait3A_569 = tpu.memref_squeeze %dma_wait3A_568 : memref<1x1x1x8x128xf32, #tpu.memory_space<hbm>> -> memref<8x128xf32, #tpu.memory_space<hbm>>
      %dma_wait3A_570 = arith.constant 0 : i32
      %dma_wait3A_571 = arith.constant 0 : i32
      %dma_wait3A_572 = tpu.memref_slice %arg3[%add3A_20, %dma_wait3A_562, %dma_wait3A_563, %dma_wait3A_570, %dma_wait3A_571] : memref<2048x2x16x8x128xf32, #tpu.memory_space<hbm>> -> memref<1x1x1x8x128xf32, #tpu.memory_space<hbm>>
      %dma_wait3A_573 = tpu.memref_squeeze %dma_wait3A_572 : memref<1x1x1x8x128xf32, #tpu.memory_space<hbm>> -> memref<8x128xf32, #tpu.memory_space<hbm>>
      %dma_wait3A_574 = arith.constant 0 : i32
      %dma_wait3A_575 = tpu.memref_slice %arg5[%dma_wait3A_574, %add3A_56] : memref<16x2560xf32, #tpu.memory_space<vmem>> -> memref<8x128xf32, #tpu.memory_space<vmem>>
      tpu.wait_dma2 semaphore(%arg6 : memref<!tpu.dma_semaphore, #tpu.memory_space<semaphore_mem>>) src(%dma_wait3A_575 : memref<8x128xf32, #tpu.memory_space<vmem>>) dst(%dma_wait3A_573 : memref<8x128xf32, #tpu.memory_space<hbm>>)
      %dma_wait3A_576 = arith.constant 0 : i32
      %dma_wait3A_577 = arith.constant 3 : i32
      %dma_wait3A_578 = arith.constant 0 : i32
      %dma_wait3A_579 = tpu.memref_slice %arg5[%dma_wait3A_578, %add3A_72] : memref<16x2560xf32, #tpu.memory_space<vmem>> -> memref<8x128xf32, #tpu.memory_space<vmem>>
      %dma_wait3A_580 = arith.constant 0 : i32
      %dma_wait3A_581 = arith.constant 0 : i32
      %dma_wait3A_582 = tpu.memref_slice %arg3[%add3A_20, %dma_wait3A_576, %dma_wait3A_577, %dma_wait3A_580, %dma_wait3A_581] : memref<2048x2x16x8x128xf32, #tpu.memory_space<hbm>> -> memref<1x1x1x8x128xf32, #tpu.memory_space<hbm>>
      %dma_wait3A_583 = tpu.memref_squeeze %dma_wait3A_582 : memref<1x1x1x8x128xf32, #tpu.memory_space<hbm>> -> memref<8x128xf32, #tpu.memory_space<hbm>>
      %dma_wait3A_584 = arith.constant 0 : i32
      %dma_wait3A_585 = arith.constant 0 : i32
      %dma_wait3A_586 = tpu.memref_slice %arg3[%add3A_20, %dma_wait3A_576, %dma_wait3A_577, %dma_wait3A_584, %dma_wait3A_585] : memref<2048x2x16x8x128xf32, #tpu.memory_space<hbm>> -> memref<1x1x1x8x128xf32, #tpu.memory_space<hbm>>
      %dma_wait3A_587 = tpu.memref_squeeze %dma_wait3A_586 : memref<1x1x1x8x128xf32, #tpu.memory_space<hbm>> -> memref<8x128xf32, #tpu.memory_space<hbm>>
      %dma_wait3A_588 = arith.constant 0 : i32
      %dma_wait3A_589 = tpu.memref_slice %arg5[%dma_wait3A_588, %add3A_72] : memref<16x2560xf32, #tpu.memory_space<vmem>> -> memref<8x128xf32, #tpu.memory_space<vmem>>
      tpu.wait_dma2 semaphore(%arg6 : memref<!tpu.dma_semaphore, #tpu.memory_space<semaphore_mem>>) src(%dma_wait3A_589 : memref<8x128xf32, #tpu.memory_space<vmem>>) dst(%dma_wait3A_587 : memref<8x128xf32, #tpu.memory_space<hbm>>)
      %dma_wait3A_590 = arith.constant 0 : i32
      %dma_wait3A_591 = arith.constant 4 : i32
      %dma_wait3A_592 = arith.constant 0 : i32
      %dma_wait3A_593 = tpu.memref_slice %arg5[%dma_wait3A_592, %add3A_88] : memref<16x2560xf32, #tpu.memory_space<vmem>> -> memref<8x128xf32, #tpu.memory_space<vmem>>
      %dma_wait3A_594 = arith.constant 0 : i32
      %dma_wait3A_595 = arith.constant 0 : i32
      %dma_wait3A_596 = tpu.memref_slice %arg3[%add3A_20, %dma_wait3A_590, %dma_wait3A_591, %dma_wait3A_594, %dma_wait3A_595] : memref<2048x2x16x8x128xf32, #tpu.memory_space<hbm>> -> memref<1x1x1x8x128xf32, #tpu.memory_space<hbm>>
      %dma_wait3A_597 = tpu.memref_squeeze %dma_wait3A_596 : memref<1x1x1x8x128xf32, #tpu.memory_space<hbm>> -> memref<8x128xf32, #tpu.memory_space<hbm>>
      %dma_wait3A_598 = arith.constant 0 : i32
      %dma_wait3A_599 = arith.constant 0 : i32
      %dma_wait3A_600 = tpu.memref_slice %arg3[%add3A_20, %dma_wait3A_590, %dma_wait3A_591, %dma_wait3A_598, %dma_wait3A_599] : memref<2048x2x16x8x128xf32, #tpu.memory_space<hbm>> -> memref<1x1x1x8x128xf32, #tpu.memory_space<hbm>>
      %dma_wait3A_601 = tpu.memref_squeeze %dma_wait3A_600 : memref<1x1x1x8x128xf32, #tpu.memory_space<hbm>> -> memref<8x128xf32, #tpu.memory_space<hbm>>
      %dma_wait3A_602 = arith.constant 0 : i32
      %dma_wait3A_603 = tpu.memref_slice %arg5[%dma_wait3A_602, %add3A_88] : memref<16x2560xf32, #tpu.memory_space<vmem>> -> memref<8x128xf32, #tpu.memory_space<vmem>>
      tpu.wait_dma2 semaphore(%arg6 : memref<!tpu.dma_semaphore, #tpu.memory_space<semaphore_mem>>) src(%dma_wait3A_603 : memref<8x128xf32, #tpu.memory_space<vmem>>) dst(%dma_wait3A_601 : memref<8x128xf32, #tpu.memory_space<hbm>>)
      %dma_wait3A_604 = arith.constant 0 : i32
      %dma_wait3A_605 = arith.constant 5 : i32
      %dma_wait3A_606 = arith.constant 0 : i32
      %dma_wait3A_607 = tpu.memref_slice %arg5[%dma_wait3A_606, %add3A_104] : memref<16x2560xf32, #tpu.memory_space<vmem>> -> memref<8x128xf32, #tpu.memory_space<vmem>>
      %dma_wait3A_608 = arith.constant 0 : i32
      %dma_wait3A_609 = arith.constant 0 : i32
      %dma_wait3A_610 = tpu.memref_slice %arg3[%add3A_20, %dma_wait3A_604, %dma_wait3A_605, %dma_wait3A_608, %dma_wait3A_609] : memref<2048x2x16x8x128xf32, #tpu.memory_space<hbm>> -> memref<1x1x1x8x128xf32, #tpu.memory_space<hbm>>
      %dma_wait3A_611 = tpu.memref_squeeze %dma_wait3A_610 : memref<1x1x1x8x128xf32, #tpu.memory_space<hbm>> -> memref<8x128xf32, #tpu.memory_space<hbm>>
      %dma_wait3A_612 = arith.constant 0 : i32
      %dma_wait3A_613 = arith.constant 0 : i32
      %dma_wait3A_614 = tpu.memref_slice %arg3[%add3A_20, %dma_wait3A_604, %dma_wait3A_605, %dma_wait3A_612, %dma_wait3A_613] : memref<2048x2x16x8x128xf32, #tpu.memory_space<hbm>> -> memref<1x1x1x8x128xf32, #tpu.memory_space<hbm>>
      %dma_wait3A_615 = tpu.memref_squeeze %dma_wait3A_614 : memref<1x1x1x8x128xf32, #tpu.memory_space<hbm>> -> memref<8x128xf32, #tpu.memory_space<hbm>>
      %dma_wait3A_616 = arith.constant 0 : i32
      %dma_wait3A_617 = tpu.memref_slice %arg5[%dma_wait3A_616, %add3A_104] : memref<16x2560xf32, #tpu.memory_space<vmem>> -> memref<8x128xf32, #tpu.memory_space<vmem>>
      tpu.wait_dma2 semaphore(%arg6 : memref<!tpu.dma_semaphore, #tpu.memory_space<semaphore_mem>>) src(%dma_wait3A_617 : memref<8x128xf32, #tpu.memory_space<vmem>>) dst(%dma_wait3A_615 : memref<8x128xf32, #tpu.memory_space<hbm>>)
      %dma_wait3A_618 = arith.constant 0 : i32
      %dma_wait3A_619 = arith.constant 6 : i32
      %dma_wait3A_620 = arith.constant 0 : i32
      %dma_wait3A_621 = tpu.memref_slice %arg5[%dma_wait3A_620, %add3A_120] : memref<16x2560xf32, #tpu.memory_space<vmem>> -> memref<8x128xf32, #tpu.memory_space<vmem>>
      %dma_wait3A_622 = arith.constant 0 : i32
      %dma_wait3A_623 = arith.constant 0 : i32
      %dma_wait3A_624 = tpu.memref_slice %arg3[%add3A_20, %dma_wait3A_618, %dma_wait3A_619, %dma_wait3A_622, %dma_wait3A_623] : memref<2048x2x16x8x128xf32, #tpu.memory_space<hbm>> -> memref<1x1x1x8x128xf32, #tpu.memory_space<hbm>>
      %dma_wait3A_625 = tpu.memref_squeeze %dma_wait3A_624 : memref<1x1x1x8x128xf32, #tpu.memory_space<hbm>> -> memref<8x128xf32, #tpu.memory_space<hbm>>
      %dma_wait3A_626 = arith.constant 0 : i32
      %dma_wait3A_627 = arith.constant 0 : i32
      %dma_wait3A_628 = tpu.memref_slice %arg3[%add3A_20, %dma_wait3A_618, %dma_wait3A_619, %dma_wait3A_626, %dma_wait3A_627] : memref<2048x2x16x8x128xf32, #tpu.memory_space<hbm>> -> memref<1x1x1x8x128xf32, #tpu.memory_space<hbm>>
      %dma_wait3A_629 = tpu.memref_squeeze %dma_wait3A_628 : memref<1x1x1x8x128xf32, #tpu.memory_space<hbm>> -> memref<8x128xf32, #tpu.memory_space<hbm>>
      %dma_wait3A_630 = arith.constant 0 : i32
      %dma_wait3A_631 = tpu.memref_slice %arg5[%dma_wait3A_630, %add3A_120] : memref<16x2560xf32, #tpu.memory_space<vmem>> -> memref<8x128xf32, #tpu.memory_space<vmem>>
      tpu.wait_dma2 semaphore(%arg6 : memref<!tpu.dma_semaphore, #tpu.memory_space<semaphore_mem>>) src(%dma_wait3A_631 : memref<8x128xf32, #tpu.memory_space<vmem>>) dst(%dma_wait3A_629 : memref<8x128xf32, #tpu.memory_space<hbm>>)
      %dma_wait3A_632 = arith.constant 0 : i32
      %dma_wait3A_633 = arith.constant 7 : i32
      %dma_wait3A_634 = arith.constant 0 : i32
      %dma_wait3A_635 = tpu.memref_slice %arg5[%dma_wait3A_634, %add3A_136] : memref<16x2560xf32, #tpu.memory_space<vmem>> -> memref<8x128xf32, #tpu.memory_space<vmem>>
      %dma_wait3A_636 = arith.constant 0 : i32
      %dma_wait3A_637 = arith.constant 0 : i32
      %dma_wait3A_638 = tpu.memref_slice %arg3[%add3A_20, %dma_wait3A_632, %dma_wait3A_633, %dma_wait3A_636, %dma_wait3A_637] : memref<2048x2x16x8x128xf32, #tpu.memory_space<hbm>> -> memref<1x1x1x8x128xf32, #tpu.memory_space<hbm>>
      %dma_wait3A_639 = tpu.memref_squeeze %dma_wait3A_638 : memref<1x1x1x8x128xf32, #tpu.memory_space<hbm>> -> memref<8x128xf32, #tpu.memory_space<hbm>>
      %dma_wait3A_640 = arith.constant 0 : i32
      %dma_wait3A_641 = arith.constant 0 : i32
      %dma_wait3A_642 = tpu.memref_slice %arg3[%add3A_20, %dma_wait3A_632, %dma_wait3A_633, %dma_wait3A_640, %dma_wait3A_641] : memref<2048x2x16x8x128xf32, #tpu.memory_space<hbm>> -> memref<1x1x1x8x128xf32, #tpu.memory_space<hbm>>
      %dma_wait3A_643 = tpu.memref_squeeze %dma_wait3A_642 : memref<1x1x1x8x128xf32, #tpu.memory_space<hbm>> -> memref<8x128xf32, #tpu.memory_space<hbm>>
      %dma_wait3A_644 = arith.constant 0 : i32
      %dma_wait3A_645 = tpu.memref_slice %arg5[%dma_wait3A_644, %add3A_136] : memref<16x2560xf32, #tpu.memory_space<vmem>> -> memref<8x128xf32, #tpu.memory_space<vmem>>
      tpu.wait_dma2 semaphore(%arg6 : memref<!tpu.dma_semaphore, #tpu.memory_space<semaphore_mem>>) src(%dma_wait3A_645 : memref<8x128xf32, #tpu.memory_space<vmem>>) dst(%dma_wait3A_643 : memref<8x128xf32, #tpu.memory_space<hbm>>)
      %dma_wait3A_646 = arith.constant 0 : i32
      %dma_wait3A_647 = arith.constant 8 : i32
      %dma_wait3A_648 = arith.constant 0 : i32
      %dma_wait3A_649 = tpu.memref_slice %arg5[%dma_wait3A_648, %add3A_152] : memref<16x2560xf32, #tpu.memory_space<vmem>> -> memref<8x128xf32, #tpu.memory_space<vmem>>
      %dma_wait3A_650 = arith.constant 0 : i32
      %dma_wait3A_651 = arith.constant 0 : i32
      %dma_wait3A_652 = tpu.memref_slice %arg3[%add3A_20, %dma_wait3A_646, %dma_wait3A_647, %dma_wait3A_650, %dma_wait3A_651] : memref<2048x2x16x8x128xf32, #tpu.memory_space<hbm>> -> memref<1x1x1x8x128xf32, #tpu.memory_space<hbm>>
      %dma_wait3A_653 = tpu.memref_squeeze %dma_wait3A_652 : memref<1x1x1x8x128xf32, #tpu.memory_space<hbm>> -> memref<8x128xf32, #tpu.memory_space<hbm>>
      %dma_wait3A_654 = arith.constant 0 : i32
      %dma_wait3A_655 = arith.constant 0 : i32
      %dma_wait3A_656 = tpu.memref_slice %arg3[%add3A_20, %dma_wait3A_646, %dma_wait3A_647, %dma_wait3A_654, %dma_wait3A_655] : memref<2048x2x16x8x128xf32, #tpu.memory_space<hbm>> -> memref<1x1x1x8x128xf32, #tpu.memory_space<hbm>>
      %dma_wait3A_657 = tpu.memref_squeeze %dma_wait3A_656 : memref<1x1x1x8x128xf32, #tpu.memory_space<hbm>> -> memref<8x128xf32, #tpu.memory_space<hbm>>
      %dma_wait3A_658 = arith.constant 0 : i32
      %dma_wait3A_659 = tpu.memref_slice %arg5[%dma_wait3A_658, %add3A_152] : memref<16x2560xf32, #tpu.memory_space<vmem>> -> memref<8x128xf32, #tpu.memory_space<vmem>>
      tpu.wait_dma2 semaphore(%arg6 : memref<!tpu.dma_semaphore, #tpu.memory_space<semaphore_mem>>) src(%dma_wait3A_659 : memref<8x128xf32, #tpu.memory_space<vmem>>) dst(%dma_wait3A_657 : memref<8x128xf32, #tpu.memory_space<hbm>>)
      %dma_wait3A_660 = arith.constant 0 : i32
      %dma_wait3A_661 = arith.constant 9 : i32
      %dma_wait3A_662 = arith.constant 0 : i32
      %dma_wait3A_663 = tpu.memref_slice %arg5[%dma_wait3A_662, %add3A_168] : memref<16x2560xf32, #tpu.memory_space<vmem>> -> memref<8x128xf32, #tpu.memory_space<vmem>>
      %dma_wait3A_664 = arith.constant 0 : i32
      %dma_wait3A_665 = arith.constant 0 : i32
      %dma_wait3A_666 = tpu.memref_slice %arg3[%add3A_20, %dma_wait3A_660, %dma_wait3A_661, %dma_wait3A_664, %dma_wait3A_665] : memref<2048x2x16x8x128xf32, #tpu.memory_space<hbm>> -> memref<1x1x1x8x128xf32, #tpu.memory_space<hbm>>
      %dma_wait3A_667 = tpu.memref_squeeze %dma_wait3A_666 : memref<1x1x1x8x128xf32, #tpu.memory_space<hbm>> -> memref<8x128xf32, #tpu.memory_space<hbm>>
      %dma_wait3A_668 = arith.constant 0 : i32
      %dma_wait3A_669 = arith.constant 0 : i32
      %dma_wait3A_670 = tpu.memref_slice %arg3[%add3A_20, %dma_wait3A_660, %dma_wait3A_661, %dma_wait3A_668, %dma_wait3A_669] : memref<2048x2x16x8x128xf32, #tpu.memory_space<hbm>> -> memref<1x1x1x8x128xf32, #tpu.memory_space<hbm>>
      %dma_wait3A_671 = tpu.memref_squeeze %dma_wait3A_670 : memref<1x1x1x8x128xf32, #tpu.memory_space<hbm>> -> memref<8x128xf32, #tpu.memory_space<hbm>>
      %dma_wait3A_672 = arith.constant 0 : i32
      %dma_wait3A_673 = tpu.memref_slice %arg5[%dma_wait3A_672, %add3A_168] : memref<16x2560xf32, #tpu.memory_space<vmem>> -> memref<8x128xf32, #tpu.memory_space<vmem>>
      tpu.wait_dma2 semaphore(%arg6 : memref<!tpu.dma_semaphore, #tpu.memory_space<semaphore_mem>>) src(%dma_wait3A_673 : memref<8x128xf32, #tpu.memory_space<vmem>>) dst(%dma_wait3A_671 : memref<8x128xf32, #tpu.memory_space<hbm>>)
      %dma_wait3A_674 = arith.constant 0 : i32
      %dma_wait3A_675 = arith.constant 10 : i32
      %dma_wait3A_676 = arith.constant 0 : i32
      %dma_wait3A_677 = tpu.memref_slice %arg5[%dma_wait3A_676, %add3A_184] : memref<16x2560xf32, #tpu.memory_space<vmem>> -> memref<8x128xf32, #tpu.memory_space<vmem>>
      %dma_wait3A_678 = arith.constant 0 : i32
      %dma_wait3A_679 = arith.constant 0 : i32
      %dma_wait3A_680 = tpu.memref_slice %arg3[%add3A_20, %dma_wait3A_674, %dma_wait3A_675, %dma_wait3A_678, %dma_wait3A_679] : memref<2048x2x16x8x128xf32, #tpu.memory_space<hbm>> -> memref<1x1x1x8x128xf32, #tpu.memory_space<hbm>>
      %dma_wait3A_681 = tpu.memref_squeeze %dma_wait3A_680 : memref<1x1x1x8x128xf32, #tpu.memory_space<hbm>> -> memref<8x128xf32, #tpu.memory_space<hbm>>
      %dma_wait3A_682 = arith.constant 0 : i32
      %dma_wait3A_683 = arith.constant 0 : i32
      %dma_wait3A_684 = tpu.memref_slice %arg3[%add3A_20, %dma_wait3A_674, %dma_wait3A_675, %dma_wait3A_682, %dma_wait3A_683] : memref<2048x2x16x8x128xf32, #tpu.memory_space<hbm>> -> memref<1x1x1x8x128xf32, #tpu.memory_space<hbm>>
      %dma_wait3A_685 = tpu.memref_squeeze %dma_wait3A_684 : memref<1x1x1x8x128xf32, #tpu.memory_space<hbm>> -> memref<8x128xf32, #tpu.memory_space<hbm>>
      %dma_wait3A_686 = arith.constant 0 : i32
      %dma_wait3A_687 = tpu.memref_slice %arg5[%dma_wait3A_686, %add3A_184] : memref<16x2560xf32, #tpu.memory_space<vmem>> -> memref<8x128xf32, #tpu.memory_space<vmem>>
      tpu.wait_dma2 semaphore(%arg6 : memref<!tpu.dma_semaphore, #tpu.memory_space<semaphore_mem>>) src(%dma_wait3A_687 : memref<8x128xf32, #tpu.memory_space<vmem>>) dst(%dma_wait3A_685 : memref<8x128xf32, #tpu.memory_space<hbm>>)
      %dma_wait3A_688 = arith.constant 0 : i32
      %dma_wait3A_689 = arith.constant 11 : i32
      %dma_wait3A_690 = arith.constant 0 : i32
      %dma_wait3A_691 = tpu.memref_slice %arg5[%dma_wait3A_690, %add3A_200] : memref<16x2560xf32, #tpu.memory_space<vmem>> -> memref<8x128xf32, #tpu.memory_space<vmem>>
      %dma_wait3A_692 = arith.constant 0 : i32
      %dma_wait3A_693 = arith.constant 0 : i32
      %dma_wait3A_694 = tpu.memref_slice %arg3[%add3A_20, %dma_wait3A_688, %dma_wait3A_689, %dma_wait3A_692, %dma_wait3A_693] : memref<2048x2x16x8x128xf32, #tpu.memory_space<hbm>> -> memref<1x1x1x8x128xf32, #tpu.memory_space<hbm>>
      %dma_wait3A_695 = tpu.memref_squeeze %dma_wait3A_694 : memref<1x1x1x8x128xf32, #tpu.memory_space<hbm>> -> memref<8x128xf32, #tpu.memory_space<hbm>>
      %dma_wait3A_696 = arith.constant 0 : i32
      %dma_wait3A_697 = arith.constant 0 : i32
      %dma_wait3A_698 = tpu.memref_slice %arg3[%add3A_20, %dma_wait3A_688, %dma_wait3A_689, %dma_wait3A_696, %dma_wait3A_697] : memref<2048x2x16x8x128xf32, #tpu.memory_space<hbm>> -> memref<1x1x1x8x128xf32, #tpu.memory_space<hbm>>
      %dma_wait3A_699 = tpu.memref_squeeze %dma_wait3A_698 : memref<1x1x1x8x128xf32, #tpu.memory_space<hbm>> -> memref<8x128xf32, #tpu.memory_space<hbm>>
      %dma_wait3A_700 = arith.constant 0 : i32
      %dma_wait3A_701 = tpu.memref_slice %arg5[%dma_wait3A_700, %add3A_200] : memref<16x2560xf32, #tpu.memory_space<vmem>> -> memref<8x128xf32, #tpu.memory_space<vmem>>
      tpu.wait_dma2 semaphore(%arg6 : memref<!tpu.dma_semaphore, #tpu.memory_space<semaphore_mem>>) src(%dma_wait3A_701 : memref<8x128xf32, #tpu.memory_space<vmem>>) dst(%dma_wait3A_699 : memref<8x128xf32, #tpu.memory_space<hbm>>)
      %dma_wait3A_702 = arith.constant 0 : i32
      %dma_wait3A_703 = arith.constant 12 : i32
      %dma_wait3A_704 = arith.constant 0 : i32
      %dma_wait3A_705 = tpu.memref_slice %arg5[%dma_wait3A_704, %add3A_216] : memref<16x2560xf32, #tpu.memory_space<vmem>> -> memref<8x128xf32, #tpu.memory_space<vmem>>
      %dma_wait3A_706 = arith.constant 0 : i32
      %dma_wait3A_707 = arith.constant 0 : i32
      %dma_wait3A_708 = tpu.memref_slice %arg3[%add3A_20, %dma_wait3A_702, %dma_wait3A_703, %dma_wait3A_706, %dma_wait3A_707] : memref<2048x2x16x8x128xf32, #tpu.memory_space<hbm>> -> memref<1x1x1x8x128xf32, #tpu.memory_space<hbm>>
      %dma_wait3A_709 = tpu.memref_squeeze %dma_wait3A_708 : memref<1x1x1x8x128xf32, #tpu.memory_space<hbm>> -> memref<8x128xf32, #tpu.memory_space<hbm>>
      %dma_wait3A_710 = arith.constant 0 : i32
      %dma_wait3A_711 = arith.constant 0 : i32
      %dma_wait3A_712 = tpu.memref_slice %arg3[%add3A_20, %dma_wait3A_702, %dma_wait3A_703, %dma_wait3A_710, %dma_wait3A_711] : memref<2048x2x16x8x128xf32, #tpu.memory_space<hbm>> -> memref<1x1x1x8x128xf32, #tpu.memory_space<hbm>>
      %dma_wait3A_713 = tpu.memref_squeeze %dma_wait3A_712 : memref<1x1x1x8x128xf32, #tpu.memory_space<hbm>> -> memref<8x128xf32, #tpu.memory_space<hbm>>
      %dma_wait3A_714 = arith.constant 0 : i32
      %dma_wait3A_715 = tpu.memref_slice %arg5[%dma_wait3A_714, %add3A_216] : memref<16x2560xf32, #tpu.memory_space<vmem>> -> memref<8x128xf32, #tpu.memory_space<vmem>>
      tpu.wait_dma2 semaphore(%arg6 : memref<!tpu.dma_semaphore, #tpu.memory_space<semaphore_mem>>) src(%dma_wait3A_715 : memref<8x128xf32, #tpu.memory_space<vmem>>) dst(%dma_wait3A_713 : memref<8x128xf32, #tpu.memory_space<hbm>>)
      %dma_wait3A_716 = arith.constant 0 : i32
      %dma_wait3A_717 = arith.constant 13 : i32
      %dma_wait3A_718 = arith.constant 0 : i32
      %dma_wait3A_719 = tpu.memref_slice %arg5[%dma_wait3A_718, %add3A_232] : memref<16x2560xf32, #tpu.memory_space<vmem>> -> memref<8x128xf32, #tpu.memory_space<vmem>>
      %dma_wait3A_720 = arith.constant 0 : i32
      %dma_wait3A_721 = arith.constant 0 : i32
      %dma_wait3A_722 = tpu.memref_slice %arg3[%add3A_20, %dma_wait3A_716, %dma_wait3A_717, %dma_wait3A_720, %dma_wait3A_721] : memref<2048x2x16x8x128xf32, #tpu.memory_space<hbm>> -> memref<1x1x1x8x128xf32, #tpu.memory_space<hbm>>
      %dma_wait3A_723 = tpu.memref_squeeze %dma_wait3A_722 : memref<1x1x1x8x128xf32, #tpu.memory_space<hbm>> -> memref<8x128xf32, #tpu.memory_space<hbm>>
      %dma_wait3A_724 = arith.constant 0 : i32
      %dma_wait3A_725 = arith.constant 0 : i32
      %dma_wait3A_726 = tpu.memref_slice %arg3[%add3A_20, %dma_wait3A_716, %dma_wait3A_717, %dma_wait3A_724, %dma_wait3A_725] : memref<2048x2x16x8x128xf32, #tpu.memory_space<hbm>> -> memref<1x1x1x8x128xf32, #tpu.memory_space<hbm>>
      %dma_wait3A_727 = tpu.memref_squeeze %dma_wait3A_726 : memref<1x1x1x8x128xf32, #tpu.memory_space<hbm>> -> memref<8x128xf32, #tpu.memory_space<hbm>>
      %dma_wait3A_728 = arith.constant 0 : i32
      %dma_wait3A_729 = tpu.memref_slice %arg5[%dma_wait3A_728, %add3A_232] : memref<16x2560xf32, #tpu.memory_space<vmem>> -> memref<8x128xf32, #tpu.memory_space<vmem>>
      tpu.wait_dma2 semaphore(%arg6 : memref<!tpu.dma_semaphore, #tpu.memory_space<semaphore_mem>>) src(%dma_wait3A_729 : memref<8x128xf32, #tpu.memory_space<vmem>>) dst(%dma_wait3A_727 : memref<8x128xf32, #tpu.memory_space<hbm>>)
      %dma_wait3A_730 = arith.constant 0 : i32
      %dma_wait3A_731 = arith.constant 14 : i32
      %dma_wait3A_732 = arith.constant 0 : i32
      %dma_wait3A_733 = tpu.memref_slice %arg5[%dma_wait3A_732, %add3A_248] : memref<16x2560xf32, #tpu.memory_space<vmem>> -> memref<8x128xf32, #tpu.memory_space<vmem>>
      %dma_wait3A_734 = arith.constant 0 : i32
      %dma_wait3A_735 = arith.constant 0 : i32
      %dma_wait3A_736 = tpu.memref_slice %arg3[%add3A_20, %dma_wait3A_730, %dma_wait3A_731, %dma_wait3A_734, %dma_wait3A_735] : memref<2048x2x16x8x128xf32, #tpu.memory_space<hbm>> -> memref<1x1x1x8x128xf32, #tpu.memory_space<hbm>>
      %dma_wait3A_737 = tpu.memref_squeeze %dma_wait3A_736 : memref<1x1x1x8x128xf32, #tpu.memory_space<hbm>> -> memref<8x128xf32, #tpu.memory_space<hbm>>
      %dma_wait3A_738 = arith.constant 0 : i32
      %dma_wait3A_739 = arith.constant 0 : i32
      %dma_wait3A_740 = tpu.memref_slice %arg3[%add3A_20, %dma_wait3A_730, %dma_wait3A_731, %dma_wait3A_738, %dma_wait3A_739] : memref<2048x2x16x8x128xf32, #tpu.memory_space<hbm>> -> memref<1x1x1x8x128xf32, #tpu.memory_space<hbm>>
      %dma_wait3A_741 = tpu.memref_squeeze %dma_wait3A_740 : memref<1x1x1x8x128xf32, #tpu.memory_space<hbm>> -> memref<8x128xf32, #tpu.memory_space<hbm>>
      %dma_wait3A_742 = arith.constant 0 : i32
      %dma_wait3A_743 = tpu.memref_slice %arg5[%dma_wait3A_742, %add3A_248] : memref<16x2560xf32, #tpu.memory_space<vmem>> -> memref<8x128xf32, #tpu.memory_space<vmem>>
      tpu.wait_dma2 semaphore(%arg6 : memref<!tpu.dma_semaphore, #tpu.memory_space<semaphore_mem>>) src(%dma_wait3A_743 : memref<8x128xf32, #tpu.memory_space<vmem>>) dst(%dma_wait3A_741 : memref<8x128xf32, #tpu.memory_space<hbm>>)
      %dma_wait3A_744 = arith.constant 0 : i32
      %dma_wait3A_745 = arith.constant 15 : i32
      %dma_wait3A_746 = arith.constant 0 : i32
      %dma_wait3A_747 = tpu.memref_slice %arg5[%dma_wait3A_746, %add3A_264] : memref<16x2560xf32, #tpu.memory_space<vmem>> -> memref<8x128xf32, #tpu.memory_space<vmem>>
      %dma_wait3A_748 = arith.constant 0 : i32
      %dma_wait3A_749 = arith.constant 0 : i32
      %dma_wait3A_750 = tpu.memref_slice %arg3[%add3A_20, %dma_wait3A_744, %dma_wait3A_745, %dma_wait3A_748, %dma_wait3A_749] : memref<2048x2x16x8x128xf32, #tpu.memory_space<hbm>> -> memref<1x1x1x8x128xf32, #tpu.memory_space<hbm>>
      %dma_wait3A_751 = tpu.memref_squeeze %dma_wait3A_750 : memref<1x1x1x8x128xf32, #tpu.memory_space<hbm>> -> memref<8x128xf32, #tpu.memory_space<hbm>>
      %dma_wait3A_752 = arith.constant 0 : i32
      %dma_wait3A_753 = arith.constant 0 : i32
      %dma_wait3A_754 = tpu.memref_slice %arg3[%add3A_20, %dma_wait3A_744, %dma_wait3A_745, %dma_wait3A_752, %dma_wait3A_753] : memref<2048x2x16x8x128xf32, #tpu.memory_space<hbm>> -> memref<1x1x1x8x128xf32, #tpu.memory_space<hbm>>
      %dma_wait3A_755 = tpu.memref_squeeze %dma_wait3A_754 : memref<1x1x1x8x128xf32, #tpu.memory_space<hbm>> -> memref<8x128xf32, #tpu.memory_space<hbm>>
      %dma_wait3A_756 = arith.constant 0 : i32
      %dma_wait3A_757 = tpu.memref_slice %arg5[%dma_wait3A_756, %add3A_264] : memref<16x2560xf32, #tpu.memory_space<vmem>> -> memref<8x128xf32, #tpu.memory_space<vmem>>
      tpu.wait_dma2 semaphore(%arg6 : memref<!tpu.dma_semaphore, #tpu.memory_space<semaphore_mem>>) src(%dma_wait3A_757 : memref<8x128xf32, #tpu.memory_space<vmem>>) dst(%dma_wait3A_755 : memref<8x128xf32, #tpu.memory_space<hbm>>)
      %dma_wait3A_758 = arith.constant 1 : i32
      %dma_wait3A_759 = arith.constant 0 : i32
      %dma_wait3A_760 = arith.constant 8 : i32
      %dma_wait3A_761 = tpu.memref_slice %arg5[%dma_wait3A_760, %add3A_280] : memref<16x2560xf32, #tpu.memory_space<vmem>> -> memref<8x128xf32, #tpu.memory_space<vmem>>
      %dma_wait3A_762 = arith.constant 0 : i32
      %dma_wait3A_763 = arith.constant 0 : i32
      %dma_wait3A_764 = tpu.memref_slice %arg3[%add3A_20, %dma_wait3A_758, %dma_wait3A_759, %dma_wait3A_762, %dma_wait3A_763] : memref<2048x2x16x8x128xf32, #tpu.memory_space<hbm>> -> memref<1x1x1x8x128xf32, #tpu.memory_space<hbm>>
      %dma_wait3A_765 = tpu.memref_squeeze %dma_wait3A_764 : memref<1x1x1x8x128xf32, #tpu.memory_space<hbm>> -> memref<8x128xf32, #tpu.memory_space<hbm>>
      %dma_wait3A_766 = arith.constant 0 : i32
      %dma_wait3A_767 = arith.constant 0 : i32
      %dma_wait3A_768 = tpu.memref_slice %arg3[%add3A_20, %dma_wait3A_758, %dma_wait3A_759, %dma_wait3A_766, %dma_wait3A_767] : memref<2048x2x16x8x128xf32, #tpu.memory_space<hbm>> -> memref<1x1x1x8x128xf32, #tpu.memory_space<hbm>>
      %dma_wait3A_769 = tpu.memref_squeeze %dma_wait3A_768 : memref<1x1x1x8x128xf32, #tpu.memory_space<hbm>> -> memref<8x128xf32, #tpu.memory_space<hbm>>
      %dma_wait3A_770 = arith.constant 8 : i32
      %dma_wait3A_771 = tpu.memref_slice %arg5[%dma_wait3A_770, %add3A_280] : memref<16x2560xf32, #tpu.memory_space<vmem>> -> memref<8x128xf32, #tpu.memory_space<vmem>>
      tpu.wait_dma2 semaphore(%arg6 : memref<!tpu.dma_semaphore, #tpu.memory_space<semaphore_mem>>) src(%dma_wait3A_771 : memref<8x128xf32, #tpu.memory_space<vmem>>) dst(%dma_wait3A_769 : memref<8x128xf32, #tpu.memory_space<hbm>>)
      %dma_wait3A_772 = arith.constant 1 : i32
      %dma_wait3A_773 = arith.constant 1 : i32
      %dma_wait3A_774 = arith.constant 8 : i32
      %dma_wait3A_775 = tpu.memref_slice %arg5[%dma_wait3A_774, %add3A_296] : memref<16x2560xf32, #tpu.memory_space<vmem>> -> memref<8x128xf32, #tpu.memory_space<vmem>>
      %dma_wait3A_776 = arith.constant 0 : i32
      %dma_wait3A_777 = arith.constant 0 : i32
      %dma_wait3A_778 = tpu.memref_slice %arg3[%add3A_20, %dma_wait3A_772, %dma_wait3A_773, %dma_wait3A_776, %dma_wait3A_777] : memref<2048x2x16x8x128xf32, #tpu.memory_space<hbm>> -> memref<1x1x1x8x128xf32, #tpu.memory_space<hbm>>
      %dma_wait3A_779 = tpu.memref_squeeze %dma_wait3A_778 : memref<1x1x1x8x128xf32, #tpu.memory_space<hbm>> -> memref<8x128xf32, #tpu.memory_space<hbm>>
      %dma_wait3A_780 = arith.constant 0 : i32
      %dma_wait3A_781 = arith.constant 0 : i32
      %dma_wait3A_782 = tpu.memref_slice %arg3[%add3A_20, %dma_wait3A_772, %dma_wait3A_773, %dma_wait3A_780, %dma_wait3A_781] : memref<2048x2x16x8x128xf32, #tpu.memory_space<hbm>> -> memref<1x1x1x8x128xf32, #tpu.memory_space<hbm>>
      %dma_wait3A_783 = tpu.memref_squeeze %dma_wait3A_782 : memref<1x1x1x8x128xf32, #tpu.memory_space<hbm>> -> memref<8x128xf32, #tpu.memory_space<hbm>>
      %dma_wait3A_784 = arith.constant 8 : i32
      %dma_wait3A_785 = tpu.memref_slice %arg5[%dma_wait3A_784, %add3A_296] : memref<16x2560xf32, #tpu.memory_space<vmem>> -> memref<8x128xf32, #tpu.memory_space<vmem>>
      tpu.wait_dma2 semaphore(%arg6 : memref<!tpu.dma_semaphore, #tpu.memory_space<semaphore_mem>>) src(%dma_wait3A_785 : memref<8x128xf32, #tpu.memory_space<vmem>>) dst(%dma_wait3A_783 : memref<8x128xf32, #tpu.memory_space<hbm>>)
      %dma_wait3A_786 = arith.constant 1 : i32
      %dma_wait3A_787 = arith.constant 2 : i32
      %dma_wait3A_788 = arith.constant 8 : i32
      %dma_wait3A_789 = tpu.memref_slice %arg5[%dma_wait3A_788, %add3A_312] : memref<16x2560xf32, #tpu.memory_space<vmem>> -> memref<8x128xf32, #tpu.memory_space<vmem>>
      %dma_wait3A_790 = arith.constant 0 : i32
      %dma_wait3A_791 = arith.constant 0 : i32
      %dma_wait3A_792 = tpu.memref_slice %arg3[%add3A_20, %dma_wait3A_786, %dma_wait3A_787, %dma_wait3A_790, %dma_wait3A_791] : memref<2048x2x16x8x128xf32, #tpu.memory_space<hbm>> -> memref<1x1x1x8x128xf32, #tpu.memory_space<hbm>>
      %dma_wait3A_793 = tpu.memref_squeeze %dma_wait3A_792 : memref<1x1x1x8x128xf32, #tpu.memory_space<hbm>> -> memref<8x128xf32, #tpu.memory_space<hbm>>
      %dma_wait3A_794 = arith.constant 0 : i32
      %dma_wait3A_795 = arith.constant 0 : i32
      %dma_wait3A_796 = tpu.memref_slice %arg3[%add3A_20, %dma_wait3A_786, %dma_wait3A_787, %dma_wait3A_794, %dma_wait3A_795] : memref<2048x2x16x8x128xf32, #tpu.memory_space<hbm>> -> memref<1x1x1x8x128xf32, #tpu.memory_space<hbm>>
      %dma_wait3A_797 = tpu.memref_squeeze %dma_wait3A_796 : memref<1x1x1x8x128xf32, #tpu.memory_space<hbm>> -> memref<8x128xf32, #tpu.memory_space<hbm>>
      %dma_wait3A_798 = arith.constant 8 : i32
      %dma_wait3A_799 = tpu.memref_slice %arg5[%dma_wait3A_798, %add3A_312] : memref<16x2560xf32, #tpu.memory_space<vmem>> -> memref<8x128xf32, #tpu.memory_space<vmem>>
      tpu.wait_dma2 semaphore(%arg6 : memref<!tpu.dma_semaphore, #tpu.memory_space<semaphore_mem>>) src(%dma_wait3A_799 : memref<8x128xf32, #tpu.memory_space<vmem>>) dst(%dma_wait3A_797 : memref<8x128xf32, #tpu.memory_space<hbm>>)
      %dma_wait3A_800 = arith.constant 1 : i32
      %dma_wait3A_801 = arith.constant 3 : i32
      %dma_wait3A_802 = arith.constant 8 : i32
      %dma_wait3A_803 = tpu.memref_slice %arg5[%dma_wait3A_802, %add3A_328] : memref<16x2560xf32, #tpu.memory_space<vmem>> -> memref<8x128xf32, #tpu.memory_space<vmem>>
      %dma_wait3A_804 = arith.constant 0 : i32
      %dma_wait3A_805 = arith.constant 0 : i32
      %dma_wait3A_806 = tpu.memref_slice %arg3[%add3A_20, %dma_wait3A_800, %dma_wait3A_801, %dma_wait3A_804, %dma_wait3A_805] : memref<2048x2x16x8x128xf32, #tpu.memory_space<hbm>> -> memref<1x1x1x8x128xf32, #tpu.memory_space<hbm>>
      %dma_wait3A_807 = tpu.memref_squeeze %dma_wait3A_806 : memref<1x1x1x8x128xf32, #tpu.memory_space<hbm>> -> memref<8x128xf32, #tpu.memory_space<hbm>>
      %dma_wait3A_808 = arith.constant 0 : i32
      %dma_wait3A_809 = arith.constant 0 : i32
      %dma_wait3A_810 = tpu.memref_slice %arg3[%add3A_20, %dma_wait3A_800, %dma_wait3A_801, %dma_wait3A_808, %dma_wait3A_809] : memref<2048x2x16x8x128xf32, #tpu.memory_space<hbm>> -> memref<1x1x1x8x128xf32, #tpu.memory_space<hbm>>
      %dma_wait3A_811 = tpu.memref_squeeze %dma_wait3A_810 : memref<1x1x1x8x128xf32, #tpu.memory_space<hbm>> -> memref<8x128xf32, #tpu.memory_space<hbm>>
      %dma_wait3A_812 = arith.constant 8 : i32
      %dma_wait3A_813 = tpu.memref_slice %arg5[%dma_wait3A_812, %add3A_328] : memref<16x2560xf32, #tpu.memory_space<vmem>> -> memref<8x128xf32, #tpu.memory_space<vmem>>
      tpu.wait_dma2 semaphore(%arg6 : memref<!tpu.dma_semaphore, #tpu.memory_space<semaphore_mem>>) src(%dma_wait3A_813 : memref<8x128xf32, #tpu.memory_space<vmem>>) dst(%dma_wait3A_811 : memref<8x128xf32, #tpu.memory_space<hbm>>)
      %dma_wait3A_814 = arith.constant 1 : i32
      %dma_wait3A_815 = arith.constant 4 : i32
      %dma_wait3A_816 = arith.constant 8 : i32
      %dma_wait3A_817 = tpu.memref_slice %arg5[%dma_wait3A_816, %add3A_344] : memref<16x2560xf32, #tpu.memory_space<vmem>> -> memref<8x128xf32, #tpu.memory_space<vmem>>
      %dma_wait3A_818 = arith.constant 0 : i32
      %dma_wait3A_819 = arith.constant 0 : i32
      %dma_wait3A_820 = tpu.memref_slice %arg3[%add3A_20, %dma_wait3A_814, %dma_wait3A_815, %dma_wait3A_818, %dma_wait3A_819] : memref<2048x2x16x8x128xf32, #tpu.memory_space<hbm>> -> memref<1x1x1x8x128xf32, #tpu.memory_space<hbm>>
      %dma_wait3A_821 = tpu.memref_squeeze %dma_wait3A_820 : memref<1x1x1x8x128xf32, #tpu.memory_space<hbm>> -> memref<8x128xf32, #tpu.memory_space<hbm>>
      %dma_wait3A_822 = arith.constant 0 : i32
      %dma_wait3A_823 = arith.constant 0 : i32
      %dma_wait3A_824 = tpu.memref_slice %arg3[%add3A_20, %dma_wait3A_814, %dma_wait3A_815, %dma_wait3A_822, %dma_wait3A_823] : memref<2048x2x16x8x128xf32, #tpu.memory_space<hbm>> -> memref<1x1x1x8x128xf32, #tpu.memory_space<hbm>>
      %dma_wait3A_825 = tpu.memref_squeeze %dma_wait3A_824 : memref<1x1x1x8x128xf32, #tpu.memory_space<hbm>> -> memref<8x128xf32, #tpu.memory_space<hbm>>
      %dma_wait3A_826 = arith.constant 8 : i32
      %dma_wait3A_827 = tpu.memref_slice %arg5[%dma_wait3A_826, %add3A_344] : memref<16x2560xf32, #tpu.memory_space<vmem>> -> memref<8x128xf32, #tpu.memory_space<vmem>>
      tpu.wait_dma2 semaphore(%arg6 : memref<!tpu.dma_semaphore, #tpu.memory_space<semaphore_mem>>) src(%dma_wait3A_827 : memref<8x128xf32, #tpu.memory_space<vmem>>) dst(%dma_wait3A_825 : memref<8x128xf32, #tpu.memory_space<hbm>>)
      %dma_wait3A_828 = arith.constant 1 : i32
      %dma_wait3A_829 = arith.constant 5 : i32
      %dma_wait3A_830 = arith.constant 8 : i32
      %dma_wait3A_831 = tpu.memref_slice %arg5[%dma_wait3A_830, %add3A_360] : memref<16x2560xf32, #tpu.memory_space<vmem>> -> memref<8x128xf32, #tpu.memory_space<vmem>>
      %dma_wait3A_832 = arith.constant 0 : i32
      %dma_wait3A_833 = arith.constant 0 : i32
      %dma_wait3A_834 = tpu.memref_slice %arg3[%add3A_20, %dma_wait3A_828, %dma_wait3A_829, %dma_wait3A_832, %dma_wait3A_833] : memref<2048x2x16x8x128xf32, #tpu.memory_space<hbm>> -> memref<1x1x1x8x128xf32, #tpu.memory_space<hbm>>
      %dma_wait3A_835 = tpu.memref_squeeze %dma_wait3A_834 : memref<1x1x1x8x128xf32, #tpu.memory_space<hbm>> -> memref<8x128xf32, #tpu.memory_space<hbm>>
      %dma_wait3A_836 = arith.constant 0 : i32
      %dma_wait3A_837 = arith.constant 0 : i32
      %dma_wait3A_838 = tpu.memref_slice %arg3[%add3A_20, %dma_wait3A_828, %dma_wait3A_829, %dma_wait3A_836, %dma_wait3A_837] : memref<2048x2x16x8x128xf32, #tpu.memory_space<hbm>> -> memref<1x1x1x8x128xf32, #tpu.memory_space<hbm>>
      %dma_wait3A_839 = tpu.memref_squeeze %dma_wait3A_838 : memref<1x1x1x8x128xf32, #tpu.memory_space<hbm>> -> memref<8x128xf32, #tpu.memory_space<hbm>>
      %dma_wait3A_840 = arith.constant 8 : i32
      %dma_wait3A_841 = tpu.memref_slice %arg5[%dma_wait3A_840, %add3A_360] : memref<16x2560xf32, #tpu.memory_space<vmem>> -> memref<8x128xf32, #tpu.memory_space<vmem>>
      tpu.wait_dma2 semaphore(%arg6 : memref<!tpu.dma_semaphore, #tpu.memory_space<semaphore_mem>>) src(%dma_wait3A_841 : memref<8x128xf32, #tpu.memory_space<vmem>>) dst(%dma_wait3A_839 : memref<8x128xf32, #tpu.memory_space<hbm>>)
      %dma_wait3A_842 = arith.constant 1 : i32
      %dma_wait3A_843 = arith.constant 6 : i32
      %dma_wait3A_844 = arith.constant 8 : i32
      %dma_wait3A_845 = tpu.memref_slice %arg5[%dma_wait3A_844, %add3A_376] : memref<16x2560xf32, #tpu.memory_space<vmem>> -> memref<8x128xf32, #tpu.memory_space<vmem>>
      %dma_wait3A_846 = arith.constant 0 : i32
      %dma_wait3A_847 = arith.constant 0 : i32
      %dma_wait3A_848 = tpu.memref_slice %arg3[%add3A_20, %dma_wait3A_842, %dma_wait3A_843, %dma_wait3A_846, %dma_wait3A_847] : memref<2048x2x16x8x128xf32, #tpu.memory_space<hbm>> -> memref<1x1x1x8x128xf32, #tpu.memory_space<hbm>>
      %dma_wait3A_849 = tpu.memref_squeeze %dma_wait3A_848 : memref<1x1x1x8x128xf32, #tpu.memory_space<hbm>> -> memref<8x128xf32, #tpu.memory_space<hbm>>
      %dma_wait3A_850 = arith.constant 0 : i32
      %dma_wait3A_851 = arith.constant 0 : i32
      %dma_wait3A_852 = tpu.memref_slice %arg3[%add3A_20, %dma_wait3A_842, %dma_wait3A_843, %dma_wait3A_850, %dma_wait3A_851] : memref<2048x2x16x8x128xf32, #tpu.memory_space<hbm>> -> memref<1x1x1x8x128xf32, #tpu.memory_space<hbm>>
      %dma_wait3A_853 = tpu.memref_squeeze %dma_wait3A_852 : memref<1x1x1x8x128xf32, #tpu.memory_space<hbm>> -> memref<8x128xf32, #tpu.memory_space<hbm>>
      %dma_wait3A_854 = arith.constant 8 : i32
      %dma_wait3A_855 = tpu.memref_slice %arg5[%dma_wait3A_854, %add3A_376] : memref<16x2560xf32, #tpu.memory_space<vmem>> -> memref<8x128xf32, #tpu.memory_space<vmem>>
      tpu.wait_dma2 semaphore(%arg6 : memref<!tpu.dma_semaphore, #tpu.memory_space<semaphore_mem>>) src(%dma_wait3A_855 : memref<8x128xf32, #tpu.memory_space<vmem>>) dst(%dma_wait3A_853 : memref<8x128xf32, #tpu.memory_space<hbm>>)
      %dma_wait3A_856 = arith.constant 1 : i32
      %dma_wait3A_857 = arith.constant 7 : i32
      %dma_wait3A_858 = arith.constant 8 : i32
      %dma_wait3A_859 = tpu.memref_slice %arg5[%dma_wait3A_858, %add3A_392] : memref<16x2560xf32, #tpu.memory_space<vmem>> -> memref<8x128xf32, #tpu.memory_space<vmem>>
      %dma_wait3A_860 = arith.constant 0 : i32
      %dma_wait3A_861 = arith.constant 0 : i32
      %dma_wait3A_862 = tpu.memref_slice %arg3[%add3A_20, %dma_wait3A_856, %dma_wait3A_857, %dma_wait3A_860, %dma_wait3A_861] : memref<2048x2x16x8x128xf32, #tpu.memory_space<hbm>> -> memref<1x1x1x8x128xf32, #tpu.memory_space<hbm>>
      %dma_wait3A_863 = tpu.memref_squeeze %dma_wait3A_862 : memref<1x1x1x8x128xf32, #tpu.memory_space<hbm>> -> memref<8x128xf32, #tpu.memory_space<hbm>>
      %dma_wait3A_864 = arith.constant 0 : i32
      %dma_wait3A_865 = arith.constant 0 : i32
      %dma_wait3A_866 = tpu.memref_slice %arg3[%add3A_20, %dma_wait3A_856, %dma_wait3A_857, %dma_wait3A_864, %dma_wait3A_865] : memref<2048x2x16x8x128xf32, #tpu.memory_space<hbm>> -> memref<1x1x1x8x128xf32, #tpu.memory_space<hbm>>
      %dma_wait3A_867 = tpu.memref_squeeze %dma_wait3A_866 : memref<1x1x1x8x128xf32, #tpu.memory_space<hbm>> -> memref<8x128xf32, #tpu.memory_space<hbm>>
      %dma_wait3A_868 = arith.constant 8 : i32
      %dma_wait3A_869 = tpu.memref_slice %arg5[%dma_wait3A_868, %add3A_392] : memref<16x2560xf32, #tpu.memory_space<vmem>> -> memref<8x128xf32, #tpu.memory_space<vmem>>
      tpu.wait_dma2 semaphore(%arg6 : memref<!tpu.dma_semaphore, #tpu.memory_space<semaphore_mem>>) src(%dma_wait3A_869 : memref<8x128xf32, #tpu.memory_space<vmem>>) dst(%dma_wait3A_867 : memref<8x128xf32, #tpu.memory_space<hbm>>)
      %dma_wait3A_870 = arith.constant 1 : i32
      %dma_wait3A_871 = arith.constant 8 : i32
      %dma_wait3A_872 = arith.constant 8 : i32
      %dma_wait3A_873 = tpu.memref_slice %arg5[%dma_wait3A_872, %add3A_408] : memref<16x2560xf32, #tpu.memory_space<vmem>> -> memref<8x128xf32, #tpu.memory_space<vmem>>
      %dma_wait3A_874 = arith.constant 0 : i32
      %dma_wait3A_875 = arith.constant 0 : i32
      %dma_wait3A_876 = tpu.memref_slice %arg3[%add3A_20, %dma_wait3A_870, %dma_wait3A_871, %dma_wait3A_874, %dma_wait3A_875] : memref<2048x2x16x8x128xf32, #tpu.memory_space<hbm>> -> memref<1x1x1x8x128xf32, #tpu.memory_space<hbm>>
      %dma_wait3A_877 = tpu.memref_squeeze %dma_wait3A_876 : memref<1x1x1x8x128xf32, #tpu.memory_space<hbm>> -> memref<8x128xf32, #tpu.memory_space<hbm>>
      %dma_wait3A_878 = arith.constant 0 : i32
      %dma_wait3A_879 = arith.constant 0 : i32
      %dma_wait3A_880 = tpu.memref_slice %arg3[%add3A_20, %dma_wait3A_870, %dma_wait3A_871, %dma_wait3A_878, %dma_wait3A_879] : memref<2048x2x16x8x128xf32, #tpu.memory_space<hbm>> -> memref<1x1x1x8x128xf32, #tpu.memory_space<hbm>>
      %dma_wait3A_881 = tpu.memref_squeeze %dma_wait3A_880 : memref<1x1x1x8x128xf32, #tpu.memory_space<hbm>> -> memref<8x128xf32, #tpu.memory_space<hbm>>
      %dma_wait3A_882 = arith.constant 8 : i32
      %dma_wait3A_883 = tpu.memref_slice %arg5[%dma_wait3A_882, %add3A_408] : memref<16x2560xf32, #tpu.memory_space<vmem>> -> memref<8x128xf32, #tpu.memory_space<vmem>>
      tpu.wait_dma2 semaphore(%arg6 : memref<!tpu.dma_semaphore, #tpu.memory_space<semaphore_mem>>) src(%dma_wait3A_883 : memref<8x128xf32, #tpu.memory_space<vmem>>) dst(%dma_wait3A_881 : memref<8x128xf32, #tpu.memory_space<hbm>>)
      %dma_wait3A_884 = arith.constant 1 : i32
      %dma_wait3A_885 = arith.constant 9 : i32
      %dma_wait3A_886 = arith.constant 8 : i32
      %dma_wait3A_887 = tpu.memref_slice %arg5[%dma_wait3A_886, %add3A_424] : memref<16x2560xf32, #tpu.memory_space<vmem>> -> memref<8x128xf32, #tpu.memory_space<vmem>>
      %dma_wait3A_888 = arith.constant 0 : i32
      %dma_wait3A_889 = arith.constant 0 : i32
      %dma_wait3A_890 = tpu.memref_slice %arg3[%add3A_20, %dma_wait3A_884, %dma_wait3A_885, %dma_wait3A_888, %dma_wait3A_889] : memref<2048x2x16x8x128xf32, #tpu.memory_space<hbm>> -> memref<1x1x1x8x128xf32, #tpu.memory_space<hbm>>
      %dma_wait3A_891 = tpu.memref_squeeze %dma_wait3A_890 : memref<1x1x1x8x128xf32, #tpu.memory_space<hbm>> -> memref<8x128xf32, #tpu.memory_space<hbm>>
      %dma_wait3A_892 = arith.constant 0 : i32
      %dma_wait3A_893 = arith.constant 0 : i32
      %dma_wait3A_894 = tpu.memref_slice %arg3[%add3A_20, %dma_wait3A_884, %dma_wait3A_885, %dma_wait3A_892, %dma_wait3A_893] : memref<2048x2x16x8x128xf32, #tpu.memory_space<hbm>> -> memref<1x1x1x8x128xf32, #tpu.memory_space<hbm>>
      %dma_wait3A_895 = tpu.memref_squeeze %dma_wait3A_894 : memref<1x1x1x8x128xf32, #tpu.memory_space<hbm>> -> memref<8x128xf32, #tpu.memory_space<hbm>>
      %dma_wait3A_896 = arith.constant 8 : i32
      %dma_wait3A_897 = tpu.memref_slice %arg5[%dma_wait3A_896, %add3A_424] : memref<16x2560xf32, #tpu.memory_space<vmem>> -> memref<8x128xf32, #tpu.memory_space<vmem>>
      tpu.wait_dma2 semaphore(%arg6 : memref<!tpu.dma_semaphore, #tpu.memory_space<semaphore_mem>>) src(%dma_wait3A_897 : memref<8x128xf32, #tpu.memory_space<vmem>>) dst(%dma_wait3A_895 : memref<8x128xf32, #tpu.memory_space<hbm>>)
      %dma_wait3A_898 = arith.constant 1 : i32
      %dma_wait3A_899 = arith.constant 10 : i32
      %dma_wait3A_900 = arith.constant 8 : i32
      %dma_wait3A_901 = tpu.memref_slice %arg5[%dma_wait3A_900, %add3A_440] : memref<16x2560xf32, #tpu.memory_space<vmem>> -> memref<8x128xf32, #tpu.memory_space<vmem>>
      %dma_wait3A_902 = arith.constant 0 : i32
      %dma_wait3A_903 = arith.constant 0 : i32
      %dma_wait3A_904 = tpu.memref_slice %arg3[%add3A_20, %dma_wait3A_898, %dma_wait3A_899, %dma_wait3A_902, %dma_wait3A_903] : memref<2048x2x16x8x128xf32, #tpu.memory_space<hbm>> -> memref<1x1x1x8x128xf32, #tpu.memory_space<hbm>>
      %dma_wait3A_905 = tpu.memref_squeeze %dma_wait3A_904 : memref<1x1x1x8x128xf32, #tpu.memory_space<hbm>> -> memref<8x128xf32, #tpu.memory_space<hbm>>
      %dma_wait3A_906 = arith.constant 0 : i32
      %dma_wait3A_907 = arith.constant 0 : i32
      %dma_wait3A_908 = tpu.memref_slice %arg3[%add3A_20, %dma_wait3A_898, %dma_wait3A_899, %dma_wait3A_906, %dma_wait3A_907] : memref<2048x2x16x8x128xf32, #tpu.memory_space<hbm>> -> memref<1x1x1x8x128xf32, #tpu.memory_space<hbm>>
      %dma_wait3A_909 = tpu.memref_squeeze %dma_wait3A_908 : memref<1x1x1x8x128xf32, #tpu.memory_space<hbm>> -> memref<8x128xf32, #tpu.memory_space<hbm>>
      %dma_wait3A_910 = arith.constant 8 : i32
      %dma_wait3A_911 = tpu.memref_slice %arg5[%dma_wait3A_910, %add3A_440] : memref<16x2560xf32, #tpu.memory_space<vmem>> -> memref<8x128xf32, #tpu.memory_space<vmem>>
      tpu.wait_dma2 semaphore(%arg6 : memref<!tpu.dma_semaphore, #tpu.memory_space<semaphore_mem>>) src(%dma_wait3A_911 : memref<8x128xf32, #tpu.memory_space<vmem>>) dst(%dma_wait3A_909 : memref<8x128xf32, #tpu.memory_space<hbm>>)
      %dma_wait3A_912 = arith.constant 1 : i32
      %dma_wait3A_913 = arith.constant 11 : i32
      %dma_wait3A_914 = arith.constant 8 : i32
      %dma_wait3A_915 = tpu.memref_slice %arg5[%dma_wait3A_914, %add3A_456] : memref<16x2560xf32, #tpu.memory_space<vmem>> -> memref<8x128xf32, #tpu.memory_space<vmem>>
      %dma_wait3A_916 = arith.constant 0 : i32
      %dma_wait3A_917 = arith.constant 0 : i32
      %dma_wait3A_918 = tpu.memref_slice %arg3[%add3A_20, %dma_wait3A_912, %dma_wait3A_913, %dma_wait3A_916, %dma_wait3A_917] : memref<2048x2x16x8x128xf32, #tpu.memory_space<hbm>> -> memref<1x1x1x8x128xf32, #tpu.memory_space<hbm>>
      %dma_wait3A_919 = tpu.memref_squeeze %dma_wait3A_918 : memref<1x1x1x8x128xf32, #tpu.memory_space<hbm>> -> memref<8x128xf32, #tpu.memory_space<hbm>>
      %dma_wait3A_920 = arith.constant 0 : i32
      %dma_wait3A_921 = arith.constant 0 : i32
      %dma_wait3A_922 = tpu.memref_slice %arg3[%add3A_20, %dma_wait3A_912, %dma_wait3A_913, %dma_wait3A_920, %dma_wait3A_921] : memref<2048x2x16x8x128xf32, #tpu.memory_space<hbm>> -> memref<1x1x1x8x128xf32, #tpu.memory_space<hbm>>
      %dma_wait3A_923 = tpu.memref_squeeze %dma_wait3A_922 : memref<1x1x1x8x128xf32, #tpu.memory_space<hbm>> -> memref<8x128xf32, #tpu.memory_space<hbm>>
      %dma_wait3A_924 = arith.constant 8 : i32
      %dma_wait3A_925 = tpu.memref_slice %arg5[%dma_wait3A_924, %add3A_456] : memref<16x2560xf32, #tpu.memory_space<vmem>> -> memref<8x128xf32, #tpu.memory_space<vmem>>
      tpu.wait_dma2 semaphore(%arg6 : memref<!tpu.dma_semaphore, #tpu.memory_space<semaphore_mem>>) src(%dma_wait3A_925 : memref<8x128xf32, #tpu.memory_space<vmem>>) dst(%dma_wait3A_923 : memref<8x128xf32, #tpu.memory_space<hbm>>)
      %dma_wait3A_926 = arith.constant 1 : i32
      %dma_wait3A_927 = arith.constant 12 : i32
      %dma_wait3A_928 = arith.constant 8 : i32
      %dma_wait3A_929 = tpu.memref_slice %arg5[%dma_wait3A_928, %add3A_472] : memref<16x2560xf32, #tpu.memory_space<vmem>> -> memref<8x128xf32, #tpu.memory_space<vmem>>
      %dma_wait3A_930 = arith.constant 0 : i32
      %dma_wait3A_931 = arith.constant 0 : i32
      %dma_wait3A_932 = tpu.memref_slice %arg3[%add3A_20, %dma_wait3A_926, %dma_wait3A_927, %dma_wait3A_930, %dma_wait3A_931] : memref<2048x2x16x8x128xf32, #tpu.memory_space<hbm>> -> memref<1x1x1x8x128xf32, #tpu.memory_space<hbm>>
      %dma_wait3A_933 = tpu.memref_squeeze %dma_wait3A_932 : memref<1x1x1x8x128xf32, #tpu.memory_space<hbm>> -> memref<8x128xf32, #tpu.memory_space<hbm>>
      %dma_wait3A_934 = arith.constant 0 : i32
      %dma_wait3A_935 = arith.constant 0 : i32
      %dma_wait3A_936 = tpu.memref_slice %arg3[%add3A_20, %dma_wait3A_926, %dma_wait3A_927, %dma_wait3A_934, %dma_wait3A_935] : memref<2048x2x16x8x128xf32, #tpu.memory_space<hbm>> -> memref<1x1x1x8x128xf32, #tpu.memory_space<hbm>>
      %dma_wait3A_937 = tpu.memref_squeeze %dma_wait3A_936 : memref<1x1x1x8x128xf32, #tpu.memory_space<hbm>> -> memref<8x128xf32, #tpu.memory_space<hbm>>
      %dma_wait3A_938 = arith.constant 8 : i32
      %dma_wait3A_939 = tpu.memref_slice %arg5[%dma_wait3A_938, %add3A_472] : memref<16x2560xf32, #tpu.memory_space<vmem>> -> memref<8x128xf32, #tpu.memory_space<vmem>>
      tpu.wait_dma2 semaphore(%arg6 : memref<!tpu.dma_semaphore, #tpu.memory_space<semaphore_mem>>) src(%dma_wait3A_939 : memref<8x128xf32, #tpu.memory_space<vmem>>) dst(%dma_wait3A_937 : memref<8x128xf32, #tpu.memory_space<hbm>>)
      %dma_wait3A_940 = arith.constant 1 : i32
      %dma_wait3A_941 = arith.constant 13 : i32
      %dma_wait3A_942 = arith.constant 8 : i32
      %dma_wait3A_943 = tpu.memref_slice %arg5[%dma_wait3A_942, %add3A_488] : memref<16x2560xf32, #tpu.memory_space<vmem>> -> memref<8x128xf32, #tpu.memory_space<vmem>>
      %dma_wait3A_944 = arith.constant 0 : i32
      %dma_wait3A_945 = arith.constant 0 : i32
      %dma_wait3A_946 = tpu.memref_slice %arg3[%add3A_20, %dma_wait3A_940, %dma_wait3A_941, %dma_wait3A_944, %dma_wait3A_945] : memref<2048x2x16x8x128xf32, #tpu.memory_space<hbm>> -> memref<1x1x1x8x128xf32, #tpu.memory_space<hbm>>
      %dma_wait3A_947 = tpu.memref_squeeze %dma_wait3A_946 : memref<1x1x1x8x128xf32, #tpu.memory_space<hbm>> -> memref<8x128xf32, #tpu.memory_space<hbm>>
      %dma_wait3A_948 = arith.constant 0 : i32
      %dma_wait3A_949 = arith.constant 0 : i32
      %dma_wait3A_950 = tpu.memref_slice %arg3[%add3A_20, %dma_wait3A_940, %dma_wait3A_941, %dma_wait3A_948, %dma_wait3A_949] : memref<2048x2x16x8x128xf32, #tpu.memory_space<hbm>> -> memref<1x1x1x8x128xf32, #tpu.memory_space<hbm>>
      %dma_wait3A_951 = tpu.memref_squeeze %dma_wait3A_950 : memref<1x1x1x8x128xf32, #tpu.memory_space<hbm>> -> memref<8x128xf32, #tpu.memory_space<hbm>>
      %dma_wait3A_952 = arith.constant 8 : i32
      %dma_wait3A_953 = tpu.memref_slice %arg5[%dma_wait3A_952, %add3A_488] : memref<16x2560xf32, #tpu.memory_space<vmem>> -> memref<8x128xf32, #tpu.memory_space<vmem>>
      tpu.wait_dma2 semaphore(%arg6 : memref<!tpu.dma_semaphore, #tpu.memory_space<semaphore_mem>>) src(%dma_wait3A_953 : memref<8x128xf32, #tpu.memory_space<vmem>>) dst(%dma_wait3A_951 : memref<8x128xf32, #tpu.memory_space<hbm>>)
      %dma_wait3A_954 = arith.constant 1 : i32
      %dma_wait3A_955 = arith.constant 14 : i32
      %dma_wait3A_956 = arith.constant 8 : i32
      %dma_wait3A_957 = tpu.memref_slice %arg5[%dma_wait3A_956, %add3A_504] : memref<16x2560xf32, #tpu.memory_space<vmem>> -> memref<8x128xf32, #tpu.memory_space<vmem>>
      %dma_wait3A_958 = arith.constant 0 : i32
      %dma_wait3A_959 = arith.constant 0 : i32
      %dma_wait3A_960 = tpu.memref_slice %arg3[%add3A_20, %dma_wait3A_954, %dma_wait3A_955, %dma_wait3A_958, %dma_wait3A_959] : memref<2048x2x16x8x128xf32, #tpu.memory_space<hbm>> -> memref<1x1x1x8x128xf32, #tpu.memory_space<hbm>>
      %dma_wait3A_961 = tpu.memref_squeeze %dma_wait3A_960 : memref<1x1x1x8x128xf32, #tpu.memory_space<hbm>> -> memref<8x128xf32, #tpu.memory_space<hbm>>
      %dma_wait3A_962 = arith.constant 0 : i32
      %dma_wait3A_963 = arith.constant 0 : i32
      %dma_wait3A_964 = tpu.memref_slice %arg3[%add3A_20, %dma_wait3A_954, %dma_wait3A_955, %dma_wait3A_962, %dma_wait3A_963] : memref<2048x2x16x8x128xf32, #tpu.memory_space<hbm>> -> memref<1x1x1x8x128xf32, #tpu.memory_space<hbm>>
      %dma_wait3A_965 = tpu.memref_squeeze %dma_wait3A_964 : memref<1x1x1x8x128xf32, #tpu.memory_space<hbm>> -> memref<8x128xf32, #tpu.memory_space<hbm>>
      %dma_wait3A_966 = arith.constant 8 : i32
      %dma_wait3A_967 = tpu.memref_slice %arg5[%dma_wait3A_966, %add3A_504] : memref<16x2560xf32, #tpu.memory_space<vmem>> -> memref<8x128xf32, #tpu.memory_space<vmem>>
      tpu.wait_dma2 semaphore(%arg6 : memref<!tpu.dma_semaphore, #tpu.memory_space<semaphore_mem>>) src(%dma_wait3A_967 : memref<8x128xf32, #tpu.memory_space<vmem>>) dst(%dma_wait3A_965 : memref<8x128xf32, #tpu.memory_space<hbm>>)
      %dma_wait3A_968 = arith.constant 1 : i32
      %dma_wait3A_969 = arith.constant 15 : i32
      %dma_wait3A_970 = arith.constant 8 : i32
      %dma_wait3A_971 = tpu.memref_slice %arg5[%dma_wait3A_970, %add3A_520] : memref<16x2560xf32, #tpu.memory_space<vmem>> -> memref<8x128xf32, #tpu.memory_space<vmem>>
      %dma_wait3A_972 = arith.constant 0 : i32
      %dma_wait3A_973 = arith.constant 0 : i32
      %dma_wait3A_974 = tpu.memref_slice %arg3[%add3A_20, %dma_wait3A_968, %dma_wait3A_969, %dma_wait3A_972, %dma_wait3A_973] : memref<2048x2x16x8x128xf32, #tpu.memory_space<hbm>> -> memref<1x1x1x8x128xf32, #tpu.memory_space<hbm>>
      %dma_wait3A_975 = tpu.memref_squeeze %dma_wait3A_974 : memref<1x1x1x8x128xf32, #tpu.memory_space<hbm>> -> memref<8x128xf32, #tpu.memory_space<hbm>>
      %dma_wait3A_976 = arith.constant 0 : i32
      %dma_wait3A_977 = arith.constant 0 : i32
      %dma_wait3A_978 = tpu.memref_slice %arg3[%add3A_20, %dma_wait3A_968, %dma_wait3A_969, %dma_wait3A_976, %dma_wait3A_977] : memref<2048x2x16x8x128xf32, #tpu.memory_space<hbm>> -> memref<1x1x1x8x128xf32, #tpu.memory_space<hbm>>
      %dma_wait3A_979 = tpu.memref_squeeze %dma_wait3A_978 : memref<1x1x1x8x128xf32, #tpu.memory_space<hbm>> -> memref<8x128xf32, #tpu.memory_space<hbm>>
      %dma_wait3A_980 = arith.constant 8 : i32
      %dma_wait3A_981 = tpu.memref_slice %arg5[%dma_wait3A_980, %add3A_520] : memref<16x2560xf32, #tpu.memory_space<vmem>> -> memref<8x128xf32, #tpu.memory_space<vmem>>
      tpu.wait_dma2 semaphore(%arg6 : memref<!tpu.dma_semaphore, #tpu.memory_space<semaphore_mem>>) src(%dma_wait3A_981 : memref<8x128xf32, #tpu.memory_space<vmem>>) dst(%dma_wait3A_979 : memref<8x128xf32, #tpu.memory_space<hbm>>)
    }
    %scan3A_15 = arith.constant 64 : i32
    return
  }
}

</mosaic_0001>

<sc_bundles>
// kernel: kernel.3.cloned.1.call-start
scs
__scs_entry_jumppad:
0x0: {  	(pc) =	sbr.rel $0x88, $3  }
0x1: {  	(tag) =	ssettag $0x0;
	lr =	simm.s32 $0x1  }
0x2: {  	[smem:$0x3FA0] =	sst lr;
	_ =	strace $0xD0000000  }
0x3: {  	_ = 	snop  }
0x4: {  	_ = 	snop  }
0x5: {  	_ = 	snop  }
0x6: {  	_ = 	snop  }
0x7: {  	_ = 	snop  }
__scs_overlays_trampoline_lowered:
0x8: {  	[smem:$0x3FAF] =	sst s0  }
0x9: {  	[smem:$0x3FB0] =	sst s1  }
0xa: {  	[smem:$0x3FB1] =	sst s2  }
0xb: {  	[smem:$0x3FB2] =	sst s3  }
0xc: {  	[smem:$0x3FB3] =	sst s4  }
0xd: {  	[smem:$0x3FB4] =	sst s5  }
0xe: {  	[smem:$0x3FB5] =	sst s6  }
0xf: {  	[smem:$0x3FB6] =	sst s7  }
0x10: {  	[smem:$0x3FB7] =	sst s8  }
0x11: {  	[smem:$0x3FB8] =	sst s9;
	s0 =	simm.s32 @!p0 $0x0  }
0x12: {  	s1 =	sld [smem:$0x3F9E];
	s0 =	simm.s32 @p0 $0x1  }
0x13: {  	[smem:$0x3FB9] =	sst s0;
	s0 =	simm.s32 @!p1 $0x0  }
0x14: {  	s2 =	sld [smem:$0x3F9D];
	s0 =	simm.s32 @p1 $0x1  }
0x15: {  	[smem:$0x3FBA] =	sst s0;
	s0 =	simm.s32 @!p2 $0x0  }
0x16: {  	s3 =	sld [smem:$0x3FDB];
	s0 =	simm.s32 @p2 $0x1  }
0x17: {  	s4 =	simm.s32 $0x1BF5;
	[smem:$0x3FBC] =	sst s0  }
0x18: {  	s0 =	sld [smem:$0x3F9F];
	_ =	swait.ge [sflag:s4], $0x0  }
0x19: {  	s7 =	sld [smem:$0x3FA0]  }
0x1a: {  	s8 =	sadd.s32 $0xFFFFE003, lr  }
0x1b: {  	s9 =	sadd.s32 $0xFFFFFEF7, lr;
	s5 =	simm.s32 $0xFFFFFFFF;
	p2 =	slt.u32 s8, $0xFFFFF086  }
0x1c: {  	p1 =	slt.u32 s9, $0xF7A;
	s5 =	simm.s32 @!p2 $0x0  }
0x1d: {  	s5 =	simm.s32 @p1 $0x1;
	p0 =	seq.s32 s7, s2  }
0x1e: {  	s7 =	smul.u32 @!p0 $0xF7A, s2;
	p2 =	seq.s32 @!p0 s5, $0x0  }
0x1f: {  	s9 =	smul.u32 $0xF7A, s1;
	s8 =	simm.s32 @!p0 $0x1BF5;
	p2 =	por !p2, p0  }
0x20: {  	[sflag:s8] =	ssyncset.s32 @!p0 $0xFFFFF086;
	s6 =	sadd.s32 @!p0 s3, s7;
	s7 =	simm.s32 @!p0 $0x108  }
0x21: {  	s3 =	sadd.s32 s3, s9;
	s6 =	sadd.s32 @!p0 $0x88, s6;
	s7 =	simm.s32 @p2 $0x1082  }
0x22: {  	[simem:s7], [sflag:s8] =	dma.local @!p0 [hbm:s6], $0xF7A  }
0x23: {  	s9 =	sor.u32 $0xD0000000, s2;
	s6 =	simm.s32 $0x108;
	_ =	swait.ge @!p0 [sflag:s8], $0x0  }
0x24: {  	s3 =	sadd.s32 $0x88, s3;
	s6 =	simm.s32 @!p1 $0x1082;
	[sflag:s4] =	ssyncset.s32 $0xFFFFF086  }
0x25: {  	[simem:s6], [sflag:s4] =	dma.local [hbm:s3], $0xF7A  }
0x26: {  	[smem:$0x3FA0] =	sst s1;
	(tag) =	ssettag s2;
	_ =	strace s9  }
0x27: {  	s1 =	sld [smem:$0x3FB0]  }
0x28: {  	s2 =	sld [smem:$0x3FB1]  }
0x29: {  	s4 =	sld [smem:$0x3FB3]  }
0x2a: {  	p0 =	seq.s32 s5, $0x0;
	s5 =	sld [smem:$0x3FB4]  }
0x2b: {  	s6 =	sld [smem:$0x3FB5]  }
0x2c: {  	s7 =	sld [smem:$0x3FB6]  }
0x2d: {  	s3 =	simm.s32 $0x108;
	s8 =	sld [smem:$0x3FB7]  }
0x2e: {  	s3 =	simm.s32 @!p0 $0x1082;
	s9 =	sld [smem:$0x3FB8]  }
0x2f: {  	lr =	sadd.s32 s0, s3;
	s0 =	sld [smem:$0x3FAF]  }
0x30: {  	s3 =	sld [smem:$0x3FB2]  }
0x31: {  	[smem:$0x3FBB] =	sst s10  }
0x32: {  	s10 =	sld [smem:$0x3FB9];
	_ =	sdelay $0x3  }
0x33: {  	p0 =	seq.s32 s10, $0x1;
	s10 =	sld [smem:$0x3FBB];
	_ =	sdelay $0x3  }
0x34: {  	[smem:$0x3FBB] =	sst s10  }
0x35: {  	s10 =	sld [smem:$0x3FBA];
	_ =	sdelay $0x3  }
0x36: {  	p1 =	seq.s32 s10, $0x1;
	s10 =	sld [smem:$0x3FBB];
	_ =	sdelay $0x3  }
0x37: {  	[smem:$0x3FBB] =	sst s10  }
0x38: {  	s10 =	sld [smem:$0x3FBC]  }
0x39: {  	_ = 	snop;
	(pc) =	sbr.ind lr, $3  }
0x3a: {  	_ = 	snop  }
0x3b: {  	_ = 	snop  }
0x3c: {  	p2 =	seq.s32 s10, $0x1;
	s10 =	sld [smem:$0x3FBB]  }
0x3d: {  	_ =	shalt  }
0x3e: {  	_ =	shalt  }
0x3f: {  	_ =	shalt  }
0x40: {  	_ =	shalt  }
0x41: {  	_ =	shalt  }
0x42: {  	_ =	shalt  }
0x43: {  	_ =	shalt  }
0x44: {  	_ =	shalt  }
0x45: {  	_ =	shalt  }
0x46: {  	_ =	shalt  }
0x47: {  	_ =	shalt  }
0x48: {  	_ =	shalt  }
0x49: {  	_ =	shalt  }
0x4a: {  	_ =	shalt  }
0x4b: {  	_ =	shalt  }
0x4c: {  	_ =	shalt  }
0x4d: {  	_ =	shalt  }
0x4e: {  	_ =	shalt  }
0x4f: {  	_ =	shalt  }
0x50: {  	_ =	shalt  }
0x51: {  	_ =	shalt  }
0x52: {  	_ =	shalt  }
0x53: {  	_ =	shalt  }
0x54: {  	_ =	shalt  }
0x55: {  	_ =	shalt  }
0x56: {  	_ =	shalt  }
0x57: {  	_ =	shalt  }
0x58: {  	_ =	shalt  }
0x59: {  	_ =	shalt  }
0x5a: {  	_ =	shalt  }
0x5b: {  	_ =	shalt  }
0x5c: {  	_ =	shalt  }
0x5d: {  	_ =	shalt  }
0x5e: {  	_ =	shalt  }
0x5f: {  	_ =	shalt  }
0x60: {  	_ =	shalt  }
0x61: {  	_ =	shalt  }
0x62: {  	_ =	shalt  }
0x63: {  	_ =	shalt  }
0x64: {  	_ =	shalt  }
0x65: {  	_ =	shalt  }
0x66: {  	_ =	shalt  }
0x67: {  	_ =	shalt  }
0x68: {  	_ =	shalt  }
0x69: {  	_ =	shalt  }
0x6a: {  	_ =	shalt  }
0x6b: {  	_ =	shalt  }
0x6c: {  	_ =	shalt  }
0x6d: {  	_ =	shalt  }
0x6e: {  	_ =	shalt  }
0x6f: {  	_ =	shalt  }
0x70: {  	_ =	shalt  }
0x71: {  	_ =	shalt  }
0x72: {  	_ =	shalt  }
0x73: {  	_ =	shalt  }
0x74: {  	_ =	shalt  }
0x75: {  	_ =	shalt  }
0x76: {  	_ =	shalt  }
0x77: {  	_ =	shalt  }
0x78: {  	_ =	shalt  }
0x79: {  	_ =	shalt  }
0x7a: {  	_ =	shalt  }
0x7b: {  	_ =	shalt  }
0x7c: {  	_ =	shalt  }
0x7d: {  	_ =	shalt  }
0x7e: {  	_ =	shalt  }
0x7f: {  	_ =	shalt  }
0x80: {  	_ =	shalt  }
0x81: {  	_ =	shalt  }
0x82: {  	_ =	shalt  }
0x83: {  	_ =	shalt  }
0x84: {  	_ =	shalt  }
0x85: {  	_ =	shalt  }
0x86: {  	_ =	shalt  }
0x87: {  	_ =	shalt  }
.Lfunc_end0:
.L_simem_size_0:
called_computation_lowered:
.L_overlay_start_0:
0x88: {  	s2 =	sld [smem:$0x3FD9]  }
0x89: {  	s3 =	sld [smem:$0x3FFE];
	_ =	sdelay $0x1  }
0x8a: {  	s1 =	srdreg.scid  }
0x8b: {  	s0 =	sand.u32 $0x1, s1  }
0x8c: {  	s17 =	sshll.u32 s0, $0xA;
	s2 =	sadd.s32 s3, s2  }
0x8d: {  	s2 =	sadd.s32 s2, s17  }
0x8e: {  	[smem:$0x3FC7] =	sst s2  }
0x8f: {  	_ = 	snop  }
0x90: {  	s2 =	sld [smem:$0x3FD0];
	(tm) =	ssettm $0x1  }
0x91: {  	s18 =	sld [smem:$0x3FFB];
	_ =	sdelay $0x3  }
0x92: {  	_ =	strace s18  }
0x93: {  	s3 =	sld [smem:$0x3FFC];
	_ =	sdelay $0x3  }
0x94: {  	_ =	strace s3  }
0x95: {  	s3 =	sld [smem:$0x3FFD];
	_ =	sdelay $0x3  }
0x96: {  	_ =	strace s3  }
0x97: {  	_ =	strace $0x8FFFFFFF  }
0x98: {  	s19 =	sld [smem:$0x3FDB];
	_ =	sdelay $0x1  }
0x99: {  	s4 =	simm.s32 $_scs_section_size  }
0x9a: {  	s5 =	simm.s32 $_size__tile_overlayer_lowered;
	s6 =	simm.s32 $_tile_overlayer_lowered  }
0x9b: {  	s22 =	simm.s32 $0x1BFF;
	s21 =	sshll.u32 s6, $0x1;
	s3 =	sadd.s32 s4, s19  }
0x9c: {  	s7 =	simm.s32 $0x0;
	s20 =	sshll.u32 s5, $0x1;
	s5 =	sadd.s32 s21, s3  }
0x9d: {  	[timem:s7], [sflag:s22] =	dma.local [hbm:s5], s20  }
0x9e: {  	_ =	swait.ge [sflag:s22], s20  }
0x9f: {  	s4 =	ssub.s32 $0x0, s20;
	[sflag:s22] =	ssyncset.done $0x0  }
0xa0: {  	[sflag:s22] =	ssyncadd.s32 s4;
	_ =	sdelay $0x1  }
0xa1: {  	s23 =	simm.s32 $0x1B8B  }
0xa2: {  	_ =	swait.ge [sflag:s23], $0x1  }
0xa3: {  	[sflag:s23] =	ssyncset.done $0x0  }
0xa4: {  	s25 =	simm.s32 $0x1B8E;
	s24 =	sld [smem:$0x3FFE];
	[sflag:s23] =	ssyncadd.s32 $0xFFFFFFFF  }
0xa5: {  	s26 =	simm.s32 $execute0_lowered;
	[smem:$0x3FD2] =	sst s25  }
0xa6: {  	s5 =	sshll.u32 s26, $0x1;
	_ =	strace $0x80000046;
	[dreg:$0x1] =	wrdreg $0xFFFFFFFF  }
0xa7: {  	s28 =	simm.s32 $_size_execute0_lowered;
	s3 =	sadd.s32 s3, s5;
	[dreg:$0x0] =	wrdreg $0x0  }
0xa8: {  	s5 =	sshll.u32 s28, $0x1;
	[dreg:$0x2] =	wrdreg s3  }
0xa9: {  	[dreg:$0x3] =	wrdreg s5  }
0xaa: {  	[dreg:$0x4] =	wrdreg $0xC0  }
0xab: {  	_ =	task [dreg:s7], $0x5FFFF  }
0xac: {  	[dreg:$0x1] =	wrdreg $0xFFFFFFFF  }
0xad: {  	[dreg:$0x0] =	wrdreg $0x60  }
0xae: {  	[dreg:$0x2] =	wrdreg s24  }
0xaf: {  	[dreg:$0x3] =	wrdreg s2  }
0xb0: {  	[dreg:$0x4] =	wrdreg $0x9  }
0xb1: {  	_ =	task.clear_ibuf [dreg:s7], $0x5FFFF;
	_ =	strace $0x90000046  }
0xb2: {  	s29 =	simm.s32 $0x9;
	_ =	strace $0x80000048  }
0xb3: {  	_ =	swait.ge [sflag:s29], $0x1  }
0xb4: {  	[sflag:s29] =	ssyncadd.s32 $0xFFFFFFFF  }
0xb5: {  	_ =	strace $0x90000048  }
0xb6: {  	_ =	sfence  }
0xb7: {  	s30 =	sld [smem:$0x0];
	_ =	sdelay $0x2  }
0xb8: {  	s31 =	sshll.u32 s1, $0xD;
	s1 =	sshrl.u32 s1, $0x2  }
0xb9: {  	s3 =	sand.u32 $0x4000, s31;
	s1 =	sadd.s32 s1, s30  }
0xba: {  	s0 =	sor.u32 s3, s0;
	s1 =	sshll.u32 s1, $0x11  }
0xbb: {  	s0 =	sor.u32 s1, s0  }
0xbc: {  	s0 =	sadd.s32 $0x8F2B, s0  }
0xbd: {  	[sflag:s0] =	ssyncadd.remote.s32 $0x1  }
0xbe: {  	_ =	sfence.sel $0xFFFF  }
0xbf: {  	[dreg:$0x0] =	wrdreg $0xFFFFFFFF;
	(pc) =	sbr.abs _section_cstart, $3  }
0xc0: {  	[dreg:$0x1] =	wrdreg $0xFFFFFFFF  }
0xc1: {  	_ =	task.clear_ibuf [dreg:s7], $0x2FFFF;
	_ =	strace $0x9FFFFFFF  }
0xc2: {  	(tm) =	ssettm $0x7FFFFFFF  }
0xc3: {  	_ =	shalt  }
tec
execute0_lowered:
.L_overlay_start_1:
0x0: {  	(tag) =	ssettag $0x1  }
0x1: {  	s4 =	rddreg [dreg:$0x0]  }
0x2: {  	s2 =	rddreg [dreg:$0x1]  }
0x3: {  	s0 =	rddreg [dreg:$0x2];
	s3 =	simm.s32 $0x0  }
0x4: {  	[smem:$0x7FF] =	sst s3;
	s21 =	sadd.s32 $0x80, s2  }
0x5: {  	s22 =	sadd.s32 $0x100, s2;
	_ =	strace $0x80000047;
	[dreg:$0x4] =	wrdreg s21  }
0x6: {  	s23 =	sadd.s32 $0x180, s2;
	[dreg:$0x5] =	wrdreg s22  }
0x7: {  	s24 =	sadd.s32 $0x200, s2;
	[dreg:$0x6] =	wrdreg s23  }
0x8: {  	s25 =	sadd.s32 $0x280, s2;
	[dreg:$0x7] =	wrdreg s24  }
0x9: {  	s26 =	sadd.s32 $0x300, s2;
	[dreg:$0x8] =	wrdreg s25  }
0xa: {  	s28 =	sadd.s32 $0x380, s2;
	[dreg:$0x9] =	wrdreg s26  }
0xb: {  	s29 =	sadd.s32 $0x400, s2;
	[dreg:$0xa] =	wrdreg s28  }
0xc: {  	s30 =	sadd.s32 $0x480, s2;
	[dreg:$0xb] =	wrdreg s29  }
0xd: {  	s31 =	sadd.s32 $0x500, s2;
	[dreg:$0xc] =	wrdreg s30  }
0xe: {  	s8 =	sadd.s32 $0x580, s2;
	[dreg:$0xd] =	wrdreg s31  }
0xf: {  	s9 =	sadd.s32 $0x600, s2;
	[dreg:$0xe] =	wrdreg s8  }
0x10: {  	s10 =	sadd.s32 $0x680, s2;
	[dreg:$0xf] =	wrdreg s9  }
0x11: {  	s11 =	sadd.s32 $0x700, s2;
	[dreg:$0x10] =	wrdreg s10  }
0x12: {  	s12 =	sadd.s32 $0x780, s2;
	[dreg:$0x11] =	wrdreg s11  }
0x13: {  	s13 =	sadd.s32 $0x800, s2;
	[dreg:$0x12] =	wrdreg s12  }
0x14: {  	s14 =	sadd.s32 $0x880, s2;
	[dreg:$0x13] =	wrdreg s13  }
0x15: {  	s15 =	sadd.s32 $0x900, s2;
	[dreg:$0x14] =	wrdreg s14  }
0x16: {  	s1 =	stileid.u32;
	s16 =	sadd.s32 $0x980, s2;
	[dreg:$0x15] =	wrdreg s15  }
0x17: {  	s5 =	srdreg.scid;
	s17 =	sadd.s32 $0xA00, s2;
	[dreg:$0x16] =	wrdreg s16  }
0x18: {  	s6 =	sshll.u32 s1, $0x1;
	s18 =	sadd.s32 $0xA80, s2;
	[dreg:$0x17] =	wrdreg s17  }
0x19: {  	s7 =	sshll.u32 s1, $0x7;
	s19 =	sadd.s32 $0xB00, s2;
	[dreg:$0x18] =	wrdreg s18  }
0x1a: {  	s5 =	sand.u32 $0x1, s5;
	s20 =	sadd.s32 $0xB80, s2;
	[dreg:$0x19] =	wrdreg s19  }
0x1b: {  	s6 =	sand.u32 $0x6, s6;
	[dreg:$0x1a] =	wrdreg s20;
	s21 =	sadd.s32 $0xC00, s2  }
0x1c: {  	s7 =	sand.u32 $0x600, s7;
	s22 =	sadd.s32 $0xC80, s2;
	[dreg:$0x1b] =	wrdreg s21  }
0x1d: {  	s23 =	sadd.s32 $0xD00, s2;
	s24 =	sadd.s32 $0xD80, s2;
	[dreg:$0x1c] =	wrdreg s22  }
0x1e: {  	s25 =	ssub.s32 $0x2, s5;
	s26 =	sadd.s32 $0xE00, s2;
	[dreg:$0x1d] =	wrdreg s23  }
0x1f: {  	s28 =	sadd.s32 $0xE80, s2;
	s29 =	sadd.s32 $0xF00, s2;
	[dreg:$0x1e] =	wrdreg s24  }
0x20: {  	s30 =	sand.u32 $0x3, s1;
	s31 =	sadd.s32 $0xF80, s2;
	[dreg:$0x1f] =	wrdreg s26  }
0x21: {  	s9 =	sshll.u32 s5, $0x2;
	s10 =	simm.s32 $0x1;
	[smem:$0x7FB] =	sst s28  }
0x22: {  	s11 =	simm.s32 $0x0;
	s6 =	sor.u32 s5, s6;
	[smem:$0x7FC] =	sst s29  }
0x23: {  	[smem:$0x7FD] =	sst s31;
	s6 =	sor.u32 s7, s6;
	s7 =	sshrl.u32 s7, $0x3  }
0x24: {  	v0 =	vlaneseq.u32;
	s8 =	sshrl.u32 s25, $0x1;
	[dreg:$0x3] =	wrdreg s6;
	s4 =	sadd.s32 s7, s4  }
0x25: {  	v0 =	vmul.u32 $0xFFFFFFFF, v0;
	s7 =	ssub.s32 s25, s8;
	s6 =	sshll.u32 s30, $0x3;
	s8 =	simm.s32 $0x1008  }
0x26: {  	s4 =	sadd.s32 $0x400, s4;
	s5 =	smax.u32 s7, $0x1;
	s6 =	sor.u32 s9, s6  }
0x27: {  	v0 =	vadd.s32 $0xF, v0;
	s7 =	simm.s32 $0xA08;
	s9 =	simm.s32 $0x2;
	s6 =	sshrl.u32 s6, $0x2  }
.LBB2_1:
0x28: {  	s12 =	smulhi.u32 $0xCCCCCCCD, s3;
	_ =	sdelay $0x1  }
0x29: {  	s12 =	sshrl.u32 s12, $0x5  }
0x2a: {  	s12 =	smul.u32 $0x5020, s12  }
0x2b: {  	[tilespmem:s3], [sflag:$0x2] =	stream.strided.gather [hbm4b:s4+s7], $0xA080, s8, s7, $0x38;
	[tilespmem:$0x14080] =	vst v63  }
0x2c: {  	_ =	swait.ge [sflag:s9], $0xA080;
	s12 =	sshra.s32 s12, $0x2  }
0x2d: {  	[sflag:s9] =	ssyncset.done $0x0;
	s12 =	sor.u32 s12, s6  }
0x2e: {  	[sflag:s9] =	ssyncadd.s32 $0xFFFF5F80;
	s17 =	sadd.s32 $0x0, s12  }
0x2f: {  	v1 =	vld [tilespmem:s17+$0x9F0];
	_ =	sdelay $0x4  }
0x30: {  	v1 =	vperm.xlane v1, v0  }
0x31: {  	s12 =	simm.s32 $0xA0A0  }
0x32: {  	[tilespmem:s12+$0xFFFFFFE0] =	vst v1  }
0x33: {  	v1 =	vld [tilespmem:s17+$0x9E0];
	_ =	sdelay $0x4  }
0x34: {  	v1 =	vperm.xlane v1, v0;
	_ =	sdelay $0x1  }
0x35: {  	[tilespmem:s12+$0xFFFFFFF0] =	vst v1  }
0x36: {  	v1 =	vld [tilespmem:s17+$0x9D0];
	_ =	sdelay $0x4  }
0x37: {  	v1 =	vperm.xlane v1, v0;
	_ =	sdelay $0x1  }
0x38: {  	s14 =	simm.s32 $0x1;
	[tilespmem:s12+$0x0] =	vst v1  }
0x39: {  	s13 =	simm.s32 $0xFFFFFF00;
	s15 =	simm.s32 $0xFFFFFE00;
	s16 =	smulhi.u32 $0xCCCCCCCD, s14;
	v1 =	vld [tilespmem:s17+$0x9C0]  }
.LBB2_2:
0x3a: {  	p0 =	sne.s32 s15, $0xFFFD8100  }
0x3b: {  	s16 =	sshrl.u32 s16, $0x5  }
0x3c: {  	s16 =	smul.u32 $0x5020, s16;
	_ =	sdelay $0x1  }
0x3d: {  	s16 =	sshra.s32 s16, $0x2;
	v1 =	vperm.xlane v1, v0  }
0x3e: {  	s17 =	sshra.s32 s13, $0x2;
	s13 =	smov.u32 s15;
	s16 =	sor.u32 s16, s6  }
0x3f: {  	s17 =	sadd.s32 s17, s16;
	[tilespmem:s12+$0x10] =	vst v1  }
0x40: {  	v1 =	vld [tilespmem:s17+$0x9F0];
	_ =	sdelay $0x4  }
0x41: {  	v1 =	vperm.xlane v1, v0  }
0x42: {  	s12 =	sadd.s32 $0x40, s12  }
0x43: {  	[tilespmem:s12+$0xFFFFFFE0] =	vst v1  }
0x44: {  	v1 =	vld [tilespmem:s17+$0x9E0];
	_ =	sdelay $0x4  }
0x45: {  	v1 =	vperm.xlane v1, v0;
	_ =	sdelay $0x1  }
0x46: {  	[tilespmem:s12+$0xFFFFFFF0] =	vst v1  }
0x47: {  	v1 =	vld [tilespmem:s17+$0x9D0];
	_ =	sdelay $0x3  }
.Ltmp0:
0x48: {  	(pc) =	sbr.rel @p0 .LBB2_2-.Ltmp0, $3  }
0x49: {  	v1 =	vperm.xlane v1, v0;
	_ =	sdelay $0x1  }
0x4a: {  	s14 =	sadd.s32 $0x1, s14;
	[tilespmem:s12+$0x0] =	vst v1  }
0x4b: {  	s15 =	sadd.s32 $0xFFFFFF00, s15;
	s16 =	smulhi.u32 $0xCCCCCCCD, s14;
	v1 =	vld [tilespmem:s17+$0x9C0]  }
0x4c: {  	_ = 	snop  }
0x4d: {  	s14 =	sshrl.u32 s16, $0x5  }
0x4e: {  	s14 =	smul.u32 $0x5020, s14;
	_ =	sdelay $0x1  }
0x4f: {  	s14 =	sshra.s32 s14, $0x2;
	v1 =	vperm.xlane v1, v0  }
0x50: {  	s13 =	sshra.s32 s13, $0x2;
	s14 =	sor.u32 s14, s6  }
0x51: {  	s13 =	sadd.s32 s13, s14;
	[tilespmem:s12+$0x10] =	vst v1  }
0x52: {  	v1 =	vld [tilespmem:s13+$0x9F0];
	_ =	sdelay $0x4  }
0x53: {  	v1 =	vperm.xlane v1, v0  }
0x54: {  	s31 =	sadd.s32 $0x40, s12  }
0x55: {  	[tilespmem:s31+$0xFFFFFFE0] =	vst v1  }
0x56: {  	v1 =	vld [tilespmem:s13+$0x9E0];
	_ =	sdelay $0x4  }
0x57: {  	v1 =	vperm.xlane v1, v0;
	_ =	sdelay $0x1  }
0x58: {  	[tilespmem:s31+$0xFFFFFFF0] =	vst v1  }
0x59: {  	v1 =	vld [tilespmem:s13+$0x9D0];
	_ =	sdelay $0x4  }
0x5a: {  	v1 =	vperm.xlane v1, v0;
	_ =	sdelay $0x1  }
0x5b: {  	[tilespmem:s31+$0x0] =	vst v1  }
0x5c: {  	v1 =	vld [tilespmem:s13+$0x9C0];
	_ =	sdelay $0x3  }
0x5d: {  	s15 =	rddreg [dreg:$0x3];
	s16 =	simm.s32 $0x0  }
0x5e: {  	s12 =	sor.u32 s16, s15;
	v1 =	vperm.xlane v1, v0  }
0x5f: {  	s12 =	sshll.u32 s12, $0xC  }
0x60: {  	s18 =	simm.s32 $0xA278;
	s17 =	sadd.s32 s2, s12;
	[tilespmem:s31+$0x10] =	vst v1  }
0x61: {  	[hbm4b:s17+s3] =	stream.linear.scatter [tilespmem:s18], [sflag:$0x1], $0x80, $0x38;
	[tilespmem:$0x14080] =	vst v63  }
0x62: {  	s19 =	simm.s32 $0xAC78;
	s15 =	sadd.s32 $0x10, s17  }
0x63: {  	[hbm4b:s15+s3] =	stream.linear.scatter [tilespmem:s19], [sflag:$0x1], $0x80, $0x38;
	[tilespmem:$0x14080] =	vst v63  }
0x64: {  	s20 =	simm.s32 $0xB678;
	s21 =	sadd.s32 $0x20, s17  }
0x65: {  	[hbm4b:s21+s3] =	stream.linear.scatter [tilespmem:s20], [sflag:$0x1], $0x80, $0x38;
	[tilespmem:$0x14080] =	vst v63  }
0x66: {  	s22 =	simm.s32 $0xC078;
	s23 =	sadd.s32 $0x30, s17  }
0x67: {  	[hbm4b:s23+s3] =	stream.linear.scatter [tilespmem:s22], [sflag:$0x1], $0x80, $0x38;
	[tilespmem:$0x14080] =	vst v63  }
0x68: {  	s24 =	simm.s32 $0xCA78;
	s25 =	sadd.s32 $0x40, s17  }
0x69: {  	[hbm4b:s25+s3] =	stream.linear.scatter [tilespmem:s24], [sflag:$0x1], $0x80, $0x38;
	[tilespmem:$0x14080] =	vst v63  }
0x6a: {  	s26 =	simm.s32 $0xD478;
	s28 =	sadd.s32 $0x50, s17  }
0x6b: {  	[hbm4b:s28+s3] =	stream.linear.scatter [tilespmem:s26], [sflag:$0x1], $0x80, $0x38;
	[tilespmem:$0x14080] =	vst v63  }
0x6c: {  	s29 =	simm.s32 $0xDE78;
	s30 =	sadd.s32 $0x60, s17  }
0x6d: {  	[hbm4b:s30+s3] =	stream.linear.scatter [tilespmem:s29], [sflag:$0x1], $0x80, $0x38;
	[tilespmem:$0x14080] =	vst v63  }
0x6e: {  	s13 =	sadd.s32 $0x70, s17;
	s31 =	rddreg [dreg:$0x4];
	s15 =	simm.s32 $0xE878  }
0x6f: {  	[hbm4b:s13+s3] =	stream.linear.scatter [tilespmem:s15], [sflag:$0x1], $0x80, $0x38;
	[tilespmem:$0x14080] =	vst v63  }
0x70: {  	s16 =	sadd.s32 s12, s31;
	s17 =	simm.s32 $0xA2F8  }
0x71: {  	[hbm4b:s16+s3] =	stream.linear.scatter [tilespmem:s17], [sflag:$0x1], $0x80, $0x38;
	[tilespmem:$0x14080] =	vst v63  }
0x72: {  	s18 =	simm.s32 $0xACF8;
	s19 =	sadd.s32 $0x10, s16  }
0x73: {  	[hbm4b:s19+s3] =	stream.linear.scatter [tilespmem:s18], [sflag:$0x1], $0x80, $0x38;
	[tilespmem:$0x14080] =	vst v63  }
0x74: {  	s20 =	simm.s32 $0xB6F8;
	s21 =	sadd.s32 $0x20, s16  }
0x75: {  	[hbm4b:s21+s3] =	stream.linear.scatter [tilespmem:s20], [sflag:$0x1], $0x80, $0x38;
	[tilespmem:$0x14080] =	vst v63  }
0x76: {  	s22 =	simm.s32 $0xC0F8;
	s23 =	sadd.s32 $0x30, s16  }
0x77: {  	[hbm4b:s23+s3] =	stream.linear.scatter [tilespmem:s22], [sflag:$0x1], $0x80, $0x38;
	[tilespmem:$0x14080] =	vst v63  }
0x78: {  	s24 =	simm.s32 $0xCAF8;
	s25 =	sadd.s32 $0x40, s16  }
0x79: {  	[hbm4b:s25+s3] =	stream.linear.scatter [tilespmem:s24], [sflag:$0x1], $0x80, $0x38;
	[tilespmem:$0x14080] =	vst v63  }
0x7a: {  	s26 =	simm.s32 $0xD4F8;
	s28 =	sadd.s32 $0x50, s16  }
0x7b: {  	[hbm4b:s28+s3] =	stream.linear.scatter [tilespmem:s26], [sflag:$0x1], $0x80, $0x38;
	[tilespmem:$0x14080] =	vst v63  }
0x7c: {  	s29 =	simm.s32 $0xDEF8;
	s30 =	sadd.s32 $0x60, s16  }
0x7d: {  	[hbm4b:s30+s3] =	stream.linear.scatter [tilespmem:s29], [sflag:$0x1], $0x80, $0x38;
	[tilespmem:$0x14080] =	vst v63  }
0x7e: {  	s31 =	rddreg [dreg:$0x5];
	s15 =	simm.s32 $0xE8F8;
	s13 =	sadd.s32 $0x70, s16  }
0x7f: {  	[hbm4b:s13+s3] =	stream.linear.scatter [tilespmem:s15], [sflag:$0x1], $0x80, $0x38;
	[tilespmem:$0x14080] =	vst v63  }
0x80: {  	s16 =	sadd.s32 s12, s31;
	s17 =	simm.s32 $0xA378  }
0x81: {  	[hbm4b:s16+s3] =	stream.linear.scatter [tilespmem:s17], [sflag:$0x1], $0x80, $0x38;
	[tilespmem:$0x14080] =	vst v63  }
0x82: {  	s18 =	simm.s32 $0xAD78;
	s19 =	sadd.s32 $0x10, s16  }
0x83: {  	[hbm4b:s19+s3] =	stream.linear.scatter [tilespmem:s18], [sflag:$0x1], $0x80, $0x38;
	[tilespmem:$0x14080] =	vst v63  }
0x84: {  	s20 =	simm.s32 $0xB778;
	s21 =	sadd.s32 $0x20, s16  }
0x85: {  	[hbm4b:s21+s3] =	stream.linear.scatter [tilespmem:s20], [sflag:$0x1], $0x80, $0x38;
	[tilespmem:$0x14080] =	vst v63  }
0x86: {  	s22 =	simm.s32 $0xC178;
	s23 =	sadd.s32 $0x30, s16  }
0x87: {  	[hbm4b:s23+s3] =	stream.linear.scatter [tilespmem:s22], [sflag:$0x1], $0x80, $0x38;
	[tilespmem:$0x14080] =	vst v63  }
0x88: {  	s24 =	simm.s32 $0xCB78;
	s25 =	sadd.s32 $0x40, s16  }
0x89: {  	[hbm4b:s25+s3] =	stream.linear.scatter [tilespmem:s24], [sflag:$0x1], $0x80, $0x38;
	[tilespmem:$0x14080] =	vst v63  }
0x8a: {  	s26 =	simm.s32 $0xD578;
	s28 =	sadd.s32 $0x50, s16  }
0x8b: {  	[hbm4b:s28+s3] =	stream.linear.scatter [tilespmem:s26], [sflag:$0x1], $0x80, $0x38;
	[tilespmem:$0x14080] =	vst v63  }
0x8c: {  	s29 =	simm.s32 $0xDF78;
	s30 =	sadd.s32 $0x60, s16  }
0x8d: {  	[hbm4b:s30+s3] =	stream.linear.scatter [tilespmem:s29], [sflag:$0x1], $0x80, $0x38;
	[tilespmem:$0x14080] =	vst v63  }
0x8e: {  	s31 =	rddreg [dreg:$0x6];
	s15 =	simm.s32 $0xE978;
	s13 =	sadd.s32 $0x70, s16  }
0x8f: {  	[hbm4b:s13+s3] =	stream.linear.scatter [tilespmem:s15], [sflag:$0x1], $0x80, $0x38;
	[tilespmem:$0x14080] =	vst v63  }
0x90: {  	s16 =	sadd.s32 s12, s31;
	s17 =	simm.s32 $0xA3F8  }
0x91: {  	[hbm4b:s16+s3] =	stream.linear.scatter [tilespmem:s17], [sflag:$0x1], $0x80, $0x38;
	[tilespmem:$0x14080] =	vst v63  }
0x92: {  	s18 =	simm.s32 $0xADF8;
	s19 =	sadd.s32 $0x10, s16  }
0x93: {  	[hbm4b:s19+s3] =	stream.linear.scatter [tilespmem:s18], [sflag:$0x1], $0x80, $0x38;
	[tilespmem:$0x14080] =	vst v63  }
0x94: {  	s20 =	simm.s32 $0xB7F8;
	s21 =	sadd.s32 $0x20, s16  }
0x95: {  	[hbm4b:s21+s3] =	stream.linear.scatter [tilespmem:s20], [sflag:$0x1], $0x80, $0x38;
	[tilespmem:$0x14080] =	vst v63  }
0x96: {  	s22 =	simm.s32 $0xC1F8;
	s23 =	sadd.s32 $0x30, s16  }
0x97: {  	[hbm4b:s23+s3] =	stream.linear.scatter [tilespmem:s22], [sflag:$0x1], $0x80, $0x38;
	[tilespmem:$0x14080] =	vst v63  }
0x98: {  	s24 =	simm.s32 $0xCBF8;
	s25 =	sadd.s32 $0x40, s16  }
0x99: {  	[hbm4b:s25+s3] =	stream.linear.scatter [tilespmem:s24], [sflag:$0x1], $0x80, $0x38;
	[tilespmem:$0x14080] =	vst v63  }
0x9a: {  	s26 =	simm.s32 $0xD5F8;
	s28 =	sadd.s32 $0x50, s16  }
0x9b: {  	[hbm4b:s28+s3] =	stream.linear.scatter [tilespmem:s26], [sflag:$0x1], $0x80, $0x38;
	[tilespmem:$0x14080] =	vst v63  }
0x9c: {  	s29 =	simm.s32 $0xDFF8;
	s30 =	sadd.s32 $0x60, s16  }
0x9d: {  	[hbm4b:s30+s3] =	stream.linear.scatter [tilespmem:s29], [sflag:$0x1], $0x80, $0x38;
	[tilespmem:$0x14080] =	vst v63  }
0x9e: {  	s31 =	rddreg [dreg:$0x7];
	s15 =	simm.s32 $0xE9F8;
	s13 =	sadd.s32 $0x70, s16  }
0x9f: {  	[hbm4b:s13+s3] =	stream.linear.scatter [tilespmem:s15], [sflag:$0x1], $0x80, $0x38;
	[tilespmem:$0x14080] =	vst v63  }
0xa0: {  	s16 =	sadd.s32 s12, s31;
	s17 =	simm.s32 $0xA478  }
0xa1: {  	[hbm4b:s16+s3] =	stream.linear.scatter [tilespmem:s17], [sflag:$0x1], $0x80, $0x38;
	[tilespmem:$0x14080] =	vst v63  }
0xa2: {  	s18 =	simm.s32 $0xAE78;
	s19 =	sadd.s32 $0x10, s16  }
0xa3: {  	[hbm4b:s19+s3] =	stream.linear.scatter [tilespmem:s18], [sflag:$0x1], $0x80, $0x38;
	[tilespmem:$0x14080] =	vst v63  }
0xa4: {  	s20 =	simm.s32 $0xB878;
	s21 =	sadd.s32 $0x20, s16  }
0xa5: {  	[hbm4b:s21+s3] =	stream.linear.scatter [tilespmem:s20], [sflag:$0x1], $0x80, $0x38;
	[tilespmem:$0x14080] =	vst v63  }
0xa6: {  	s22 =	simm.s32 $0xC278;
	s23 =	sadd.s32 $0x30, s16  }
0xa7: {  	[hbm4b:s23+s3] =	stream.linear.scatter [tilespmem:s22], [sflag:$0x1], $0x80, $0x38;
	[tilespmem:$0x14080] =	vst v63  }
0xa8: {  	s24 =	simm.s32 $0xCC78;
	s25 =	sadd.s32 $0x40, s16  }
0xa9: {  	[hbm4b:s25+s3] =	stream.linear.scatter [tilespmem:s24], [sflag:$0x1], $0x80, $0x38;
	[tilespmem:$0x14080] =	vst v63  }
0xaa: {  	s26 =	simm.s32 $0xD678;
	s28 =	sadd.s32 $0x50, s16  }
0xab: {  	[hbm4b:s28+s3] =	stream.linear.scatter [tilespmem:s26], [sflag:$0x1], $0x80, $0x38;
	[tilespmem:$0x14080] =	vst v63  }
0xac: {  	s29 =	simm.s32 $0xE078;
	s30 =	sadd.s32 $0x60, s16  }
0xad: {  	[hbm4b:s30+s3] =	stream.linear.scatter [tilespmem:s29], [sflag:$0x1], $0x80, $0x38;
	[tilespmem:$0x14080] =	vst v63  }
0xae: {  	s31 =	rddreg [dreg:$0x8];
	s15 =	simm.s32 $0xEA78;
	s13 =	sadd.s32 $0x70, s16  }
0xaf: {  	[hbm4b:s13+s3] =	stream.linear.scatter [tilespmem:s15], [sflag:$0x1], $0x80, $0x38;
	[tilespmem:$0x14080] =	vst v63  }
0xb0: {  	s16 =	sadd.s32 s12, s31;
	s17 =	simm.s32 $0xA4F8  }
0xb1: {  	[hbm4b:s16+s3] =	stream.linear.scatter [tilespmem:s17], [sflag:$0x1], $0x80, $0x38;
	[tilespmem:$0x14080] =	vst v63  }
0xb2: {  	s18 =	simm.s32 $0xAEF8;
	s19 =	sadd.s32 $0x10, s16  }
0xb3: {  	[hbm4b:s19+s3] =	stream.linear.scatter [tilespmem:s18], [sflag:$0x1], $0x80, $0x38;
	[tilespmem:$0x14080] =	vst v63  }
0xb4: {  	s20 =	simm.s32 $0xB8F8;
	s21 =	sadd.s32 $0x20, s16  }
0xb5: {  	[hbm4b:s21+s3] =	stream.linear.scatter [tilespmem:s20], [sflag:$0x1], $0x80, $0x38;
	[tilespmem:$0x14080] =	vst v63  }
0xb6: {  	s22 =	simm.s32 $0xC2F8;
	s23 =	sadd.s32 $0x30, s16  }
0xb7: {  	[hbm4b:s23+s3] =	stream.linear.scatter [tilespmem:s22], [sflag:$0x1], $0x80, $0x38;
	[tilespmem:$0x14080] =	vst v63  }
0xb8: {  	s24 =	simm.s32 $0xCCF8;
	s25 =	sadd.s32 $0x40, s16  }
0xb9: {  	[hbm4b:s25+s3] =	stream.linear.scatter [tilespmem:s24], [sflag:$0x1], $0x80, $0x38;
	[tilespmem:$0x14080] =	vst v63  }
0xba: {  	s26 =	simm.s32 $0xD6F8;
	s28 =	sadd.s32 $0x50, s16  }
0xbb: {  	[hbm4b:s28+s3] =	stream.linear.scatter [tilespmem:s26], [sflag:$0x1], $0x80, $0x38;
	[tilespmem:$0x14080] =	vst v63  }
0xbc: {  	s29 =	simm.s32 $0xE0F8;
	s30 =	sadd.s32 $0x60, s16  }
0xbd: {  	[hbm4b:s30+s3] =	stream.linear.scatter [tilespmem:s29], [sflag:$0x1], $0x80, $0x38;
	[tilespmem:$0x14080] =	vst v63  }
0xbe: {  	s31 =	rddreg [dreg:$0x9];
	s15 =	simm.s32 $0xEAF8;
	s13 =	sadd.s32 $0x70, s16  }
0xbf: {  	[hbm4b:s13+s3] =	stream.linear.scatter [tilespmem:s15], [sflag:$0x1], $0x80, $0x38;
	[tilespmem:$0x14080] =	vst v63  }
0xc0: {  	s16 =	sadd.s32 s12, s31;
	s17 =	simm.s32 $0xA578  }
0xc1: {  	[hbm4b:s16+s3] =	stream.linear.scatter [tilespmem:s17], [sflag:$0x1], $0x80, $0x38;
	[tilespmem:$0x14080] =	vst v63  }
0xc2: {  	s18 =	simm.s32 $0xAF78;
	s19 =	sadd.s32 $0x10, s16  }
0xc3: {  	[hbm4b:s19+s3] =	stream.linear.scatter [tilespmem:s18], [sflag:$0x1], $0x80, $0x38;
	[tilespmem:$0x14080] =	vst v63  }
0xc4: {  	s20 =	simm.s32 $0xB978;
	s21 =	sadd.s32 $0x20, s16  }
0xc5: {  	[hbm4b:s21+s3] =	stream.linear.scatter [tilespmem:s20], [sflag:$0x1], $0x80, $0x38;
	[tilespmem:$0x14080] =	vst v63  }
0xc6: {  	s22 =	simm.s32 $0xC378;
	s23 =	sadd.s32 $0x30, s16  }
0xc7: {  	[hbm4b:s23+s3] =	stream.linear.scatter [tilespmem:s22], [sflag:$0x1], $0x80, $0x38;
	[tilespmem:$0x14080] =	vst v63  }
0xc8: {  	s24 =	simm.s32 $0xCD78;
	s25 =	sadd.s32 $0x40, s16  }
0xc9: {  	[hbm4b:s25+s3] =	stream.linear.scatter [tilespmem:s24], [sflag:$0x1], $0x80, $0x38;
	[tilespmem:$0x14080] =	vst v63  }
0xca: {  	s26 =	simm.s32 $0xD778;
	s28 =	sadd.s32 $0x50, s16  }
0xcb: {  	[hbm4b:s28+s3] =	stream.linear.scatter [tilespmem:s26], [sflag:$0x1], $0x80, $0x38;
	[tilespmem:$0x14080] =	vst v63  }
0xcc: {  	s29 =	simm.s32 $0xE178;
	s30 =	sadd.s32 $0x60, s16  }
0xcd: {  	[hbm4b:s30+s3] =	stream.linear.scatter [tilespmem:s29], [sflag:$0x1], $0x80, $0x38;
	[tilespmem:$0x14080] =	vst v63  }
0xce: {  	s31 =	rddreg [dreg:$0xa];
	s15 =	simm.s32 $0xEB78;
	s13 =	sadd.s32 $0x70, s16  }
0xcf: {  	[hbm4b:s13+s3] =	stream.linear.scatter [tilespmem:s15], [sflag:$0x1], $0x80, $0x38;
	[tilespmem:$0x14080] =	vst v63  }
0xd0: {  	s16 =	sadd.s32 s12, s31;
	s17 =	simm.s32 $0xA5F8  }
0xd1: {  	[hbm4b:s16+s3] =	stream.linear.scatter [tilespmem:s17], [sflag:$0x1], $0x80, $0x38;
	[tilespmem:$0x14080] =	vst v63  }
0xd2: {  	s18 =	simm.s32 $0xAFF8;
	s19 =	sadd.s32 $0x10, s16  }
0xd3: {  	[hbm4b:s19+s3] =	stream.linear.scatter [tilespmem:s18], [sflag:$0x1], $0x80, $0x38;
	[tilespmem:$0x14080] =	vst v63  }
0xd4: {  	s20 =	simm.s32 $0xB9F8;
	s21 =	sadd.s32 $0x20, s16  }
0xd5: {  	[hbm4b:s21+s3] =	stream.linear.scatter [tilespmem:s20], [sflag:$0x1], $0x80, $0x38;
	[tilespmem:$0x14080] =	vst v63  }
0xd6: {  	s22 =	simm.s32 $0xC3F8;
	s23 =	sadd.s32 $0x30, s16  }
0xd7: {  	[hbm4b:s23+s3] =	stream.linear.scatter [tilespmem:s22], [sflag:$0x1], $0x80, $0x38;
	[tilespmem:$0x14080] =	vst v63  }
0xd8: {  	s24 =	simm.s32 $0xCDF8;
	s25 =	sadd.s32 $0x40, s16  }
0xd9: {  	[hbm4b:s25+s3] =	stream.linear.scatter [tilespmem:s24], [sflag:$0x1], $0x80, $0x38;
	[tilespmem:$0x14080] =	vst v63  }
0xda: {  	s26 =	simm.s32 $0xD7F8;
	s28 =	sadd.s32 $0x50, s16  }
0xdb: {  	[hbm4b:s28+s3] =	stream.linear.scatter [tilespmem:s26], [sflag:$0x1], $0x80, $0x38;
	[tilespmem:$0x14080] =	vst v63  }
0xdc: {  	s29 =	simm.s32 $0xE1F8;
	s30 =	sadd.s32 $0x60, s16  }
0xdd: {  	[hbm4b:s30+s3] =	stream.linear.scatter [tilespmem:s29], [sflag:$0x1], $0x80, $0x38;
	[tilespmem:$0x14080] =	vst v63  }
0xde: {  	s31 =	rddreg [dreg:$0xb];
	s15 =	simm.s32 $0xEBF8;
	s13 =	sadd.s32 $0x70, s16  }
0xdf: {  	[hbm4b:s13+s3] =	stream.linear.scatter [tilespmem:s15], [sflag:$0x1], $0x80, $0x38;
	[tilespmem:$0x14080] =	vst v63  }
0xe0: {  	s16 =	sadd.s32 s12, s31;
	s17 =	simm.s32 $0xA678  }
0xe1: {  	[hbm4b:s16+s3] =	stream.linear.scatter [tilespmem:s17], [sflag:$0x1], $0x80, $0x38;
	[tilespmem:$0x14080] =	vst v63  }
0xe2: {  	s18 =	simm.s32 $0xB078;
	s19 =	sadd.s32 $0x10, s16  }
0xe3: {  	[hbm4b:s19+s3] =	stream.linear.scatter [tilespmem:s18], [sflag:$0x1], $0x80, $0x38;
	[tilespmem:$0x14080] =	vst v63  }
0xe4: {  	s20 =	simm.s32 $0xBA78;
	s21 =	sadd.s32 $0x20, s16  }
0xe5: {  	[hbm4b:s21+s3] =	stream.linear.scatter [tilespmem:s20], [sflag:$0x1], $0x80, $0x38;
	[tilespmem:$0x14080] =	vst v63  }
0xe6: {  	s22 =	simm.s32 $0xC478;
	s23 =	sadd.s32 $0x30, s16  }
0xe7: {  	[hbm4b:s23+s3] =	stream.linear.scatter [tilespmem:s22], [sflag:$0x1], $0x80, $0x38;
	[tilespmem:$0x14080] =	vst v63  }
0xe8: {  	s24 =	simm.s32 $0xCE78;
	s25 =	sadd.s32 $0x40, s16  }
0xe9: {  	[hbm4b:s25+s3] =	stream.linear.scatter [tilespmem:s24], [sflag:$0x1], $0x80, $0x38;
	[tilespmem:$0x14080] =	vst v63  }
0xea: {  	s26 =	simm.s32 $0xD878;
	s28 =	sadd.s32 $0x50, s16  }
0xeb: {  	[hbm4b:s28+s3] =	stream.linear.scatter [tilespmem:s26], [sflag:$0x1], $0x80, $0x38;
	[tilespmem:$0x14080] =	vst v63  }
0xec: {  	s29 =	simm.s32 $0xE278;
	s30 =	sadd.s32 $0x60, s16  }
0xed: {  	[hbm4b:s30+s3] =	stream.linear.scatter [tilespmem:s29], [sflag:$0x1], $0x80, $0x38;
	[tilespmem:$0x14080] =	vst v63  }
0xee: {  	s31 =	rddreg [dreg:$0xc];
	s15 =	simm.s32 $0xEC78;
	s13 =	sadd.s32 $0x70, s16  }
0xef: {  	[hbm4b:s13+s3] =	stream.linear.scatter [tilespmem:s15], [sflag:$0x1], $0x80, $0x38;
	[tilespmem:$0x14080] =	vst v63  }
0xf0: {  	s16 =	sadd.s32 s12, s31;
	s17 =	simm.s32 $0xA6F8  }
0xf1: {  	[hbm4b:s16+s3] =	stream.linear.scatter [tilespmem:s17], [sflag:$0x1], $0x80, $0x38;
	[tilespmem:$0x14080] =	vst v63  }
0xf2: {  	s18 =	simm.s32 $0xB0F8;
	s19 =	sadd.s32 $0x10, s16  }
0xf3: {  	[hbm4b:s19+s3] =	stream.linear.scatter [tilespmem:s18], [sflag:$0x1], $0x80, $0x38;
	[tilespmem:$0x14080] =	vst v63  }
0xf4: {  	s20 =	simm.s32 $0xBAF8;
	s21 =	sadd.s32 $0x20, s16  }
0xf5: {  	[hbm4b:s21+s3] =	stream.linear.scatter [tilespmem:s20], [sflag:$0x1], $0x80, $0x38;
	[tilespmem:$0x14080] =	vst v63  }
0xf6: {  	s22 =	simm.s32 $0xC4F8;
	s23 =	sadd.s32 $0x30, s16  }
0xf7: {  	[hbm4b:s23+s3] =	stream.linear.scatter [tilespmem:s22], [sflag:$0x1], $0x80, $0x38;
	[tilespmem:$0x14080] =	vst v63  }
0xf8: {  	s24 =	simm.s32 $0xCEF8;
	s25 =	sadd.s32 $0x40, s16  }
0xf9: {  	[hbm4b:s25+s3] =	stream.linear.scatter [tilespmem:s24], [sflag:$0x1], $0x80, $0x38;
	[tilespmem:$0x14080] =	vst v63  }
0xfa: {  	s26 =	simm.s32 $0xD8F8;
	s28 =	sadd.s32 $0x50, s16  }
0xfb: {  	[hbm4b:s28+s3] =	stream.linear.scatter [tilespmem:s26], [sflag:$0x1], $0x80, $0x38;
	[tilespmem:$0x14080] =	vst v63  }
0xfc: {  	s29 =	simm.s32 $0xE2F8;
	s30 =	sadd.s32 $0x60, s16  }
0xfd: {  	[hbm4b:s30+s3] =	stream.linear.scatter [tilespmem:s29], [sflag:$0x1], $0x80, $0x38;
	[tilespmem:$0x14080] =	vst v63  }
0xfe: {  	s31 =	rddreg [dreg:$0xd];
	s15 =	simm.s32 $0xECF8;
	s13 =	sadd.s32 $0x70, s16  }
0xff: {  	[hbm4b:s13+s3] =	stream.linear.scatter [tilespmem:s15], [sflag:$0x1], $0x80, $0x38;
	[tilespmem:$0x14080] =	vst v63  }
0x100: {  	s16 =	sadd.s32 s12, s31;
	s17 =	simm.s32 $0xA778  }
0x101: {  	[hbm4b:s16+s3] =	stream.linear.scatter [tilespmem:s17], [sflag:$0x1], $0x80, $0x38;
	[tilespmem:$0x14080] =	vst v63  }
0x102: {  	s18 =	simm.s32 $0xB178;
	s19 =	sadd.s32 $0x10, s16  }
0x103: {  	[hbm4b:s19+s3] =	stream.linear.scatter [tilespmem:s18], [sflag:$0x1], $0x80, $0x38;
	[tilespmem:$0x14080] =	vst v63  }
0x104: {  	s20 =	simm.s32 $0xBB78;
	s21 =	sadd.s32 $0x20, s16  }
0x105: {  	[hbm4b:s21+s3] =	stream.linear.scatter [tilespmem:s20], [sflag:$0x1], $0x80, $0x38;
	[tilespmem:$0x14080] =	vst v63  }
0x106: {  	s22 =	simm.s32 $0xC578;
	s23 =	sadd.s32 $0x30, s16  }
0x107: {  	[hbm4b:s23+s3] =	stream.linear.scatter [tilespmem:s22], [sflag:$0x1], $0x80, $0x38;
	[tilespmem:$0x14080] =	vst v63  }
0x108: {  	s24 =	simm.s32 $0xCF78;
	s25 =	sadd.s32 $0x40, s16  }
0x109: {  	[hbm4b:s25+s3] =	stream.linear.scatter [tilespmem:s24], [sflag:$0x1], $0x80, $0x38;
	[tilespmem:$0x14080] =	vst v63  }
0x10a: {  	s26 =	simm.s32 $0xD978;
	s28 =	sadd.s32 $0x50, s16  }
0x10b: {  	[hbm4b:s28+s3] =	stream.linear.scatter [tilespmem:s26], [sflag:$0x1], $0x80, $0x38;
	[tilespmem:$0x14080] =	vst v63  }
0x10c: {  	s29 =	simm.s32 $0xE378;
	s30 =	sadd.s32 $0x60, s16  }
0x10d: {  	[hbm4b:s30+s3] =	stream.linear.scatter [tilespmem:s29], [sflag:$0x1], $0x80, $0x38;
	[tilespmem:$0x14080] =	vst v63  }
0x10e: {  	s31 =	rddreg [dreg:$0xe];
	s15 =	simm.s32 $0xED78;
	s13 =	sadd.s32 $0x70, s16  }
0x10f: {  	[hbm4b:s13+s3] =	stream.linear.scatter [tilespmem:s15], [sflag:$0x1], $0x80, $0x38;
	[tilespmem:$0x14080] =	vst v63  }
0x110: {  	s16 =	sadd.s32 s12, s31;
	s17 =	simm.s32 $0xA7F8  }
0x111: {  	[hbm4b:s16+s3] =	stream.linear.scatter [tilespmem:s17], [sflag:$0x1], $0x80, $0x38;
	[tilespmem:$0x14080] =	vst v63  }
0x112: {  	s18 =	simm.s32 $0xB1F8;
	s19 =	sadd.s32 $0x10, s16  }
0x113: {  	[hbm4b:s19+s3] =	stream.linear.scatter [tilespmem:s18], [sflag:$0x1], $0x80, $0x38;
	[tilespmem:$0x14080] =	vst v63  }
0x114: {  	s20 =	simm.s32 $0xBBF8;
	s21 =	sadd.s32 $0x20, s16  }
0x115: {  	[hbm4b:s21+s3] =	stream.linear.scatter [tilespmem:s20], [sflag:$0x1], $0x80, $0x38;
	[tilespmem:$0x14080] =	vst v63  }
0x116: {  	s22 =	simm.s32 $0xC5F8;
	s23 =	sadd.s32 $0x30, s16  }
0x117: {  	[hbm4b:s23+s3] =	stream.linear.scatter [tilespmem:s22], [sflag:$0x1], $0x80, $0x38;
	[tilespmem:$0x14080] =	vst v63  }
0x118: {  	s24 =	simm.s32 $0xCFF8;
	s25 =	sadd.s32 $0x40, s16  }
0x119: {  	[hbm4b:s25+s3] =	stream.linear.scatter [tilespmem:s24], [sflag:$0x1], $0x80, $0x38;
	[tilespmem:$0x14080] =	vst v63  }
0x11a: {  	s26 =	simm.s32 $0xD9F8;
	s28 =	sadd.s32 $0x50, s16  }
0x11b: {  	[hbm4b:s28+s3] =	stream.linear.scatter [tilespmem:s26], [sflag:$0x1], $0x80, $0x38;
	[tilespmem:$0x14080] =	vst v63  }
0x11c: {  	s29 =	simm.s32 $0xE3F8;
	s30 =	sadd.s32 $0x60, s16  }
0x11d: {  	[hbm4b:s30+s3] =	stream.linear.scatter [tilespmem:s29], [sflag:$0x1], $0x80, $0x38;
	[tilespmem:$0x14080] =	vst v63  }
0x11e: {  	s31 =	rddreg [dreg:$0xf];
	s15 =	simm.s32 $0xEDF8;
	s13 =	sadd.s32 $0x70, s16  }
0x11f: {  	[hbm4b:s13+s3] =	stream.linear.scatter [tilespmem:s15], [sflag:$0x1], $0x80, $0x38;
	[tilespmem:$0x14080] =	vst v63  }
0x120: {  	s16 =	sadd.s32 s12, s31;
	s17 =	simm.s32 $0xA878  }
0x121: {  	[hbm4b:s16+s3] =	stream.linear.scatter [tilespmem:s17], [sflag:$0x1], $0x80, $0x38;
	[tilespmem:$0x14080] =	vst v63  }
0x122: {  	s18 =	simm.s32 $0xB278;
	s19 =	sadd.s32 $0x10, s16  }
0x123: {  	[hbm4b:s19+s3] =	stream.linear.scatter [tilespmem:s18], [sflag:$0x1], $0x80, $0x38;
	[tilespmem:$0x14080] =	vst v63  }
0x124: {  	s20 =	simm.s32 $0xBC78;
	s21 =	sadd.s32 $0x20, s16  }
0x125: {  	[hbm4b:s21+s3] =	stream.linear.scatter [tilespmem:s20], [sflag:$0x1], $0x80, $0x38;
	[tilespmem:$0x14080] =	vst v63  }
0x126: {  	s22 =	simm.s32 $0xC678;
	s23 =	sadd.s32 $0x30, s16  }
0x127: {  	[hbm4b:s23+s3] =	stream.linear.scatter [tilespmem:s22], [sflag:$0x1], $0x80, $0x38;
	[tilespmem:$0x14080] =	vst v63  }
0x128: {  	s24 =	simm.s32 $0xD078;
	s25 =	sadd.s32 $0x40, s16  }
0x129: {  	[hbm4b:s25+s3] =	stream.linear.scatter [tilespmem:s24], [sflag:$0x1], $0x80, $0x38;
	[tilespmem:$0x14080] =	vst v63  }
0x12a: {  	s26 =	simm.s32 $0xDA78;
	s28 =	sadd.s32 $0x50, s16  }
0x12b: {  	[hbm4b:s28+s3] =	stream.linear.scatter [tilespmem:s26], [sflag:$0x1], $0x80, $0x38;
	[tilespmem:$0x14080] =	vst v63  }
0x12c: {  	s29 =	simm.s32 $0xE478;
	s30 =	sadd.s32 $0x60, s16  }
0x12d: {  	[hbm4b:s30+s3] =	stream.linear.scatter [tilespmem:s29], [sflag:$0x1], $0x80, $0x38;
	[tilespmem:$0x14080] =	vst v63  }
0x12e: {  	s31 =	rddreg [dreg:$0x10];
	s15 =	simm.s32 $0xEE78;
	s13 =	sadd.s32 $0x70, s16  }
0x12f: {  	[hbm4b:s13+s3] =	stream.linear.scatter [tilespmem:s15], [sflag:$0x1], $0x80, $0x38;
	[tilespmem:$0x14080] =	vst v63  }
0x130: {  	s16 =	sadd.s32 s12, s31;
	s17 =	simm.s32 $0xA8F8  }
0x131: {  	[hbm4b:s16+s3] =	stream.linear.scatter [tilespmem:s17], [sflag:$0x1], $0x80, $0x38;
	[tilespmem:$0x14080] =	vst v63  }
0x132: {  	s18 =	simm.s32 $0xB2F8;
	s19 =	sadd.s32 $0x10, s16  }
0x133: {  	[hbm4b:s19+s3] =	stream.linear.scatter [tilespmem:s18], [sflag:$0x1], $0x80, $0x38;
	[tilespmem:$0x14080] =	vst v63  }
0x134: {  	s20 =	simm.s32 $0xBCF8;
	s21 =	sadd.s32 $0x20, s16  }
0x135: {  	[hbm4b:s21+s3] =	stream.linear.scatter [tilespmem:s20], [sflag:$0x1], $0x80, $0x38;
	[tilespmem:$0x14080] =	vst v63  }
0x136: {  	s22 =	simm.s32 $0xC6F8;
	s23 =	sadd.s32 $0x30, s16  }
0x137: {  	[hbm4b:s23+s3] =	stream.linear.scatter [tilespmem:s22], [sflag:$0x1], $0x80, $0x38;
	[tilespmem:$0x14080] =	vst v63  }
0x138: {  	s24 =	simm.s32 $0xD0F8;
	s25 =	sadd.s32 $0x40, s16  }
0x139: {  	[hbm4b:s25+s3] =	stream.linear.scatter [tilespmem:s24], [sflag:$0x1], $0x80, $0x38;
	[tilespmem:$0x14080] =	vst v63  }
0x13a: {  	s26 =	simm.s32 $0xDAF8;
	s28 =	sadd.s32 $0x50, s16  }
0x13b: {  	[hbm4b:s28+s3] =	stream.linear.scatter [tilespmem:s26], [sflag:$0x1], $0x80, $0x38;
	[tilespmem:$0x14080] =	vst v63  }
0x13c: {  	s29 =	simm.s32 $0xE4F8;
	s30 =	sadd.s32 $0x60, s16  }
0x13d: {  	[hbm4b:s30+s3] =	stream.linear.scatter [tilespmem:s29], [sflag:$0x1], $0x80, $0x38;
	[tilespmem:$0x14080] =	vst v63  }
0x13e: {  	s31 =	rddreg [dreg:$0x11];
	s15 =	simm.s32 $0xEEF8;
	s13 =	sadd.s32 $0x70, s16  }
0x13f: {  	[hbm4b:s13+s3] =	stream.linear.scatter [tilespmem:s15], [sflag:$0x1], $0x80, $0x38;
	[tilespmem:$0x14080] =	vst v63  }
0x140: {  	s16 =	sadd.s32 s12, s31;
	s17 =	simm.s32 $0xA978  }
0x141: {  	[hbm4b:s16+s3] =	stream.linear.scatter [tilespmem:s17], [sflag:$0x1], $0x80, $0x38;
	[tilespmem:$0x14080] =	vst v63  }
0x142: {  	s18 =	simm.s32 $0xB378;
	s19 =	sadd.s32 $0x10, s16  }
0x143: {  	[hbm4b:s19+s3] =	stream.linear.scatter [tilespmem:s18], [sflag:$0x1], $0x80, $0x38;
	[tilespmem:$0x14080] =	vst v63  }
0x144: {  	s20 =	simm.s32 $0xBD78;
	s21 =	sadd.s32 $0x20, s16  }
0x145: {  	[hbm4b:s21+s3] =	stream.linear.scatter [tilespmem:s20], [sflag:$0x1], $0x80, $0x38;
	[tilespmem:$0x14080] =	vst v63  }
0x146: {  	s22 =	simm.s32 $0xC778;
	s23 =	sadd.s32 $0x30, s16  }
0x147: {  	[hbm4b:s23+s3] =	stream.linear.scatter [tilespmem:s22], [sflag:$0x1], $0x80, $0x38;
	[tilespmem:$0x14080] =	vst v63  }
0x148: {  	s24 =	simm.s32 $0xD178;
	s25 =	sadd.s32 $0x40, s16  }
0x149: {  	[hbm4b:s25+s3] =	stream.linear.scatter [tilespmem:s24], [sflag:$0x1], $0x80, $0x38;
	[tilespmem:$0x14080] =	vst v63  }
0x14a: {  	s26 =	simm.s32 $0xDB78;
	s28 =	sadd.s32 $0x50, s16  }
0x14b: {  	[hbm4b:s28+s3] =	stream.linear.scatter [tilespmem:s26], [sflag:$0x1], $0x80, $0x38;
	[tilespmem:$0x14080] =	vst v63  }
0x14c: {  	s29 =	simm.s32 $0xE578;
	s30 =	sadd.s32 $0x60, s16  }
0x14d: {  	[hbm4b:s30+s3] =	stream.linear.scatter [tilespmem:s29], [sflag:$0x1], $0x80, $0x38;
	[tilespmem:$0x14080] =	vst v63  }
0x14e: {  	s31 =	rddreg [dreg:$0x12];
	s15 =	simm.s32 $0xEF78;
	s13 =	sadd.s32 $0x70, s16  }
0x14f: {  	[hbm4b:s13+s3] =	stream.linear.scatter [tilespmem:s15], [sflag:$0x1], $0x80, $0x38;
	[tilespmem:$0x14080] =	vst v63  }
0x150: {  	s16 =	sadd.s32 s12, s31;
	s17 =	simm.s32 $0xA9F8  }
0x151: {  	[hbm4b:s16+s3] =	stream.linear.scatter [tilespmem:s17], [sflag:$0x1], $0x80, $0x38;
	[tilespmem:$0x14080] =	vst v63  }
0x152: {  	s18 =	simm.s32 $0xB3F8;
	s19 =	sadd.s32 $0x10, s16  }
0x153: {  	[hbm4b:s19+s3] =	stream.linear.scatter [tilespmem:s18], [sflag:$0x1], $0x80, $0x38;
	[tilespmem:$0x14080] =	vst v63  }
0x154: {  	s20 =	simm.s32 $0xBDF8;
	s21 =	sadd.s32 $0x20, s16  }
0x155: {  	[hbm4b:s21+s3] =	stream.linear.scatter [tilespmem:s20], [sflag:$0x1], $0x80, $0x38;
	[tilespmem:$0x14080] =	vst v63  }
0x156: {  	s22 =	simm.s32 $0xC7F8;
	s23 =	sadd.s32 $0x30, s16  }
0x157: {  	[hbm4b:s23+s3] =	stream.linear.scatter [tilespmem:s22], [sflag:$0x1], $0x80, $0x38;
	[tilespmem:$0x14080] =	vst v63  }
0x158: {  	s24 =	simm.s32 $0xD1F8;
	s25 =	sadd.s32 $0x40, s16  }
0x159: {  	[hbm4b:s25+s3] =	stream.linear.scatter [tilespmem:s24], [sflag:$0x1], $0x80, $0x38;
	[tilespmem:$0x14080] =	vst v63  }
0x15a: {  	s26 =	simm.s32 $0xDBF8;
	s28 =	sadd.s32 $0x50, s16  }
0x15b: {  	[hbm4b:s28+s3] =	stream.linear.scatter [tilespmem:s26], [sflag:$0x1], $0x80, $0x38;
	[tilespmem:$0x14080] =	vst v63  }
0x15c: {  	s29 =	simm.s32 $0xE5F8;
	s30 =	sadd.s32 $0x60, s16  }
0x15d: {  	[hbm4b:s30+s3] =	stream.linear.scatter [tilespmem:s29], [sflag:$0x1], $0x80, $0x38;
	[tilespmem:$0x14080] =	vst v63  }
0x15e: {  	s31 =	rddreg [dreg:$0x13];
	s15 =	simm.s32 $0xEFF8;
	s13 =	sadd.s32 $0x70, s16  }
0x15f: {  	[hbm4b:s13+s3] =	stream.linear.scatter [tilespmem:s15], [sflag:$0x1], $0x80, $0x38;
	[tilespmem:$0x14080] =	vst v63  }
0x160: {  	s16 =	sadd.s32 s12, s31;
	s17 =	simm.s32 $0xF278  }
0x161: {  	[hbm4b:s16+s3] =	stream.linear.scatter [tilespmem:s17], [sflag:$0x1], $0x80, $0x38;
	[tilespmem:$0x14080] =	vst v63  }
0x162: {  	s18 =	simm.s32 $0xFC78;
	s19 =	sadd.s32 $0x10, s16  }
0x163: {  	[hbm4b:s19+s3] =	stream.linear.scatter [tilespmem:s18], [sflag:$0x1], $0x80, $0x38;
	[tilespmem:$0x14080] =	vst v63  }
0x164: {  	s20 =	simm.s32 $0x10678;
	s21 =	sadd.s32 $0x20, s16  }
0x165: {  	[hbm4b:s21+s3] =	stream.linear.scatter [tilespmem:s20], [sflag:$0x1], $0x80, $0x38;
	[tilespmem:$0x14080] =	vst v63  }
0x166: {  	s22 =	simm.s32 $0x11078;
	s23 =	sadd.s32 $0x30, s16  }
0x167: {  	[hbm4b:s23+s3] =	stream.linear.scatter [tilespmem:s22], [sflag:$0x1], $0x80, $0x38;
	[tilespmem:$0x14080] =	vst v63  }
0x168: {  	s24 =	simm.s32 $0x11A78;
	s25 =	sadd.s32 $0x40, s16  }
0x169: {  	[hbm4b:s25+s3] =	stream.linear.scatter [tilespmem:s24], [sflag:$0x1], $0x80, $0x38;
	[tilespmem:$0x14080] =	vst v63  }
0x16a: {  	s26 =	simm.s32 $0x12478;
	s28 =	sadd.s32 $0x50, s16  }
0x16b: {  	[hbm4b:s28+s3] =	stream.linear.scatter [tilespmem:s26], [sflag:$0x1], $0x80, $0x38;
	[tilespmem:$0x14080] =	vst v63  }
0x16c: {  	s29 =	simm.s32 $0x12E78;
	s30 =	sadd.s32 $0x60, s16  }
0x16d: {  	[hbm4b:s30+s3] =	stream.linear.scatter [tilespmem:s29], [sflag:$0x1], $0x80, $0x38;
	[tilespmem:$0x14080] =	vst v63  }
0x16e: {  	s31 =	rddreg [dreg:$0x14];
	s15 =	simm.s32 $0x13878;
	s13 =	sadd.s32 $0x70, s16  }
0x16f: {  	[hbm4b:s13+s3] =	stream.linear.scatter [tilespmem:s15], [sflag:$0x1], $0x80, $0x38;
	[tilespmem:$0x14080] =	vst v63  }
0x170: {  	s16 =	sadd.s32 s12, s31;
	s17 =	simm.s32 $0xF2F8  }
0x171: {  	[hbm4b:s16+s3] =	stream.linear.scatter [tilespmem:s17], [sflag:$0x1], $0x80, $0x38;
	[tilespmem:$0x14080] =	vst v63  }
0x172: {  	s18 =	simm.s32 $0xFCF8;
	s19 =	sadd.s32 $0x10, s16  }
0x173: {  	[hbm4b:s19+s3] =	stream.linear.scatter [tilespmem:s18], [sflag:$0x1], $0x80, $0x38;
	[tilespmem:$0x14080] =	vst v63  }
0x174: {  	s20 =	simm.s32 $0x106F8;
	s21 =	sadd.s32 $0x20, s16  }
0x175: {  	[hbm4b:s21+s3] =	stream.linear.scatter [tilespmem:s20], [sflag:$0x1], $0x80, $0x38;
	[tilespmem:$0x14080] =	vst v63  }
0x176: {  	s22 =	simm.s32 $0x110F8;
	s23 =	sadd.s32 $0x30, s16  }
0x177: {  	[hbm4b:s23+s3] =	stream.linear.scatter [tilespmem:s22], [sflag:$0x1], $0x80, $0x38;
	[tilespmem:$0x14080] =	vst v63  }
0x178: {  	s24 =	simm.s32 $0x11AF8;
	s25 =	sadd.s32 $0x40, s16  }
0x179: {  	[hbm4b:s25+s3] =	stream.linear.scatter [tilespmem:s24], [sflag:$0x1], $0x80, $0x38;
	[tilespmem:$0x14080] =	vst v63  }
0x17a: {  	s26 =	simm.s32 $0x124F8;
	s28 =	sadd.s32 $0x50, s16  }
0x17b: {  	[hbm4b:s28+s3] =	stream.linear.scatter [tilespmem:s26], [sflag:$0x1], $0x80, $0x38;
	[tilespmem:$0x14080] =	vst v63  }
0x17c: {  	s29 =	simm.s32 $0x12EF8;
	s30 =	sadd.s32 $0x60, s16  }
0x17d: {  	[hbm4b:s30+s3] =	stream.linear.scatter [tilespmem:s29], [sflag:$0x1], $0x80, $0x38;
	[tilespmem:$0x14080] =	vst v63  }
0x17e: {  	s31 =	rddreg [dreg:$0x15];
	s15 =	simm.s32 $0x138F8;
	s13 =	sadd.s32 $0x70, s16  }
0x17f: {  	[hbm4b:s13+s3] =	stream.linear.scatter [tilespmem:s15], [sflag:$0x1], $0x80, $0x38;
	[tilespmem:$0x14080] =	vst v63  }
0x180: {  	s16 =	sadd.s32 s12, s31;
	s17 =	simm.s32 $0xF378  }
0x181: {  	[hbm4b:s16+s3] =	stream.linear.scatter [tilespmem:s17], [sflag:$0x1], $0x80, $0x38;
	[tilespmem:$0x14080] =	vst v63  }
0x182: {  	s18 =	simm.s32 $0xFD78;
	s19 =	sadd.s32 $0x10, s16  }
0x183: {  	[hbm4b:s19+s3] =	stream.linear.scatter [tilespmem:s18], [sflag:$0x1], $0x80, $0x38;
	[tilespmem:$0x14080] =	vst v63  }
0x184: {  	s20 =	simm.s32 $0x10778;
	s21 =	sadd.s32 $0x20, s16  }
0x185: {  	[hbm4b:s21+s3] =	stream.linear.scatter [tilespmem:s20], [sflag:$0x1], $0x80, $0x38;
	[tilespmem:$0x14080] =	vst v63  }
0x186: {  	s22 =	simm.s32 $0x11178;
	s23 =	sadd.s32 $0x30, s16  }
0x187: {  	[hbm4b:s23+s3] =	stream.linear.scatter [tilespmem:s22], [sflag:$0x1], $0x80, $0x38;
	[tilespmem:$0x14080] =	vst v63  }
0x188: {  	s24 =	simm.s32 $0x11B78;
	s25 =	sadd.s32 $0x40, s16  }
0x189: {  	[hbm4b:s25+s3] =	stream.linear.scatter [tilespmem:s24], [sflag:$0x1], $0x80, $0x38;
	[tilespmem:$0x14080] =	vst v63  }
0x18a: {  	s26 =	simm.s32 $0x12578;
	s28 =	sadd.s32 $0x50, s16  }
0x18b: {  	[hbm4b:s28+s3] =	stream.linear.scatter [tilespmem:s26], [sflag:$0x1], $0x80, $0x38;
	[tilespmem:$0x14080] =	vst v63  }
0x18c: {  	s29 =	simm.s32 $0x12F78;
	s30 =	sadd.s32 $0x60, s16  }
0x18d: {  	[hbm4b:s30+s3] =	stream.linear.scatter [tilespmem:s29], [sflag:$0x1], $0x80, $0x38;
	[tilespmem:$0x14080] =	vst v63  }
0x18e: {  	s31 =	rddreg [dreg:$0x16];
	s15 =	simm.s32 $0x13978;
	s13 =	sadd.s32 $0x70, s16  }
0x18f: {  	[hbm4b:s13+s3] =	stream.linear.scatter [tilespmem:s15], [sflag:$0x1], $0x80, $0x38;
	[tilespmem:$0x14080] =	vst v63  }
0x190: {  	s16 =	sadd.s32 s12, s31;
	s17 =	simm.s32 $0xF3F8  }
0x191: {  	[hbm4b:s16+s3] =	stream.linear.scatter [tilespmem:s17], [sflag:$0x1], $0x80, $0x38;
	[tilespmem:$0x14080] =	vst v63  }
0x192: {  	s18 =	simm.s32 $0xFDF8;
	s19 =	sadd.s32 $0x10, s16  }
0x193: {  	[hbm4b:s19+s3] =	stream.linear.scatter [tilespmem:s18], [sflag:$0x1], $0x80, $0x38;
	[tilespmem:$0x14080] =	vst v63  }
0x194: {  	s20 =	simm.s32 $0x107F8;
	s21 =	sadd.s32 $0x20, s16  }
0x195: {  	[hbm4b:s21+s3] =	stream.linear.scatter [tilespmem:s20], [sflag:$0x1], $0x80, $0x38;
	[tilespmem:$0x14080] =	vst v63  }
0x196: {  	s22 =	simm.s32 $0x111F8;
	s23 =	sadd.s32 $0x30, s16  }
0x197: {  	[hbm4b:s23+s3] =	stream.linear.scatter [tilespmem:s22], [sflag:$0x1], $0x80, $0x38;
	[tilespmem:$0x14080] =	vst v63  }
0x198: {  	s24 =	simm.s32 $0x11BF8;
	s25 =	sadd.s32 $0x40, s16  }
0x199: {  	[hbm4b:s25+s3] =	stream.linear.scatter [tilespmem:s24], [sflag:$0x1], $0x80, $0x38;
	[tilespmem:$0x14080] =	vst v63  }
0x19a: {  	s26 =	simm.s32 $0x125F8;
	s28 =	sadd.s32 $0x50, s16  }
0x19b: {  	[hbm4b:s28+s3] =	stream.linear.scatter [tilespmem:s26], [sflag:$0x1], $0x80, $0x38;
	[tilespmem:$0x14080] =	vst v63  }
0x19c: {  	s29 =	simm.s32 $0x12FF8;
	s30 =	sadd.s32 $0x60, s16  }
0x19d: {  	[hbm4b:s30+s3] =	stream.linear.scatter [tilespmem:s29], [sflag:$0x1], $0x80, $0x38;
	[tilespmem:$0x14080] =	vst v63  }
0x19e: {  	s31 =	rddreg [dreg:$0x17];
	s15 =	simm.s32 $0x139F8;
	s13 =	sadd.s32 $0x70, s16  }
0x19f: {  	[hbm4b:s13+s3] =	stream.linear.scatter [tilespmem:s15], [sflag:$0x1], $0x80, $0x38;
	[tilespmem:$0x14080] =	vst v63  }
0x1a0: {  	s16 =	sadd.s32 s12, s31;
	s17 =	simm.s32 $0xF478  }
0x1a1: {  	[hbm4b:s16+s3] =	stream.linear.scatter [tilespmem:s17], [sflag:$0x1], $0x80, $0x38;
	[tilespmem:$0x14080] =	vst v63  }
0x1a2: {  	s18 =	simm.s32 $0xFE78;
	s19 =	sadd.s32 $0x10, s16  }
0x1a3: {  	[hbm4b:s19+s3] =	stream.linear.scatter [tilespmem:s18], [sflag:$0x1], $0x80, $0x38;
	[tilespmem:$0x14080] =	vst v63  }
0x1a4: {  	s20 =	simm.s32 $0x10878;
	s21 =	sadd.s32 $0x20, s16  }
0x1a5: {  	[hbm4b:s21+s3] =	stream.linear.scatter [tilespmem:s20], [sflag:$0x1], $0x80, $0x38;
	[tilespmem:$0x14080] =	vst v63  }
0x1a6: {  	s22 =	simm.s32 $0x11278;
	s23 =	sadd.s32 $0x30, s16  }
0x1a7: {  	[hbm4b:s23+s3] =	stream.linear.scatter [tilespmem:s22], [sflag:$0x1], $0x80, $0x38;
	[tilespmem:$0x14080] =	vst v63  }
0x1a8: {  	s24 =	simm.s32 $0x11C78;
	s25 =	sadd.s32 $0x40, s16  }
0x1a9: {  	[hbm4b:s25+s3] =	stream.linear.scatter [tilespmem:s24], [sflag:$0x1], $0x80, $0x38;
	[tilespmem:$0x14080] =	vst v63  }
0x1aa: {  	s26 =	simm.s32 $0x12678;
	s28 =	sadd.s32 $0x50, s16  }
0x1ab: {  	[hbm4b:s28+s3] =	stream.linear.scatter [tilespmem:s26], [sflag:$0x1], $0x80, $0x38;
	[tilespmem:$0x14080] =	vst v63  }
0x1ac: {  	s29 =	simm.s32 $0x13078;
	s30 =	sadd.s32 $0x60, s16  }
0x1ad: {  	[hbm4b:s30+s3] =	stream.linear.scatter [tilespmem:s29], [sflag:$0x1], $0x80, $0x38;
	[tilespmem:$0x14080] =	vst v63  }
0x1ae: {  	s31 =	rddreg [dreg:$0x18];
	s15 =	simm.s32 $0x13A78;
	s13 =	sadd.s32 $0x70, s16  }
0x1af: {  	[hbm4b:s13+s3] =	stream.linear.scatter [tilespmem:s15], [sflag:$0x1], $0x80, $0x38;
	[tilespmem:$0x14080] =	vst v63  }
0x1b0: {  	s16 =	sadd.s32 s12, s31;
	s17 =	simm.s32 $0xF4F8  }
0x1b1: {  	[hbm4b:s16+s3] =	stream.linear.scatter [tilespmem:s17], [sflag:$0x1], $0x80, $0x38;
	[tilespmem:$0x14080] =	vst v63  }
0x1b2: {  	s18 =	simm.s32 $0xFEF8;
	s19 =	sadd.s32 $0x10, s16  }
0x1b3: {  	[hbm4b:s19+s3] =	stream.linear.scatter [tilespmem:s18], [sflag:$0x1], $0x80, $0x38;
	[tilespmem:$0x14080] =	vst v63  }
0x1b4: {  	s20 =	simm.s32 $0x108F8;
	s21 =	sadd.s32 $0x20, s16  }
0x1b5: {  	[hbm4b:s21+s3] =	stream.linear.scatter [tilespmem:s20], [sflag:$0x1], $0x80, $0x38;
	[tilespmem:$0x14080] =	vst v63  }
0x1b6: {  	s22 =	simm.s32 $0x112F8;
	s23 =	sadd.s32 $0x30, s16  }
0x1b7: {  	[hbm4b:s23+s3] =	stream.linear.scatter [tilespmem:s22], [sflag:$0x1], $0x80, $0x38;
	[tilespmem:$0x14080] =	vst v63  }
0x1b8: {  	s24 =	simm.s32 $0x11CF8;
	s25 =	sadd.s32 $0x40, s16  }
0x1b9: {  	[hbm4b:s25+s3] =	stream.linear.scatter [tilespmem:s24], [sflag:$0x1], $0x80, $0x38;
	[tilespmem:$0x14080] =	vst v63  }
0x1ba: {  	s26 =	simm.s32 $0x126F8;
	s28 =	sadd.s32 $0x50, s16  }
0x1bb: {  	[hbm4b:s28+s3] =	stream.linear.scatter [tilespmem:s26], [sflag:$0x1], $0x80, $0x38;
	[tilespmem:$0x14080] =	vst v63  }
0x1bc: {  	s29 =	simm.s32 $0x130F8;
	s30 =	sadd.s32 $0x60, s16  }
0x1bd: {  	[hbm4b:s30+s3] =	stream.linear.scatter [tilespmem:s29], [sflag:$0x1], $0x80, $0x38;
	[tilespmem:$0x14080] =	vst v63  }
0x1be: {  	s31 =	rddreg [dreg:$0x19];
	s15 =	simm.s32 $0x13AF8;
	s13 =	sadd.s32 $0x70, s16  }
0x1bf: {  	[hbm4b:s13+s3] =	stream.linear.scatter [tilespmem:s15], [sflag:$0x1], $0x80, $0x38;
	[tilespmem:$0x14080] =	vst v63  }
0x1c0: {  	s16 =	sadd.s32 s12, s31;
	s17 =	simm.s32 $0xF578  }
0x1c1: {  	[hbm4b:s16+s3] =	stream.linear.scatter [tilespmem:s17], [sflag:$0x1], $0x80, $0x38;
	[tilespmem:$0x14080] =	vst v63  }
0x1c2: {  	s18 =	simm.s32 $0xFF78;
	s19 =	sadd.s32 $0x10, s16  }
0x1c3: {  	[hbm4b:s19+s3] =	stream.linear.scatter [tilespmem:s18], [sflag:$0x1], $0x80, $0x38;
	[tilespmem:$0x14080] =	vst v63  }
0x1c4: {  	s20 =	simm.s32 $0x10978;
	s21 =	sadd.s32 $0x20, s16  }
0x1c5: {  	[hbm4b:s21+s3] =	stream.linear.scatter [tilespmem:s20], [sflag:$0x1], $0x80, $0x38;
	[tilespmem:$0x14080] =	vst v63  }
0x1c6: {  	s22 =	simm.s32 $0x11378;
	s23 =	sadd.s32 $0x30, s16  }
0x1c7: {  	[hbm4b:s23+s3] =	stream.linear.scatter [tilespmem:s22], [sflag:$0x1], $0x80, $0x38;
	[tilespmem:$0x14080] =	vst v63  }
0x1c8: {  	s24 =	simm.s32 $0x11D78;
	s25 =	sadd.s32 $0x40, s16  }
0x1c9: {  	[hbm4b:s25+s3] =	stream.linear.scatter [tilespmem:s24], [sflag:$0x1], $0x80, $0x38;
	[tilespmem:$0x14080] =	vst v63  }
0x1ca: {  	s26 =	simm.s32 $0x12778;
	s28 =	sadd.s32 $0x50, s16  }
0x1cb: {  	[hbm4b:s28+s3] =	stream.linear.scatter [tilespmem:s26], [sflag:$0x1], $0x80, $0x38;
	[tilespmem:$0x14080] =	vst v63  }
0x1cc: {  	s29 =	simm.s32 $0x13178;
	s30 =	sadd.s32 $0x60, s16  }
0x1cd: {  	[hbm4b:s30+s3] =	stream.linear.scatter [tilespmem:s29], [sflag:$0x1], $0x80, $0x38;
	[tilespmem:$0x14080] =	vst v63  }
0x1ce: {  	s31 =	rddreg [dreg:$0x1a];
	s15 =	simm.s32 $0x13B78;
	s13 =	sadd.s32 $0x70, s16  }
0x1cf: {  	[hbm4b:s13+s3] =	stream.linear.scatter [tilespmem:s15], [sflag:$0x1], $0x80, $0x38;
	[tilespmem:$0x14080] =	vst v63  }
0x1d0: {  	s16 =	sadd.s32 s12, s31;
	s17 =	simm.s32 $0xF5F8  }
0x1d1: {  	[hbm4b:s16+s3] =	stream.linear.scatter [tilespmem:s17], [sflag:$0x1], $0x80, $0x38;
	[tilespmem:$0x14080] =	vst v63  }
0x1d2: {  	s18 =	simm.s32 $0xFFF8;
	s19 =	sadd.s32 $0x10, s16  }
0x1d3: {  	[hbm4b:s19+s3] =	stream.linear.scatter [tilespmem:s18], [sflag:$0x1], $0x80, $0x38;
	[tilespmem:$0x14080] =	vst v63  }
0x1d4: {  	s20 =	simm.s32 $0x109F8;
	s21 =	sadd.s32 $0x20, s16  }
0x1d5: {  	[hbm4b:s21+s3] =	stream.linear.scatter [tilespmem:s20], [sflag:$0x1], $0x80, $0x38;
	[tilespmem:$0x14080] =	vst v63  }
0x1d6: {  	s22 =	simm.s32 $0x113F8;
	s23 =	sadd.s32 $0x30, s16  }
0x1d7: {  	[hbm4b:s23+s3] =	stream.linear.scatter [tilespmem:s22], [sflag:$0x1], $0x80, $0x38;
	[tilespmem:$0x14080] =	vst v63  }
0x1d8: {  	s24 =	simm.s32 $0x11DF8;
	s25 =	sadd.s32 $0x40, s16  }
0x1d9: {  	[hbm4b:s25+s3] =	stream.linear.scatter [tilespmem:s24], [sflag:$0x1], $0x80, $0x38;
	[tilespmem:$0x14080] =	vst v63  }
0x1da: {  	s26 =	simm.s32 $0x127F8;
	s28 =	sadd.s32 $0x50, s16  }
0x1db: {  	[hbm4b:s28+s3] =	stream.linear.scatter [tilespmem:s26], [sflag:$0x1], $0x80, $0x38;
	[tilespmem:$0x14080] =	vst v63  }
0x1dc: {  	s29 =	simm.s32 $0x131F8;
	s30 =	sadd.s32 $0x60, s16  }
0x1dd: {  	[hbm4b:s30+s3] =	stream.linear.scatter [tilespmem:s29], [sflag:$0x1], $0x80, $0x38;
	[tilespmem:$0x14080] =	vst v63  }
0x1de: {  	s31 =	rddreg [dreg:$0x1b];
	s15 =	simm.s32 $0x13BF8;
	s13 =	sadd.s32 $0x70, s16  }
0x1df: {  	[hbm4b:s13+s3] =	stream.linear.scatter [tilespmem:s15], [sflag:$0x1], $0x80, $0x38;
	[tilespmem:$0x14080] =	vst v63  }
0x1e0: {  	s16 =	sadd.s32 s12, s31;
	s17 =	simm.s32 $0xF678  }
0x1e1: {  	[hbm4b:s16+s3] =	stream.linear.scatter [tilespmem:s17], [sflag:$0x1], $0x80, $0x38;
	[tilespmem:$0x14080] =	vst v63  }
0x1e2: {  	s18 =	simm.s32 $0x10078;
	s19 =	sadd.s32 $0x10, s16  }
0x1e3: {  	[hbm4b:s19+s3] =	stream.linear.scatter [tilespmem:s18], [sflag:$0x1], $0x80, $0x38;
	[tilespmem:$0x14080] =	vst v63  }
0x1e4: {  	s20 =	simm.s32 $0x10A78;
	s21 =	sadd.s32 $0x20, s16  }
0x1e5: {  	[hbm4b:s21+s3] =	stream.linear.scatter [tilespmem:s20], [sflag:$0x1], $0x80, $0x38;
	[tilespmem:$0x14080] =	vst v63  }
0x1e6: {  	s22 =	simm.s32 $0x11478;
	s23 =	sadd.s32 $0x30, s16  }
0x1e7: {  	[hbm4b:s23+s3] =	stream.linear.scatter [tilespmem:s22], [sflag:$0x1], $0x80, $0x38;
	[tilespmem:$0x14080] =	vst v63  }
0x1e8: {  	s24 =	simm.s32 $0x11E78;
	s25 =	sadd.s32 $0x40, s16  }
0x1e9: {  	[hbm4b:s25+s3] =	stream.linear.scatter [tilespmem:s24], [sflag:$0x1], $0x80, $0x38;
	[tilespmem:$0x14080] =	vst v63  }
0x1ea: {  	s26 =	simm.s32 $0x12878;
	s28 =	sadd.s32 $0x50, s16  }
0x1eb: {  	[hbm4b:s28+s3] =	stream.linear.scatter [tilespmem:s26], [sflag:$0x1], $0x80, $0x38;
	[tilespmem:$0x14080] =	vst v63  }
0x1ec: {  	s29 =	simm.s32 $0x13278;
	s30 =	sadd.s32 $0x60, s16  }
0x1ed: {  	[hbm4b:s30+s3] =	stream.linear.scatter [tilespmem:s29], [sflag:$0x1], $0x80, $0x38;
	[tilespmem:$0x14080] =	vst v63  }
0x1ee: {  	s31 =	rddreg [dreg:$0x1c];
	s15 =	simm.s32 $0x13C78;
	s13 =	sadd.s32 $0x70, s16  }
0x1ef: {  	[hbm4b:s13+s3] =	stream.linear.scatter [tilespmem:s15], [sflag:$0x1], $0x80, $0x38;
	[tilespmem:$0x14080] =	vst v63  }
0x1f0: {  	s16 =	sadd.s32 s12, s31;
	s17 =	simm.s32 $0xF6F8  }
0x1f1: {  	[hbm4b:s16+s3] =	stream.linear.scatter [tilespmem:s17], [sflag:$0x1], $0x80, $0x38;
	[tilespmem:$0x14080] =	vst v63  }
0x1f2: {  	s18 =	simm.s32 $0x100F8;
	s19 =	sadd.s32 $0x10, s16  }
0x1f3: {  	[hbm4b:s19+s3] =	stream.linear.scatter [tilespmem:s18], [sflag:$0x1], $0x80, $0x38;
	[tilespmem:$0x14080] =	vst v63  }
0x1f4: {  	s20 =	simm.s32 $0x10AF8;
	s21 =	sadd.s32 $0x20, s16  }
0x1f5: {  	[hbm4b:s21+s3] =	stream.linear.scatter [tilespmem:s20], [sflag:$0x1], $0x80, $0x38;
	[tilespmem:$0x14080] =	vst v63  }
0x1f6: {  	s22 =	simm.s32 $0x114F8;
	s23 =	sadd.s32 $0x30, s16  }
0x1f7: {  	[hbm4b:s23+s3] =	stream.linear.scatter [tilespmem:s22], [sflag:$0x1], $0x80, $0x38;
	[tilespmem:$0x14080] =	vst v63  }
0x1f8: {  	s24 =	simm.s32 $0x11EF8;
	s25 =	sadd.s32 $0x40, s16  }
0x1f9: {  	[hbm4b:s25+s3] =	stream.linear.scatter [tilespmem:s24], [sflag:$0x1], $0x80, $0x38;
	[tilespmem:$0x14080] =	vst v63  }
0x1fa: {  	s26 =	simm.s32 $0x128F8;
	s28 =	sadd.s32 $0x50, s16  }
0x1fb: {  	[hbm4b:s28+s3] =	stream.linear.scatter [tilespmem:s26], [sflag:$0x1], $0x80, $0x38;
	[tilespmem:$0x14080] =	vst v63  }
0x1fc: {  	s29 =	simm.s32 $0x132F8;
	s30 =	sadd.s32 $0x60, s16  }
0x1fd: {  	[hbm4b:s30+s3] =	stream.linear.scatter [tilespmem:s29], [sflag:$0x1], $0x80, $0x38;
	[tilespmem:$0x14080] =	vst v63  }
0x1fe: {  	s31 =	rddreg [dreg:$0x1d];
	s15 =	simm.s32 $0x13CF8;
	s13 =	sadd.s32 $0x70, s16  }
0x1ff: {  	[hbm4b:s13+s3] =	stream.linear.scatter [tilespmem:s15], [sflag:$0x1], $0x80, $0x38;
	[tilespmem:$0x14080] =	vst v63  }
0x200: {  	s16 =	sadd.s32 s12, s31;
	s17 =	simm.s32 $0xF778  }
0x201: {  	[hbm4b:s16+s3] =	stream.linear.scatter [tilespmem:s17], [sflag:$0x1], $0x80, $0x38;
	[tilespmem:$0x14080] =	vst v63  }
0x202: {  	s18 =	simm.s32 $0x10178;
	s19 =	sadd.s32 $0x10, s16  }
0x203: {  	[hbm4b:s19+s3] =	stream.linear.scatter [tilespmem:s18], [sflag:$0x1], $0x80, $0x38;
	[tilespmem:$0x14080] =	vst v63  }
0x204: {  	s20 =	simm.s32 $0x10B78;
	s21 =	sadd.s32 $0x20, s16  }
0x205: {  	[hbm4b:s21+s3] =	stream.linear.scatter [tilespmem:s20], [sflag:$0x1], $0x80, $0x38;
	[tilespmem:$0x14080] =	vst v63  }
0x206: {  	s22 =	simm.s32 $0x11578;
	s23 =	sadd.s32 $0x30, s16  }
0x207: {  	[hbm4b:s23+s3] =	stream.linear.scatter [tilespmem:s22], [sflag:$0x1], $0x80, $0x38;
	[tilespmem:$0x14080] =	vst v63  }
0x208: {  	s24 =	simm.s32 $0x11F78;
	s25 =	sadd.s32 $0x40, s16  }
0x209: {  	[hbm4b:s25+s3] =	stream.linear.scatter [tilespmem:s24], [sflag:$0x1], $0x80, $0x38;
	[tilespmem:$0x14080] =	vst v63  }
0x20a: {  	s26 =	simm.s32 $0x12978;
	s28 =	sadd.s32 $0x50, s16  }
0x20b: {  	[hbm4b:s28+s3] =	stream.linear.scatter [tilespmem:s26], [sflag:$0x1], $0x80, $0x38;
	[tilespmem:$0x14080] =	vst v63  }
0x20c: {  	s29 =	simm.s32 $0x13378;
	s30 =	sadd.s32 $0x60, s16  }
0x20d: {  	[hbm4b:s30+s3] =	stream.linear.scatter [tilespmem:s29], [sflag:$0x1], $0x80, $0x38;
	[tilespmem:$0x14080] =	vst v63  }
0x20e: {  	s31 =	rddreg [dreg:$0x1e];
	s15 =	simm.s32 $0x13D78;
	s13 =	sadd.s32 $0x70, s16  }
0x20f: {  	[hbm4b:s13+s3] =	stream.linear.scatter [tilespmem:s15], [sflag:$0x1], $0x80, $0x38;
	[tilespmem:$0x14080] =	vst v63  }
0x210: {  	s16 =	sadd.s32 s12, s31;
	s17 =	simm.s32 $0xF7F8  }
0x211: {  	[hbm4b:s16+s3] =	stream.linear.scatter [tilespmem:s17], [sflag:$0x1], $0x80, $0x38;
	[tilespmem:$0x14080] =	vst v63  }
0x212: {  	s18 =	simm.s32 $0x101F8;
	s19 =	sadd.s32 $0x10, s16  }
0x213: {  	[hbm4b:s19+s3] =	stream.linear.scatter [tilespmem:s18], [sflag:$0x1], $0x80, $0x38;
	[tilespmem:$0x14080] =	vst v63  }
0x214: {  	s20 =	simm.s32 $0x10BF8;
	s21 =	sadd.s32 $0x20, s16  }
0x215: {  	[hbm4b:s21+s3] =	stream.linear.scatter [tilespmem:s20], [sflag:$0x1], $0x80, $0x38;
	[tilespmem:$0x14080] =	vst v63  }
0x216: {  	s22 =	simm.s32 $0x115F8;
	s23 =	sadd.s32 $0x30, s16  }
0x217: {  	[hbm4b:s23+s3] =	stream.linear.scatter [tilespmem:s22], [sflag:$0x1], $0x80, $0x38;
	[tilespmem:$0x14080] =	vst v63  }
0x218: {  	s24 =	simm.s32 $0x11FF8;
	s25 =	sadd.s32 $0x40, s16  }
0x219: {  	[hbm4b:s25+s3] =	stream.linear.scatter [tilespmem:s24], [sflag:$0x1], $0x80, $0x38;
	[tilespmem:$0x14080] =	vst v63  }
0x21a: {  	s26 =	simm.s32 $0x129F8;
	s28 =	sadd.s32 $0x50, s16  }
0x21b: {  	[hbm4b:s28+s3] =	stream.linear.scatter [tilespmem:s26], [sflag:$0x1], $0x80, $0x38;
	[tilespmem:$0x14080] =	vst v63  }
0x21c: {  	s29 =	simm.s32 $0x133F8;
	s30 =	sadd.s32 $0x60, s16  }
0x21d: {  	[hbm4b:s30+s3] =	stream.linear.scatter [tilespmem:s29], [sflag:$0x1], $0x80, $0x38;
	[tilespmem:$0x14080] =	vst v63  }
0x21e: {  	s31 =	rddreg [dreg:$0x1f];
	s15 =	simm.s32 $0x13DF8;
	s13 =	sadd.s32 $0x70, s16  }
0x21f: {  	[hbm4b:s13+s3] =	stream.linear.scatter [tilespmem:s15], [sflag:$0x1], $0x80, $0x38;
	[tilespmem:$0x14080] =	vst v63  }
0x220: {  	s16 =	sadd.s32 s12, s31;
	s17 =	simm.s32 $0xF878  }
0x221: {  	[hbm4b:s16+s3] =	stream.linear.scatter [tilespmem:s17], [sflag:$0x1], $0x80, $0x38;
	[tilespmem:$0x14080] =	vst v63  }
0x222: {  	s18 =	simm.s32 $0x10278;
	s19 =	sadd.s32 $0x10, s16  }
0x223: {  	[hbm4b:s19+s3] =	stream.linear.scatter [tilespmem:s18], [sflag:$0x1], $0x80, $0x38;
	[tilespmem:$0x14080] =	vst v63  }
0x224: {  	s20 =	simm.s32 $0x10C78;
	s21 =	sadd.s32 $0x20, s16  }
0x225: {  	[hbm4b:s21+s3] =	stream.linear.scatter [tilespmem:s20], [sflag:$0x1], $0x80, $0x38;
	[tilespmem:$0x14080] =	vst v63  }
0x226: {  	s22 =	simm.s32 $0x11678;
	s23 =	sadd.s32 $0x30, s16  }
0x227: {  	[hbm4b:s23+s3] =	stream.linear.scatter [tilespmem:s22], [sflag:$0x1], $0x80, $0x38;
	[tilespmem:$0x14080] =	vst v63  }
0x228: {  	s24 =	simm.s32 $0x12078;
	s25 =	sadd.s32 $0x40, s16  }
0x229: {  	[hbm4b:s25+s3] =	stream.linear.scatter [tilespmem:s24], [sflag:$0x1], $0x80, $0x38;
	[tilespmem:$0x14080] =	vst v63  }
0x22a: {  	s26 =	simm.s32 $0x12A78;
	s28 =	sadd.s32 $0x50, s16  }
0x22b: {  	[hbm4b:s28+s3] =	stream.linear.scatter [tilespmem:s26], [sflag:$0x1], $0x80, $0x38;
	[tilespmem:$0x14080] =	vst v63  }
0x22c: {  	s31 =	sld [smem:$0x7FB];
	s29 =	simm.s32 $0x13478;
	s30 =	sadd.s32 $0x60, s16  }
0x22d: {  	[hbm4b:s30+s3] =	stream.linear.scatter [tilespmem:s29], [sflag:$0x1], $0x80, $0x38;
	[tilespmem:$0x14080] =	vst v63  }
0x22e: {  	s15 =	simm.s32 $0x13E78;
	s13 =	sadd.s32 $0x70, s16  }
0x22f: {  	[hbm4b:s13+s3] =	stream.linear.scatter [tilespmem:s15], [sflag:$0x1], $0x80, $0x38;
	[tilespmem:$0x14080] =	vst v63  }
0x230: {  	s16 =	sadd.s32 s12, s31;
	s17 =	simm.s32 $0xF8F8  }
0x231: {  	[hbm4b:s16+s3] =	stream.linear.scatter [tilespmem:s17], [sflag:$0x1], $0x80, $0x38;
	[tilespmem:$0x14080] =	vst v63  }
0x232: {  	s18 =	simm.s32 $0x102F8;
	s19 =	sadd.s32 $0x10, s16  }
0x233: {  	[hbm4b:s19+s3] =	stream.linear.scatter [tilespmem:s18], [sflag:$0x1], $0x80, $0x38;
	[tilespmem:$0x14080] =	vst v63  }
0x234: {  	s20 =	simm.s32 $0x10CF8;
	s21 =	sadd.s32 $0x20, s16  }
0x235: {  	[hbm4b:s21+s3] =	stream.linear.scatter [tilespmem:s20], [sflag:$0x1], $0x80, $0x38;
	[tilespmem:$0x14080] =	vst v63  }
0x236: {  	s22 =	simm.s32 $0x116F8;
	s23 =	sadd.s32 $0x30, s16  }
0x237: {  	[hbm4b:s23+s3] =	stream.linear.scatter [tilespmem:s22], [sflag:$0x1], $0x80, $0x38;
	[tilespmem:$0x14080] =	vst v63  }
0x238: {  	s24 =	simm.s32 $0x120F8;
	s25 =	sadd.s32 $0x40, s16  }
0x239: {  	[hbm4b:s25+s3] =	stream.linear.scatter [tilespmem:s24], [sflag:$0x1], $0x80, $0x38;
	[tilespmem:$0x14080] =	vst v63  }
0x23a: {  	s26 =	simm.s32 $0x12AF8;
	s28 =	sadd.s32 $0x50, s16  }
0x23b: {  	[hbm4b:s28+s3] =	stream.linear.scatter [tilespmem:s26], [sflag:$0x1], $0x80, $0x38;
	[tilespmem:$0x14080] =	vst v63  }
0x23c: {  	s31 =	sld [smem:$0x7FC];
	s29 =	simm.s32 $0x134F8;
	s30 =	sadd.s32 $0x60, s16  }
0x23d: {  	[hbm4b:s30+s3] =	stream.linear.scatter [tilespmem:s29], [sflag:$0x1], $0x80, $0x38;
	[tilespmem:$0x14080] =	vst v63  }
0x23e: {  	s15 =	simm.s32 $0x13EF8;
	s13 =	sadd.s32 $0x70, s16  }
0x23f: {  	[hbm4b:s13+s3] =	stream.linear.scatter [tilespmem:s15], [sflag:$0x1], $0x80, $0x38;
	[tilespmem:$0x14080] =	vst v63  }
0x240: {  	s16 =	sadd.s32 s12, s31;
	s17 =	simm.s32 $0xF978  }
0x241: {  	[hbm4b:s16+s3] =	stream.linear.scatter [tilespmem:s17], [sflag:$0x1], $0x80, $0x38;
	[tilespmem:$0x14080] =	vst v63  }
0x242: {  	s18 =	simm.s32 $0x10378;
	s19 =	sadd.s32 $0x10, s16  }
0x243: {  	[hbm4b:s19+s3] =	stream.linear.scatter [tilespmem:s18], [sflag:$0x1], $0x80, $0x38;
	[tilespmem:$0x14080] =	vst v63  }
0x244: {  	s20 =	simm.s32 $0x10D78;
	s21 =	sadd.s32 $0x20, s16  }
0x245: {  	[hbm4b:s21+s3] =	stream.linear.scatter [tilespmem:s20], [sflag:$0x1], $0x80, $0x38;
	[tilespmem:$0x14080] =	vst v63  }
0x246: {  	s22 =	simm.s32 $0x11778;
	s23 =	sadd.s32 $0x30, s16  }
0x247: {  	[hbm4b:s23+s3] =	stream.linear.scatter [tilespmem:s22], [sflag:$0x1], $0x80, $0x38;
	[tilespmem:$0x14080] =	vst v63  }
0x248: {  	s24 =	simm.s32 $0x12178;
	s25 =	sadd.s32 $0x40, s16  }
0x249: {  	[hbm4b:s25+s3] =	stream.linear.scatter [tilespmem:s24], [sflag:$0x1], $0x80, $0x38;
	[tilespmem:$0x14080] =	vst v63  }
0x24a: {  	s26 =	simm.s32 $0x12B78;
	s28 =	sadd.s32 $0x50, s16  }
0x24b: {  	[hbm4b:s28+s3] =	stream.linear.scatter [tilespmem:s26], [sflag:$0x1], $0x80, $0x38;
	[tilespmem:$0x14080] =	vst v63  }
0x24c: {  	s31 =	sld [smem:$0x7FD];
	s29 =	simm.s32 $0x13578;
	s30 =	sadd.s32 $0x60, s16  }
0x24d: {  	[hbm4b:s30+s3] =	stream.linear.scatter [tilespmem:s29], [sflag:$0x1], $0x80, $0x38;
	[tilespmem:$0x14080] =	vst v63  }
0x24e: {  	s15 =	simm.s32 $0x13F78;
	s13 =	sadd.s32 $0x70, s16  }
0x24f: {  	[hbm4b:s13+s3] =	stream.linear.scatter [tilespmem:s15], [sflag:$0x1], $0x80, $0x38;
	[tilespmem:$0x14080] =	vst v63  }
0x250: {  	s12 =	sadd.s32 s12, s31;
	s17 =	simm.s32 $0xF9F8  }
0x251: {  	[hbm4b:s12+s3] =	stream.linear.scatter [tilespmem:s17], [sflag:$0x1], $0x80, $0x38;
	[tilespmem:$0x14080] =	vst v63  }
0x252: {  	s18 =	simm.s32 $0x103F8;
	s19 =	sadd.s32 $0x10, s12  }
0x253: {  	[hbm4b:s19+s3] =	stream.linear.scatter [tilespmem:s18], [sflag:$0x1], $0x80, $0x38;
	[tilespmem:$0x14080] =	vst v63  }
0x254: {  	s20 =	simm.s32 $0x10DF8;
	s21 =	sadd.s32 $0x20, s12  }
0x255: {  	[hbm4b:s21+s3] =	stream.linear.scatter [tilespmem:s20], [sflag:$0x1], $0x80, $0x38;
	[tilespmem:$0x14080] =	vst v63  }
0x256: {  	s22 =	simm.s32 $0x117F8;
	s23 =	sadd.s32 $0x30, s12  }
0x257: {  	[hbm4b:s23+s3] =	stream.linear.scatter [tilespmem:s22], [sflag:$0x1], $0x80, $0x38;
	[tilespmem:$0x14080] =	vst v63  }
0x258: {  	s24 =	simm.s32 $0x121F8;
	s25 =	sadd.s32 $0x40, s12  }
0x259: {  	[hbm4b:s25+s3] =	stream.linear.scatter [tilespmem:s24], [sflag:$0x1], $0x80, $0x38;
	[tilespmem:$0x14080] =	vst v63  }
0x25a: {  	s26 =	simm.s32 $0x12BF8;
	s28 =	sadd.s32 $0x50, s12  }
0x25b: {  	[hbm4b:s28+s3] =	stream.linear.scatter [tilespmem:s26], [sflag:$0x1], $0x80, $0x38;
	[tilespmem:$0x14080] =	vst v63  }
0x25c: {  	s29 =	simm.s32 $0x135F8;
	s30 =	sadd.s32 $0x60, s12  }
0x25d: {  	[hbm4b:s30+s3] =	stream.linear.scatter [tilespmem:s29], [sflag:$0x1], $0x80, $0x38;
	[tilespmem:$0x14080] =	vst v63  }
0x25e: {  	s31 =	simm.s32 $0x13FF8;
	s12 =	sadd.s32 $0x70, s12  }
0x25f: {  	[hbm4b:s12+s3] =	stream.linear.scatter [tilespmem:s31], [sflag:$0x1], $0x80, $0x38;
	[tilespmem:$0x14080] =	vst v63  }
0x260: {  	_ =	swait.ge [sflag:s10], $0x400  }
0x261: {  	[sflag:s10] =	ssyncset.done $0x0  }
0x262: {  	[sflag:s10] =	ssyncadd.s32 $0xFFFFFC00  }
0x263: {  	_ =	swait.ge [sflag:s10], $0x400  }
0x264: {  	[sflag:s10] =	ssyncset.done $0x0  }
0x265: {  	[sflag:s10] =	ssyncadd.s32 $0xFFFFFC00  }
0x266: {  	_ =	swait.ge [sflag:s10], $0x400  }
0x267: {  	[sflag:s10] =	ssyncset.done $0x0  }
0x268: {  	[sflag:s10] =	ssyncadd.s32 $0xFFFFFC00  }
0x269: {  	_ =	swait.ge [sflag:s10], $0x400  }
0x26a: {  	[sflag:s10] =	ssyncset.done $0x0  }
0x26b: {  	[sflag:s10] =	ssyncadd.s32 $0xFFFFFC00  }
0x26c: {  	_ =	swait.ge [sflag:s10], $0x400  }
0x26d: {  	[sflag:s10] =	ssyncset.done $0x0  }
0x26e: {  	[sflag:s10] =	ssyncadd.s32 $0xFFFFFC00  }
0x26f: {  	_ =	swait.ge [sflag:s10], $0x400  }
0x270: {  	[sflag:s10] =	ssyncset.done $0x0  }
0x271: {  	[sflag:s10] =	ssyncadd.s32 $0xFFFFFC00  }
0x272: {  	_ =	swait.ge [sflag:s10], $0x400  }
0x273: {  	[sflag:s10] =	ssyncset.done $0x0  }
0x274: {  	[sflag:s10] =	ssyncadd.s32 $0xFFFFFC00  }
0x275: {  	_ =	swait.ge [sflag:s10], $0x400  }
0x276: {  	[sflag:s10] =	ssyncset.done $0x0  }
0x277: {  	[sflag:s10] =	ssyncadd.s32 $0xFFFFFC00  }
0x278: {  	_ =	swait.ge [sflag:s10], $0x400  }
0x279: {  	[sflag:s10] =	ssyncset.done $0x0  }
0x27a: {  	[sflag:s10] =	ssyncadd.s32 $0xFFFFFC00  }
0x27b: {  	_ =	swait.ge [sflag:s10], $0x400  }
0x27c: {  	[sflag:s10] =	ssyncset.done $0x0  }
0x27d: {  	[sflag:s10] =	ssyncadd.s32 $0xFFFFFC00  }
0x27e: {  	_ =	swait.ge [sflag:s10], $0x400  }
0x27f: {  	[sflag:s10] =	ssyncset.done $0x0  }
0x280: {  	[sflag:s10] =	ssyncadd.s32 $0xFFFFFC00  }
0x281: {  	_ =	swait.ge [sflag:s10], $0x400  }
0x282: {  	[sflag:s10] =	ssyncset.done $0x0  }
0x283: {  	[sflag:s10] =	ssyncadd.s32 $0xFFFFFC00  }
0x284: {  	_ =	swait.ge [sflag:s10], $0x400  }
0x285: {  	[sflag:s10] =	ssyncset.done $0x0  }
0x286: {  	[sflag:s10] =	ssyncadd.s32 $0xFFFFFC00  }
0x287: {  	_ =	swait.ge [sflag:s10], $0x400  }
0x288: {  	[sflag:s10] =	ssyncset.done $0x0  }
0x289: {  	[sflag:s10] =	ssyncadd.s32 $0xFFFFFC00  }
0x28a: {  	_ =	swait.ge [sflag:s10], $0x400  }
0x28b: {  	[sflag:s10] =	ssyncset.done $0x0  }
0x28c: {  	[sflag:s10] =	ssyncadd.s32 $0xFFFFFC00  }
0x28d: {  	_ =	swait.ge [sflag:s10], $0x400  }
0x28e: {  	[sflag:s10] =	ssyncset.done $0x0  }
0x28f: {  	[sflag:s10] =	ssyncadd.s32 $0xFFFFFC00  }
0x290: {  	_ =	swait.ge [sflag:s10], $0x400  }
0x291: {  	[sflag:s10] =	ssyncset.done $0x0  }
0x292: {  	[sflag:s10] =	ssyncadd.s32 $0xFFFFFC00  }
0x293: {  	_ =	swait.ge [sflag:s10], $0x400  }
0x294: {  	[sflag:s10] =	ssyncset.done $0x0  }
0x295: {  	[sflag:s10] =	ssyncadd.s32 $0xFFFFFC00  }
0x296: {  	_ =	swait.ge [sflag:s10], $0x400  }
0x297: {  	[sflag:s10] =	ssyncset.done $0x0  }
0x298: {  	[sflag:s10] =	ssyncadd.s32 $0xFFFFFC00  }
0x299: {  	_ =	swait.ge [sflag:s10], $0x400  }
0x29a: {  	[sflag:s10] =	ssyncset.done $0x0  }
0x29b: {  	[sflag:s10] =	ssyncadd.s32 $0xFFFFFC00  }
0x29c: {  	_ =	swait.ge [sflag:s10], $0x400  }
0x29d: {  	[sflag:s10] =	ssyncset.done $0x0  }
0x29e: {  	[sflag:s10] =	ssyncadd.s32 $0xFFFFFC00  }
0x29f: {  	_ =	swait.ge [sflag:s10], $0x400  }
0x2a0: {  	[sflag:s10] =	ssyncset.done $0x0  }
0x2a1: {  	[sflag:s10] =	ssyncadd.s32 $0xFFFFFC00  }
0x2a2: {  	_ =	swait.ge [sflag:s10], $0x400  }
0x2a3: {  	[sflag:s10] =	ssyncset.done $0x0  }
0x2a4: {  	[sflag:s10] =	ssyncadd.s32 $0xFFFFFC00  }
0x2a5: {  	_ =	swait.ge [sflag:s10], $0x400  }
0x2a6: {  	[sflag:s10] =	ssyncset.done $0x0  }
0x2a7: {  	[sflag:s10] =	ssyncadd.s32 $0xFFFFFC00  }
0x2a8: {  	_ =	swait.ge [sflag:s10], $0x400  }
0x2a9: {  	[sflag:s10] =	ssyncset.done $0x0  }
0x2aa: {  	[sflag:s10] =	ssyncadd.s32 $0xFFFFFC00  }
0x2ab: {  	_ =	swait.ge [sflag:s10], $0x400  }
0x2ac: {  	[sflag:s10] =	ssyncset.done $0x0  }
0x2ad: {  	[sflag:s10] =	ssyncadd.s32 $0xFFFFFC00  }
0x2ae: {  	_ =	swait.ge [sflag:s10], $0x400  }
0x2af: {  	[sflag:s10] =	ssyncset.done $0x0  }
0x2b0: {  	[sflag:s10] =	ssyncadd.s32 $0xFFFFFC00  }
0x2b1: {  	_ =	swait.ge [sflag:s10], $0x400  }
0x2b2: {  	[sflag:s10] =	ssyncset.done $0x0  }
0x2b3: {  	[sflag:s10] =	ssyncadd.s32 $0xFFFFFC00  }
0x2b4: {  	_ =	swait.ge [sflag:s10], $0x400  }
0x2b5: {  	[sflag:s10] =	ssyncset.done $0x0  }
0x2b6: {  	[sflag:s10] =	ssyncadd.s32 $0xFFFFFC00  }
0x2b7: {  	_ =	swait.ge [sflag:s10], $0x400  }
0x2b8: {  	[sflag:s10] =	ssyncset.done $0x0  }
0x2b9: {  	[sflag:s10] =	ssyncadd.s32 $0xFFFFFC00  }
0x2ba: {  	_ =	swait.ge [sflag:s10], $0x400  }
0x2bb: {  	[sflag:s10] =	ssyncset.done $0x0  }
0x2bc: {  	[sflag:s10] =	ssyncadd.s32 $0xFFFFFC00  }
0x2bd: {  	s13 =	simm.s32 $0x2;
	_ =	swait.ge [sflag:s10], $0x400  }
0x2be: {  	s12 =	simm.s32 $0x1;
	s15 =	rddreg [dreg:$0x3];
	[sflag:s10] =	ssyncset.done $0x0  }
.LBB2_4:
0x2bf: {  	s14 =	sshll.u32 s12, $0x3  }
0x2c0: {  	s15 =	sor.u32 s14, s15  }
0x2c1: {  	[sflag:s10] =	ssyncadd.s32 $0xFFFFFC00;
	s16 =	smov.u32 s13;
	s15 =	sshll.u32 s15, $0xC  }
0x2c2: {  	s12 =	smov.u32 s16;
	s17 =	ssub.s32 $0xA278, s14;
	s16 =	sadd.s32 s2, s15  }
0x2c3: {  	[hbm4b:s16+s3] =	stream.linear.scatter [tilespmem:s17], [sflag:$0x1], $0x80, $0x38;
	[tilespmem:$0x14080] =	vst v63  }
0x2c4: {  	s31 =	ssub.s32 $0xAC78, s14;
	s18 =	sadd.s32 $0x10, s16  }
0x2c5: {  	[hbm4b:s18+s3] =	stream.linear.scatter [tilespmem:s31], [sflag:$0x1], $0x80, $0x38;
	[tilespmem:$0x14080] =	vst v63  }
0x2c6: {  	s19 =	ssub.s32 $0xB678, s14;
	s20 =	sadd.s32 $0x20, s16  }
0x2c7: {  	[hbm4b:s20+s3] =	stream.linear.scatter [tilespmem:s19], [sflag:$0x1], $0x80, $0x38;
	[tilespmem:$0x14080] =	vst v63  }
0x2c8: {  	s21 =	ssub.s32 $0xC078, s14;
	s22 =	sadd.s32 $0x30, s16  }
0x2c9: {  	[hbm4b:s22+s3] =	stream.linear.scatter [tilespmem:s21], [sflag:$0x1], $0x80, $0x38;
	[tilespmem:$0x14080] =	vst v63  }
0x2ca: {  	s23 =	ssub.s32 $0xCA78, s14;
	s24 =	sadd.s32 $0x40, s16  }
0x2cb: {  	[hbm4b:s24+s3] =	stream.linear.scatter [tilespmem:s23], [sflag:$0x1], $0x80, $0x38;
	[tilespmem:$0x14080] =	vst v63  }
0x2cc: {  	s25 =	ssub.s32 $0xD478, s14;
	s26 =	sadd.s32 $0x50, s16  }
0x2cd: {  	[hbm4b:s26+s3] =	stream.linear.scatter [tilespmem:s25], [sflag:$0x1], $0x80, $0x38;
	[tilespmem:$0x14080] =	vst v63  }
0x2ce: {  	s28 =	ssub.s32 $0xDE78, s14;
	s29 =	sadd.s32 $0x60, s16  }
0x2cf: {  	[hbm4b:s29+s3] =	stream.linear.scatter [tilespmem:s28], [sflag:$0x1], $0x80, $0x38;
	[tilespmem:$0x14080] =	vst v63  }
0x2d0: {  	s30 =	ssub.s32 $0xE878, s14;
	s16 =	sadd.s32 $0x70, s16;
	s19 =	rddreg [dreg:$0x4]  }
0x2d1: {  	[hbm4b:s16+s3] =	stream.linear.scatter [tilespmem:s30], [sflag:$0x1], $0x80, $0x38;
	[tilespmem:$0x14080] =	vst v63  }
0x2d2: {  	s31 =	ssub.s32 $0xA2F8, s14;
	s16 =	sadd.s32 s15, s19  }
0x2d3: {  	[hbm4b:s16+s3] =	stream.linear.scatter [tilespmem:s31], [sflag:$0x1], $0x80, $0x38;
	[tilespmem:$0x14080] =	vst v63  }
0x2d4: {  	s18 =	ssub.s32 $0xACF8, s14;
	s19 =	sadd.s32 $0x10, s16  }
0x2d5: {  	[hbm4b:s19+s3] =	stream.linear.scatter [tilespmem:s18], [sflag:$0x1], $0x80, $0x38;
	[tilespmem:$0x14080] =	vst v63  }
0x2d6: {  	s20 =	ssub.s32 $0xB6F8, s14;
	s21 =	sadd.s32 $0x20, s16  }
0x2d7: {  	[hbm4b:s21+s3] =	stream.linear.scatter [tilespmem:s20], [sflag:$0x1], $0x80, $0x38;
	[tilespmem:$0x14080] =	vst v63  }
0x2d8: {  	s22 =	ssub.s32 $0xC0F8, s14;
	s23 =	sadd.s32 $0x30, s16  }
0x2d9: {  	[hbm4b:s23+s3] =	stream.linear.scatter [tilespmem:s22], [sflag:$0x1], $0x80, $0x38;
	[tilespmem:$0x14080] =	vst v63  }
0x2da: {  	s24 =	ssub.s32 $0xCAF8, s14;
	s25 =	sadd.s32 $0x40, s16  }
0x2db: {  	[hbm4b:s25+s3] =	stream.linear.scatter [tilespmem:s24], [sflag:$0x1], $0x80, $0x38;
	[tilespmem:$0x14080] =	vst v63  }
0x2dc: {  	s26 =	ssub.s32 $0xD4F8, s14;
	s28 =	sadd.s32 $0x50, s16  }
0x2dd: {  	[hbm4b:s28+s3] =	stream.linear.scatter [tilespmem:s26], [sflag:$0x1], $0x80, $0x38;
	[tilespmem:$0x14080] =	vst v63  }
0x2de: {  	s29 =	ssub.s32 $0xDEF8, s14;
	s30 =	sadd.s32 $0x60, s16  }
0x2df: {  	[hbm4b:s30+s3] =	stream.linear.scatter [tilespmem:s29], [sflag:$0x1], $0x80, $0x38;
	[tilespmem:$0x14080] =	vst v63  }
0x2e0: {  	s31 =	rddreg [dreg:$0x5];
	s16 =	sadd.s32 $0x70, s16;
	s18 =	ssub.s32 $0xE8F8, s14  }
0x2e1: {  	[hbm4b:s16+s3] =	stream.linear.scatter [tilespmem:s18], [sflag:$0x1], $0x80, $0x38;
	[tilespmem:$0x14080] =	vst v63  }
0x2e2: {  	s20 =	ssub.s32 $0xA378, s14;
	s16 =	sadd.s32 s15, s31  }
0x2e3: {  	[hbm4b:s16+s3] =	stream.linear.scatter [tilespmem:s20], [sflag:$0x1], $0x80, $0x38;
	[tilespmem:$0x14080] =	vst v63  }
0x2e4: {  	s21 =	ssub.s32 $0xAD78, s14;
	s22 =	sadd.s32 $0x10, s16  }
0x2e5: {  	[hbm4b:s22+s3] =	stream.linear.scatter [tilespmem:s21], [sflag:$0x1], $0x80, $0x38;
	[tilespmem:$0x14080] =	vst v63  }
0x2e6: {  	s23 =	ssub.s32 $0xB778, s14;
	s24 =	sadd.s32 $0x20, s16  }
0x2e7: {  	[hbm4b:s24+s3] =	stream.linear.scatter [tilespmem:s23], [sflag:$0x1], $0x80, $0x38;
	[tilespmem:$0x14080] =	vst v63  }
0x2e8: {  	s25 =	ssub.s32 $0xC178, s14;
	s26 =	sadd.s32 $0x30, s16  }
0x2e9: {  	[hbm4b:s26+s3] =	stream.linear.scatter [tilespmem:s25], [sflag:$0x1], $0x80, $0x38;
	[tilespmem:$0x14080] =	vst v63  }
0x2ea: {  	s28 =	ssub.s32 $0xCB78, s14;
	s29 =	sadd.s32 $0x40, s16  }
0x2eb: {  	[hbm4b:s29+s3] =	stream.linear.scatter [tilespmem:s28], [sflag:$0x1], $0x80, $0x38;
	[tilespmem:$0x14080] =	vst v63  }
0x2ec: {  	s30 =	ssub.s32 $0xD578, s14;
	s31 =	sadd.s32 $0x50, s16  }
0x2ed: {  	[hbm4b:s31+s3] =	stream.linear.scatter [tilespmem:s30], [sflag:$0x1], $0x80, $0x38;
	[tilespmem:$0x14080] =	vst v63  }
0x2ee: {  	s18 =	ssub.s32 $0xDF78, s14;
	s19 =	sadd.s32 $0x60, s16  }
0x2ef: {  	[hbm4b:s19+s3] =	stream.linear.scatter [tilespmem:s18], [sflag:$0x1], $0x80, $0x38;
	[tilespmem:$0x14080] =	vst v63  }
0x2f0: {  	s20 =	rddreg [dreg:$0x6];
	s16 =	sadd.s32 $0x70, s16;
	s21 =	ssub.s32 $0xE978, s14  }
0x2f1: {  	[hbm4b:s16+s3] =	stream.linear.scatter [tilespmem:s21], [sflag:$0x1], $0x80, $0x38;
	[tilespmem:$0x14080] =	vst v63  }
0x2f2: {  	s22 =	ssub.s32 $0xA3F8, s14;
	s16 =	sadd.s32 s15, s20  }
0x2f3: {  	[hbm4b:s16+s3] =	stream.linear.scatter [tilespmem:s22], [sflag:$0x1], $0x80, $0x38;
	[tilespmem:$0x14080] =	vst v63  }
0x2f4: {  	s23 =	ssub.s32 $0xADF8, s14;
	s24 =	sadd.s32 $0x10, s16  }
0x2f5: {  	[hbm4b:s24+s3] =	stream.linear.scatter [tilespmem:s23], [sflag:$0x1], $0x80, $0x38;
	[tilespmem:$0x14080] =	vst v63  }
0x2f6: {  	s25 =	ssub.s32 $0xB7F8, s14;
	s26 =	sadd.s32 $0x20, s16  }
0x2f7: {  	[hbm4b:s26+s3] =	stream.linear.scatter [tilespmem:s25], [sflag:$0x1], $0x80, $0x38;
	[tilespmem:$0x14080] =	vst v63  }
0x2f8: {  	s28 =	ssub.s32 $0xC1F8, s14;
	s29 =	sadd.s32 $0x30, s16  }
0x2f9: {  	[hbm4b:s29+s3] =	stream.linear.scatter [tilespmem:s28], [sflag:$0x1], $0x80, $0x38;
	[tilespmem:$0x14080] =	vst v63  }
0x2fa: {  	s30 =	ssub.s32 $0xCBF8, s14;
	s31 =	sadd.s32 $0x40, s16  }
0x2fb: {  	[hbm4b:s31+s3] =	stream.linear.scatter [tilespmem:s30], [sflag:$0x1], $0x80, $0x38;
	[tilespmem:$0x14080] =	vst v63  }
0x2fc: {  	s18 =	ssub.s32 $0xD5F8, s14;
	s19 =	sadd.s32 $0x50, s16  }
0x2fd: {  	[hbm4b:s19+s3] =	stream.linear.scatter [tilespmem:s18], [sflag:$0x1], $0x80, $0x38;
	[tilespmem:$0x14080] =	vst v63  }
0x2fe: {  	s20 =	ssub.s32 $0xDFF8, s14;
	s21 =	sadd.s32 $0x60, s16  }
0x2ff: {  	[hbm4b:s21+s3] =	stream.linear.scatter [tilespmem:s20], [sflag:$0x1], $0x80, $0x38;
	[tilespmem:$0x14080] =	vst v63  }
0x300: {  	s22 =	rddreg [dreg:$0x7];
	s16 =	sadd.s32 $0x70, s16;
	s23 =	ssub.s32 $0xE9F8, s14  }
0x301: {  	[hbm4b:s16+s3] =	stream.linear.scatter [tilespmem:s23], [sflag:$0x1], $0x80, $0x38;
	[tilespmem:$0x14080] =	vst v63  }
0x302: {  	s24 =	ssub.s32 $0xA478, s14;
	s16 =	sadd.s32 s15, s22  }
0x303: {  	[hbm4b:s16+s3] =	stream.linear.scatter [tilespmem:s24], [sflag:$0x1], $0x80, $0x38;
	[tilespmem:$0x14080] =	vst v63  }
0x304: {  	s25 =	ssub.s32 $0xAE78, s14;
	s26 =	sadd.s32 $0x10, s16  }
0x305: {  	[hbm4b:s26+s3] =	stream.linear.scatter [tilespmem:s25], [sflag:$0x1], $0x80, $0x38;
	[tilespmem:$0x14080] =	vst v63  }
0x306: {  	s28 =	ssub.s32 $0xB878, s14;
	s29 =	sadd.s32 $0x20, s16  }
0x307: {  	[hbm4b:s29+s3] =	stream.linear.scatter [tilespmem:s28], [sflag:$0x1], $0x80, $0x38;
	[tilespmem:$0x14080] =	vst v63  }
0x308: {  	s30 =	ssub.s32 $0xC278, s14;
	s31 =	sadd.s32 $0x30, s16  }
0x309: {  	[hbm4b:s31+s3] =	stream.linear.scatter [tilespmem:s30], [sflag:$0x1], $0x80, $0x38;
	[tilespmem:$0x14080] =	vst v63  }
0x30a: {  	s18 =	ssub.s32 $0xCC78, s14;
	s19 =	sadd.s32 $0x40, s16  }
0x30b: {  	[hbm4b:s19+s3] =	stream.linear.scatter [tilespmem:s18], [sflag:$0x1], $0x80, $0x38;
	[tilespmem:$0x14080] =	vst v63  }
0x30c: {  	s20 =	ssub.s32 $0xD678, s14;
	s21 =	sadd.s32 $0x50, s16  }
0x30d: {  	[hbm4b:s21+s3] =	stream.linear.scatter [tilespmem:s20], [sflag:$0x1], $0x80, $0x38;
	[tilespmem:$0x14080] =	vst v63  }
0x30e: {  	s22 =	ssub.s32 $0xE078, s14;
	s23 =	sadd.s32 $0x60, s16  }
0x30f: {  	[hbm4b:s23+s3] =	stream.linear.scatter [tilespmem:s22], [sflag:$0x1], $0x80, $0x38;
	[tilespmem:$0x14080] =	vst v63  }
0x310: {  	s24 =	rddreg [dreg:$0x8];
	s16 =	sadd.s32 $0x70, s16;
	s25 =	ssub.s32 $0xEA78, s14  }
0x311: {  	[hbm4b:s16+s3] =	stream.linear.scatter [tilespmem:s25], [sflag:$0x1], $0x80, $0x38;
	[tilespmem:$0x14080] =	vst v63  }
0x312: {  	s26 =	ssub.s32 $0xA4F8, s14;
	s16 =	sadd.s32 s15, s24  }
0x313: {  	[hbm4b:s16+s3] =	stream.linear.scatter [tilespmem:s26], [sflag:$0x1], $0x80, $0x38;
	[tilespmem:$0x14080] =	vst v63  }
0x314: {  	s28 =	ssub.s32 $0xAEF8, s14;
	s29 =	sadd.s32 $0x10, s16  }
0x315: {  	[hbm4b:s29+s3] =	stream.linear.scatter [tilespmem:s28], [sflag:$0x1], $0x80, $0x38;
	[tilespmem:$0x14080] =	vst v63  }
0x316: {  	s30 =	ssub.s32 $0xB8F8, s14;
	s31 =	sadd.s32 $0x20, s16  }
0x317: {  	[hbm4b:s31+s3] =	stream.linear.scatter [tilespmem:s30], [sflag:$0x1], $0x80, $0x38;
	[tilespmem:$0x14080] =	vst v63  }
0x318: {  	s18 =	ssub.s32 $0xC2F8, s14;
	s19 =	sadd.s32 $0x30, s16  }
0x319: {  	[hbm4b:s19+s3] =	stream.linear.scatter [tilespmem:s18], [sflag:$0x1], $0x80, $0x38;
	[tilespmem:$0x14080] =	vst v63  }
0x31a: {  	s20 =	ssub.s32 $0xCCF8, s14;
	s21 =	sadd.s32 $0x40, s16  }
0x31b: {  	[hbm4b:s21+s3] =	stream.linear.scatter [tilespmem:s20], [sflag:$0x1], $0x80, $0x38;
	[tilespmem:$0x14080] =	vst v63  }
0x31c: {  	s22 =	ssub.s32 $0xD6F8, s14;
	s23 =	sadd.s32 $0x50, s16  }
0x31d: {  	[hbm4b:s23+s3] =	stream.linear.scatter [tilespmem:s22], [sflag:$0x1], $0x80, $0x38;
	[tilespmem:$0x14080] =	vst v63  }
0x31e: {  	s24 =	ssub.s32 $0xE0F8, s14;
	s25 =	sadd.s32 $0x60, s16  }
0x31f: {  	[hbm4b:s25+s3] =	stream.linear.scatter [tilespmem:s24], [sflag:$0x1], $0x80, $0x38;
	[tilespmem:$0x14080] =	vst v63  }
0x320: {  	s26 =	rddreg [dreg:$0x9];
	s16 =	sadd.s32 $0x70, s16;
	s28 =	ssub.s32 $0xEAF8, s14  }
0x321: {  	[hbm4b:s16+s3] =	stream.linear.scatter [tilespmem:s28], [sflag:$0x1], $0x80, $0x38;
	[tilespmem:$0x14080] =	vst v63  }
0x322: {  	s29 =	ssub.s32 $0xA578, s14;
	s16 =	sadd.s32 s15, s26  }
0x323: {  	[hbm4b:s16+s3] =	stream.linear.scatter [tilespmem:s29], [sflag:$0x1], $0x80, $0x38;
	[tilespmem:$0x14080] =	vst v63  }
0x324: {  	s30 =	ssub.s32 $0xAF78, s14;
	s31 =	sadd.s32 $0x10, s16  }
0x325: {  	[hbm4b:s31+s3] =	stream.linear.scatter [tilespmem:s30], [sflag:$0x1], $0x80, $0x38;
	[tilespmem:$0x14080] =	vst v63  }
0x326: {  	s18 =	ssub.s32 $0xB978, s14;
	s19 =	sadd.s32 $0x20, s16  }
0x327: {  	[hbm4b:s19+s3] =	stream.linear.scatter [tilespmem:s18], [sflag:$0x1], $0x80, $0x38;
	[tilespmem:$0x14080] =	vst v63  }
0x328: {  	s20 =	ssub.s32 $0xC378, s14;
	s21 =	sadd.s32 $0x30, s16  }
0x329: {  	[hbm4b:s21+s3] =	stream.linear.scatter [tilespmem:s20], [sflag:$0x1], $0x80, $0x38;
	[tilespmem:$0x14080] =	vst v63  }
0x32a: {  	s22 =	ssub.s32 $0xCD78, s14;
	s23 =	sadd.s32 $0x40, s16  }
0x32b: {  	[hbm4b:s23+s3] =	stream.linear.scatter [tilespmem:s22], [sflag:$0x1], $0x80, $0x38;
	[tilespmem:$0x14080] =	vst v63  }
0x32c: {  	s24 =	ssub.s32 $0xD778, s14;
	s25 =	sadd.s32 $0x50, s16  }
0x32d: {  	[hbm4b:s25+s3] =	stream.linear.scatter [tilespmem:s24], [sflag:$0x1], $0x80, $0x38;
	[tilespmem:$0x14080] =	vst v63  }
0x32e: {  	s26 =	ssub.s32 $0xE178, s14;
	s28 =	sadd.s32 $0x60, s16  }
0x32f: {  	[hbm4b:s28+s3] =	stream.linear.scatter [tilespmem:s26], [sflag:$0x1], $0x80, $0x38;
	[tilespmem:$0x14080] =	vst v63  }
0x330: {  	s29 =	rddreg [dreg:$0xa];
	s16 =	sadd.s32 $0x70, s16;
	s30 =	ssub.s32 $0xEB78, s14  }
0x331: {  	[hbm4b:s16+s3] =	stream.linear.scatter [tilespmem:s30], [sflag:$0x1], $0x80, $0x38;
	[tilespmem:$0x14080] =	vst v63  }
0x332: {  	s31 =	ssub.s32 $0xA5F8, s14;
	s16 =	sadd.s32 s15, s29  }
0x333: {  	[hbm4b:s16+s3] =	stream.linear.scatter [tilespmem:s31], [sflag:$0x1], $0x80, $0x38;
	[tilespmem:$0x14080] =	vst v63  }
0x334: {  	s18 =	ssub.s32 $0xAFF8, s14;
	s19 =	sadd.s32 $0x10, s16  }
0x335: {  	[hbm4b:s19+s3] =	stream.linear.scatter [tilespmem:s18], [sflag:$0x1], $0x80, $0x38;
	[tilespmem:$0x14080] =	vst v63  }
0x336: {  	s20 =	ssub.s32 $0xB9F8, s14;
	s21 =	sadd.s32 $0x20, s16  }
0x337: {  	[hbm4b:s21+s3] =	stream.linear.scatter [tilespmem:s20], [sflag:$0x1], $0x80, $0x38;
	[tilespmem:$0x14080] =	vst v63  }
0x338: {  	s22 =	ssub.s32 $0xC3F8, s14;
	s23 =	sadd.s32 $0x30, s16  }
0x339: {  	[hbm4b:s23+s3] =	stream.linear.scatter [tilespmem:s22], [sflag:$0x1], $0x80, $0x38;
	[tilespmem:$0x14080] =	vst v63  }
0x33a: {  	s24 =	ssub.s32 $0xCDF8, s14;
	s25 =	sadd.s32 $0x40, s16  }
0x33b: {  	[hbm4b:s25+s3] =	stream.linear.scatter [tilespmem:s24], [sflag:$0x1], $0x80, $0x38;
	[tilespmem:$0x14080] =	vst v63  }
0x33c: {  	s26 =	ssub.s32 $0xD7F8, s14;
	s28 =	sadd.s32 $0x50, s16  }
0x33d: {  	[hbm4b:s28+s3] =	stream.linear.scatter [tilespmem:s26], [sflag:$0x1], $0x80, $0x38;
	[tilespmem:$0x14080] =	vst v63  }
0x33e: {  	s29 =	ssub.s32 $0xE1F8, s14;
	s30 =	sadd.s32 $0x60, s16  }
0x33f: {  	[hbm4b:s30+s3] =	stream.linear.scatter [tilespmem:s29], [sflag:$0x1], $0x80, $0x38;
	[tilespmem:$0x14080] =	vst v63  }
0x340: {  	s31 =	rddreg [dreg:$0xb];
	s16 =	sadd.s32 $0x70, s16;
	s18 =	ssub.s32 $0xEBF8, s14  }
0x341: {  	[hbm4b:s16+s3] =	stream.linear.scatter [tilespmem:s18], [sflag:$0x1], $0x80, $0x38;
	[tilespmem:$0x14080] =	vst v63  }
0x342: {  	s20 =	ssub.s32 $0xA678, s14;
	s16 =	sadd.s32 s15, s31  }
0x343: {  	[hbm4b:s16+s3] =	stream.linear.scatter [tilespmem:s20], [sflag:$0x1], $0x80, $0x38;
	[tilespmem:$0x14080] =	vst v63  }
0x344: {  	s21 =	ssub.s32 $0xB078, s14;
	s22 =	sadd.s32 $0x10, s16  }
0x345: {  	[hbm4b:s22+s3] =	stream.linear.scatter [tilespmem:s21], [sflag:$0x1], $0x80, $0x38;
	[tilespmem:$0x14080] =	vst v63  }
0x346: {  	s23 =	ssub.s32 $0xBA78, s14;
	s24 =	sadd.s32 $0x20, s16  }
0x347: {  	[hbm4b:s24+s3] =	stream.linear.scatter [tilespmem:s23], [sflag:$0x1], $0x80, $0x38;
	[tilespmem:$0x14080] =	vst v63  }
0x348: {  	s25 =	ssub.s32 $0xC478, s14;
	s26 =	sadd.s32 $0x30, s16  }
0x349: {  	[hbm4b:s26+s3] =	stream.linear.scatter [tilespmem:s25], [sflag:$0x1], $0x80, $0x38;
	[tilespmem:$0x14080] =	vst v63  }
0x34a: {  	s28 =	ssub.s32 $0xCE78, s14;
	s29 =	sadd.s32 $0x40, s16  }
0x34b: {  	[hbm4b:s29+s3] =	stream.linear.scatter [tilespmem:s28], [sflag:$0x1], $0x80, $0x38;
	[tilespmem:$0x14080] =	vst v63  }
0x34c: {  	s30 =	ssub.s32 $0xD878, s14;
	s31 =	sadd.s32 $0x50, s16  }
0x34d: {  	[hbm4b:s31+s3] =	stream.linear.scatter [tilespmem:s30], [sflag:$0x1], $0x80, $0x38;
	[tilespmem:$0x14080] =	vst v63  }
0x34e: {  	s18 =	ssub.s32 $0xE278, s14;
	s19 =	sadd.s32 $0x60, s16  }
0x34f: {  	[hbm4b:s19+s3] =	stream.linear.scatter [tilespmem:s18], [sflag:$0x1], $0x80, $0x38;
	[tilespmem:$0x14080] =	vst v63  }
0x350: {  	s20 =	rddreg [dreg:$0xc];
	s16 =	sadd.s32 $0x70, s16;
	s21 =	ssub.s32 $0xEC78, s14  }
0x351: {  	[hbm4b:s16+s3] =	stream.linear.scatter [tilespmem:s21], [sflag:$0x1], $0x80, $0x38;
	[tilespmem:$0x14080] =	vst v63  }
0x352: {  	s22 =	ssub.s32 $0xA6F8, s14;
	s16 =	sadd.s32 s15, s20  }
0x353: {  	[hbm4b:s16+s3] =	stream.linear.scatter [tilespmem:s22], [sflag:$0x1], $0x80, $0x38;
	[tilespmem:$0x14080] =	vst v63  }
0x354: {  	s23 =	ssub.s32 $0xB0F8, s14;
	s24 =	sadd.s32 $0x10, s16  }
0x355: {  	[hbm4b:s24+s3] =	stream.linear.scatter [tilespmem:s23], [sflag:$0x1], $0x80, $0x38;
	[tilespmem:$0x14080] =	vst v63  }
0x356: {  	s25 =	ssub.s32 $0xBAF8, s14;
	s26 =	sadd.s32 $0x20, s16  }
0x357: {  	[hbm4b:s26+s3] =	stream.linear.scatter [tilespmem:s25], [sflag:$0x1], $0x80, $0x38;
	[tilespmem:$0x14080] =	vst v63  }
0x358: {  	s28 =	ssub.s32 $0xC4F8, s14;
	s29 =	sadd.s32 $0x30, s16  }
0x359: {  	[hbm4b:s29+s3] =	stream.linear.scatter [tilespmem:s28], [sflag:$0x1], $0x80, $0x38;
	[tilespmem:$0x14080] =	vst v63  }
0x35a: {  	s30 =	ssub.s32 $0xCEF8, s14;
	s31 =	sadd.s32 $0x40, s16  }
0x35b: {  	[hbm4b:s31+s3] =	stream.linear.scatter [tilespmem:s30], [sflag:$0x1], $0x80, $0x38;
	[tilespmem:$0x14080] =	vst v63  }
0x35c: {  	s18 =	ssub.s32 $0xD8F8, s14;
	s19 =	sadd.s32 $0x50, s16  }
0x35d: {  	[hbm4b:s19+s3] =	stream.linear.scatter [tilespmem:s18], [sflag:$0x1], $0x80, $0x38;
	[tilespmem:$0x14080] =	vst v63  }
0x35e: {  	s20 =	ssub.s32 $0xE2F8, s14;
	s21 =	sadd.s32 $0x60, s16  }
0x35f: {  	[hbm4b:s21+s3] =	stream.linear.scatter [tilespmem:s20], [sflag:$0x1], $0x80, $0x38;
	[tilespmem:$0x14080] =	vst v63  }
0x360: {  	s22 =	rddreg [dreg:$0xd];
	s16 =	sadd.s32 $0x70, s16;
	s23 =	ssub.s32 $0xECF8, s14  }
0x361: {  	[hbm4b:s16+s3] =	stream.linear.scatter [tilespmem:s23], [sflag:$0x1], $0x80, $0x38;
	[tilespmem:$0x14080] =	vst v63  }
0x362: {  	s24 =	ssub.s32 $0xA778, s14;
	s16 =	sadd.s32 s15, s22  }
0x363: {  	[hbm4b:s16+s3] =	stream.linear.scatter [tilespmem:s24], [sflag:$0x1], $0x80, $0x38;
	[tilespmem:$0x14080] =	vst v63  }
0x364: {  	s25 =	ssub.s32 $0xB178, s14;
	s26 =	sadd.s32 $0x10, s16  }
0x365: {  	[hbm4b:s26+s3] =	stream.linear.scatter [tilespmem:s25], [sflag:$0x1], $0x80, $0x38;
	[tilespmem:$0x14080] =	vst v63  }
0x366: {  	s28 =	ssub.s32 $0xBB78, s14;
	s29 =	sadd.s32 $0x20, s16  }
0x367: {  	[hbm4b:s29+s3] =	stream.linear.scatter [tilespmem:s28], [sflag:$0x1], $0x80, $0x38;
	[tilespmem:$0x14080] =	vst v63  }
0x368: {  	s30 =	ssub.s32 $0xC578, s14;
	s31 =	sadd.s32 $0x30, s16  }
0x369: {  	[hbm4b:s31+s3] =	stream.linear.scatter [tilespmem:s30], [sflag:$0x1], $0x80, $0x38;
	[tilespmem:$0x14080] =	vst v63  }
0x36a: {  	s18 =	ssub.s32 $0xCF78, s14;
	s19 =	sadd.s32 $0x40, s16  }
0x36b: {  	[hbm4b:s19+s3] =	stream.linear.scatter [tilespmem:s18], [sflag:$0x1], $0x80, $0x38;
	[tilespmem:$0x14080] =	vst v63  }
0x36c: {  	s20 =	ssub.s32 $0xD978, s14;
	s21 =	sadd.s32 $0x50, s16  }
0x36d: {  	[hbm4b:s21+s3] =	stream.linear.scatter [tilespmem:s20], [sflag:$0x1], $0x80, $0x38;
	[tilespmem:$0x14080] =	vst v63  }
0x36e: {  	s22 =	ssub.s32 $0xE378, s14;
	s23 =	sadd.s32 $0x60, s16  }
0x36f: {  	[hbm4b:s23+s3] =	stream.linear.scatter [tilespmem:s22], [sflag:$0x1], $0x80, $0x38;
	[tilespmem:$0x14080] =	vst v63  }
0x370: {  	s24 =	rddreg [dreg:$0xe];
	s16 =	sadd.s32 $0x70, s16;
	s25 =	ssub.s32 $0xED78, s14  }
0x371: {  	[hbm4b:s16+s3] =	stream.linear.scatter [tilespmem:s25], [sflag:$0x1], $0x80, $0x38;
	[tilespmem:$0x14080] =	vst v63  }
0x372: {  	s26 =	ssub.s32 $0xA7F8, s14;
	s16 =	sadd.s32 s15, s24  }
0x373: {  	[hbm4b:s16+s3] =	stream.linear.scatter [tilespmem:s26], [sflag:$0x1], $0x80, $0x38;
	[tilespmem:$0x14080] =	vst v63  }
0x374: {  	s28 =	ssub.s32 $0xB1F8, s14;
	s29 =	sadd.s32 $0x10, s16  }
0x375: {  	[hbm4b:s29+s3] =	stream.linear.scatter [tilespmem:s28], [sflag:$0x1], $0x80, $0x38;
	[tilespmem:$0x14080] =	vst v63  }
0x376: {  	s30 =	ssub.s32 $0xBBF8, s14;
	s31 =	sadd.s32 $0x20, s16  }
0x377: {  	[hbm4b:s31+s3] =	stream.linear.scatter [tilespmem:s30], [sflag:$0x1], $0x80, $0x38;
	[tilespmem:$0x14080] =	vst v63  }
0x378: {  	s18 =	ssub.s32 $0xC5F8, s14;
	s19 =	sadd.s32 $0x30, s16  }
0x379: {  	[hbm4b:s19+s3] =	stream.linear.scatter [tilespmem:s18], [sflag:$0x1], $0x80, $0x38;
	[tilespmem:$0x14080] =	vst v63  }
0x37a: {  	s20 =	ssub.s32 $0xCFF8, s14;
	s21 =	sadd.s32 $0x40, s16  }
0x37b: {  	[hbm4b:s21+s3] =	stream.linear.scatter [tilespmem:s20], [sflag:$0x1], $0x80, $0x38;
	[tilespmem:$0x14080] =	vst v63  }
0x37c: {  	s22 =	ssub.s32 $0xD9F8, s14;
	s23 =	sadd.s32 $0x50, s16  }
0x37d: {  	[hbm4b:s23+s3] =	stream.linear.scatter [tilespmem:s22], [sflag:$0x1], $0x80, $0x38;
	[tilespmem:$0x14080] =	vst v63  }
0x37e: {  	s24 =	ssub.s32 $0xE3F8, s14;
	s25 =	sadd.s32 $0x60, s16  }
0x37f: {  	[hbm4b:s25+s3] =	stream.linear.scatter [tilespmem:s24], [sflag:$0x1], $0x80, $0x38;
	[tilespmem:$0x14080] =	vst v63  }
0x380: {  	s26 =	rddreg [dreg:$0xf];
	s16 =	sadd.s32 $0x70, s16;
	s28 =	ssub.s32 $0xEDF8, s14  }
0x381: {  	[hbm4b:s16+s3] =	stream.linear.scatter [tilespmem:s28], [sflag:$0x1], $0x80, $0x38;
	[tilespmem:$0x14080] =	vst v63  }
0x382: {  	s29 =	ssub.s32 $0xA878, s14;
	s16 =	sadd.s32 s15, s26  }
0x383: {  	[hbm4b:s16+s3] =	stream.linear.scatter [tilespmem:s29], [sflag:$0x1], $0x80, $0x38;
	[tilespmem:$0x14080] =	vst v63  }
0x384: {  	s30 =	ssub.s32 $0xB278, s14;
	s31 =	sadd.s32 $0x10, s16  }
0x385: {  	[hbm4b:s31+s3] =	stream.linear.scatter [tilespmem:s30], [sflag:$0x1], $0x80, $0x38;
	[tilespmem:$0x14080] =	vst v63  }
0x386: {  	s18 =	ssub.s32 $0xBC78, s14;
	s19 =	sadd.s32 $0x20, s16  }
0x387: {  	[hbm4b:s19+s3] =	stream.linear.scatter [tilespmem:s18], [sflag:$0x1], $0x80, $0x38;
	[tilespmem:$0x14080] =	vst v63  }
0x388: {  	s20 =	ssub.s32 $0xC678, s14;
	s21 =	sadd.s32 $0x30, s16  }
0x389: {  	[hbm4b:s21+s3] =	stream.linear.scatter [tilespmem:s20], [sflag:$0x1], $0x80, $0x38;
	[tilespmem:$0x14080] =	vst v63  }
0x38a: {  	s22 =	ssub.s32 $0xD078, s14;
	s23 =	sadd.s32 $0x40, s16  }
0x38b: {  	[hbm4b:s23+s3] =	stream.linear.scatter [tilespmem:s22], [sflag:$0x1], $0x80, $0x38;
	[tilespmem:$0x14080] =	vst v63  }
0x38c: {  	s24 =	ssub.s32 $0xDA78, s14;
	s25 =	sadd.s32 $0x50, s16  }
0x38d: {  	[hbm4b:s25+s3] =	stream.linear.scatter [tilespmem:s24], [sflag:$0x1], $0x80, $0x38;
	[tilespmem:$0x14080] =	vst v63  }
0x38e: {  	s26 =	ssub.s32 $0xE478, s14;
	s28 =	sadd.s32 $0x60, s16  }
0x38f: {  	[hbm4b:s28+s3] =	stream.linear.scatter [tilespmem:s26], [sflag:$0x1], $0x80, $0x38;
	[tilespmem:$0x14080] =	vst v63  }
0x390: {  	s29 =	rddreg [dreg:$0x10];
	s16 =	sadd.s32 $0x70, s16;
	s30 =	ssub.s32 $0xEE78, s14  }
0x391: {  	[hbm4b:s16+s3] =	stream.linear.scatter [tilespmem:s30], [sflag:$0x1], $0x80, $0x38;
	[tilespmem:$0x14080] =	vst v63  }
0x392: {  	s31 =	ssub.s32 $0xA8F8, s14;
	s16 =	sadd.s32 s15, s29  }
0x393: {  	[hbm4b:s16+s3] =	stream.linear.scatter [tilespmem:s31], [sflag:$0x1], $0x80, $0x38;
	[tilespmem:$0x14080] =	vst v63  }
0x394: {  	s18 =	ssub.s32 $0xB2F8, s14;
	s19 =	sadd.s32 $0x10, s16  }
0x395: {  	[hbm4b:s19+s3] =	stream.linear.scatter [tilespmem:s18], [sflag:$0x1], $0x80, $0x38;
	[tilespmem:$0x14080] =	vst v63  }
0x396: {  	s20 =	ssub.s32 $0xBCF8, s14;
	s21 =	sadd.s32 $0x20, s16  }
0x397: {  	[hbm4b:s21+s3] =	stream.linear.scatter [tilespmem:s20], [sflag:$0x1], $0x80, $0x38;
	[tilespmem:$0x14080] =	vst v63  }
0x398: {  	s22 =	ssub.s32 $0xC6F8, s14;
	s23 =	sadd.s32 $0x30, s16  }
0x399: {  	[hbm4b:s23+s3] =	stream.linear.scatter [tilespmem:s22], [sflag:$0x1], $0x80, $0x38;
	[tilespmem:$0x14080] =	vst v63  }
0x39a: {  	s24 =	ssub.s32 $0xD0F8, s14;
	s25 =	sadd.s32 $0x40, s16  }
0x39b: {  	[hbm4b:s25+s3] =	stream.linear.scatter [tilespmem:s24], [sflag:$0x1], $0x80, $0x38;
	[tilespmem:$0x14080] =	vst v63  }
0x39c: {  	s26 =	ssub.s32 $0xDAF8, s14;
	s28 =	sadd.s32 $0x50, s16  }
0x39d: {  	[hbm4b:s28+s3] =	stream.linear.scatter [tilespmem:s26], [sflag:$0x1], $0x80, $0x38;
	[tilespmem:$0x14080] =	vst v63  }
0x39e: {  	s29 =	ssub.s32 $0xE4F8, s14;
	s30 =	sadd.s32 $0x60, s16  }
0x39f: {  	[hbm4b:s30+s3] =	stream.linear.scatter [tilespmem:s29], [sflag:$0x1], $0x80, $0x38;
	[tilespmem:$0x14080] =	vst v63  }
0x3a0: {  	s31 =	rddreg [dreg:$0x11];
	s16 =	sadd.s32 $0x70, s16;
	s18 =	ssub.s32 $0xEEF8, s14  }
0x3a1: {  	[hbm4b:s16+s3] =	stream.linear.scatter [tilespmem:s18], [sflag:$0x1], $0x80, $0x38;
	[tilespmem:$0x14080] =	vst v63  }
0x3a2: {  	s20 =	ssub.s32 $0xA978, s14;
	s16 =	sadd.s32 s15, s31  }
0x3a3: {  	[hbm4b:s16+s3] =	stream.linear.scatter [tilespmem:s20], [sflag:$0x1], $0x80, $0x38;
	[tilespmem:$0x14080] =	vst v63  }
0x3a4: {  	s21 =	ssub.s32 $0xB378, s14;
	s22 =	sadd.s32 $0x10, s16  }
0x3a5: {  	[hbm4b:s22+s3] =	stream.linear.scatter [tilespmem:s21], [sflag:$0x1], $0x80, $0x38;
	[tilespmem:$0x14080] =	vst v63  }
0x3a6: {  	s23 =	ssub.s32 $0xBD78, s14;
	s24 =	sadd.s32 $0x20, s16  }
0x3a7: {  	[hbm4b:s24+s3] =	stream.linear.scatter [tilespmem:s23], [sflag:$0x1], $0x80, $0x38;
	[tilespmem:$0x14080] =	vst v63  }
0x3a8: {  	s25 =	ssub.s32 $0xC778, s14;
	s26 =	sadd.s32 $0x30, s16  }
0x3a9: {  	[hbm4b:s26+s3] =	stream.linear.scatter [tilespmem:s25], [sflag:$0x1], $0x80, $0x38;
	[tilespmem:$0x14080] =	vst v63  }
0x3aa: {  	s28 =	ssub.s32 $0xD178, s14;
	s29 =	sadd.s32 $0x40, s16  }
0x3ab: {  	[hbm4b:s29+s3] =	stream.linear.scatter [tilespmem:s28], [sflag:$0x1], $0x80, $0x38;
	[tilespmem:$0x14080] =	vst v63  }
0x3ac: {  	s30 =	ssub.s32 $0xDB78, s14;
	s31 =	sadd.s32 $0x50, s16  }
0x3ad: {  	[hbm4b:s31+s3] =	stream.linear.scatter [tilespmem:s30], [sflag:$0x1], $0x80, $0x38;
	[tilespmem:$0x14080] =	vst v63  }
0x3ae: {  	s18 =	ssub.s32 $0xE578, s14;
	s19 =	sadd.s32 $0x60, s16  }
0x3af: {  	[hbm4b:s19+s3] =	stream.linear.scatter [tilespmem:s18], [sflag:$0x1], $0x80, $0x38;
	[tilespmem:$0x14080] =	vst v63  }
0x3b0: {  	s20 =	rddreg [dreg:$0x12];
	s16 =	sadd.s32 $0x70, s16;
	s21 =	ssub.s32 $0xEF78, s14  }
0x3b1: {  	[hbm4b:s16+s3] =	stream.linear.scatter [tilespmem:s21], [sflag:$0x1], $0x80, $0x38;
	[tilespmem:$0x14080] =	vst v63  }
0x3b2: {  	s22 =	ssub.s32 $0xA9F8, s14;
	s16 =	sadd.s32 s15, s20  }
0x3b3: {  	[hbm4b:s16+s3] =	stream.linear.scatter [tilespmem:s22], [sflag:$0x1], $0x80, $0x38;
	[tilespmem:$0x14080] =	vst v63  }
0x3b4: {  	s23 =	ssub.s32 $0xB3F8, s14;
	s24 =	sadd.s32 $0x10, s16  }
0x3b5: {  	[hbm4b:s24+s3] =	stream.linear.scatter [tilespmem:s23], [sflag:$0x1], $0x80, $0x38;
	[tilespmem:$0x14080] =	vst v63  }
0x3b6: {  	s25 =	ssub.s32 $0xBDF8, s14;
	s26 =	sadd.s32 $0x20, s16  }
0x3b7: {  	[hbm4b:s26+s3] =	stream.linear.scatter [tilespmem:s25], [sflag:$0x1], $0x80, $0x38;
	[tilespmem:$0x14080] =	vst v63  }
0x3b8: {  	s28 =	ssub.s32 $0xC7F8, s14;
	s29 =	sadd.s32 $0x30, s16  }
0x3b9: {  	[hbm4b:s29+s3] =	stream.linear.scatter [tilespmem:s28], [sflag:$0x1], $0x80, $0x38;
	[tilespmem:$0x14080] =	vst v63  }
0x3ba: {  	s30 =	ssub.s32 $0xD1F8, s14;
	s31 =	sadd.s32 $0x40, s16  }
0x3bb: {  	[hbm4b:s31+s3] =	stream.linear.scatter [tilespmem:s30], [sflag:$0x1], $0x80, $0x38;
	[tilespmem:$0x14080] =	vst v63  }
0x3bc: {  	s18 =	ssub.s32 $0xDBF8, s14;
	s19 =	sadd.s32 $0x50, s16  }
0x3bd: {  	[hbm4b:s19+s3] =	stream.linear.scatter [tilespmem:s18], [sflag:$0x1], $0x80, $0x38;
	[tilespmem:$0x14080] =	vst v63  }
0x3be: {  	s20 =	ssub.s32 $0xE5F8, s14;
	s21 =	sadd.s32 $0x60, s16  }
0x3bf: {  	[hbm4b:s21+s3] =	stream.linear.scatter [tilespmem:s20], [sflag:$0x1], $0x80, $0x38;
	[tilespmem:$0x14080] =	vst v63  }
0x3c0: {  	s22 =	rddreg [dreg:$0x13];
	s16 =	sadd.s32 $0x70, s16;
	s23 =	ssub.s32 $0xEFF8, s14  }
0x3c1: {  	[hbm4b:s16+s3] =	stream.linear.scatter [tilespmem:s23], [sflag:$0x1], $0x80, $0x38;
	[tilespmem:$0x14080] =	vst v63  }
0x3c2: {  	s24 =	ssub.s32 $0xF278, s14;
	s16 =	sadd.s32 s15, s22  }
0x3c3: {  	[hbm4b:s16+s3] =	stream.linear.scatter [tilespmem:s24], [sflag:$0x1], $0x80, $0x38;
	[tilespmem:$0x14080] =	vst v63  }
0x3c4: {  	s25 =	ssub.s32 $0xFC78, s14;
	s26 =	sadd.s32 $0x10, s16  }
0x3c5: {  	[hbm4b:s26+s3] =	stream.linear.scatter [tilespmem:s25], [sflag:$0x1], $0x80, $0x38;
	[tilespmem:$0x14080] =	vst v63  }
0x3c6: {  	s28 =	ssub.s32 $0x10678, s14;
	s29 =	sadd.s32 $0x20, s16  }
0x3c7: {  	[hbm4b:s29+s3] =	stream.linear.scatter [tilespmem:s28], [sflag:$0x1], $0x80, $0x38;
	[tilespmem:$0x14080] =	vst v63  }
0x3c8: {  	s30 =	ssub.s32 $0x11078, s14;
	s31 =	sadd.s32 $0x30, s16  }
0x3c9: {  	[hbm4b:s31+s3] =	stream.linear.scatter [tilespmem:s30], [sflag:$0x1], $0x80, $0x38;
	[tilespmem:$0x14080] =	vst v63  }
0x3ca: {  	s18 =	ssub.s32 $0x11A78, s14;
	s19 =	sadd.s32 $0x40, s16  }
0x3cb: {  	[hbm4b:s19+s3] =	stream.linear.scatter [tilespmem:s18], [sflag:$0x1], $0x80, $0x38;
	[tilespmem:$0x14080] =	vst v63  }
0x3cc: {  	s20 =	ssub.s32 $0x12478, s14;
	s21 =	sadd.s32 $0x50, s16  }
0x3cd: {  	[hbm4b:s21+s3] =	stream.linear.scatter [tilespmem:s20], [sflag:$0x1], $0x80, $0x38;
	[tilespmem:$0x14080] =	vst v63  }
0x3ce: {  	s22 =	ssub.s32 $0x12E78, s14;
	s23 =	sadd.s32 $0x60, s16  }
0x3cf: {  	[hbm4b:s23+s3] =	stream.linear.scatter [tilespmem:s22], [sflag:$0x1], $0x80, $0x38;
	[tilespmem:$0x14080] =	vst v63  }
0x3d0: {  	s24 =	rddreg [dreg:$0x14];
	s16 =	sadd.s32 $0x70, s16;
	s25 =	ssub.s32 $0x13878, s14  }
0x3d1: {  	[hbm4b:s16+s3] =	stream.linear.scatter [tilespmem:s25], [sflag:$0x1], $0x80, $0x38;
	[tilespmem:$0x14080] =	vst v63  }
0x3d2: {  	s26 =	ssub.s32 $0xF2F8, s14;
	s16 =	sadd.s32 s15, s24  }
0x3d3: {  	[hbm4b:s16+s3] =	stream.linear.scatter [tilespmem:s26], [sflag:$0x1], $0x80, $0x38;
	[tilespmem:$0x14080] =	vst v63  }
0x3d4: {  	s28 =	ssub.s32 $0xFCF8, s14;
	s29 =	sadd.s32 $0x10, s16  }
0x3d5: {  	[hbm4b:s29+s3] =	stream.linear.scatter [tilespmem:s28], [sflag:$0x1], $0x80, $0x38;
	[tilespmem:$0x14080] =	vst v63  }
0x3d6: {  	s30 =	ssub.s32 $0x106F8, s14;
	s31 =	sadd.s32 $0x20, s16  }
0x3d7: {  	[hbm4b:s31+s3] =	stream.linear.scatter [tilespmem:s30], [sflag:$0x1], $0x80, $0x38;
	[tilespmem:$0x14080] =	vst v63  }
0x3d8: {  	s18 =	ssub.s32 $0x110F8, s14;
	s19 =	sadd.s32 $0x30, s16  }
0x3d9: {  	[hbm4b:s19+s3] =	stream.linear.scatter [tilespmem:s18], [sflag:$0x1], $0x80, $0x38;
	[tilespmem:$0x14080] =	vst v63  }
0x3da: {  	s20 =	ssub.s32 $0x11AF8, s14;
	s21 =	sadd.s32 $0x40, s16  }
0x3db: {  	[hbm4b:s21+s3] =	stream.linear.scatter [tilespmem:s20], [sflag:$0x1], $0x80, $0x38;
	[tilespmem:$0x14080] =	vst v63  }
0x3dc: {  	s22 =	ssub.s32 $0x124F8, s14;
	s23 =	sadd.s32 $0x50, s16  }
0x3dd: {  	[hbm4b:s23+s3] =	stream.linear.scatter [tilespmem:s22], [sflag:$0x1], $0x80, $0x38;
	[tilespmem:$0x14080] =	vst v63  }
0x3de: {  	s24 =	ssub.s32 $0x12EF8, s14;
	s25 =	sadd.s32 $0x60, s16  }
0x3df: {  	[hbm4b:s25+s3] =	stream.linear.scatter [tilespmem:s24], [sflag:$0x1], $0x80, $0x38;
	[tilespmem:$0x14080] =	vst v63  }
0x3e0: {  	s26 =	rddreg [dreg:$0x15];
	s16 =	sadd.s32 $0x70, s16;
	s28 =	ssub.s32 $0x138F8, s14  }
0x3e1: {  	[hbm4b:s16+s3] =	stream.linear.scatter [tilespmem:s28], [sflag:$0x1], $0x80, $0x38;
	[tilespmem:$0x14080] =	vst v63  }
0x3e2: {  	s29 =	ssub.s32 $0xF378, s14;
	s16 =	sadd.s32 s15, s26  }
0x3e3: {  	[hbm4b:s16+s3] =	stream.linear.scatter [tilespmem:s29], [sflag:$0x1], $0x80, $0x38;
	[tilespmem:$0x14080] =	vst v63  }
0x3e4: {  	s30 =	ssub.s32 $0xFD78, s14;
	s31 =	sadd.s32 $0x10, s16  }
0x3e5: {  	[hbm4b:s31+s3] =	stream.linear.scatter [tilespmem:s30], [sflag:$0x1], $0x80, $0x38;
	[tilespmem:$0x14080] =	vst v63  }
0x3e6: {  	s18 =	ssub.s32 $0x10778, s14;
	s19 =	sadd.s32 $0x20, s16  }
0x3e7: {  	[hbm4b:s19+s3] =	stream.linear.scatter [tilespmem:s18], [sflag:$0x1], $0x80, $0x38;
	[tilespmem:$0x14080] =	vst v63  }
0x3e8: {  	s20 =	ssub.s32 $0x11178, s14;
	s21 =	sadd.s32 $0x30, s16  }
0x3e9: {  	[hbm4b:s21+s3] =	stream.linear.scatter [tilespmem:s20], [sflag:$0x1], $0x80, $0x38;
	[tilespmem:$0x14080] =	vst v63  }
0x3ea: {  	s22 =	ssub.s32 $0x11B78, s14;
	s23 =	sadd.s32 $0x40, s16  }
0x3eb: {  	[hbm4b:s23+s3] =	stream.linear.scatter [tilespmem:s22], [sflag:$0x1], $0x80, $0x38;
	[tilespmem:$0x14080] =	vst v63  }
0x3ec: {  	s24 =	ssub.s32 $0x12578, s14;
	s25 =	sadd.s32 $0x50, s16  }
0x3ed: {  	[hbm4b:s25+s3] =	stream.linear.scatter [tilespmem:s24], [sflag:$0x1], $0x80, $0x38;
	[tilespmem:$0x14080] =	vst v63  }
0x3ee: {  	s26 =	ssub.s32 $0x12F78, s14;
	s28 =	sadd.s32 $0x60, s16  }
0x3ef: {  	[hbm4b:s28+s3] =	stream.linear.scatter [tilespmem:s26], [sflag:$0x1], $0x80, $0x38;
	[tilespmem:$0x14080] =	vst v63  }
0x3f0: {  	s29 =	rddreg [dreg:$0x16];
	s16 =	sadd.s32 $0x70, s16;
	s30 =	ssub.s32 $0x13978, s14  }
0x3f1: {  	[hbm4b:s16+s3] =	stream.linear.scatter [tilespmem:s30], [sflag:$0x1], $0x80, $0x38;
	[tilespmem:$0x14080] =	vst v63  }
0x3f2: {  	s31 =	ssub.s32 $0xF3F8, s14;
	s16 =	sadd.s32 s15, s29  }
0x3f3: {  	[hbm4b:s16+s3] =	stream.linear.scatter [tilespmem:s31], [sflag:$0x1], $0x80, $0x38;
	[tilespmem:$0x14080] =	vst v63  }
0x3f4: {  	s18 =	ssub.s32 $0xFDF8, s14;
	s19 =	sadd.s32 $0x10, s16  }
0x3f5: {  	[hbm4b:s19+s3] =	stream.linear.scatter [tilespmem:s18], [sflag:$0x1], $0x80, $0x38;
	[tilespmem:$0x14080] =	vst v63  }
0x3f6: {  	s20 =	ssub.s32 $0x107F8, s14;
	s21 =	sadd.s32 $0x20, s16  }
0x3f7: {  	[hbm4b:s21+s3] =	stream.linear.scatter [tilespmem:s20], [sflag:$0x1], $0x80, $0x38;
	[tilespmem:$0x14080] =	vst v63  }
0x3f8: {  	s22 =	ssub.s32 $0x111F8, s14;
	s23 =	sadd.s32 $0x30, s16  }
0x3f9: {  	[hbm4b:s23+s3] =	stream.linear.scatter [tilespmem:s22], [sflag:$0x1], $0x80, $0x38;
	[tilespmem:$0x14080] =	vst v63  }
0x3fa: {  	s24 =	ssub.s32 $0x11BF8, s14;
	s25 =	sadd.s32 $0x40, s16  }
0x3fb: {  	[hbm4b:s25+s3] =	stream.linear.scatter [tilespmem:s24], [sflag:$0x1], $0x80, $0x38;
	[tilespmem:$0x14080] =	vst v63  }
0x3fc: {  	s26 =	ssub.s32 $0x125F8, s14;
	s28 =	sadd.s32 $0x50, s16  }
0x3fd: {  	[hbm4b:s28+s3] =	stream.linear.scatter [tilespmem:s26], [sflag:$0x1], $0x80, $0x38;
	[tilespmem:$0x14080] =	vst v63  }
0x3fe: {  	s29 =	ssub.s32 $0x12FF8, s14;
	s30 =	sadd.s32 $0x60, s16  }
0x3ff: {  	[hbm4b:s30+s3] =	stream.linear.scatter [tilespmem:s29], [sflag:$0x1], $0x80, $0x38;
	[tilespmem:$0x14080] =	vst v63  }
0x400: {  	s31 =	rddreg [dreg:$0x17];
	s16 =	sadd.s32 $0x70, s16;
	s18 =	ssub.s32 $0x139F8, s14  }
0x401: {  	[hbm4b:s16+s3] =	stream.linear.scatter [tilespmem:s18], [sflag:$0x1], $0x80, $0x38;
	[tilespmem:$0x14080] =	vst v63  }
0x402: {  	s20 =	ssub.s32 $0xF478, s14;
	s16 =	sadd.s32 s15, s31  }
0x403: {  	[hbm4b:s16+s3] =	stream.linear.scatter [tilespmem:s20], [sflag:$0x1], $0x80, $0x38;
	[tilespmem:$0x14080] =	vst v63  }
0x404: {  	s21 =	ssub.s32 $0xFE78, s14;
	s22 =	sadd.s32 $0x10, s16  }
0x405: {  	[hbm4b:s22+s3] =	stream.linear.scatter [tilespmem:s21], [sflag:$0x1], $0x80, $0x38;
	[tilespmem:$0x14080] =	vst v63  }
0x406: {  	s23 =	ssub.s32 $0x10878, s14;
	s24 =	sadd.s32 $0x20, s16  }
0x407: {  	[hbm4b:s24+s3] =	stream.linear.scatter [tilespmem:s23], [sflag:$0x1], $0x80, $0x38;
	[tilespmem:$0x14080] =	vst v63  }
0x408: {  	s25 =	ssub.s32 $0x11278, s14;
	s26 =	sadd.s32 $0x30, s16  }
0x409: {  	[hbm4b:s26+s3] =	stream.linear.scatter [tilespmem:s25], [sflag:$0x1], $0x80, $0x38;
	[tilespmem:$0x14080] =	vst v63  }
0x40a: {  	s28 =	ssub.s32 $0x11C78, s14;
	s29 =	sadd.s32 $0x40, s16  }
0x40b: {  	[hbm4b:s29+s3] =	stream.linear.scatter [tilespmem:s28], [sflag:$0x1], $0x80, $0x38;
	[tilespmem:$0x14080] =	vst v63  }
0x40c: {  	s30 =	ssub.s32 $0x12678, s14;
	s31 =	sadd.s32 $0x50, s16  }
0x40d: {  	[hbm4b:s31+s3] =	stream.linear.scatter [tilespmem:s30], [sflag:$0x1], $0x80, $0x38;
	[tilespmem:$0x14080] =	vst v63  }
0x40e: {  	s18 =	ssub.s32 $0x13078, s14;
	s19 =	sadd.s32 $0x60, s16  }
0x40f: {  	[hbm4b:s19+s3] =	stream.linear.scatter [tilespmem:s18], [sflag:$0x1], $0x80, $0x38;
	[tilespmem:$0x14080] =	vst v63  }
0x410: {  	s20 =	rddreg [dreg:$0x18];
	s16 =	sadd.s32 $0x70, s16;
	s21 =	ssub.s32 $0x13A78, s14  }
0x411: {  	[hbm4b:s16+s3] =	stream.linear.scatter [tilespmem:s21], [sflag:$0x1], $0x80, $0x38;
	[tilespmem:$0x14080] =	vst v63  }
0x412: {  	s22 =	ssub.s32 $0xF4F8, s14;
	s16 =	sadd.s32 s15, s20  }
0x413: {  	[hbm4b:s16+s3] =	stream.linear.scatter [tilespmem:s22], [sflag:$0x1], $0x80, $0x38;
	[tilespmem:$0x14080] =	vst v63  }
0x414: {  	s23 =	ssub.s32 $0xFEF8, s14;
	s24 =	sadd.s32 $0x10, s16  }
0x415: {  	[hbm4b:s24+s3] =	stream.linear.scatter [tilespmem:s23], [sflag:$0x1], $0x80, $0x38;
	[tilespmem:$0x14080] =	vst v63  }
0x416: {  	s25 =	ssub.s32 $0x108F8, s14;
	s26 =	sadd.s32 $0x20, s16  }
0x417: {  	[hbm4b:s26+s3] =	stream.linear.scatter [tilespmem:s25], [sflag:$0x1], $0x80, $0x38;
	[tilespmem:$0x14080] =	vst v63  }
0x418: {  	s28 =	ssub.s32 $0x112F8, s14;
	s29 =	sadd.s32 $0x30, s16  }
0x419: {  	[hbm4b:s29+s3] =	stream.linear.scatter [tilespmem:s28], [sflag:$0x1], $0x80, $0x38;
	[tilespmem:$0x14080] =	vst v63  }
0x41a: {  	s30 =	ssub.s32 $0x11CF8, s14;
	s31 =	sadd.s32 $0x40, s16  }
0x41b: {  	[hbm4b:s31+s3] =	stream.linear.scatter [tilespmem:s30], [sflag:$0x1], $0x80, $0x38;
	[tilespmem:$0x14080] =	vst v63  }
0x41c: {  	s18 =	ssub.s32 $0x126F8, s14;
	s19 =	sadd.s32 $0x50, s16  }
0x41d: {  	[hbm4b:s19+s3] =	stream.linear.scatter [tilespmem:s18], [sflag:$0x1], $0x80, $0x38;
	[tilespmem:$0x14080] =	vst v63  }
0x41e: {  	s20 =	ssub.s32 $0x130F8, s14;
	s21 =	sadd.s32 $0x60, s16  }
0x41f: {  	[hbm4b:s21+s3] =	stream.linear.scatter [tilespmem:s20], [sflag:$0x1], $0x80, $0x38;
	[tilespmem:$0x14080] =	vst v63  }
0x420: {  	s22 =	rddreg [dreg:$0x19];
	s16 =	sadd.s32 $0x70, s16;
	s23 =	ssub.s32 $0x13AF8, s14  }
0x421: {  	[hbm4b:s16+s3] =	stream.linear.scatter [tilespmem:s23], [sflag:$0x1], $0x80, $0x38;
	[tilespmem:$0x14080] =	vst v63  }
0x422: {  	s24 =	ssub.s32 $0xF578, s14;
	s16 =	sadd.s32 s15, s22  }
0x423: {  	[hbm4b:s16+s3] =	stream.linear.scatter [tilespmem:s24], [sflag:$0x1], $0x80, $0x38;
	[tilespmem:$0x14080] =	vst v63  }
0x424: {  	s25 =	ssub.s32 $0xFF78, s14;
	s26 =	sadd.s32 $0x10, s16  }
0x425: {  	[hbm4b:s26+s3] =	stream.linear.scatter [tilespmem:s25], [sflag:$0x1], $0x80, $0x38;
	[tilespmem:$0x14080] =	vst v63  }
0x426: {  	s28 =	ssub.s32 $0x10978, s14;
	s29 =	sadd.s32 $0x20, s16  }
0x427: {  	[hbm4b:s29+s3] =	stream.linear.scatter [tilespmem:s28], [sflag:$0x1], $0x80, $0x38;
	[tilespmem:$0x14080] =	vst v63  }
0x428: {  	s30 =	ssub.s32 $0x11378, s14;
	s31 =	sadd.s32 $0x30, s16  }
0x429: {  	[hbm4b:s31+s3] =	stream.linear.scatter [tilespmem:s30], [sflag:$0x1], $0x80, $0x38;
	[tilespmem:$0x14080] =	vst v63  }
0x42a: {  	s18 =	ssub.s32 $0x11D78, s14;
	s19 =	sadd.s32 $0x40, s16  }
0x42b: {  	[hbm4b:s19+s3] =	stream.linear.scatter [tilespmem:s18], [sflag:$0x1], $0x80, $0x38;
	[tilespmem:$0x14080] =	vst v63  }
0x42c: {  	s20 =	ssub.s32 $0x12778, s14;
	s21 =	sadd.s32 $0x50, s16  }
0x42d: {  	[hbm4b:s21+s3] =	stream.linear.scatter [tilespmem:s20], [sflag:$0x1], $0x80, $0x38;
	[tilespmem:$0x14080] =	vst v63  }
0x42e: {  	s22 =	ssub.s32 $0x13178, s14;
	s23 =	sadd.s32 $0x60, s16  }
0x42f: {  	[hbm4b:s23+s3] =	stream.linear.scatter [tilespmem:s22], [sflag:$0x1], $0x80, $0x38;
	[tilespmem:$0x14080] =	vst v63  }
0x430: {  	s24 =	rddreg [dreg:$0x1a];
	s16 =	sadd.s32 $0x70, s16;
	s25 =	ssub.s32 $0x13B78, s14  }
0x431: {  	[hbm4b:s16+s3] =	stream.linear.scatter [tilespmem:s25], [sflag:$0x1], $0x80, $0x38;
	[tilespmem:$0x14080] =	vst v63  }
0x432: {  	s26 =	ssub.s32 $0xF5F8, s14;
	s16 =	sadd.s32 s15, s24  }
0x433: {  	[hbm4b:s16+s3] =	stream.linear.scatter [tilespmem:s26], [sflag:$0x1], $0x80, $0x38;
	[tilespmem:$0x14080] =	vst v63  }
0x434: {  	s28 =	ssub.s32 $0xFFF8, s14;
	s29 =	sadd.s32 $0x10, s16  }
0x435: {  	[hbm4b:s29+s3] =	stream.linear.scatter [tilespmem:s28], [sflag:$0x1], $0x80, $0x38;
	[tilespmem:$0x14080] =	vst v63  }
0x436: {  	s30 =	ssub.s32 $0x109F8, s14;
	s31 =	sadd.s32 $0x20, s16  }
0x437: {  	[hbm4b:s31+s3] =	stream.linear.scatter [tilespmem:s30], [sflag:$0x1], $0x80, $0x38;
	[tilespmem:$0x14080] =	vst v63  }
0x438: {  	s18 =	ssub.s32 $0x113F8, s14;
	s19 =	sadd.s32 $0x30, s16  }
0x439: {  	[hbm4b:s19+s3] =	stream.linear.scatter [tilespmem:s18], [sflag:$0x1], $0x80, $0x38;
	[tilespmem:$0x14080] =	vst v63  }
0x43a: {  	s20 =	ssub.s32 $0x11DF8, s14;
	s21 =	sadd.s32 $0x40, s16  }
0x43b: {  	[hbm4b:s21+s3] =	stream.linear.scatter [tilespmem:s20], [sflag:$0x1], $0x80, $0x38;
	[tilespmem:$0x14080] =	vst v63  }
0x43c: {  	s22 =	ssub.s32 $0x127F8, s14;
	s23 =	sadd.s32 $0x50, s16  }
0x43d: {  	[hbm4b:s23+s3] =	stream.linear.scatter [tilespmem:s22], [sflag:$0x1], $0x80, $0x38;
	[tilespmem:$0x14080] =	vst v63  }
0x43e: {  	s24 =	ssub.s32 $0x131F8, s14;
	s25 =	sadd.s32 $0x60, s16  }
0x43f: {  	[hbm4b:s25+s3] =	stream.linear.scatter [tilespmem:s24], [sflag:$0x1], $0x80, $0x38;
	[tilespmem:$0x14080] =	vst v63  }
0x440: {  	s26 =	rddreg [dreg:$0x1b];
	s16 =	sadd.s32 $0x70, s16;
	s28 =	ssub.s32 $0x13BF8, s14  }
0x441: {  	[hbm4b:s16+s3] =	stream.linear.scatter [tilespmem:s28], [sflag:$0x1], $0x80, $0x38;
	[tilespmem:$0x14080] =	vst v63  }
0x442: {  	s29 =	ssub.s32 $0xF678, s14;
	s16 =	sadd.s32 s15, s26  }
0x443: {  	[hbm4b:s16+s3] =	stream.linear.scatter [tilespmem:s29], [sflag:$0x1], $0x80, $0x38;
	[tilespmem:$0x14080] =	vst v63  }
0x444: {  	s30 =	ssub.s32 $0x10078, s14;
	s31 =	sadd.s32 $0x10, s16  }
0x445: {  	[hbm4b:s31+s3] =	stream.linear.scatter [tilespmem:s30], [sflag:$0x1], $0x80, $0x38;
	[tilespmem:$0x14080] =	vst v63  }
0x446: {  	s18 =	ssub.s32 $0x10A78, s14;
	s19 =	sadd.s32 $0x20, s16  }
0x447: {  	[hbm4b:s19+s3] =	stream.linear.scatter [tilespmem:s18], [sflag:$0x1], $0x80, $0x38;
	[tilespmem:$0x14080] =	vst v63  }
0x448: {  	s20 =	ssub.s32 $0x11478, s14;
	s21 =	sadd.s32 $0x30, s16  }
0x449: {  	[hbm4b:s21+s3] =	stream.linear.scatter [tilespmem:s20], [sflag:$0x1], $0x80, $0x38;
	[tilespmem:$0x14080] =	vst v63  }
0x44a: {  	s22 =	ssub.s32 $0x11E78, s14;
	s23 =	sadd.s32 $0x40, s16  }
0x44b: {  	[hbm4b:s23+s3] =	stream.linear.scatter [tilespmem:s22], [sflag:$0x1], $0x80, $0x38;
	[tilespmem:$0x14080] =	vst v63  }
0x44c: {  	s24 =	ssub.s32 $0x12878, s14;
	s25 =	sadd.s32 $0x50, s16  }
0x44d: {  	[hbm4b:s25+s3] =	stream.linear.scatter [tilespmem:s24], [sflag:$0x1], $0x80, $0x38;
	[tilespmem:$0x14080] =	vst v63  }
0x44e: {  	s26 =	ssub.s32 $0x13278, s14;
	s28 =	sadd.s32 $0x60, s16  }
0x44f: {  	[hbm4b:s28+s3] =	stream.linear.scatter [tilespmem:s26], [sflag:$0x1], $0x80, $0x38;
	[tilespmem:$0x14080] =	vst v63  }
0x450: {  	s29 =	rddreg [dreg:$0x1c];
	s16 =	sadd.s32 $0x70, s16;
	s30 =	ssub.s32 $0x13C78, s14  }
0x451: {  	[hbm4b:s16+s3] =	stream.linear.scatter [tilespmem:s30], [sflag:$0x1], $0x80, $0x38;
	[tilespmem:$0x14080] =	vst v63  }
0x452: {  	s31 =	ssub.s32 $0xF6F8, s14;
	s16 =	sadd.s32 s15, s29  }
0x453: {  	[hbm4b:s16+s3] =	stream.linear.scatter [tilespmem:s31], [sflag:$0x1], $0x80, $0x38;
	[tilespmem:$0x14080] =	vst v63  }
0x454: {  	s18 =	ssub.s32 $0x100F8, s14;
	s19 =	sadd.s32 $0x10, s16  }
0x455: {  	[hbm4b:s19+s3] =	stream.linear.scatter [tilespmem:s18], [sflag:$0x1], $0x80, $0x38;
	[tilespmem:$0x14080] =	vst v63  }
0x456: {  	s20 =	ssub.s32 $0x10AF8, s14;
	s21 =	sadd.s32 $0x20, s16  }
0x457: {  	[hbm4b:s21+s3] =	stream.linear.scatter [tilespmem:s20], [sflag:$0x1], $0x80, $0x38;
	[tilespmem:$0x14080] =	vst v63  }
0x458: {  	s22 =	ssub.s32 $0x114F8, s14;
	s23 =	sadd.s32 $0x30, s16  }
0x459: {  	[hbm4b:s23+s3] =	stream.linear.scatter [tilespmem:s22], [sflag:$0x1], $0x80, $0x38;
	[tilespmem:$0x14080] =	vst v63  }
0x45a: {  	s24 =	ssub.s32 $0x11EF8, s14;
	s25 =	sadd.s32 $0x40, s16  }
0x45b: {  	[hbm4b:s25+s3] =	stream.linear.scatter [tilespmem:s24], [sflag:$0x1], $0x80, $0x38;
	[tilespmem:$0x14080] =	vst v63  }
0x45c: {  	s26 =	ssub.s32 $0x128F8, s14;
	s28 =	sadd.s32 $0x50, s16  }
0x45d: {  	[hbm4b:s28+s3] =	stream.linear.scatter [tilespmem:s26], [sflag:$0x1], $0x80, $0x38;
	[tilespmem:$0x14080] =	vst v63  }
0x45e: {  	s29 =	ssub.s32 $0x132F8, s14;
	s30 =	sadd.s32 $0x60, s16  }
0x45f: {  	[hbm4b:s30+s3] =	stream.linear.scatter [tilespmem:s29], [sflag:$0x1], $0x80, $0x38;
	[tilespmem:$0x14080] =	vst v63  }
0x460: {  	s31 =	rddreg [dreg:$0x1d];
	s16 =	sadd.s32 $0x70, s16;
	s18 =	ssub.s32 $0x13CF8, s14  }
0x461: {  	[hbm4b:s16+s3] =	stream.linear.scatter [tilespmem:s18], [sflag:$0x1], $0x80, $0x38;
	[tilespmem:$0x14080] =	vst v63  }
0x462: {  	s20 =	ssub.s32 $0xF778, s14;
	s16 =	sadd.s32 s15, s31  }
0x463: {  	[hbm4b:s16+s3] =	stream.linear.scatter [tilespmem:s20], [sflag:$0x1], $0x80, $0x38;
	[tilespmem:$0x14080] =	vst v63  }
0x464: {  	s21 =	ssub.s32 $0x10178, s14;
	s22 =	sadd.s32 $0x10, s16  }
0x465: {  	[hbm4b:s22+s3] =	stream.linear.scatter [tilespmem:s21], [sflag:$0x1], $0x80, $0x38;
	[tilespmem:$0x14080] =	vst v63  }
0x466: {  	s23 =	ssub.s32 $0x10B78, s14;
	s24 =	sadd.s32 $0x20, s16  }
0x467: {  	[hbm4b:s24+s3] =	stream.linear.scatter [tilespmem:s23], [sflag:$0x1], $0x80, $0x38;
	[tilespmem:$0x14080] =	vst v63  }
0x468: {  	s25 =	ssub.s32 $0x11578, s14;
	s26 =	sadd.s32 $0x30, s16  }
0x469: {  	[hbm4b:s26+s3] =	stream.linear.scatter [tilespmem:s25], [sflag:$0x1], $0x80, $0x38;
	[tilespmem:$0x14080] =	vst v63  }
0x46a: {  	s28 =	ssub.s32 $0x11F78, s14;
	s29 =	sadd.s32 $0x40, s16  }
0x46b: {  	[hbm4b:s29+s3] =	stream.linear.scatter [tilespmem:s28], [sflag:$0x1], $0x80, $0x38;
	[tilespmem:$0x14080] =	vst v63  }
0x46c: {  	s30 =	ssub.s32 $0x12978, s14;
	s31 =	sadd.s32 $0x50, s16  }
0x46d: {  	[hbm4b:s31+s3] =	stream.linear.scatter [tilespmem:s30], [sflag:$0x1], $0x80, $0x38;
	[tilespmem:$0x14080] =	vst v63  }
0x46e: {  	s18 =	ssub.s32 $0x13378, s14;
	s19 =	sadd.s32 $0x60, s16  }
0x46f: {  	[hbm4b:s19+s3] =	stream.linear.scatter [tilespmem:s18], [sflag:$0x1], $0x80, $0x38;
	[tilespmem:$0x14080] =	vst v63  }
0x470: {  	s20 =	rddreg [dreg:$0x1e];
	s16 =	sadd.s32 $0x70, s16;
	s21 =	ssub.s32 $0x13D78, s14  }
0x471: {  	[hbm4b:s16+s3] =	stream.linear.scatter [tilespmem:s21], [sflag:$0x1], $0x80, $0x38;
	[tilespmem:$0x14080] =	vst v63  }
0x472: {  	s22 =	ssub.s32 $0xF7F8, s14;
	s16 =	sadd.s32 s15, s20  }
0x473: {  	[hbm4b:s16+s3] =	stream.linear.scatter [tilespmem:s22], [sflag:$0x1], $0x80, $0x38;
	[tilespmem:$0x14080] =	vst v63  }
0x474: {  	s23 =	ssub.s32 $0x101F8, s14;
	s24 =	sadd.s32 $0x10, s16  }
0x475: {  	[hbm4b:s24+s3] =	stream.linear.scatter [tilespmem:s23], [sflag:$0x1], $0x80, $0x38;
	[tilespmem:$0x14080] =	vst v63  }
0x476: {  	s25 =	ssub.s32 $0x10BF8, s14;
	s26 =	sadd.s32 $0x20, s16  }
0x477: {  	[hbm4b:s26+s3] =	stream.linear.scatter [tilespmem:s25], [sflag:$0x1], $0x80, $0x38;
	[tilespmem:$0x14080] =	vst v63  }
0x478: {  	s28 =	ssub.s32 $0x115F8, s14;
	s29 =	sadd.s32 $0x30, s16  }
0x479: {  	[hbm4b:s29+s3] =	stream.linear.scatter [tilespmem:s28], [sflag:$0x1], $0x80, $0x38;
	[tilespmem:$0x14080] =	vst v63  }
0x47a: {  	s30 =	ssub.s32 $0x11FF8, s14;
	s31 =	sadd.s32 $0x40, s16  }
0x47b: {  	[hbm4b:s31+s3] =	stream.linear.scatter [tilespmem:s30], [sflag:$0x1], $0x80, $0x38;
	[tilespmem:$0x14080] =	vst v63  }
0x47c: {  	s18 =	ssub.s32 $0x129F8, s14;
	s19 =	sadd.s32 $0x50, s16  }
0x47d: {  	[hbm4b:s19+s3] =	stream.linear.scatter [tilespmem:s18], [sflag:$0x1], $0x80, $0x38;
	[tilespmem:$0x14080] =	vst v63  }
0x47e: {  	s20 =	ssub.s32 $0x133F8, s14;
	s21 =	sadd.s32 $0x60, s16  }
0x47f: {  	[hbm4b:s21+s3] =	stream.linear.scatter [tilespmem:s20], [sflag:$0x1], $0x80, $0x38;
	[tilespmem:$0x14080] =	vst v63  }
0x480: {  	s22 =	rddreg [dreg:$0x1f];
	s16 =	sadd.s32 $0x70, s16;
	s23 =	ssub.s32 $0x13DF8, s14  }
0x481: {  	[hbm4b:s16+s3] =	stream.linear.scatter [tilespmem:s23], [sflag:$0x1], $0x80, $0x38;
	[tilespmem:$0x14080] =	vst v63  }
0x482: {  	s24 =	ssub.s32 $0xF878, s14;
	s16 =	sadd.s32 s15, s22  }
0x483: {  	[hbm4b:s16+s3] =	stream.linear.scatter [tilespmem:s24], [sflag:$0x1], $0x80, $0x38;
	[tilespmem:$0x14080] =	vst v63  }
0x484: {  	s25 =	ssub.s32 $0x10278, s14;
	s26 =	sadd.s32 $0x10, s16  }
0x485: {  	[hbm4b:s26+s3] =	stream.linear.scatter [tilespmem:s25], [sflag:$0x1], $0x80, $0x38;
	[tilespmem:$0x14080] =	vst v63  }
0x486: {  	s28 =	ssub.s32 $0x10C78, s14;
	s29 =	sadd.s32 $0x20, s16  }
0x487: {  	[hbm4b:s29+s3] =	stream.linear.scatter [tilespmem:s28], [sflag:$0x1], $0x80, $0x38;
	[tilespmem:$0x14080] =	vst v63  }
0x488: {  	s30 =	ssub.s32 $0x11678, s14;
	s31 =	sadd.s32 $0x30, s16  }
0x489: {  	[hbm4b:s31+s3] =	stream.linear.scatter [tilespmem:s30], [sflag:$0x1], $0x80, $0x38;
	[tilespmem:$0x14080] =	vst v63  }
0x48a: {  	s18 =	ssub.s32 $0x12078, s14;
	s19 =	sadd.s32 $0x40, s16  }
0x48b: {  	[hbm4b:s19+s3] =	stream.linear.scatter [tilespmem:s18], [sflag:$0x1], $0x80, $0x38;
	[tilespmem:$0x14080] =	vst v63  }
0x48c: {  	s20 =	ssub.s32 $0x12A78, s14;
	s21 =	sadd.s32 $0x50, s16  }
0x48d: {  	[hbm4b:s21+s3] =	stream.linear.scatter [tilespmem:s20], [sflag:$0x1], $0x80, $0x38;
	[tilespmem:$0x14080] =	vst v63  }
0x48e: {  	s22 =	ssub.s32 $0x13478, s14;
	s23 =	sadd.s32 $0x60, s16;
	s24 =	sld [smem:$0x7FB]  }
0x48f: {  	[hbm4b:s23+s3] =	stream.linear.scatter [tilespmem:s22], [sflag:$0x1], $0x80, $0x38;
	[tilespmem:$0x14080] =	vst v63  }
0x490: {  	s16 =	sadd.s32 $0x70, s16;
	s25 =	ssub.s32 $0x13E78, s14  }
0x491: {  	[hbm4b:s16+s3] =	stream.linear.scatter [tilespmem:s25], [sflag:$0x1], $0x80, $0x38;
	[tilespmem:$0x14080] =	vst v63  }
0x492: {  	s26 =	ssub.s32 $0xF8F8, s14;
	s16 =	sadd.s32 s15, s24  }
0x493: {  	[hbm4b:s16+s3] =	stream.linear.scatter [tilespmem:s26], [sflag:$0x1], $0x80, $0x38;
	[tilespmem:$0x14080] =	vst v63  }
0x494: {  	s28 =	ssub.s32 $0x102F8, s14;
	s29 =	sadd.s32 $0x10, s16  }
0x495: {  	[hbm4b:s29+s3] =	stream.linear.scatter [tilespmem:s28], [sflag:$0x1], $0x80, $0x38;
	[tilespmem:$0x14080] =	vst v63  }
0x496: {  	s30 =	ssub.s32 $0x10CF8, s14;
	s31 =	sadd.s32 $0x20, s16  }
0x497: {  	[hbm4b:s31+s3] =	stream.linear.scatter [tilespmem:s30], [sflag:$0x1], $0x80, $0x38;
	[tilespmem:$0x14080] =	vst v63  }
0x498: {  	s18 =	ssub.s32 $0x116F8, s14;
	s19 =	sadd.s32 $0x30, s16  }
0x499: {  	[hbm4b:s19+s3] =	stream.linear.scatter [tilespmem:s18], [sflag:$0x1], $0x80, $0x38;
	[tilespmem:$0x14080] =	vst v63  }
0x49a: {  	s20 =	ssub.s32 $0x120F8, s14;
	s21 =	sadd.s32 $0x40, s16  }
0x49b: {  	[hbm4b:s21+s3] =	stream.linear.scatter [tilespmem:s20], [sflag:$0x1], $0x80, $0x38;
	[tilespmem:$0x14080] =	vst v63  }
0x49c: {  	s22 =	ssub.s32 $0x12AF8, s14;
	s23 =	sadd.s32 $0x50, s16  }
0x49d: {  	[hbm4b:s23+s3] =	stream.linear.scatter [tilespmem:s22], [sflag:$0x1], $0x80, $0x38;
	[tilespmem:$0x14080] =	vst v63  }
0x49e: {  	s24 =	ssub.s32 $0x134F8, s14;
	s25 =	sadd.s32 $0x60, s16;
	s26 =	sld [smem:$0x7FC]  }
0x49f: {  	[hbm4b:s25+s3] =	stream.linear.scatter [tilespmem:s24], [sflag:$0x1], $0x80, $0x38;
	[tilespmem:$0x14080] =	vst v63  }
0x4a0: {  	s16 =	sadd.s32 $0x70, s16;
	s28 =	ssub.s32 $0x13EF8, s14  }
0x4a1: {  	[hbm4b:s16+s3] =	stream.linear.scatter [tilespmem:s28], [sflag:$0x1], $0x80, $0x38;
	[tilespmem:$0x14080] =	vst v63  }
0x4a2: {  	s29 =	ssub.s32 $0xF978, s14;
	s16 =	sadd.s32 s15, s26  }
0x4a3: {  	[hbm4b:s16+s3] =	stream.linear.scatter [tilespmem:s29], [sflag:$0x1], $0x80, $0x38;
	[tilespmem:$0x14080] =	vst v63  }
0x4a4: {  	s30 =	ssub.s32 $0x10378, s14;
	s31 =	sadd.s32 $0x10, s16  }
0x4a5: {  	[hbm4b:s31+s3] =	stream.linear.scatter [tilespmem:s30], [sflag:$0x1], $0x80, $0x38;
	[tilespmem:$0x14080] =	vst v63  }
0x4a6: {  	s19 =	ssub.s32 $0x10D78, s14;
	s20 =	sadd.s32 $0x20, s16  }
0x4a7: {  	[hbm4b:s20+s3] =	stream.linear.scatter [tilespmem:s19], [sflag:$0x1], $0x80, $0x38;
	[tilespmem:$0x14080] =	vst v63  }
0x4a8: {  	s21 =	ssub.s32 $0x11778, s14;
	s22 =	sadd.s32 $0x30, s16  }
0x4a9: {  	[hbm4b:s22+s3] =	stream.linear.scatter [tilespmem:s21], [sflag:$0x1], $0x80, $0x38;
	[tilespmem:$0x14080] =	vst v63  }
0x4aa: {  	s23 =	ssub.s32 $0x12178, s14;
	s24 =	sadd.s32 $0x40, s16  }
0x4ab: {  	[hbm4b:s24+s3] =	stream.linear.scatter [tilespmem:s23], [sflag:$0x1], $0x80, $0x38;
	[tilespmem:$0x14080] =	vst v63  }
0x4ac: {  	s25 =	ssub.s32 $0x12B78, s14;
	s26 =	sadd.s32 $0x50, s16  }
0x4ad: {  	[hbm4b:s26+s3] =	stream.linear.scatter [tilespmem:s25], [sflag:$0x1], $0x80, $0x38;
	[tilespmem:$0x14080] =	vst v63  }
0x4ae: {  	s28 =	ssub.s32 $0x13578, s14;
	s29 =	sadd.s32 $0x60, s16;
	s30 =	sld [smem:$0x7FD]  }
0x4af: {  	[hbm4b:s29+s3] =	stream.linear.scatter [tilespmem:s28], [sflag:$0x1], $0x80, $0x38;
	[tilespmem:$0x14080] =	vst v63  }
0x4b0: {  	s16 =	sadd.s32 $0x70, s16;
	s31 =	ssub.s32 $0x13F78, s14  }
0x4b1: {  	[hbm4b:s16+s3] =	stream.linear.scatter [tilespmem:s31], [sflag:$0x1], $0x80, $0x38;
	[tilespmem:$0x14080] =	vst v63  }
0x4b2: {  	s18 =	ssub.s32 $0xF9F8, s14;
	s15 =	sadd.s32 s15, s30  }
0x4b3: {  	[hbm4b:s15+s3] =	stream.linear.scatter [tilespmem:s18], [sflag:$0x1], $0x80, $0x38;
	[tilespmem:$0x14080] =	vst v63  }
0x4b4: {  	s19 =	ssub.s32 $0x103F8, s14;
	s20 =	sadd.s32 $0x10, s15  }
0x4b5: {  	[hbm4b:s20+s3] =	stream.linear.scatter [tilespmem:s19], [sflag:$0x1], $0x80, $0x38;
	[tilespmem:$0x14080] =	vst v63  }
0x4b6: {  	s21 =	ssub.s32 $0x10DF8, s14;
	s22 =	sadd.s32 $0x20, s15  }
0x4b7: {  	[hbm4b:s22+s3] =	stream.linear.scatter [tilespmem:s21], [sflag:$0x1], $0x80, $0x38;
	[tilespmem:$0x14080] =	vst v63  }
0x4b8: {  	s23 =	ssub.s32 $0x117F8, s14;
	s24 =	sadd.s32 $0x30, s15  }
0x4b9: {  	[hbm4b:s24+s3] =	stream.linear.scatter [tilespmem:s23], [sflag:$0x1], $0x80, $0x38;
	[tilespmem:$0x14080] =	vst v63  }
0x4ba: {  	s25 =	ssub.s32 $0x121F8, s14;
	s26 =	sadd.s32 $0x40, s15  }
0x4bb: {  	[hbm4b:s26+s3] =	stream.linear.scatter [tilespmem:s25], [sflag:$0x1], $0x80, $0x38;
	[tilespmem:$0x14080] =	vst v63  }
0x4bc: {  	s28 =	ssub.s32 $0x12BF8, s14;
	s29 =	sadd.s32 $0x50, s15  }
0x4bd: {  	[hbm4b:s29+s3] =	stream.linear.scatter [tilespmem:s28], [sflag:$0x1], $0x80, $0x38;
	[tilespmem:$0x14080] =	vst v63  }
0x4be: {  	s30 =	ssub.s32 $0x135F8, s14;
	s31 =	sadd.s32 $0x60, s15  }
0x4bf: {  	[hbm4b:s31+s3] =	stream.linear.scatter [tilespmem:s30], [sflag:$0x1], $0x80, $0x38;
	[tilespmem:$0x14080] =	vst v63  }
0x4c0: {  	s14 =	ssub.s32 $0x13FF8, s14;
	s15 =	sadd.s32 $0x70, s15  }
0x4c1: {  	[hbm4b:s15+s3] =	stream.linear.scatter [tilespmem:s14], [sflag:$0x1], $0x80, $0x38;
	[tilespmem:$0x14080] =	vst v63  }
0x4c2: {  	_ =	swait.ge [sflag:s10], $0x400  }
0x4c3: {  	[sflag:s10] =	ssyncset.done $0x0  }
0x4c4: {  	[sflag:s10] =	ssyncadd.s32 $0xFFFFFC00  }
0x4c5: {  	_ =	swait.ge [sflag:s10], $0x400  }
0x4c6: {  	[sflag:s10] =	ssyncset.done $0x0  }
0x4c7: {  	[sflag:s10] =	ssyncadd.s32 $0xFFFFFC00  }
0x4c8: {  	_ =	swait.ge [sflag:s10], $0x400  }
0x4c9: {  	[sflag:s10] =	ssyncset.done $0x0  }
0x4ca: {  	[sflag:s10] =	ssyncadd.s32 $0xFFFFFC00  }
0x4cb: {  	_ =	swait.ge [sflag:s10], $0x400  }
0x4cc: {  	[sflag:s10] =	ssyncset.done $0x0  }
0x4cd: {  	[sflag:s10] =	ssyncadd.s32 $0xFFFFFC00  }
0x4ce: {  	_ =	swait.ge [sflag:s10], $0x400  }
0x4cf: {  	[sflag:s10] =	ssyncset.done $0x0  }
0x4d0: {  	[sflag:s10] =	ssyncadd.s32 $0xFFFFFC00  }
0x4d1: {  	_ =	swait.ge [sflag:s10], $0x400  }
0x4d2: {  	[sflag:s10] =	ssyncset.done $0x0  }
0x4d3: {  	[sflag:s10] =	ssyncadd.s32 $0xFFFFFC00  }
0x4d4: {  	_ =	swait.ge [sflag:s10], $0x400  }
0x4d5: {  	[sflag:s10] =	ssyncset.done $0x0  }
0x4d6: {  	[sflag:s10] =	ssyncadd.s32 $0xFFFFFC00  }
0x4d7: {  	_ =	swait.ge [sflag:s10], $0x400  }
0x4d8: {  	[sflag:s10] =	ssyncset.done $0x0  }
0x4d9: {  	[sflag:s10] =	ssyncadd.s32 $0xFFFFFC00  }
0x4da: {  	_ =	swait.ge [sflag:s10], $0x400  }
0x4db: {  	[sflag:s10] =	ssyncset.done $0x0  }
0x4dc: {  	[sflag:s10] =	ssyncadd.s32 $0xFFFFFC00  }
0x4dd: {  	_ =	swait.ge [sflag:s10], $0x400  }
0x4de: {  	[sflag:s10] =	ssyncset.done $0x0  }
0x4df: {  	[sflag:s10] =	ssyncadd.s32 $0xFFFFFC00  }
0x4e0: {  	_ =	swait.ge [sflag:s10], $0x400  }
0x4e1: {  	[sflag:s10] =	ssyncset.done $0x0  }
0x4e2: {  	[sflag:s10] =	ssyncadd.s32 $0xFFFFFC00  }
0x4e3: {  	_ =	swait.ge [sflag:s10], $0x400  }
0x4e4: {  	[sflag:s10] =	ssyncset.done $0x0  }
0x4e5: {  	[sflag:s10] =	ssyncadd.s32 $0xFFFFFC00  }
0x4e6: {  	_ =	swait.ge [sflag:s10], $0x400  }
0x4e7: {  	[sflag:s10] =	ssyncset.done $0x0  }
0x4e8: {  	[sflag:s10] =	ssyncadd.s32 $0xFFFFFC00  }
0x4e9: {  	_ =	swait.ge [sflag:s10], $0x400  }
0x4ea: {  	[sflag:s10] =	ssyncset.done $0x0  }
0x4eb: {  	[sflag:s10] =	ssyncadd.s32 $0xFFFFFC00  }
0x4ec: {  	_ =	swait.ge [sflag:s10], $0x400  }
0x4ed: {  	[sflag:s10] =	ssyncset.done $0x0  }
0x4ee: {  	[sflag:s10] =	ssyncadd.s32 $0xFFFFFC00  }
0x4ef: {  	_ =	swait.ge [sflag:s10], $0x400  }
0x4f0: {  	[sflag:s10] =	ssyncset.done $0x0  }
0x4f1: {  	[sflag:s10] =	ssyncadd.s32 $0xFFFFFC00  }
0x4f2: {  	_ =	swait.ge [sflag:s10], $0x400  }
0x4f3: {  	[sflag:s10] =	ssyncset.done $0x0  }
0x4f4: {  	[sflag:s10] =	ssyncadd.s32 $0xFFFFFC00  }
0x4f5: {  	_ =	swait.ge [sflag:s10], $0x400  }
0x4f6: {  	[sflag:s10] =	ssyncset.done $0x0  }
0x4f7: {  	[sflag:s10] =	ssyncadd.s32 $0xFFFFFC00  }
0x4f8: {  	_ =	swait.ge [sflag:s10], $0x400  }
0x4f9: {  	[sflag:s10] =	ssyncset.done $0x0  }
0x4fa: {  	[sflag:s10] =	ssyncadd.s32 $0xFFFFFC00  }
0x4fb: {  	_ =	swait.ge [sflag:s10], $0x400  }
0x4fc: {  	[sflag:s10] =	ssyncset.done $0x0  }
0x4fd: {  	[sflag:s10] =	ssyncadd.s32 $0xFFFFFC00  }
0x4fe: {  	_ =	swait.ge [sflag:s10], $0x400  }
0x4ff: {  	[sflag:s10] =	ssyncset.done $0x0  }
0x500: {  	[sflag:s10] =	ssyncadd.s32 $0xFFFFFC00  }
0x501: {  	_ =	swait.ge [sflag:s10], $0x400  }
0x502: {  	[sflag:s10] =	ssyncset.done $0x0  }
0x503: {  	[sflag:s10] =	ssyncadd.s32 $0xFFFFFC00  }
0x504: {  	_ =	swait.ge [sflag:s10], $0x400  }
0x505: {  	[sflag:s10] =	ssyncset.done $0x0  }
0x506: {  	[sflag:s10] =	ssyncadd.s32 $0xFFFFFC00  }
0x507: {  	_ =	swait.ge [sflag:s10], $0x400  }
0x508: {  	[sflag:s10] =	ssyncset.done $0x0  }
0x509: {  	[sflag:s10] =	ssyncadd.s32 $0xFFFFFC00  }
0x50a: {  	_ =	swait.ge [sflag:s10], $0x400  }
0x50b: {  	[sflag:s10] =	ssyncset.done $0x0  }
0x50c: {  	[sflag:s10] =	ssyncadd.s32 $0xFFFFFC00  }
0x50d: {  	_ =	swait.ge [sflag:s10], $0x400  }
0x50e: {  	[sflag:s10] =	ssyncset.done $0x0  }
0x50f: {  	[sflag:s10] =	ssyncadd.s32 $0xFFFFFC00  }
0x510: {  	_ =	swait.ge [sflag:s10], $0x400  }
0x511: {  	[sflag:s10] =	ssyncset.done $0x0  }
0x512: {  	[sflag:s10] =	ssyncadd.s32 $0xFFFFFC00  }
0x513: {  	_ =	swait.ge [sflag:s10], $0x400  }
0x514: {  	[sflag:s10] =	ssyncset.done $0x0  }
0x515: {  	[sflag:s10] =	ssyncadd.s32 $0xFFFFFC00  }
0x516: {  	_ =	swait.ge [sflag:s10], $0x400  }
0x517: {  	[sflag:s10] =	ssyncset.done $0x0  }
0x518: {  	[sflag:s10] =	ssyncadd.s32 $0xFFFFFC00  }
0x519: {  	_ =	swait.ge [sflag:s10], $0x400  }
0x51a: {  	[sflag:s10] =	ssyncset.done $0x0  }
0x51b: {  	p0 =	sne.s32 s13, $0x3F;
	[sflag:s10] =	ssyncadd.s32 $0xFFFFFC00  }
.Ltmp1:
0x51c: {  	_ =	swait.ge [sflag:s10], $0x400;
	(pc) =	sbr.rel @p0 .LBB2_4-.Ltmp1, $4  }
0x51d: {  	[sflag:s10] =	ssyncset.done $0x0  }
0x51e: {  	[sflag:s10] =	ssyncadd.s32 $0xFFFFFC00  }
0x51f: {  	_ =	swait.ge [sflag:s10], $0x400  }
0x520: {  	s13 =	sadd.s32 $0x1, s13;
	s15 =	rddreg [dreg:$0x3];
	[sflag:s10] =	ssyncset.done $0x0  }
0x521: {  	s12 =	sshll.u32 s12, $0x3  }
0x522: {  	s13 =	sor.u32 s12, s15  }
0x523: {  	s13 =	sshll.u32 s13, $0xC  }
0x524: {  	[sflag:s10] =	ssyncadd.s32 $0xFFFFFC00;
	s19 =	ssub.s32 $0xA278, s12;
	s14 =	sadd.s32 s2, s13  }
0x525: {  	[hbm4b:s14+s3] =	stream.linear.scatter [tilespmem:s19], [sflag:$0x1], $0x80, $0x38;
	[tilespmem:$0x14080] =	vst v63  }
0x526: {  	s20 =	ssub.s32 $0xAC78, s12;
	s16 =	sadd.s32 $0x10, s14  }
0x527: {  	[hbm4b:s16+s3] =	stream.linear.scatter [tilespmem:s20], [sflag:$0x1], $0x80, $0x38;
	[tilespmem:$0x14080] =	vst v63  }
0x528: {  	s21 =	ssub.s32 $0xB678, s12;
	s22 =	sadd.s32 $0x20, s14  }
0x529: {  	[hbm4b:s22+s3] =	stream.linear.scatter [tilespmem:s21], [sflag:$0x1], $0x80, $0x38;
	[tilespmem:$0x14080] =	vst v63  }
0x52a: {  	s23 =	ssub.s32 $0xC078, s12;
	s24 =	sadd.s32 $0x30, s14  }
0x52b: {  	[hbm4b:s24+s3] =	stream.linear.scatter [tilespmem:s23], [sflag:$0x1], $0x80, $0x38;
	[tilespmem:$0x14080] =	vst v63  }
0x52c: {  	s25 =	ssub.s32 $0xCA78, s12;
	s26 =	sadd.s32 $0x40, s14  }
0x52d: {  	[hbm4b:s26+s3] =	stream.linear.scatter [tilespmem:s25], [sflag:$0x1], $0x80, $0x38;
	[tilespmem:$0x14080] =	vst v63  }
0x52e: {  	s28 =	ssub.s32 $0xD478, s12;
	s29 =	sadd.s32 $0x50, s14  }
0x52f: {  	[hbm4b:s29+s3] =	stream.linear.scatter [tilespmem:s28], [sflag:$0x1], $0x80, $0x38;
	[tilespmem:$0x14080] =	vst v63  }
0x530: {  	s30 =	ssub.s32 $0xDE78, s12;
	s31 =	sadd.s32 $0x60, s14  }
0x531: {  	[hbm4b:s31+s3] =	stream.linear.scatter [tilespmem:s30], [sflag:$0x1], $0x80, $0x38;
	[tilespmem:$0x14080] =	vst v63  }
0x532: {  	s17 =	rddreg [dreg:$0x4];
	s14 =	sadd.s32 $0x70, s14;
	s16 =	ssub.s32 $0xE878, s12  }
0x533: {  	[hbm4b:s14+s3] =	stream.linear.scatter [tilespmem:s16], [sflag:$0x1], $0x80, $0x38;
	[tilespmem:$0x14080] =	vst v63  }
0x534: {  	s14 =	sadd.s32 s13, s17;
	s17 =	ssub.s32 $0xA2F8, s12  }
0x535: {  	[hbm4b:s14+s3] =	stream.linear.scatter [tilespmem:s17], [sflag:$0x1], $0x80, $0x38;
	[tilespmem:$0x14080] =	vst v63  }
0x536: {  	s18 =	ssub.s32 $0xACF8, s12;
	s19 =	sadd.s32 $0x10, s14  }
0x537: {  	[hbm4b:s19+s3] =	stream.linear.scatter [tilespmem:s18], [sflag:$0x1], $0x80, $0x38;
	[tilespmem:$0x14080] =	vst v63  }
0x538: {  	s20 =	ssub.s32 $0xB6F8, s12;
	s21 =	sadd.s32 $0x20, s14  }
0x539: {  	[hbm4b:s21+s3] =	stream.linear.scatter [tilespmem:s20], [sflag:$0x1], $0x80, $0x38;
	[tilespmem:$0x14080] =	vst v63  }
0x53a: {  	s22 =	ssub.s32 $0xC0F8, s12;
	s23 =	sadd.s32 $0x30, s14  }
0x53b: {  	[hbm4b:s23+s3] =	stream.linear.scatter [tilespmem:s22], [sflag:$0x1], $0x80, $0x38;
	[tilespmem:$0x14080] =	vst v63  }
0x53c: {  	s24 =	ssub.s32 $0xCAF8, s12;
	s25 =	sadd.s32 $0x40, s14  }
0x53d: {  	[hbm4b:s25+s3] =	stream.linear.scatter [tilespmem:s24], [sflag:$0x1], $0x80, $0x38;
	[tilespmem:$0x14080] =	vst v63  }
0x53e: {  	s26 =	ssub.s32 $0xD4F8, s12;
	s28 =	sadd.s32 $0x50, s14  }
0x53f: {  	[hbm4b:s28+s3] =	stream.linear.scatter [tilespmem:s26], [sflag:$0x1], $0x80, $0x38;
	[tilespmem:$0x14080] =	vst v63  }
0x540: {  	s29 =	ssub.s32 $0xDEF8, s12;
	s30 =	sadd.s32 $0x60, s14  }
0x541: {  	[hbm4b:s30+s3] =	stream.linear.scatter [tilespmem:s29], [sflag:$0x1], $0x80, $0x38;
	[tilespmem:$0x14080] =	vst v63  }
0x542: {  	s31 =	rddreg [dreg:$0x5];
	s16 =	ssub.s32 $0xE8F8, s12;
	s14 =	sadd.s32 $0x70, s14  }
0x543: {  	[hbm4b:s14+s3] =	stream.linear.scatter [tilespmem:s16], [sflag:$0x1], $0x80, $0x38;
	[tilespmem:$0x14080] =	vst v63  }
0x544: {  	s17 =	ssub.s32 $0xA378, s12;
	s14 =	sadd.s32 s13, s31  }
0x545: {  	[hbm4b:s14+s3] =	stream.linear.scatter [tilespmem:s17], [sflag:$0x1], $0x80, $0x38;
	[tilespmem:$0x14080] =	vst v63  }
0x546: {  	s18 =	ssub.s32 $0xAD78, s12;
	s19 =	sadd.s32 $0x10, s14  }
0x547: {  	[hbm4b:s19+s3] =	stream.linear.scatter [tilespmem:s18], [sflag:$0x1], $0x80, $0x38;
	[tilespmem:$0x14080] =	vst v63  }
0x548: {  	s20 =	ssub.s32 $0xB778, s12;
	s21 =	sadd.s32 $0x20, s14  }
0x549: {  	[hbm4b:s21+s3] =	stream.linear.scatter [tilespmem:s20], [sflag:$0x1], $0x80, $0x38;
	[tilespmem:$0x14080] =	vst v63  }
0x54a: {  	s22 =	ssub.s32 $0xC178, s12;
	s23 =	sadd.s32 $0x30, s14  }
0x54b: {  	[hbm4b:s23+s3] =	stream.linear.scatter [tilespmem:s22], [sflag:$0x1], $0x80, $0x38;
	[tilespmem:$0x14080] =	vst v63  }
0x54c: {  	s24 =	ssub.s32 $0xCB78, s12;
	s25 =	sadd.s32 $0x40, s14  }
0x54d: {  	[hbm4b:s25+s3] =	stream.linear.scatter [tilespmem:s24], [sflag:$0x1], $0x80, $0x38;
	[tilespmem:$0x14080] =	vst v63  }
0x54e: {  	s26 =	ssub.s32 $0xD578, s12;
	s28 =	sadd.s32 $0x50, s14  }
0x54f: {  	[hbm4b:s28+s3] =	stream.linear.scatter [tilespmem:s26], [sflag:$0x1], $0x80, $0x38;
	[tilespmem:$0x14080] =	vst v63  }
0x550: {  	s29 =	ssub.s32 $0xDF78, s12;
	s30 =	sadd.s32 $0x60, s14  }
0x551: {  	[hbm4b:s30+s3] =	stream.linear.scatter [tilespmem:s29], [sflag:$0x1], $0x80, $0x38;
	[tilespmem:$0x14080] =	vst v63  }
0x552: {  	s31 =	rddreg [dreg:$0x6];
	s16 =	ssub.s32 $0xE978, s12;
	s14 =	sadd.s32 $0x70, s14  }
0x553: {  	[hbm4b:s14+s3] =	stream.linear.scatter [tilespmem:s16], [sflag:$0x1], $0x80, $0x38;
	[tilespmem:$0x14080] =	vst v63  }
0x554: {  	s17 =	ssub.s32 $0xA3F8, s12;
	s14 =	sadd.s32 s13, s31  }
0x555: {  	[hbm4b:s14+s3] =	stream.linear.scatter [tilespmem:s17], [sflag:$0x1], $0x80, $0x38;
	[tilespmem:$0x14080] =	vst v63  }
0x556: {  	s18 =	ssub.s32 $0xADF8, s12;
	s19 =	sadd.s32 $0x10, s14  }
0x557: {  	[hbm4b:s19+s3] =	stream.linear.scatter [tilespmem:s18], [sflag:$0x1], $0x80, $0x38;
	[tilespmem:$0x14080] =	vst v63  }
0x558: {  	s20 =	ssub.s32 $0xB7F8, s12;
	s21 =	sadd.s32 $0x20, s14  }
0x559: {  	[hbm4b:s21+s3] =	stream.linear.scatter [tilespmem:s20], [sflag:$0x1], $0x80, $0x38;
	[tilespmem:$0x14080] =	vst v63  }
0x55a: {  	s22 =	ssub.s32 $0xC1F8, s12;
	s23 =	sadd.s32 $0x30, s14  }
0x55b: {  	[hbm4b:s23+s3] =	stream.linear.scatter [tilespmem:s22], [sflag:$0x1], $0x80, $0x38;
	[tilespmem:$0x14080] =	vst v63  }
0x55c: {  	s24 =	ssub.s32 $0xCBF8, s12;
	s25 =	sadd.s32 $0x40, s14  }
0x55d: {  	[hbm4b:s25+s3] =	stream.linear.scatter [tilespmem:s24], [sflag:$0x1], $0x80, $0x38;
	[tilespmem:$0x14080] =	vst v63  }
0x55e: {  	s26 =	ssub.s32 $0xD5F8, s12;
	s28 =	sadd.s32 $0x50, s14  }
0x55f: {  	[hbm4b:s28+s3] =	stream.linear.scatter [tilespmem:s26], [sflag:$0x1], $0x80, $0x38;
	[tilespmem:$0x14080] =	vst v63  }
0x560: {  	s29 =	ssub.s32 $0xDFF8, s12;
	s30 =	sadd.s32 $0x60, s14  }
0x561: {  	[hbm4b:s30+s3] =	stream.linear.scatter [tilespmem:s29], [sflag:$0x1], $0x80, $0x38;
	[tilespmem:$0x14080] =	vst v63  }
0x562: {  	s31 =	rddreg [dreg:$0x7];
	s16 =	ssub.s32 $0xE9F8, s12;
	s14 =	sadd.s32 $0x70, s14  }
0x563: {  	[hbm4b:s14+s3] =	stream.linear.scatter [tilespmem:s16], [sflag:$0x1], $0x80, $0x38;
	[tilespmem:$0x14080] =	vst v63  }
0x564: {  	s17 =	ssub.s32 $0xA478, s12;
	s14 =	sadd.s32 s13, s31  }
0x565: {  	[hbm4b:s14+s3] =	stream.linear.scatter [tilespmem:s17], [sflag:$0x1], $0x80, $0x38;
	[tilespmem:$0x14080] =	vst v63  }
0x566: {  	s18 =	ssub.s32 $0xAE78, s12;
	s19 =	sadd.s32 $0x10, s14  }
0x567: {  	[hbm4b:s19+s3] =	stream.linear.scatter [tilespmem:s18], [sflag:$0x1], $0x80, $0x38;
	[tilespmem:$0x14080] =	vst v63  }
0x568: {  	s20 =	ssub.s32 $0xB878, s12;
	s21 =	sadd.s32 $0x20, s14  }
0x569: {  	[hbm4b:s21+s3] =	stream.linear.scatter [tilespmem:s20], [sflag:$0x1], $0x80, $0x38;
	[tilespmem:$0x14080] =	vst v63  }
0x56a: {  	s22 =	ssub.s32 $0xC278, s12;
	s23 =	sadd.s32 $0x30, s14  }
0x56b: {  	[hbm4b:s23+s3] =	stream.linear.scatter [tilespmem:s22], [sflag:$0x1], $0x80, $0x38;
	[tilespmem:$0x14080] =	vst v63  }
0x56c: {  	s24 =	ssub.s32 $0xCC78, s12;
	s25 =	sadd.s32 $0x40, s14  }
0x56d: {  	[hbm4b:s25+s3] =	stream.linear.scatter [tilespmem:s24], [sflag:$0x1], $0x80, $0x38;
	[tilespmem:$0x14080] =	vst v63  }
0x56e: {  	s26 =	ssub.s32 $0xD678, s12;
	s28 =	sadd.s32 $0x50, s14  }
0x56f: {  	[hbm4b:s28+s3] =	stream.linear.scatter [tilespmem:s26], [sflag:$0x1], $0x80, $0x38;
	[tilespmem:$0x14080] =	vst v63  }
0x570: {  	s29 =	ssub.s32 $0xE078, s12;
	s30 =	sadd.s32 $0x60, s14  }
0x571: {  	[hbm4b:s30+s3] =	stream.linear.scatter [tilespmem:s29], [sflag:$0x1], $0x80, $0x38;
	[tilespmem:$0x14080] =	vst v63  }
0x572: {  	s31 =	rddreg [dreg:$0x8];
	s16 =	ssub.s32 $0xEA78, s12;
	s14 =	sadd.s32 $0x70, s14  }
0x573: {  	[hbm4b:s14+s3] =	stream.linear.scatter [tilespmem:s16], [sflag:$0x1], $0x80, $0x38;
	[tilespmem:$0x14080] =	vst v63  }
0x574: {  	s17 =	ssub.s32 $0xA4F8, s12;
	s14 =	sadd.s32 s13, s31  }
0x575: {  	[hbm4b:s14+s3] =	stream.linear.scatter [tilespmem:s17], [sflag:$0x1], $0x80, $0x38;
	[tilespmem:$0x14080] =	vst v63  }
0x576: {  	s18 =	ssub.s32 $0xAEF8, s12;
	s19 =	sadd.s32 $0x10, s14  }
0x577: {  	[hbm4b:s19+s3] =	stream.linear.scatter [tilespmem:s18], [sflag:$0x1], $0x80, $0x38;
	[tilespmem:$0x14080] =	vst v63  }
0x578: {  	s20 =	ssub.s32 $0xB8F8, s12;
	s21 =	sadd.s32 $0x20, s14  }
0x579: {  	[hbm4b:s21+s3] =	stream.linear.scatter [tilespmem:s20], [sflag:$0x1], $0x80, $0x38;
	[tilespmem:$0x14080] =	vst v63  }
0x57a: {  	s22 =	ssub.s32 $0xC2F8, s12;
	s23 =	sadd.s32 $0x30, s14  }
0x57b: {  	[hbm4b:s23+s3] =	stream.linear.scatter [tilespmem:s22], [sflag:$0x1], $0x80, $0x38;
	[tilespmem:$0x14080] =	vst v63  }
0x57c: {  	s24 =	ssub.s32 $0xCCF8, s12;
	s25 =	sadd.s32 $0x40, s14  }
0x57d: {  	[hbm4b:s25+s3] =	stream.linear.scatter [tilespmem:s24], [sflag:$0x1], $0x80, $0x38;
	[tilespmem:$0x14080] =	vst v63  }
0x57e: {  	s26 =	ssub.s32 $0xD6F8, s12;
	s28 =	sadd.s32 $0x50, s14  }
0x57f: {  	[hbm4b:s28+s3] =	stream.linear.scatter [tilespmem:s26], [sflag:$0x1], $0x80, $0x38;
	[tilespmem:$0x14080] =	vst v63  }
0x580: {  	s29 =	ssub.s32 $0xE0F8, s12;
	s30 =	sadd.s32 $0x60, s14  }
0x581: {  	[hbm4b:s30+s3] =	stream.linear.scatter [tilespmem:s29], [sflag:$0x1], $0x80, $0x38;
	[tilespmem:$0x14080] =	vst v63  }
0x582: {  	s31 =	rddreg [dreg:$0x9];
	s16 =	ssub.s32 $0xEAF8, s12;
	s14 =	sadd.s32 $0x70, s14  }
0x583: {  	[hbm4b:s14+s3] =	stream.linear.scatter [tilespmem:s16], [sflag:$0x1], $0x80, $0x38;
	[tilespmem:$0x14080] =	vst v63  }
0x584: {  	s17 =	ssub.s32 $0xA578, s12;
	s14 =	sadd.s32 s13, s31  }
0x585: {  	[hbm4b:s14+s3] =	stream.linear.scatter [tilespmem:s17], [sflag:$0x1], $0x80, $0x38;
	[tilespmem:$0x14080] =	vst v63  }
0x586: {  	s18 =	ssub.s32 $0xAF78, s12;
	s19 =	sadd.s32 $0x10, s14  }
0x587: {  	[hbm4b:s19+s3] =	stream.linear.scatter [tilespmem:s18], [sflag:$0x1], $0x80, $0x38;
	[tilespmem:$0x14080] =	vst v63  }
0x588: {  	s20 =	ssub.s32 $0xB978, s12;
	s21 =	sadd.s32 $0x20, s14  }
0x589: {  	[hbm4b:s21+s3] =	stream.linear.scatter [tilespmem:s20], [sflag:$0x1], $0x80, $0x38;
	[tilespmem:$0x14080] =	vst v63  }
0x58a: {  	s22 =	ssub.s32 $0xC378, s12;
	s23 =	sadd.s32 $0x30, s14  }
0x58b: {  	[hbm4b:s23+s3] =	stream.linear.scatter [tilespmem:s22], [sflag:$0x1], $0x80, $0x38;
	[tilespmem:$0x14080] =	vst v63  }
0x58c: {  	s24 =	ssub.s32 $0xCD78, s12;
	s25 =	sadd.s32 $0x40, s14  }
0x58d: {  	[hbm4b:s25+s3] =	stream.linear.scatter [tilespmem:s24], [sflag:$0x1], $0x80, $0x38;
	[tilespmem:$0x14080] =	vst v63  }
0x58e: {  	s26 =	ssub.s32 $0xD778, s12;
	s28 =	sadd.s32 $0x50, s14  }
0x58f: {  	[hbm4b:s28+s3] =	stream.linear.scatter [tilespmem:s26], [sflag:$0x1], $0x80, $0x38;
	[tilespmem:$0x14080] =	vst v63  }
0x590: {  	s29 =	ssub.s32 $0xE178, s12;
	s30 =	sadd.s32 $0x60, s14  }
0x591: {  	[hbm4b:s30+s3] =	stream.linear.scatter [tilespmem:s29], [sflag:$0x1], $0x80, $0x38;
	[tilespmem:$0x14080] =	vst v63  }
0x592: {  	s31 =	rddreg [dreg:$0xa];
	s16 =	ssub.s32 $0xEB78, s12;
	s14 =	sadd.s32 $0x70, s14  }
0x593: {  	[hbm4b:s14+s3] =	stream.linear.scatter [tilespmem:s16], [sflag:$0x1], $0x80, $0x38;
	[tilespmem:$0x14080] =	vst v63  }
0x594: {  	s17 =	ssub.s32 $0xA5F8, s12;
	s14 =	sadd.s32 s13, s31  }
0x595: {  	[hbm4b:s14+s3] =	stream.linear.scatter [tilespmem:s17], [sflag:$0x1], $0x80, $0x38;
	[tilespmem:$0x14080] =	vst v63  }
0x596: {  	s18 =	ssub.s32 $0xAFF8, s12;
	s19 =	sadd.s32 $0x10, s14  }
0x597: {  	[hbm4b:s19+s3] =	stream.linear.scatter [tilespmem:s18], [sflag:$0x1], $0x80, $0x38;
	[tilespmem:$0x14080] =	vst v63  }
0x598: {  	s20 =	ssub.s32 $0xB9F8, s12;
	s21 =	sadd.s32 $0x20, s14  }
0x599: {  	[hbm4b:s21+s3] =	stream.linear.scatter [tilespmem:s20], [sflag:$0x1], $0x80, $0x38;
	[tilespmem:$0x14080] =	vst v63  }
0x59a: {  	s22 =	ssub.s32 $0xC3F8, s12;
	s23 =	sadd.s32 $0x30, s14  }
0x59b: {  	[hbm4b:s23+s3] =	stream.linear.scatter [tilespmem:s22], [sflag:$0x1], $0x80, $0x38;
	[tilespmem:$0x14080] =	vst v63  }
0x59c: {  	s24 =	ssub.s32 $0xCDF8, s12;
	s25 =	sadd.s32 $0x40, s14  }
0x59d: {  	[hbm4b:s25+s3] =	stream.linear.scatter [tilespmem:s24], [sflag:$0x1], $0x80, $0x38;
	[tilespmem:$0x14080] =	vst v63  }
0x59e: {  	s26 =	ssub.s32 $0xD7F8, s12;
	s28 =	sadd.s32 $0x50, s14  }
0x59f: {  	[hbm4b:s28+s3] =	stream.linear.scatter [tilespmem:s26], [sflag:$0x1], $0x80, $0x38;
	[tilespmem:$0x14080] =	vst v63  }
0x5a0: {  	s29 =	ssub.s32 $0xE1F8, s12;
	s30 =	sadd.s32 $0x60, s14  }
0x5a1: {  	[hbm4b:s30+s3] =	stream.linear.scatter [tilespmem:s29], [sflag:$0x1], $0x80, $0x38;
	[tilespmem:$0x14080] =	vst v63  }
0x5a2: {  	s31 =	rddreg [dreg:$0xb];
	s16 =	ssub.s32 $0xEBF8, s12;
	s14 =	sadd.s32 $0x70, s14  }
0x5a3: {  	[hbm4b:s14+s3] =	stream.linear.scatter [tilespmem:s16], [sflag:$0x1], $0x80, $0x38;
	[tilespmem:$0x14080] =	vst v63  }
0x5a4: {  	s17 =	ssub.s32 $0xA678, s12;
	s14 =	sadd.s32 s13, s31  }
0x5a5: {  	[hbm4b:s14+s3] =	stream.linear.scatter [tilespmem:s17], [sflag:$0x1], $0x80, $0x38;
	[tilespmem:$0x14080] =	vst v63  }
0x5a6: {  	s18 =	ssub.s32 $0xB078, s12;
	s19 =	sadd.s32 $0x10, s14  }
0x5a7: {  	[hbm4b:s19+s3] =	stream.linear.scatter [tilespmem:s18], [sflag:$0x1], $0x80, $0x38;
	[tilespmem:$0x14080] =	vst v63  }
0x5a8: {  	s20 =	ssub.s32 $0xBA78, s12;
	s21 =	sadd.s32 $0x20, s14  }
0x5a9: {  	[hbm4b:s21+s3] =	stream.linear.scatter [tilespmem:s20], [sflag:$0x1], $0x80, $0x38;
	[tilespmem:$0x14080] =	vst v63  }
0x5aa: {  	s22 =	ssub.s32 $0xC478, s12;
	s23 =	sadd.s32 $0x30, s14  }
0x5ab: {  	[hbm4b:s23+s3] =	stream.linear.scatter [tilespmem:s22], [sflag:$0x1], $0x80, $0x38;
	[tilespmem:$0x14080] =	vst v63  }
0x5ac: {  	s24 =	ssub.s32 $0xCE78, s12;
	s25 =	sadd.s32 $0x40, s14  }
0x5ad: {  	[hbm4b:s25+s3] =	stream.linear.scatter [tilespmem:s24], [sflag:$0x1], $0x80, $0x38;
	[tilespmem:$0x14080] =	vst v63  }
0x5ae: {  	s26 =	ssub.s32 $0xD878, s12;
	s28 =	sadd.s32 $0x50, s14  }
0x5af: {  	[hbm4b:s28+s3] =	stream.linear.scatter [tilespmem:s26], [sflag:$0x1], $0x80, $0x38;
	[tilespmem:$0x14080] =	vst v63  }
0x5b0: {  	s29 =	ssub.s32 $0xE278, s12;
	s30 =	sadd.s32 $0x60, s14  }
0x5b1: {  	[hbm4b:s30+s3] =	stream.linear.scatter [tilespmem:s29], [sflag:$0x1], $0x80, $0x38;
	[tilespmem:$0x14080] =	vst v63  }
0x5b2: {  	s31 =	rddreg [dreg:$0xc];
	s16 =	ssub.s32 $0xEC78, s12;
	s14 =	sadd.s32 $0x70, s14  }
0x5b3: {  	[hbm4b:s14+s3] =	stream.linear.scatter [tilespmem:s16], [sflag:$0x1], $0x80, $0x38;
	[tilespmem:$0x14080] =	vst v63  }
0x5b4: {  	s17 =	ssub.s32 $0xA6F8, s12;
	s14 =	sadd.s32 s13, s31  }
0x5b5: {  	[hbm4b:s14+s3] =	stream.linear.scatter [tilespmem:s17], [sflag:$0x1], $0x80, $0x38;
	[tilespmem:$0x14080] =	vst v63  }
0x5b6: {  	s18 =	ssub.s32 $0xB0F8, s12;
	s19 =	sadd.s32 $0x10, s14  }
0x5b7: {  	[hbm4b:s19+s3] =	stream.linear.scatter [tilespmem:s18], [sflag:$0x1], $0x80, $0x38;
	[tilespmem:$0x14080] =	vst v63  }
0x5b8: {  	s20 =	ssub.s32 $0xBAF8, s12;
	s21 =	sadd.s32 $0x20, s14  }
0x5b9: {  	[hbm4b:s21+s3] =	stream.linear.scatter [tilespmem:s20], [sflag:$0x1], $0x80, $0x38;
	[tilespmem:$0x14080] =	vst v63  }
0x5ba: {  	s22 =	ssub.s32 $0xC4F8, s12;
	s23 =	sadd.s32 $0x30, s14  }
0x5bb: {  	[hbm4b:s23+s3] =	stream.linear.scatter [tilespmem:s22], [sflag:$0x1], $0x80, $0x38;
	[tilespmem:$0x14080] =	vst v63  }
0x5bc: {  	s24 =	ssub.s32 $0xCEF8, s12;
	s25 =	sadd.s32 $0x40, s14  }
0x5bd: {  	[hbm4b:s25+s3] =	stream.linear.scatter [tilespmem:s24], [sflag:$0x1], $0x80, $0x38;
	[tilespmem:$0x14080] =	vst v63  }
0x5be: {  	s26 =	ssub.s32 $0xD8F8, s12;
	s28 =	sadd.s32 $0x50, s14  }
0x5bf: {  	[hbm4b:s28+s3] =	stream.linear.scatter [tilespmem:s26], [sflag:$0x1], $0x80, $0x38;
	[tilespmem:$0x14080] =	vst v63  }
0x5c0: {  	s29 =	ssub.s32 $0xE2F8, s12;
	s30 =	sadd.s32 $0x60, s14  }
0x5c1: {  	[hbm4b:s30+s3] =	stream.linear.scatter [tilespmem:s29], [sflag:$0x1], $0x80, $0x38;
	[tilespmem:$0x14080] =	vst v63  }
0x5c2: {  	s31 =	rddreg [dreg:$0xd];
	s16 =	ssub.s32 $0xECF8, s12;
	s14 =	sadd.s32 $0x70, s14  }
0x5c3: {  	[hbm4b:s14+s3] =	stream.linear.scatter [tilespmem:s16], [sflag:$0x1], $0x80, $0x38;
	[tilespmem:$0x14080] =	vst v63  }
0x5c4: {  	s17 =	ssub.s32 $0xA778, s12;
	s14 =	sadd.s32 s13, s31  }
0x5c5: {  	[hbm4b:s14+s3] =	stream.linear.scatter [tilespmem:s17], [sflag:$0x1], $0x80, $0x38;
	[tilespmem:$0x14080] =	vst v63  }
0x5c6: {  	s18 =	ssub.s32 $0xB178, s12;
	s19 =	sadd.s32 $0x10, s14  }
0x5c7: {  	[hbm4b:s19+s3] =	stream.linear.scatter [tilespmem:s18], [sflag:$0x1], $0x80, $0x38;
	[tilespmem:$0x14080] =	vst v63  }
0x5c8: {  	s20 =	ssub.s32 $0xBB78, s12;
	s21 =	sadd.s32 $0x20, s14  }
0x5c9: {  	[hbm4b:s21+s3] =	stream.linear.scatter [tilespmem:s20], [sflag:$0x1], $0x80, $0x38;
	[tilespmem:$0x14080] =	vst v63  }
0x5ca: {  	s22 =	ssub.s32 $0xC578, s12;
	s23 =	sadd.s32 $0x30, s14  }
0x5cb: {  	[hbm4b:s23+s3] =	stream.linear.scatter [tilespmem:s22], [sflag:$0x1], $0x80, $0x38;
	[tilespmem:$0x14080] =	vst v63  }
0x5cc: {  	s24 =	ssub.s32 $0xCF78, s12;
	s25 =	sadd.s32 $0x40, s14  }
0x5cd: {  	[hbm4b:s25+s3] =	stream.linear.scatter [tilespmem:s24], [sflag:$0x1], $0x80, $0x38;
	[tilespmem:$0x14080] =	vst v63  }
0x5ce: {  	s26 =	ssub.s32 $0xD978, s12;
	s28 =	sadd.s32 $0x50, s14  }
0x5cf: {  	[hbm4b:s28+s3] =	stream.linear.scatter [tilespmem:s26], [sflag:$0x1], $0x80, $0x38;
	[tilespmem:$0x14080] =	vst v63  }
0x5d0: {  	s29 =	ssub.s32 $0xE378, s12;
	s30 =	sadd.s32 $0x60, s14  }
0x5d1: {  	[hbm4b:s30+s3] =	stream.linear.scatter [tilespmem:s29], [sflag:$0x1], $0x80, $0x38;
	[tilespmem:$0x14080] =	vst v63  }
0x5d2: {  	s31 =	rddreg [dreg:$0xe];
	s16 =	ssub.s32 $0xED78, s12;
	s14 =	sadd.s32 $0x70, s14  }
0x5d3: {  	[hbm4b:s14+s3] =	stream.linear.scatter [tilespmem:s16], [sflag:$0x1], $0x80, $0x38;
	[tilespmem:$0x14080] =	vst v63  }
0x5d4: {  	s17 =	ssub.s32 $0xA7F8, s12;
	s14 =	sadd.s32 s13, s31  }
0x5d5: {  	[hbm4b:s14+s3] =	stream.linear.scatter [tilespmem:s17], [sflag:$0x1], $0x80, $0x38;
	[tilespmem:$0x14080] =	vst v63  }
0x5d6: {  	s18 =	ssub.s32 $0xB1F8, s12;
	s19 =	sadd.s32 $0x10, s14  }
0x5d7: {  	[hbm4b:s19+s3] =	stream.linear.scatter [tilespmem:s18], [sflag:$0x1], $0x80, $0x38;
	[tilespmem:$0x14080] =	vst v63  }
0x5d8: {  	s20 =	ssub.s32 $0xBBF8, s12;
	s21 =	sadd.s32 $0x20, s14  }
0x5d9: {  	[hbm4b:s21+s3] =	stream.linear.scatter [tilespmem:s20], [sflag:$0x1], $0x80, $0x38;
	[tilespmem:$0x14080] =	vst v63  }
0x5da: {  	s22 =	ssub.s32 $0xC5F8, s12;
	s23 =	sadd.s32 $0x30, s14  }
0x5db: {  	[hbm4b:s23+s3] =	stream.linear.scatter [tilespmem:s22], [sflag:$0x1], $0x80, $0x38;
	[tilespmem:$0x14080] =	vst v63  }
0x5dc: {  	s24 =	ssub.s32 $0xCFF8, s12;
	s25 =	sadd.s32 $0x40, s14  }
0x5dd: {  	[hbm4b:s25+s3] =	stream.linear.scatter [tilespmem:s24], [sflag:$0x1], $0x80, $0x38;
	[tilespmem:$0x14080] =	vst v63  }
0x5de: {  	s26 =	ssub.s32 $0xD9F8, s12;
	s28 =	sadd.s32 $0x50, s14  }
0x5df: {  	[hbm4b:s28+s3] =	stream.linear.scatter [tilespmem:s26], [sflag:$0x1], $0x80, $0x38;
	[tilespmem:$0x14080] =	vst v63  }
0x5e0: {  	s29 =	ssub.s32 $0xE3F8, s12;
	s30 =	sadd.s32 $0x60, s14  }
0x5e1: {  	[hbm4b:s30+s3] =	stream.linear.scatter [tilespmem:s29], [sflag:$0x1], $0x80, $0x38;
	[tilespmem:$0x14080] =	vst v63  }
0x5e2: {  	s31 =	rddreg [dreg:$0xf];
	s16 =	ssub.s32 $0xEDF8, s12;
	s14 =	sadd.s32 $0x70, s14  }
0x5e3: {  	[hbm4b:s14+s3] =	stream.linear.scatter [tilespmem:s16], [sflag:$0x1], $0x80, $0x38;
	[tilespmem:$0x14080] =	vst v63  }
0x5e4: {  	s17 =	ssub.s32 $0xA878, s12;
	s14 =	sadd.s32 s13, s31  }
0x5e5: {  	[hbm4b:s14+s3] =	stream.linear.scatter [tilespmem:s17], [sflag:$0x1], $0x80, $0x38;
	[tilespmem:$0x14080] =	vst v63  }
0x5e6: {  	s18 =	ssub.s32 $0xB278, s12;
	s19 =	sadd.s32 $0x10, s14  }
0x5e7: {  	[hbm4b:s19+s3] =	stream.linear.scatter [tilespmem:s18], [sflag:$0x1], $0x80, $0x38;
	[tilespmem:$0x14080] =	vst v63  }
0x5e8: {  	s20 =	ssub.s32 $0xBC78, s12;
	s21 =	sadd.s32 $0x20, s14  }
0x5e9: {  	[hbm4b:s21+s3] =	stream.linear.scatter [tilespmem:s20], [sflag:$0x1], $0x80, $0x38;
	[tilespmem:$0x14080] =	vst v63  }
0x5ea: {  	s22 =	ssub.s32 $0xC678, s12;
	s23 =	sadd.s32 $0x30, s14  }
0x5eb: {  	[hbm4b:s23+s3] =	stream.linear.scatter [tilespmem:s22], [sflag:$0x1], $0x80, $0x38;
	[tilespmem:$0x14080] =	vst v63  }
0x5ec: {  	s24 =	ssub.s32 $0xD078, s12;
	s25 =	sadd.s32 $0x40, s14  }
0x5ed: {  	[hbm4b:s25+s3] =	stream.linear.scatter [tilespmem:s24], [sflag:$0x1], $0x80, $0x38;
	[tilespmem:$0x14080] =	vst v63  }
0x5ee: {  	s26 =	ssub.s32 $0xDA78, s12;
	s28 =	sadd.s32 $0x50, s14  }
0x5ef: {  	[hbm4b:s28+s3] =	stream.linear.scatter [tilespmem:s26], [sflag:$0x1], $0x80, $0x38;
	[tilespmem:$0x14080] =	vst v63  }
0x5f0: {  	s29 =	ssub.s32 $0xE478, s12;
	s30 =	sadd.s32 $0x60, s14  }
0x5f1: {  	[hbm4b:s30+s3] =	stream.linear.scatter [tilespmem:s29], [sflag:$0x1], $0x80, $0x38;
	[tilespmem:$0x14080] =	vst v63  }
0x5f2: {  	s31 =	rddreg [dreg:$0x10];
	s16 =	ssub.s32 $0xEE78, s12;
	s14 =	sadd.s32 $0x70, s14  }
0x5f3: {  	[hbm4b:s14+s3] =	stream.linear.scatter [tilespmem:s16], [sflag:$0x1], $0x80, $0x38;
	[tilespmem:$0x14080] =	vst v63  }
0x5f4: {  	s17 =	ssub.s32 $0xA8F8, s12;
	s14 =	sadd.s32 s13, s31  }
0x5f5: {  	[hbm4b:s14+s3] =	stream.linear.scatter [tilespmem:s17], [sflag:$0x1], $0x80, $0x38;
	[tilespmem:$0x14080] =	vst v63  }
0x5f6: {  	s18 =	ssub.s32 $0xB2F8, s12;
	s19 =	sadd.s32 $0x10, s14  }
0x5f7: {  	[hbm4b:s19+s3] =	stream.linear.scatter [tilespmem:s18], [sflag:$0x1], $0x80, $0x38;
	[tilespmem:$0x14080] =	vst v63  }
0x5f8: {  	s20 =	ssub.s32 $0xBCF8, s12;
	s21 =	sadd.s32 $0x20, s14  }
0x5f9: {  	[hbm4b:s21+s3] =	stream.linear.scatter [tilespmem:s20], [sflag:$0x1], $0x80, $0x38;
	[tilespmem:$0x14080] =	vst v63  }
0x5fa: {  	s22 =	ssub.s32 $0xC6F8, s12;
	s23 =	sadd.s32 $0x30, s14  }
0x5fb: {  	[hbm4b:s23+s3] =	stream.linear.scatter [tilespmem:s22], [sflag:$0x1], $0x80, $0x38;
	[tilespmem:$0x14080] =	vst v63  }
0x5fc: {  	s24 =	ssub.s32 $0xD0F8, s12;
	s25 =	sadd.s32 $0x40, s14  }
0x5fd: {  	[hbm4b:s25+s3] =	stream.linear.scatter [tilespmem:s24], [sflag:$0x1], $0x80, $0x38;
	[tilespmem:$0x14080] =	vst v63  }
0x5fe: {  	s26 =	ssub.s32 $0xDAF8, s12;
	s28 =	sadd.s32 $0x50, s14  }
0x5ff: {  	[hbm4b:s28+s3] =	stream.linear.scatter [tilespmem:s26], [sflag:$0x1], $0x80, $0x38;
	[tilespmem:$0x14080] =	vst v63  }
0x600: {  	s29 =	ssub.s32 $0xE4F8, s12;
	s30 =	sadd.s32 $0x60, s14  }
0x601: {  	[hbm4b:s30+s3] =	stream.linear.scatter [tilespmem:s29], [sflag:$0x1], $0x80, $0x38;
	[tilespmem:$0x14080] =	vst v63  }
0x602: {  	s31 =	rddreg [dreg:$0x11];
	s16 =	ssub.s32 $0xEEF8, s12;
	s14 =	sadd.s32 $0x70, s14  }
0x603: {  	[hbm4b:s14+s3] =	stream.linear.scatter [tilespmem:s16], [sflag:$0x1], $0x80, $0x38;
	[tilespmem:$0x14080] =	vst v63  }
0x604: {  	s17 =	ssub.s32 $0xA978, s12;
	s14 =	sadd.s32 s13, s31  }
0x605: {  	[hbm4b:s14+s3] =	stream.linear.scatter [tilespmem:s17], [sflag:$0x1], $0x80, $0x38;
	[tilespmem:$0x14080] =	vst v63  }
0x606: {  	s18 =	ssub.s32 $0xB378, s12;
	s19 =	sadd.s32 $0x10, s14  }
0x607: {  	[hbm4b:s19+s3] =	stream.linear.scatter [tilespmem:s18], [sflag:$0x1], $0x80, $0x38;
	[tilespmem:$0x14080] =	vst v63  }
0x608: {  	s20 =	ssub.s32 $0xBD78, s12;
	s21 =	sadd.s32 $0x20, s14  }
0x609: {  	[hbm4b:s21+s3] =	stream.linear.scatter [tilespmem:s20], [sflag:$0x1], $0x80, $0x38;
	[tilespmem:$0x14080] =	vst v63  }
0x60a: {  	s22 =	ssub.s32 $0xC778, s12;
	s23 =	sadd.s32 $0x30, s14  }
0x60b: {  	[hbm4b:s23+s3] =	stream.linear.scatter [tilespmem:s22], [sflag:$0x1], $0x80, $0x38;
	[tilespmem:$0x14080] =	vst v63  }
0x60c: {  	s24 =	ssub.s32 $0xD178, s12;
	s25 =	sadd.s32 $0x40, s14  }
0x60d: {  	[hbm4b:s25+s3] =	stream.linear.scatter [tilespmem:s24], [sflag:$0x1], $0x80, $0x38;
	[tilespmem:$0x14080] =	vst v63  }
0x60e: {  	s26 =	ssub.s32 $0xDB78, s12;
	s28 =	sadd.s32 $0x50, s14  }
0x60f: {  	[hbm4b:s28+s3] =	stream.linear.scatter [tilespmem:s26], [sflag:$0x1], $0x80, $0x38;
	[tilespmem:$0x14080] =	vst v63  }
0x610: {  	s29 =	ssub.s32 $0xE578, s12;
	s30 =	sadd.s32 $0x60, s14  }
0x611: {  	[hbm4b:s30+s3] =	stream.linear.scatter [tilespmem:s29], [sflag:$0x1], $0x80, $0x38;
	[tilespmem:$0x14080] =	vst v63  }
0x612: {  	s31 =	rddreg [dreg:$0x12];
	s16 =	ssub.s32 $0xEF78, s12;
	s14 =	sadd.s32 $0x70, s14  }
0x613: {  	[hbm4b:s14+s3] =	stream.linear.scatter [tilespmem:s16], [sflag:$0x1], $0x80, $0x38;
	[tilespmem:$0x14080] =	vst v63  }
0x614: {  	s17 =	ssub.s32 $0xA9F8, s12;
	s14 =	sadd.s32 s13, s31  }
0x615: {  	[hbm4b:s14+s3] =	stream.linear.scatter [tilespmem:s17], [sflag:$0x1], $0x80, $0x38;
	[tilespmem:$0x14080] =	vst v63  }
0x616: {  	s18 =	ssub.s32 $0xB3F8, s12;
	s19 =	sadd.s32 $0x10, s14  }
0x617: {  	[hbm4b:s19+s3] =	stream.linear.scatter [tilespmem:s18], [sflag:$0x1], $0x80, $0x38;
	[tilespmem:$0x14080] =	vst v63  }
0x618: {  	s20 =	ssub.s32 $0xBDF8, s12;
	s21 =	sadd.s32 $0x20, s14  }
0x619: {  	[hbm4b:s21+s3] =	stream.linear.scatter [tilespmem:s20], [sflag:$0x1], $0x80, $0x38;
	[tilespmem:$0x14080] =	vst v63  }
0x61a: {  	s22 =	ssub.s32 $0xC7F8, s12;
	s23 =	sadd.s32 $0x30, s14  }
0x61b: {  	[hbm4b:s23+s3] =	stream.linear.scatter [tilespmem:s22], [sflag:$0x1], $0x80, $0x38;
	[tilespmem:$0x14080] =	vst v63  }
0x61c: {  	s24 =	ssub.s32 $0xD1F8, s12;
	s25 =	sadd.s32 $0x40, s14  }
0x61d: {  	[hbm4b:s25+s3] =	stream.linear.scatter [tilespmem:s24], [sflag:$0x1], $0x80, $0x38;
	[tilespmem:$0x14080] =	vst v63  }
0x61e: {  	s26 =	ssub.s32 $0xDBF8, s12;
	s28 =	sadd.s32 $0x50, s14  }
0x61f: {  	[hbm4b:s28+s3] =	stream.linear.scatter [tilespmem:s26], [sflag:$0x1], $0x80, $0x38;
	[tilespmem:$0x14080] =	vst v63  }
0x620: {  	s29 =	ssub.s32 $0xE5F8, s12;
	s30 =	sadd.s32 $0x60, s14  }
0x621: {  	[hbm4b:s30+s3] =	stream.linear.scatter [tilespmem:s29], [sflag:$0x1], $0x80, $0x38;
	[tilespmem:$0x14080] =	vst v63  }
0x622: {  	s31 =	rddreg [dreg:$0x13];
	s16 =	ssub.s32 $0xEFF8, s12;
	s14 =	sadd.s32 $0x70, s14  }
0x623: {  	[hbm4b:s14+s3] =	stream.linear.scatter [tilespmem:s16], [sflag:$0x1], $0x80, $0x38;
	[tilespmem:$0x14080] =	vst v63  }
0x624: {  	s17 =	ssub.s32 $0xF278, s12;
	s14 =	sadd.s32 s13, s31  }
0x625: {  	[hbm4b:s14+s3] =	stream.linear.scatter [tilespmem:s17], [sflag:$0x1], $0x80, $0x38;
	[tilespmem:$0x14080] =	vst v63  }
0x626: {  	s18 =	ssub.s32 $0xFC78, s12;
	s19 =	sadd.s32 $0x10, s14  }
0x627: {  	[hbm4b:s19+s3] =	stream.linear.scatter [tilespmem:s18], [sflag:$0x1], $0x80, $0x38;
	[tilespmem:$0x14080] =	vst v63  }
0x628: {  	s20 =	ssub.s32 $0x10678, s12;
	s21 =	sadd.s32 $0x20, s14  }
0x629: {  	[hbm4b:s21+s3] =	stream.linear.scatter [tilespmem:s20], [sflag:$0x1], $0x80, $0x38;
	[tilespmem:$0x14080] =	vst v63  }
0x62a: {  	s22 =	ssub.s32 $0x11078, s12;
	s23 =	sadd.s32 $0x30, s14  }
0x62b: {  	[hbm4b:s23+s3] =	stream.linear.scatter [tilespmem:s22], [sflag:$0x1], $0x80, $0x38;
	[tilespmem:$0x14080] =	vst v63  }
0x62c: {  	s24 =	ssub.s32 $0x11A78, s12;
	s25 =	sadd.s32 $0x40, s14  }
0x62d: {  	[hbm4b:s25+s3] =	stream.linear.scatter [tilespmem:s24], [sflag:$0x1], $0x80, $0x38;
	[tilespmem:$0x14080] =	vst v63  }
0x62e: {  	s26 =	ssub.s32 $0x12478, s12;
	s28 =	sadd.s32 $0x50, s14  }
0x62f: {  	[hbm4b:s28+s3] =	stream.linear.scatter [tilespmem:s26], [sflag:$0x1], $0x80, $0x38;
	[tilespmem:$0x14080] =	vst v63  }
0x630: {  	s29 =	ssub.s32 $0x12E78, s12;
	s30 =	sadd.s32 $0x60, s14  }
0x631: {  	[hbm4b:s30+s3] =	stream.linear.scatter [tilespmem:s29], [sflag:$0x1], $0x80, $0x38;
	[tilespmem:$0x14080] =	vst v63  }
0x632: {  	s31 =	rddreg [dreg:$0x14];
	s16 =	ssub.s32 $0x13878, s12;
	s14 =	sadd.s32 $0x70, s14  }
0x633: {  	[hbm4b:s14+s3] =	stream.linear.scatter [tilespmem:s16], [sflag:$0x1], $0x80, $0x38;
	[tilespmem:$0x14080] =	vst v63  }
0x634: {  	s17 =	ssub.s32 $0xF2F8, s12;
	s14 =	sadd.s32 s13, s31  }
0x635: {  	[hbm4b:s14+s3] =	stream.linear.scatter [tilespmem:s17], [sflag:$0x1], $0x80, $0x38;
	[tilespmem:$0x14080] =	vst v63  }
0x636: {  	s18 =	ssub.s32 $0xFCF8, s12;
	s19 =	sadd.s32 $0x10, s14  }
0x637: {  	[hbm4b:s19+s3] =	stream.linear.scatter [tilespmem:s18], [sflag:$0x1], $0x80, $0x38;
	[tilespmem:$0x14080] =	vst v63  }
0x638: {  	s20 =	ssub.s32 $0x106F8, s12;
	s21 =	sadd.s32 $0x20, s14  }
0x639: {  	[hbm4b:s21+s3] =	stream.linear.scatter [tilespmem:s20], [sflag:$0x1], $0x80, $0x38;
	[tilespmem:$0x14080] =	vst v63  }
0x63a: {  	s22 =	ssub.s32 $0x110F8, s12;
	s23 =	sadd.s32 $0x30, s14  }
0x63b: {  	[hbm4b:s23+s3] =	stream.linear.scatter [tilespmem:s22], [sflag:$0x1], $0x80, $0x38;
	[tilespmem:$0x14080] =	vst v63  }
0x63c: {  	s24 =	ssub.s32 $0x11AF8, s12;
	s25 =	sadd.s32 $0x40, s14  }
0x63d: {  	[hbm4b:s25+s3] =	stream.linear.scatter [tilespmem:s24], [sflag:$0x1], $0x80, $0x38;
	[tilespmem:$0x14080] =	vst v63  }
0x63e: {  	s26 =	ssub.s32 $0x124F8, s12;
	s28 =	sadd.s32 $0x50, s14  }
0x63f: {  	[hbm4b:s28+s3] =	stream.linear.scatter [tilespmem:s26], [sflag:$0x1], $0x80, $0x38;
	[tilespmem:$0x14080] =	vst v63  }
0x640: {  	s29 =	ssub.s32 $0x12EF8, s12;
	s30 =	sadd.s32 $0x60, s14  }
0x641: {  	[hbm4b:s30+s3] =	stream.linear.scatter [tilespmem:s29], [sflag:$0x1], $0x80, $0x38;
	[tilespmem:$0x14080] =	vst v63  }
0x642: {  	s31 =	rddreg [dreg:$0x15];
	s16 =	ssub.s32 $0x138F8, s12;
	s14 =	sadd.s32 $0x70, s14  }
0x643: {  	[hbm4b:s14+s3] =	stream.linear.scatter [tilespmem:s16], [sflag:$0x1], $0x80, $0x38;
	[tilespmem:$0x14080] =	vst v63  }
0x644: {  	s17 =	ssub.s32 $0xF378, s12;
	s14 =	sadd.s32 s13, s31  }
0x645: {  	[hbm4b:s14+s3] =	stream.linear.scatter [tilespmem:s17], [sflag:$0x1], $0x80, $0x38;
	[tilespmem:$0x14080] =	vst v63  }
0x646: {  	s18 =	ssub.s32 $0xFD78, s12;
	s19 =	sadd.s32 $0x10, s14  }
0x647: {  	[hbm4b:s19+s3] =	stream.linear.scatter [tilespmem:s18], [sflag:$0x1], $0x80, $0x38;
	[tilespmem:$0x14080] =	vst v63  }
0x648: {  	s20 =	ssub.s32 $0x10778, s12;
	s21 =	sadd.s32 $0x20, s14  }
0x649: {  	[hbm4b:s21+s3] =	stream.linear.scatter [tilespmem:s20], [sflag:$0x1], $0x80, $0x38;
	[tilespmem:$0x14080] =	vst v63  }
0x64a: {  	s22 =	ssub.s32 $0x11178, s12;
	s23 =	sadd.s32 $0x30, s14  }
0x64b: {  	[hbm4b:s23+s3] =	stream.linear.scatter [tilespmem:s22], [sflag:$0x1], $0x80, $0x38;
	[tilespmem:$0x14080] =	vst v63  }
0x64c: {  	s24 =	ssub.s32 $0x11B78, s12;
	s25 =	sadd.s32 $0x40, s14  }
0x64d: {  	[hbm4b:s25+s3] =	stream.linear.scatter [tilespmem:s24], [sflag:$0x1], $0x80, $0x38;
	[tilespmem:$0x14080] =	vst v63  }
0x64e: {  	s26 =	ssub.s32 $0x12578, s12;
	s28 =	sadd.s32 $0x50, s14  }
0x64f: {  	[hbm4b:s28+s3] =	stream.linear.scatter [tilespmem:s26], [sflag:$0x1], $0x80, $0x38;
	[tilespmem:$0x14080] =	vst v63  }
0x650: {  	s29 =	ssub.s32 $0x12F78, s12;
	s30 =	sadd.s32 $0x60, s14  }
0x651: {  	[hbm4b:s30+s3] =	stream.linear.scatter [tilespmem:s29], [sflag:$0x1], $0x80, $0x38;
	[tilespmem:$0x14080] =	vst v63  }
0x652: {  	s31 =	rddreg [dreg:$0x16];
	s16 =	ssub.s32 $0x13978, s12;
	s14 =	sadd.s32 $0x70, s14  }
0x653: {  	[hbm4b:s14+s3] =	stream.linear.scatter [tilespmem:s16], [sflag:$0x1], $0x80, $0x38;
	[tilespmem:$0x14080] =	vst v63  }
0x654: {  	s17 =	ssub.s32 $0xF3F8, s12;
	s14 =	sadd.s32 s13, s31  }
0x655: {  	[hbm4b:s14+s3] =	stream.linear.scatter [tilespmem:s17], [sflag:$0x1], $0x80, $0x38;
	[tilespmem:$0x14080] =	vst v63  }
0x656: {  	s18 =	ssub.s32 $0xFDF8, s12;
	s19 =	sadd.s32 $0x10, s14  }
0x657: {  	[hbm4b:s19+s3] =	stream.linear.scatter [tilespmem:s18], [sflag:$0x1], $0x80, $0x38;
	[tilespmem:$0x14080] =	vst v63  }
0x658: {  	s20 =	ssub.s32 $0x107F8, s12;
	s21 =	sadd.s32 $0x20, s14  }
0x659: {  	[hbm4b:s21+s3] =	stream.linear.scatter [tilespmem:s20], [sflag:$0x1], $0x80, $0x38;
	[tilespmem:$0x14080] =	vst v63  }
0x65a: {  	s22 =	ssub.s32 $0x111F8, s12;
	s23 =	sadd.s32 $0x30, s14  }
0x65b: {  	[hbm4b:s23+s3] =	stream.linear.scatter [tilespmem:s22], [sflag:$0x1], $0x80, $0x38;
	[tilespmem:$0x14080] =	vst v63  }
0x65c: {  	s24 =	ssub.s32 $0x11BF8, s12;
	s25 =	sadd.s32 $0x40, s14  }
0x65d: {  	[hbm4b:s25+s3] =	stream.linear.scatter [tilespmem:s24], [sflag:$0x1], $0x80, $0x38;
	[tilespmem:$0x14080] =	vst v63  }
0x65e: {  	s26 =	ssub.s32 $0x125F8, s12;
	s28 =	sadd.s32 $0x50, s14  }
0x65f: {  	[hbm4b:s28+s3] =	stream.linear.scatter [tilespmem:s26], [sflag:$0x1], $0x80, $0x38;
	[tilespmem:$0x14080] =	vst v63  }
0x660: {  	s29 =	ssub.s32 $0x12FF8, s12;
	s30 =	sadd.s32 $0x60, s14  }
0x661: {  	[hbm4b:s30+s3] =	stream.linear.scatter [tilespmem:s29], [sflag:$0x1], $0x80, $0x38;
	[tilespmem:$0x14080] =	vst v63  }
0x662: {  	s31 =	rddreg [dreg:$0x17];
	s16 =	ssub.s32 $0x139F8, s12;
	s14 =	sadd.s32 $0x70, s14  }
0x663: {  	[hbm4b:s14+s3] =	stream.linear.scatter [tilespmem:s16], [sflag:$0x1], $0x80, $0x38;
	[tilespmem:$0x14080] =	vst v63  }
0x664: {  	s17 =	ssub.s32 $0xF478, s12;
	s14 =	sadd.s32 s13, s31  }
0x665: {  	[hbm4b:s14+s3] =	stream.linear.scatter [tilespmem:s17], [sflag:$0x1], $0x80, $0x38;
	[tilespmem:$0x14080] =	vst v63  }
0x666: {  	s18 =	ssub.s32 $0xFE78, s12;
	s19 =	sadd.s32 $0x10, s14  }
0x667: {  	[hbm4b:s19+s3] =	stream.linear.scatter [tilespmem:s18], [sflag:$0x1], $0x80, $0x38;
	[tilespmem:$0x14080] =	vst v63  }
0x668: {  	s20 =	ssub.s32 $0x10878, s12;
	s21 =	sadd.s32 $0x20, s14  }
0x669: {  	[hbm4b:s21+s3] =	stream.linear.scatter [tilespmem:s20], [sflag:$0x1], $0x80, $0x38;
	[tilespmem:$0x14080] =	vst v63  }
0x66a: {  	s22 =	ssub.s32 $0x11278, s12;
	s23 =	sadd.s32 $0x30, s14  }
0x66b: {  	[hbm4b:s23+s3] =	stream.linear.scatter [tilespmem:s22], [sflag:$0x1], $0x80, $0x38;
	[tilespmem:$0x14080] =	vst v63  }
0x66c: {  	s24 =	ssub.s32 $0x11C78, s12;
	s25 =	sadd.s32 $0x40, s14  }
0x66d: {  	[hbm4b:s25+s3] =	stream.linear.scatter [tilespmem:s24], [sflag:$0x1], $0x80, $0x38;
	[tilespmem:$0x14080] =	vst v63  }
0x66e: {  	s26 =	ssub.s32 $0x12678, s12;
	s28 =	sadd.s32 $0x50, s14  }
0x66f: {  	[hbm4b:s28+s3] =	stream.linear.scatter [tilespmem:s26], [sflag:$0x1], $0x80, $0x38;
	[tilespmem:$0x14080] =	vst v63  }
0x670: {  	s29 =	ssub.s32 $0x13078, s12;
	s30 =	sadd.s32 $0x60, s14  }
0x671: {  	[hbm4b:s30+s3] =	stream.linear.scatter [tilespmem:s29], [sflag:$0x1], $0x80, $0x38;
	[tilespmem:$0x14080] =	vst v63  }
0x672: {  	s31 =	rddreg [dreg:$0x18];
	s16 =	ssub.s32 $0x13A78, s12;
	s14 =	sadd.s32 $0x70, s14  }
0x673: {  	[hbm4b:s14+s3] =	stream.linear.scatter [tilespmem:s16], [sflag:$0x1], $0x80, $0x38;
	[tilespmem:$0x14080] =	vst v63  }
0x674: {  	s17 =	ssub.s32 $0xF4F8, s12;
	s14 =	sadd.s32 s13, s31  }
0x675: {  	[hbm4b:s14+s3] =	stream.linear.scatter [tilespmem:s17], [sflag:$0x1], $0x80, $0x38;
	[tilespmem:$0x14080] =	vst v63  }
0x676: {  	s18 =	ssub.s32 $0xFEF8, s12;
	s19 =	sadd.s32 $0x10, s14  }
0x677: {  	[hbm4b:s19+s3] =	stream.linear.scatter [tilespmem:s18], [sflag:$0x1], $0x80, $0x38;
	[tilespmem:$0x14080] =	vst v63  }
0x678: {  	s20 =	ssub.s32 $0x108F8, s12;
	s21 =	sadd.s32 $0x20, s14  }
0x679: {  	[hbm4b:s21+s3] =	stream.linear.scatter [tilespmem:s20], [sflag:$0x1], $0x80, $0x38;
	[tilespmem:$0x14080] =	vst v63  }
0x67a: {  	s22 =	ssub.s32 $0x112F8, s12;
	s23 =	sadd.s32 $0x30, s14  }
0x67b: {  	[hbm4b:s23+s3] =	stream.linear.scatter [tilespmem:s22], [sflag:$0x1], $0x80, $0x38;
	[tilespmem:$0x14080] =	vst v63  }
0x67c: {  	s24 =	ssub.s32 $0x11CF8, s12;
	s25 =	sadd.s32 $0x40, s14  }
0x67d: {  	[hbm4b:s25+s3] =	stream.linear.scatter [tilespmem:s24], [sflag:$0x1], $0x80, $0x38;
	[tilespmem:$0x14080] =	vst v63  }
0x67e: {  	s26 =	ssub.s32 $0x126F8, s12;
	s28 =	sadd.s32 $0x50, s14  }
0x67f: {  	[hbm4b:s28+s3] =	stream.linear.scatter [tilespmem:s26], [sflag:$0x1], $0x80, $0x38;
	[tilespmem:$0x14080] =	vst v63  }
0x680: {  	s29 =	ssub.s32 $0x130F8, s12;
	s30 =	sadd.s32 $0x60, s14  }
0x681: {  	[hbm4b:s30+s3] =	stream.linear.scatter [tilespmem:s29], [sflag:$0x1], $0x80, $0x38;
	[tilespmem:$0x14080] =	vst v63  }
0x682: {  	s31 =	rddreg [dreg:$0x19];
	s16 =	ssub.s32 $0x13AF8, s12;
	s14 =	sadd.s32 $0x70, s14  }
0x683: {  	[hbm4b:s14+s3] =	stream.linear.scatter [tilespmem:s16], [sflag:$0x1], $0x80, $0x38;
	[tilespmem:$0x14080] =	vst v63  }
0x684: {  	s17 =	ssub.s32 $0xF578, s12;
	s14 =	sadd.s32 s13, s31  }
0x685: {  	[hbm4b:s14+s3] =	stream.linear.scatter [tilespmem:s17], [sflag:$0x1], $0x80, $0x38;
	[tilespmem:$0x14080] =	vst v63  }
0x686: {  	s18 =	ssub.s32 $0xFF78, s12;
	s19 =	sadd.s32 $0x10, s14  }
0x687: {  	[hbm4b:s19+s3] =	stream.linear.scatter [tilespmem:s18], [sflag:$0x1], $0x80, $0x38;
	[tilespmem:$0x14080] =	vst v63  }
0x688: {  	s20 =	ssub.s32 $0x10978, s12;
	s21 =	sadd.s32 $0x20, s14  }
0x689: {  	[hbm4b:s21+s3] =	stream.linear.scatter [tilespmem:s20], [sflag:$0x1], $0x80, $0x38;
	[tilespmem:$0x14080] =	vst v63  }
0x68a: {  	s22 =	ssub.s32 $0x11378, s12;
	s23 =	sadd.s32 $0x30, s14  }
0x68b: {  	[hbm4b:s23+s3] =	stream.linear.scatter [tilespmem:s22], [sflag:$0x1], $0x80, $0x38;
	[tilespmem:$0x14080] =	vst v63  }
0x68c: {  	s24 =	ssub.s32 $0x11D78, s12;
	s25 =	sadd.s32 $0x40, s14  }
0x68d: {  	[hbm4b:s25+s3] =	stream.linear.scatter [tilespmem:s24], [sflag:$0x1], $0x80, $0x38;
	[tilespmem:$0x14080] =	vst v63  }
0x68e: {  	s26 =	ssub.s32 $0x12778, s12;
	s28 =	sadd.s32 $0x50, s14  }
0x68f: {  	[hbm4b:s28+s3] =	stream.linear.scatter [tilespmem:s26], [sflag:$0x1], $0x80, $0x38;
	[tilespmem:$0x14080] =	vst v63  }
0x690: {  	s29 =	ssub.s32 $0x13178, s12;
	s30 =	sadd.s32 $0x60, s14  }
0x691: {  	[hbm4b:s30+s3] =	stream.linear.scatter [tilespmem:s29], [sflag:$0x1], $0x80, $0x38;
	[tilespmem:$0x14080] =	vst v63  }
0x692: {  	s31 =	rddreg [dreg:$0x1a];
	s16 =	ssub.s32 $0x13B78, s12;
	s14 =	sadd.s32 $0x70, s14  }
0x693: {  	[hbm4b:s14+s3] =	stream.linear.scatter [tilespmem:s16], [sflag:$0x1], $0x80, $0x38;
	[tilespmem:$0x14080] =	vst v63  }
0x694: {  	s17 =	ssub.s32 $0xF5F8, s12;
	s14 =	sadd.s32 s13, s31  }
0x695: {  	[hbm4b:s14+s3] =	stream.linear.scatter [tilespmem:s17], [sflag:$0x1], $0x80, $0x38;
	[tilespmem:$0x14080] =	vst v63  }
0x696: {  	s18 =	ssub.s32 $0xFFF8, s12;
	s19 =	sadd.s32 $0x10, s14  }
0x697: {  	[hbm4b:s19+s3] =	stream.linear.scatter [tilespmem:s18], [sflag:$0x1], $0x80, $0x38;
	[tilespmem:$0x14080] =	vst v63  }
0x698: {  	s20 =	ssub.s32 $0x109F8, s12;
	s21 =	sadd.s32 $0x20, s14  }
0x699: {  	[hbm4b:s21+s3] =	stream.linear.scatter [tilespmem:s20], [sflag:$0x1], $0x80, $0x38;
	[tilespmem:$0x14080] =	vst v63  }
0x69a: {  	s22 =	ssub.s32 $0x113F8, s12;
	s23 =	sadd.s32 $0x30, s14  }
0x69b: {  	[hbm4b:s23+s3] =	stream.linear.scatter [tilespmem:s22], [sflag:$0x1], $0x80, $0x38;
	[tilespmem:$0x14080] =	vst v63  }
0x69c: {  	s24 =	ssub.s32 $0x11DF8, s12;
	s25 =	sadd.s32 $0x40, s14  }
0x69d: {  	[hbm4b:s25+s3] =	stream.linear.scatter [tilespmem:s24], [sflag:$0x1], $0x80, $0x38;
	[tilespmem:$0x14080] =	vst v63  }
0x69e: {  	s26 =	ssub.s32 $0x127F8, s12;
	s28 =	sadd.s32 $0x50, s14  }
0x69f: {  	[hbm4b:s28+s3] =	stream.linear.scatter [tilespmem:s26], [sflag:$0x1], $0x80, $0x38;
	[tilespmem:$0x14080] =	vst v63  }
0x6a0: {  	s29 =	ssub.s32 $0x131F8, s12;
	s30 =	sadd.s32 $0x60, s14  }
0x6a1: {  	[hbm4b:s30+s3] =	stream.linear.scatter [tilespmem:s29], [sflag:$0x1], $0x80, $0x38;
	[tilespmem:$0x14080] =	vst v63  }
0x6a2: {  	s31 =	rddreg [dreg:$0x1b];
	s16 =	ssub.s32 $0x13BF8, s12;
	s14 =	sadd.s32 $0x70, s14  }
0x6a3: {  	[hbm4b:s14+s3] =	stream.linear.scatter [tilespmem:s16], [sflag:$0x1], $0x80, $0x38;
	[tilespmem:$0x14080] =	vst v63  }
0x6a4: {  	s17 =	ssub.s32 $0xF678, s12;
	s14 =	sadd.s32 s13, s31  }
0x6a5: {  	[hbm4b:s14+s3] =	stream.linear.scatter [tilespmem:s17], [sflag:$0x1], $0x80, $0x38;
	[tilespmem:$0x14080] =	vst v63  }
0x6a6: {  	s18 =	ssub.s32 $0x10078, s12;
	s19 =	sadd.s32 $0x10, s14  }
0x6a7: {  	[hbm4b:s19+s3] =	stream.linear.scatter [tilespmem:s18], [sflag:$0x1], $0x80, $0x38;
	[tilespmem:$0x14080] =	vst v63  }
0x6a8: {  	s20 =	ssub.s32 $0x10A78, s12;
	s21 =	sadd.s32 $0x20, s14  }
0x6a9: {  	[hbm4b:s21+s3] =	stream.linear.scatter [tilespmem:s20], [sflag:$0x1], $0x80, $0x38;
	[tilespmem:$0x14080] =	vst v63  }
0x6aa: {  	s22 =	ssub.s32 $0x11478, s12;
	s23 =	sadd.s32 $0x30, s14  }
0x6ab: {  	[hbm4b:s23+s3] =	stream.linear.scatter [tilespmem:s22], [sflag:$0x1], $0x80, $0x38;
	[tilespmem:$0x14080] =	vst v63  }
0x6ac: {  	s24 =	ssub.s32 $0x11E78, s12;
	s25 =	sadd.s32 $0x40, s14  }
0x6ad: {  	[hbm4b:s25+s3] =	stream.linear.scatter [tilespmem:s24], [sflag:$0x1], $0x80, $0x38;
	[tilespmem:$0x14080] =	vst v63  }
0x6ae: {  	s26 =	ssub.s32 $0x12878, s12;
	s28 =	sadd.s32 $0x50, s14  }
0x6af: {  	[hbm4b:s28+s3] =	stream.linear.scatter [tilespmem:s26], [sflag:$0x1], $0x80, $0x38;
	[tilespmem:$0x14080] =	vst v63  }
0x6b0: {  	s29 =	ssub.s32 $0x13278, s12;
	s30 =	sadd.s32 $0x60, s14  }
0x6b1: {  	[hbm4b:s30+s3] =	stream.linear.scatter [tilespmem:s29], [sflag:$0x1], $0x80, $0x38;
	[tilespmem:$0x14080] =	vst v63  }
0x6b2: {  	s31 =	rddreg [dreg:$0x1c];
	s16 =	ssub.s32 $0x13C78, s12;
	s14 =	sadd.s32 $0x70, s14  }
0x6b3: {  	[hbm4b:s14+s3] =	stream.linear.scatter [tilespmem:s16], [sflag:$0x1], $0x80, $0x38;
	[tilespmem:$0x14080] =	vst v63  }
0x6b4: {  	s17 =	ssub.s32 $0xF6F8, s12;
	s14 =	sadd.s32 s13, s31  }
0x6b5: {  	[hbm4b:s14+s3] =	stream.linear.scatter [tilespmem:s17], [sflag:$0x1], $0x80, $0x38;
	[tilespmem:$0x14080] =	vst v63  }
0x6b6: {  	s18 =	ssub.s32 $0x100F8, s12;
	s19 =	sadd.s32 $0x10, s14  }
0x6b7: {  	[hbm4b:s19+s3] =	stream.linear.scatter [tilespmem:s18], [sflag:$0x1], $0x80, $0x38;
	[tilespmem:$0x14080] =	vst v63  }
0x6b8: {  	s20 =	ssub.s32 $0x10AF8, s12;
	s21 =	sadd.s32 $0x20, s14  }
0x6b9: {  	[hbm4b:s21+s3] =	stream.linear.scatter [tilespmem:s20], [sflag:$0x1], $0x80, $0x38;
	[tilespmem:$0x14080] =	vst v63  }
0x6ba: {  	s22 =	ssub.s32 $0x114F8, s12;
	s23 =	sadd.s32 $0x30, s14  }
0x6bb: {  	[hbm4b:s23+s3] =	stream.linear.scatter [tilespmem:s22], [sflag:$0x1], $0x80, $0x38;
	[tilespmem:$0x14080] =	vst v63  }
0x6bc: {  	s24 =	ssub.s32 $0x11EF8, s12;
	s25 =	sadd.s32 $0x40, s14  }
0x6bd: {  	[hbm4b:s25+s3] =	stream.linear.scatter [tilespmem:s24], [sflag:$0x1], $0x80, $0x38;
	[tilespmem:$0x14080] =	vst v63  }
0x6be: {  	s26 =	ssub.s32 $0x128F8, s12;
	s28 =	sadd.s32 $0x50, s14  }
0x6bf: {  	[hbm4b:s28+s3] =	stream.linear.scatter [tilespmem:s26], [sflag:$0x1], $0x80, $0x38;
	[tilespmem:$0x14080] =	vst v63  }
0x6c0: {  	s29 =	ssub.s32 $0x132F8, s12;
	s30 =	sadd.s32 $0x60, s14  }
0x6c1: {  	[hbm4b:s30+s3] =	stream.linear.scatter [tilespmem:s29], [sflag:$0x1], $0x80, $0x38;
	[tilespmem:$0x14080] =	vst v63  }
0x6c2: {  	s31 =	rddreg [dreg:$0x1d];
	s16 =	ssub.s32 $0x13CF8, s12;
	s14 =	sadd.s32 $0x70, s14  }
0x6c3: {  	[hbm4b:s14+s3] =	stream.linear.scatter [tilespmem:s16], [sflag:$0x1], $0x80, $0x38;
	[tilespmem:$0x14080] =	vst v63  }
0x6c4: {  	s17 =	ssub.s32 $0xF778, s12;
	s14 =	sadd.s32 s13, s31  }
0x6c5: {  	[hbm4b:s14+s3] =	stream.linear.scatter [tilespmem:s17], [sflag:$0x1], $0x80, $0x38;
	[tilespmem:$0x14080] =	vst v63  }
0x6c6: {  	s18 =	ssub.s32 $0x10178, s12;
	s19 =	sadd.s32 $0x10, s14  }
0x6c7: {  	[hbm4b:s19+s3] =	stream.linear.scatter [tilespmem:s18], [sflag:$0x1], $0x80, $0x38;
	[tilespmem:$0x14080] =	vst v63  }
0x6c8: {  	s20 =	ssub.s32 $0x10B78, s12;
	s21 =	sadd.s32 $0x20, s14  }
0x6c9: {  	[hbm4b:s21+s3] =	stream.linear.scatter [tilespmem:s20], [sflag:$0x1], $0x80, $0x38;
	[tilespmem:$0x14080] =	vst v63  }
0x6ca: {  	s22 =	ssub.s32 $0x11578, s12;
	s23 =	sadd.s32 $0x30, s14  }
0x6cb: {  	[hbm4b:s23+s3] =	stream.linear.scatter [tilespmem:s22], [sflag:$0x1], $0x80, $0x38;
	[tilespmem:$0x14080] =	vst v63  }
0x6cc: {  	s24 =	ssub.s32 $0x11F78, s12;
	s25 =	sadd.s32 $0x40, s14  }
0x6cd: {  	[hbm4b:s25+s3] =	stream.linear.scatter [tilespmem:s24], [sflag:$0x1], $0x80, $0x38;
	[tilespmem:$0x14080] =	vst v63  }
0x6ce: {  	s26 =	ssub.s32 $0x12978, s12;
	s28 =	sadd.s32 $0x50, s14  }
0x6cf: {  	[hbm4b:s28+s3] =	stream.linear.scatter [tilespmem:s26], [sflag:$0x1], $0x80, $0x38;
	[tilespmem:$0x14080] =	vst v63  }
0x6d0: {  	s29 =	ssub.s32 $0x13378, s12;
	s30 =	sadd.s32 $0x60, s14  }
0x6d1: {  	[hbm4b:s30+s3] =	stream.linear.scatter [tilespmem:s29], [sflag:$0x1], $0x80, $0x38;
	[tilespmem:$0x14080] =	vst v63  }
0x6d2: {  	s31 =	rddreg [dreg:$0x1e];
	s16 =	ssub.s32 $0x13D78, s12;
	s14 =	sadd.s32 $0x70, s14  }
0x6d3: {  	[hbm4b:s14+s3] =	stream.linear.scatter [tilespmem:s16], [sflag:$0x1], $0x80, $0x38;
	[tilespmem:$0x14080] =	vst v63  }
0x6d4: {  	s17 =	ssub.s32 $0xF7F8, s12;
	s14 =	sadd.s32 s13, s31  }
0x6d5: {  	[hbm4b:s14+s3] =	stream.linear.scatter [tilespmem:s17], [sflag:$0x1], $0x80, $0x38;
	[tilespmem:$0x14080] =	vst v63  }
0x6d6: {  	s18 =	ssub.s32 $0x101F8, s12;
	s19 =	sadd.s32 $0x10, s14  }
0x6d7: {  	[hbm4b:s19+s3] =	stream.linear.scatter [tilespmem:s18], [sflag:$0x1], $0x80, $0x38;
	[tilespmem:$0x14080] =	vst v63  }
0x6d8: {  	s20 =	ssub.s32 $0x10BF8, s12;
	s21 =	sadd.s32 $0x20, s14  }
0x6d9: {  	[hbm4b:s21+s3] =	stream.linear.scatter [tilespmem:s20], [sflag:$0x1], $0x80, $0x38;
	[tilespmem:$0x14080] =	vst v63  }
0x6da: {  	s22 =	ssub.s32 $0x115F8, s12;
	s23 =	sadd.s32 $0x30, s14  }
0x6db: {  	[hbm4b:s23+s3] =	stream.linear.scatter [tilespmem:s22], [sflag:$0x1], $0x80, $0x38;
	[tilespmem:$0x14080] =	vst v63  }
0x6dc: {  	s24 =	ssub.s32 $0x11FF8, s12;
	s25 =	sadd.s32 $0x40, s14  }
0x6dd: {  	[hbm4b:s25+s3] =	stream.linear.scatter [tilespmem:s24], [sflag:$0x1], $0x80, $0x38;
	[tilespmem:$0x14080] =	vst v63  }
0x6de: {  	s26 =	ssub.s32 $0x129F8, s12;
	s28 =	sadd.s32 $0x50, s14  }
0x6df: {  	[hbm4b:s28+s3] =	stream.linear.scatter [tilespmem:s26], [sflag:$0x1], $0x80, $0x38;
	[tilespmem:$0x14080] =	vst v63  }
0x6e0: {  	s29 =	ssub.s32 $0x133F8, s12;
	s30 =	sadd.s32 $0x60, s14  }
0x6e1: {  	[hbm4b:s30+s3] =	stream.linear.scatter [tilespmem:s29], [sflag:$0x1], $0x80, $0x38;
	[tilespmem:$0x14080] =	vst v63  }
0x6e2: {  	s31 =	rddreg [dreg:$0x1f];
	s16 =	ssub.s32 $0x13DF8, s12;
	s14 =	sadd.s32 $0x70, s14  }
0x6e3: {  	[hbm4b:s14+s3] =	stream.linear.scatter [tilespmem:s16], [sflag:$0x1], $0x80, $0x38;
	[tilespmem:$0x14080] =	vst v63  }
0x6e4: {  	s17 =	ssub.s32 $0xF878, s12;
	s14 =	sadd.s32 s13, s31  }
0x6e5: {  	[hbm4b:s14+s3] =	stream.linear.scatter [tilespmem:s17], [sflag:$0x1], $0x80, $0x38;
	[tilespmem:$0x14080] =	vst v63  }
0x6e6: {  	s18 =	ssub.s32 $0x10278, s12;
	s19 =	sadd.s32 $0x10, s14  }
0x6e7: {  	[hbm4b:s19+s3] =	stream.linear.scatter [tilespmem:s18], [sflag:$0x1], $0x80, $0x38;
	[tilespmem:$0x14080] =	vst v63  }
0x6e8: {  	s20 =	ssub.s32 $0x10C78, s12;
	s21 =	sadd.s32 $0x20, s14  }
0x6e9: {  	[hbm4b:s21+s3] =	stream.linear.scatter [tilespmem:s20], [sflag:$0x1], $0x80, $0x38;
	[tilespmem:$0x14080] =	vst v63  }
0x6ea: {  	s22 =	ssub.s32 $0x11678, s12;
	s23 =	sadd.s32 $0x30, s14  }
0x6eb: {  	[hbm4b:s23+s3] =	stream.linear.scatter [tilespmem:s22], [sflag:$0x1], $0x80, $0x38;
	[tilespmem:$0x14080] =	vst v63  }
0x6ec: {  	s24 =	ssub.s32 $0x12078, s12;
	s25 =	sadd.s32 $0x40, s14  }
0x6ed: {  	[hbm4b:s25+s3] =	stream.linear.scatter [tilespmem:s24], [sflag:$0x1], $0x80, $0x38;
	[tilespmem:$0x14080] =	vst v63  }
0x6ee: {  	s26 =	ssub.s32 $0x12A78, s12;
	s28 =	sadd.s32 $0x50, s14  }
0x6ef: {  	[hbm4b:s28+s3] =	stream.linear.scatter [tilespmem:s26], [sflag:$0x1], $0x80, $0x38;
	[tilespmem:$0x14080] =	vst v63  }
0x6f0: {  	s29 =	ssub.s32 $0x13478, s12;
	s31 =	sld [smem:$0x7FB];
	s30 =	sadd.s32 $0x60, s14  }
0x6f1: {  	[hbm4b:s30+s3] =	stream.linear.scatter [tilespmem:s29], [sflag:$0x1], $0x80, $0x38;
	[tilespmem:$0x14080] =	vst v63  }
0x6f2: {  	s16 =	ssub.s32 $0x13E78, s12;
	s14 =	sadd.s32 $0x70, s14  }
0x6f3: {  	[hbm4b:s14+s3] =	stream.linear.scatter [tilespmem:s16], [sflag:$0x1], $0x80, $0x38;
	[tilespmem:$0x14080] =	vst v63  }
0x6f4: {  	s17 =	ssub.s32 $0xF8F8, s12;
	s14 =	sadd.s32 s13, s31  }
0x6f5: {  	[hbm4b:s14+s3] =	stream.linear.scatter [tilespmem:s17], [sflag:$0x1], $0x80, $0x38;
	[tilespmem:$0x14080] =	vst v63  }
0x6f6: {  	s18 =	ssub.s32 $0x102F8, s12;
	s19 =	sadd.s32 $0x10, s14  }
0x6f7: {  	[hbm4b:s19+s3] =	stream.linear.scatter [tilespmem:s18], [sflag:$0x1], $0x80, $0x38;
	[tilespmem:$0x14080] =	vst v63  }
0x6f8: {  	s20 =	ssub.s32 $0x10CF8, s12;
	s21 =	sadd.s32 $0x20, s14  }
0x6f9: {  	[hbm4b:s21+s3] =	stream.linear.scatter [tilespmem:s20], [sflag:$0x1], $0x80, $0x38;
	[tilespmem:$0x14080] =	vst v63  }
0x6fa: {  	s22 =	ssub.s32 $0x116F8, s12;
	s23 =	sadd.s32 $0x30, s14  }
0x6fb: {  	[hbm4b:s23+s3] =	stream.linear.scatter [tilespmem:s22], [sflag:$0x1], $0x80, $0x38;
	[tilespmem:$0x14080] =	vst v63  }
0x6fc: {  	s24 =	ssub.s32 $0x120F8, s12;
	s25 =	sadd.s32 $0x40, s14  }
0x6fd: {  	[hbm4b:s25+s3] =	stream.linear.scatter [tilespmem:s24], [sflag:$0x1], $0x80, $0x38;
	[tilespmem:$0x14080] =	vst v63  }
0x6fe: {  	s26 =	ssub.s32 $0x12AF8, s12;
	s28 =	sadd.s32 $0x50, s14  }
0x6ff: {  	[hbm4b:s28+s3] =	stream.linear.scatter [tilespmem:s26], [sflag:$0x1], $0x80, $0x38;
	[tilespmem:$0x14080] =	vst v63  }
0x700: {  	s29 =	ssub.s32 $0x134F8, s12;
	s31 =	sld [smem:$0x7FC];
	s30 =	sadd.s32 $0x60, s14  }
0x701: {  	[hbm4b:s30+s3] =	stream.linear.scatter [tilespmem:s29], [sflag:$0x1], $0x80, $0x38;
	[tilespmem:$0x14080] =	vst v63  }
0x702: {  	s16 =	ssub.s32 $0x13EF8, s12;
	s14 =	sadd.s32 $0x70, s14  }
0x703: {  	[hbm4b:s14+s3] =	stream.linear.scatter [tilespmem:s16], [sflag:$0x1], $0x80, $0x38;
	[tilespmem:$0x14080] =	vst v63  }
0x704: {  	s17 =	ssub.s32 $0xF978, s12;
	s14 =	sadd.s32 s13, s31  }
0x705: {  	[hbm4b:s14+s3] =	stream.linear.scatter [tilespmem:s17], [sflag:$0x1], $0x80, $0x38;
	[tilespmem:$0x14080] =	vst v63  }
0x706: {  	s18 =	ssub.s32 $0x10378, s12;
	s19 =	sadd.s32 $0x10, s14  }
0x707: {  	[hbm4b:s19+s3] =	stream.linear.scatter [tilespmem:s18], [sflag:$0x1], $0x80, $0x38;
	[tilespmem:$0x14080] =	vst v63  }
0x708: {  	s20 =	ssub.s32 $0x10D78, s12;
	s21 =	sadd.s32 $0x20, s14  }
0x709: {  	[hbm4b:s21+s3] =	stream.linear.scatter [tilespmem:s20], [sflag:$0x1], $0x80, $0x38;
	[tilespmem:$0x14080] =	vst v63  }
0x70a: {  	s22 =	ssub.s32 $0x11778, s12;
	s23 =	sadd.s32 $0x30, s14  }
0x70b: {  	[hbm4b:s23+s3] =	stream.linear.scatter [tilespmem:s22], [sflag:$0x1], $0x80, $0x38;
	[tilespmem:$0x14080] =	vst v63  }
0x70c: {  	s24 =	ssub.s32 $0x12178, s12;
	s25 =	sadd.s32 $0x40, s14  }
0x70d: {  	[hbm4b:s25+s3] =	stream.linear.scatter [tilespmem:s24], [sflag:$0x1], $0x80, $0x38;
	[tilespmem:$0x14080] =	vst v63  }
0x70e: {  	s26 =	ssub.s32 $0x12B78, s12;
	s28 =	sadd.s32 $0x50, s14  }
0x70f: {  	[hbm4b:s28+s3] =	stream.linear.scatter [tilespmem:s26], [sflag:$0x1], $0x80, $0x38;
	[tilespmem:$0x14080] =	vst v63  }
0x710: {  	s29 =	ssub.s32 $0x13578, s12;
	s31 =	sld [smem:$0x7FD];
	s30 =	sadd.s32 $0x60, s14  }
0x711: {  	[hbm4b:s30+s3] =	stream.linear.scatter [tilespmem:s29], [sflag:$0x1], $0x80, $0x38;
	[tilespmem:$0x14080] =	vst v63  }
0x712: {  	s16 =	ssub.s32 $0x13F78, s12;
	s14 =	sadd.s32 $0x70, s14  }
0x713: {  	[hbm4b:s14+s3] =	stream.linear.scatter [tilespmem:s16], [sflag:$0x1], $0x80, $0x38;
	[tilespmem:$0x14080] =	vst v63  }
0x714: {  	s13 =	sadd.s32 s13, s31;
	s18 =	ssub.s32 $0xF9F8, s12  }
0x715: {  	[hbm4b:s13+s3] =	stream.linear.scatter [tilespmem:s18], [sflag:$0x1], $0x80, $0x38;
	[tilespmem:$0x14080] =	vst v63  }
0x716: {  	s19 =	ssub.s32 $0x103F8, s12;
	s20 =	sadd.s32 $0x10, s13  }
0x717: {  	[hbm4b:s20+s3] =	stream.linear.scatter [tilespmem:s19], [sflag:$0x1], $0x80, $0x38;
	[tilespmem:$0x14080] =	vst v63  }
0x718: {  	s21 =	ssub.s32 $0x10DF8, s12;
	s22 =	sadd.s32 $0x20, s13  }
0x719: {  	[hbm4b:s22+s3] =	stream.linear.scatter [tilespmem:s21], [sflag:$0x1], $0x80, $0x38;
	[tilespmem:$0x14080] =	vst v63  }
0x71a: {  	s23 =	ssub.s32 $0x117F8, s12;
	s24 =	sadd.s32 $0x30, s13  }
0x71b: {  	[hbm4b:s24+s3] =	stream.linear.scatter [tilespmem:s23], [sflag:$0x1], $0x80, $0x38;
	[tilespmem:$0x14080] =	vst v63  }
0x71c: {  	s25 =	ssub.s32 $0x121F8, s12;
	s26 =	sadd.s32 $0x40, s13  }
0x71d: {  	[hbm4b:s26+s3] =	stream.linear.scatter [tilespmem:s25], [sflag:$0x1], $0x80, $0x38;
	[tilespmem:$0x14080] =	vst v63  }
0x71e: {  	s28 =	ssub.s32 $0x12BF8, s12;
	s29 =	sadd.s32 $0x50, s13  }
0x71f: {  	[hbm4b:s29+s3] =	stream.linear.scatter [tilespmem:s28], [sflag:$0x1], $0x80, $0x38;
	[tilespmem:$0x14080] =	vst v63  }
0x720: {  	s31 =	sadd.s32 $0x60, s13;
	s30 =	ssub.s32 $0x135F8, s12  }
0x721: {  	[hbm4b:s31+s3] =	stream.linear.scatter [tilespmem:s30], [sflag:$0x1], $0x80, $0x38;
	[tilespmem:$0x14080] =	vst v63  }
0x722: {  	s12 =	ssub.s32 $0x13FF8, s12;
	s13 =	sadd.s32 $0x70, s13  }
0x723: {  	[hbm4b:s13+s3] =	stream.linear.scatter [tilespmem:s12], [sflag:$0x1], $0x80, $0x38;
	[tilespmem:$0x14080] =	vst v63  }
0x724: {  	_ =	swait.ge [sflag:s10], $0x400  }
0x725: {  	[sflag:s10] =	ssyncset.done $0x0  }
0x726: {  	[sflag:s10] =	ssyncadd.s32 $0xFFFFFC00  }
0x727: {  	_ =	swait.ge [sflag:s10], $0x400  }
0x728: {  	[sflag:s10] =	ssyncset.done $0x0  }
0x729: {  	[sflag:s10] =	ssyncadd.s32 $0xFFFFFC00  }
0x72a: {  	_ =	swait.ge [sflag:s10], $0x400  }
0x72b: {  	[sflag:s10] =	ssyncset.done $0x0  }
0x72c: {  	[sflag:s10] =	ssyncadd.s32 $0xFFFFFC00  }
0x72d: {  	_ =	swait.ge [sflag:s10], $0x400  }
0x72e: {  	[sflag:s10] =	ssyncset.done $0x0  }
0x72f: {  	[sflag:s10] =	ssyncadd.s32 $0xFFFFFC00  }
0x730: {  	_ =	swait.ge [sflag:s10], $0x400  }
0x731: {  	[sflag:s10] =	ssyncset.done $0x0  }
0x732: {  	[sflag:s10] =	ssyncadd.s32 $0xFFFFFC00  }
0x733: {  	_ =	swait.ge [sflag:s10], $0x400  }
0x734: {  	[sflag:s10] =	ssyncset.done $0x0  }
0x735: {  	[sflag:s10] =	ssyncadd.s32 $0xFFFFFC00  }
0x736: {  	_ =	swait.ge [sflag:s10], $0x400  }
0x737: {  	[sflag:s10] =	ssyncset.done $0x0  }
0x738: {  	[sflag:s10] =	ssyncadd.s32 $0xFFFFFC00  }
0x739: {  	_ =	swait.ge [sflag:s10], $0x400  }
0x73a: {  	[sflag:s10] =	ssyncset.done $0x0  }
0x73b: {  	[sflag:s10] =	ssyncadd.s32 $0xFFFFFC00  }
0x73c: {  	_ =	swait.ge [sflag:s10], $0x400  }
0x73d: {  	[sflag:s10] =	ssyncset.done $0x0  }
0x73e: {  	[sflag:s10] =	ssyncadd.s32 $0xFFFFFC00  }
0x73f: {  	_ =	swait.ge [sflag:s10], $0x400  }
0x740: {  	[sflag:s10] =	ssyncset.done $0x0  }
0x741: {  	[sflag:s10] =	ssyncadd.s32 $0xFFFFFC00  }
0x742: {  	_ =	swait.ge [sflag:s10], $0x400  }
0x743: {  	[sflag:s10] =	ssyncset.done $0x0  }
0x744: {  	[sflag:s10] =	ssyncadd.s32 $0xFFFFFC00  }
0x745: {  	_ =	swait.ge [sflag:s10], $0x400  }
0x746: {  	[sflag:s10] =	ssyncset.done $0x0  }
0x747: {  	[sflag:s10] =	ssyncadd.s32 $0xFFFFFC00  }
0x748: {  	_ =	swait.ge [sflag:s10], $0x400  }
0x749: {  	[sflag:s10] =	ssyncset.done $0x0  }
0x74a: {  	[sflag:s10] =	ssyncadd.s32 $0xFFFFFC00  }
0x74b: {  	_ =	swait.ge [sflag:s10], $0x400  }
0x74c: {  	[sflag:s10] =	ssyncset.done $0x0  }
0x74d: {  	[sflag:s10] =	ssyncadd.s32 $0xFFFFFC00  }
0x74e: {  	_ =	swait.ge [sflag:s10], $0x400  }
0x74f: {  	[sflag:s10] =	ssyncset.done $0x0  }
0x750: {  	[sflag:s10] =	ssyncadd.s32 $0xFFFFFC00  }
0x751: {  	_ =	swait.ge [sflag:s10], $0x400  }
0x752: {  	[sflag:s10] =	ssyncset.done $0x0  }
0x753: {  	[sflag:s10] =	ssyncadd.s32 $0xFFFFFC00  }
0x754: {  	_ =	swait.ge [sflag:s10], $0x400  }
0x755: {  	[sflag:s10] =	ssyncset.done $0x0  }
0x756: {  	[sflag:s10] =	ssyncadd.s32 $0xFFFFFC00  }
0x757: {  	_ =	swait.ge [sflag:s10], $0x400  }
0x758: {  	[sflag:s10] =	ssyncset.done $0x0  }
0x759: {  	[sflag:s10] =	ssyncadd.s32 $0xFFFFFC00  }
0x75a: {  	_ =	swait.ge [sflag:s10], $0x400  }
0x75b: {  	[sflag:s10] =	ssyncset.done $0x0  }
0x75c: {  	[sflag:s10] =	ssyncadd.s32 $0xFFFFFC00  }
0x75d: {  	_ =	swait.ge [sflag:s10], $0x400  }
0x75e: {  	[sflag:s10] =	ssyncset.done $0x0  }
0x75f: {  	[sflag:s10] =	ssyncadd.s32 $0xFFFFFC00  }
0x760: {  	_ =	swait.ge [sflag:s10], $0x400  }
0x761: {  	[sflag:s10] =	ssyncset.done $0x0  }
0x762: {  	[sflag:s10] =	ssyncadd.s32 $0xFFFFFC00  }
0x763: {  	_ =	swait.ge [sflag:s10], $0x400  }
0x764: {  	[sflag:s10] =	ssyncset.done $0x0  }
0x765: {  	[sflag:s10] =	ssyncadd.s32 $0xFFFFFC00  }
0x766: {  	_ =	swait.ge [sflag:s10], $0x400  }
0x767: {  	[sflag:s10] =	ssyncset.done $0x0  }
0x768: {  	[sflag:s10] =	ssyncadd.s32 $0xFFFFFC00  }
0x769: {  	_ =	swait.ge [sflag:s10], $0x400  }
0x76a: {  	[sflag:s10] =	ssyncset.done $0x0  }
0x76b: {  	[sflag:s10] =	ssyncadd.s32 $0xFFFFFC00  }
0x76c: {  	_ =	swait.ge [sflag:s10], $0x400  }
0x76d: {  	[sflag:s10] =	ssyncset.done $0x0  }
0x76e: {  	[sflag:s10] =	ssyncadd.s32 $0xFFFFFC00  }
0x76f: {  	_ =	swait.ge [sflag:s10], $0x400  }
0x770: {  	[sflag:s10] =	ssyncset.done $0x0  }
0x771: {  	[sflag:s10] =	ssyncadd.s32 $0xFFFFFC00  }
0x772: {  	_ =	swait.ge [sflag:s10], $0x400  }
0x773: {  	[sflag:s10] =	ssyncset.done $0x0  }
0x774: {  	[sflag:s10] =	ssyncadd.s32 $0xFFFFFC00  }
0x775: {  	_ =	swait.ge [sflag:s10], $0x400  }
0x776: {  	[sflag:s10] =	ssyncset.done $0x0  }
0x777: {  	[sflag:s10] =	ssyncadd.s32 $0xFFFFFC00  }
0x778: {  	_ =	swait.ge [sflag:s10], $0x400  }
0x779: {  	[sflag:s10] =	ssyncset.done $0x0  }
0x77a: {  	[sflag:s10] =	ssyncadd.s32 $0xFFFFFC00  }
0x77b: {  	_ =	swait.ge [sflag:s10], $0x400  }
0x77c: {  	[sflag:s10] =	ssyncset.done $0x0  }
0x77d: {  	s11 =	sadd.s32 $0x1, s11;
	[sflag:s10] =	ssyncadd.s32 $0xFFFFFC00  }
0x77e: {  	p0 =	sne.s32 s11, s5;
	_ =	swait.ge [sflag:s10], $0x400  }
.Ltmp2:
0x77f: {  	[sflag:s10] =	ssyncset.done $0x0;
	(pc) =	sbr.rel @p0 .LBB2_1-.Ltmp2, $4  }
0x780: {  	[sflag:s10] =	ssyncadd.s32 $0xFFFFFC00  }
0x781: {  	_ =	swait.ge [sflag:s10], $0x400  }
0x782: {  	[sflag:s10] =	ssyncset.done $0x0  }
0x783: {  	[sflag:s10] =	ssyncadd.s32 $0xFFFFFC00  }
0x784: {  	_ =	sfence.sel $0x180000  }
0x785: {  	[bflag:$0x0] =	sbarrier.arrive $0xFFFF  }
0x786: {  	p0 =	sne.s32 s1, $0x0;
	_ =	strace $0x90000047  }
0x787: {  	s0 =	sadd.s32 @!p0 $0x100000, s0;
	[bflag:$0x2] =	sbarrier.arrive $0xFFFF  }
0x788: {  	[sflag:s0] =	ssyncadd.tile.s32 @!p0 $0x1;
	_ =	shalt  }
.Lfunc_end2:
_tile_overlayer_lowered:
.L_overlay_start_2:
0x789: {  	(tag) =	ssettag $0x2  }
0x78a: {  	s0 =	rddreg [dreg:$0x0];
	s2 =	stileid.u32  }
0x78b: {  	s1 =	rddreg [dreg:$0x1];
	p0 =	sne.s32 s2, $0x0  }
0x78c: {  	s3 =	rddreg [dreg:$0x2];
	[bflag:$0x3] =	sbarrier.arrive $0xFFFF;
	s2 =	simm.s32 @!p0 $0x1C02  }
0x78d: {  	[timem:s3], [sflag:s2] =	dma.local @!p0 [hbm:s0], s1  }
0x78e: {  	s0 =	simm.s32 @!p0 $0x2  }
0x78f: {  	_ =	swait.ge @!p0 [sflag:s0], s1  }
0x790: {  	s1 =	ssub.s32 @!p0 $0x0, s1;
	[sflag:s0] =	ssyncset.done @!p0 $0x0  }
0x791: {  	[sflag:s0] =	ssyncadd.s32 @!p0 s1  }
0x792: {  	[bflag:$0x3] =	sbarrier.arrive $0xFFFF  }
0x793: {  	_ =	shalt  }

</sc_bundles>
